<compile_context>
chip_gen: v7x
topology: tpu7x:2x2x1
jax: 0.10.2.dev20260603
libtpu: 0.0.44.dev20260713+nightly
codegen_flags: <defaults>
</compile_context>

<pallas_src>
import jax
import jax.numpy as jnp
from jax import lax
from jax.experimental import pallas as pl
from jax.experimental.pallas import tpu as pltpu
from jax.experimental.pallas import tpu_sc as plsc

N = 50000
E = 1600000
F_IN = 1433
H = 128
C = 7

NT = 16
NC = 2
LW = 128
KC = 8
R = 12544
E_PAD = R * LW
R_TILE = R // NT
R_HALF_TILE = R // NC // NT
ACC_ROWS = 51200
ZROWS = ACC_ROWS // NT
OUT_TILE = N // NT

BM = 1000
NB = N // BM


def _mesh():
    return plsc.VectorSubcoreMesh(core_axis_name="c", subcore_axis_name="s")


_SC_PARAMS = pltpu.CompilerParams(use_tc_tiling_on_sc=False)



def _deg_body(dstr_hbm, zeros_hbm, out_hbm, ones_v, dst_v, acc, sem):
    cid = lax.axis_index("c")
    tid = lax.axis_index("s")
    o16 = jnp.ones((16,), jnp.float32)
    for q in range(LW // 16):
        ones_v[pl.ds(q * 16, 16)] = o16

    pltpu.sync_copy(zeros_hbm, acc.at[pl.ds(tid * ZROWS, ZROWS)])
    plsc.subcore_barrier()

    def chunk(ci, _):
        row0 = cid * (R // NC) + tid * R_HALF_TILE + ci * KC
        pltpu.sync_copy(dstr_hbm.at[pl.ds(row0, KC)], dst_v)
        cps = [
            pltpu.async_copy(ones_v, acc.at[dst_v.at[j]], sem, add=True)
            for j in range(KC)
        ]
        for cp in cps:
            cp.wait()
        return 0
    lax.fori_loop(0, R_HALF_TILE // KC, chunk, 0, unroll=False)
    plsc.subcore_barrier()

    pltpu.sync_copy(
        acc.at[pl.ds(tid * ZROWS, ZROWS)],
        out_hbm.at[pl.ds(cid * ACC_ROWS + tid * ZROWS, ZROWS)],
    )


def _deg_call(dstr, zeros1):
    return pl.kernel(
        _deg_body,
        out_type=jax.ShapeDtypeStruct((NC * ACC_ROWS,), jnp.float32),
        mesh=_mesh(),
        scratch_types=[
            pltpu.VMEM((LW,), jnp.float32),
            pltpu.VMEM((KC, LW), jnp.int32),
            pltpu.VMEM_SHARED((ACC_ROWS,), jnp.float32),
            pltpu.SemaphoreType.DMA,
        ],
        compiler_params=_SC_PARAMS,
        name="sc_deg_hist",
    )(dstr, zeros1)



def _agg1_body(t0, t1, t2, t3, srcr_hbm, dstr_hbm, zeros_hbm,
               o0, o1, o2, o3,
               idx_v, rows_v, acc, sem_i, sem_g, sem_sa, sem_sb):
    cid = lax.axis_index("c")
    tid = lax.axis_index("s")
    NIT = R_TILE // 4
    sem_s = (sem_sa, sem_sb)
    tabs = (t0, t1, t2, t3)
    outs = (o0, o1, o2, o3)

    def stage(X, w):
        base = tid * R_TILE + 2 * w
        pltpu.async_copy(srcr_hbm.at[pl.ds(base, 2)],
                         idx_v.at[X, pl.ds(0, 2)], sem_i)
        pltpu.async_copy(dstr_hbm.at[pl.ds(base, 2)],
                         idx_v.at[X, pl.ds(2, 2)], sem_i)

    def stage_wait(X):
        for k in range(2):
            pltpu.make_async_copy(
                srcr_hbm.at[pl.ds(0, 2)],
                idx_v.at[X, pl.ds(2 * k, 2)], sem_i).wait()

    def gathers(X, table):
        for k in range(2):
            pltpu.async_copy(
                table.at[idx_v.at[X, k]], rows_v.at[X, k], sem_g)

    def gathers_wait(X, table):
        for k in range(2):
            pltpu.make_async_copy(
                table.at[pl.ds(0, LW)], rows_v.at[X, k], sem_g).wait()

    def scatters(X):
        for k in range(2):
            pltpu.async_copy(
                rows_v.at[X, k], acc.at[idx_v.at[X, 2 + k]], sem_s[X],
                add=True)

    def scatters_wait(X, table):
        for k in range(2):
            pltpu.make_async_copy(
                table.at[pl.ds(0, LW)], rows_v.at[X, k], sem_s[X]).wait()

    def run_pass(table, out_hbm):
        stage(0, 0)
        stage_wait(0)
        gathers(0, table)
        stage(1, 1)

        def pipe(i, _):
            gathers_wait(0, table)
            scatters(0)

            @pl.when(i > 0)
            def _():
                scatters_wait(1, table)
                stage(1, 2 * i + 1)
            stage_wait(1)
            gathers(1, table)
            gathers_wait(1, table)
            scatters(1)
            scatters_wait(0, table)

            @pl.when(i < NIT - 1)
            def _():
                stage(0, 2 * i + 2)
                stage_wait(0)
                gathers(0, table)
            return 0
        lax.fori_loop(0, NIT, pipe, 0, unroll=False)
        scatters_wait(1, table)
        plsc.subcore_barrier()

        pltpu.sync_copy(
            acc.at[pl.ds(tid * OUT_TILE, OUT_TILE)],
            out_hbm.at[pl.ds(tid * OUT_TILE, OUT_TILE)],
        )

    for p in range(2):
        pltpu.sync_copy(zeros_hbm, acc.at[pl.ds(tid * ZROWS, ZROWS)])
        plsc.subcore_barrier()

        @pl.when(cid == 0)
        def _():
            run_pass(tabs[p], outs[p])

        @pl.when(cid == 1)
        def _():
            run_pass(tabs[2 + p], outs[2 + p])
        plsc.subcore_barrier()


def _agg1_call(h1s_tabs, srcr, dstr, zeros32):
    return pl.kernel(
        _agg1_body,
        out_type=[jax.ShapeDtypeStruct((N, 32), jnp.float32)] * 4,
        mesh=_mesh(),
        scratch_types=[
            pltpu.VMEM((2, 4, LW), jnp.int32),
            pltpu.VMEM((2, 2, LW, 32), jnp.float32),
            pltpu.VMEM_SHARED((ACC_ROWS, 32), jnp.float32),
            pltpu.SemaphoreType.DMA,
            pltpu.SemaphoreType.DMA,
            pltpu.SemaphoreType.DMA,
            pltpu.SemaphoreType.DMA,
        ],
        compiler_params=_SC_PARAMS,
        name="sc_agg1",
    )(*h1s_tabs, srcr, dstr, zeros32)



def _agg2_body(h2p_hbm, srcr_hbm, dstr_hbm, zeros_hbm, out_hbm,
               src_v, dst_v, rows_v, acc, sem, sem2):
    cid = lax.axis_index("c")
    tid = lax.axis_index("s")

    pltpu.sync_copy(zeros_hbm, acc.at[pl.ds(tid * ZROWS, ZROWS)])
    plsc.subcore_barrier()

    def chunk(ci, _):
        row0 = cid * (R // NC) + tid * R_HALF_TILE + ci * KC
        pltpu.sync_copy(srcr_hbm.at[pl.ds(row0, KC)], src_v)
        pltpu.sync_copy(dstr_hbm.at[pl.ds(row0, KC)], dst_v)
        cps = [
            pltpu.async_copy(h2p_hbm.at[src_v.at[j]], rows_v.at[j], sem)
            for j in range(KC)
        ]
        for cp in cps:
            cp.wait()
        sps = [
            pltpu.async_copy(rows_v.at[j], acc.at[dst_v.at[j]], sem2, add=True)
            for j in range(KC)
        ]
        for sp in sps:
            sp.wait()
        return 0
    lax.fori_loop(0, R_HALF_TILE // KC, chunk, 0, unroll=False)
    plsc.subcore_barrier()

    pltpu.sync_copy(
        acc.at[pl.ds(tid * OUT_TILE, OUT_TILE)],
        out_hbm.at[pl.ds(cid * N + tid * OUT_TILE, OUT_TILE)],
    )


def _agg2_call(h2p, srcr, dstr, zeros8):
    return pl.kernel(
        _agg2_body,
        out_type=jax.ShapeDtypeStruct((NC * N, 8), jnp.float32),
        mesh=_mesh(),
        scratch_types=[
            pltpu.VMEM((KC, LW), jnp.int32),
            pltpu.VMEM((KC, LW), jnp.int32),
            pltpu.VMEM((KC, LW, 8), jnp.float32),
            pltpu.VMEM_SHARED((ACC_ROWS, 8), jnp.float32),
            pltpu.SemaphoreType.DMA,
            pltpu.SemaphoreType.DMA,
        ],
        compiler_params=_SC_PARAMS,
        name="sc_agg2",
    )(h2p, srcr, dstr, zeros8)



def _mm1_body(x_ref, w_ref, o_ref):
    o_ref[...] = jnp.dot(x_ref[...], w_ref[...],
                         preferred_element_type=jnp.float32)


def _mm1_call(x, W1):
    return pl.pallas_call(
        _mm1_body,
        grid=(NB,),
        in_specs=[
            pl.BlockSpec((BM, F_IN), lambda i: (i, 0)),
            pl.BlockSpec((F_IN, H), lambda i: (0, 0)),
        ],
        out_specs=pl.BlockSpec((BM, H), lambda i: (i, 0)),
        out_shape=jax.ShapeDtypeStruct((N, H), jnp.float32),
        name="tc_mm1",
    )(x, W1)



def _scale_body(h1_ref, deg_ref, s0, s1, s2, s3, dinv_ref):
    deg = deg_ref[:, 0:1] + deg_ref[:, 1:2] + 1.0
    dv = lax.rsqrt(deg)
    dinv_ref[...] = dv
    hp = h1_ref[...] * dv
    for s, ref in enumerate((s0, s1, s2, s3)):
        ref[...] = hp[:, 32 * s:32 * s + 32]


def _scale_call(h1, deg2t):
    return pl.pallas_call(
        _scale_body,
        grid=(NB,),
        in_specs=[
            pl.BlockSpec((BM, H), lambda i: (i, 0)),
            pl.BlockSpec((BM, 2), lambda i: (i, 0)),
        ],
        out_specs=[pl.BlockSpec((BM, 32), lambda i: (i, 0))] * 4
        + [pl.BlockSpec((BM, 1), lambda i: (i, 0))],
        out_shape=[jax.ShapeDtypeStruct((N, 32), jnp.float32)] * 4
        + [jax.ShapeDtypeStruct((N, 1), jnp.float32)],
        name="tc_scale_slice",
    )(h1, deg2t)



def _layer2_body(a0, a1, a2, a3, g0, g1, g2, g3, dinv_ref, b1_ref, w2_ref,
                 o_ref):
    dv = dinv_ref[...]
    a = jnp.concatenate(
        [a0[...] + g0[...], a1[...] + g1[...],
         a2[...] + g2[...], a3[...] + g3[...]], axis=1)
    z1 = jnp.maximum(a * dv + b1_ref[...][None, :], 0.0)
    h2 = jnp.dot(z1, w2_ref[...], preferred_element_type=jnp.float32)
    o_ref[...] = h2 * dv


def _layer2_call(aggs, h1s_tabs, dinv, b1, W2p):
    return pl.pallas_call(
        _layer2_body,
        grid=(NB,),
        in_specs=(
            [pl.BlockSpec((BM, 32), lambda i: (i, 0))] * 8
            + [
                pl.BlockSpec((BM, 1), lambda i: (i, 0)),
                pl.BlockSpec((H,), lambda i: (0,)),
                pl.BlockSpec((H, 8), lambda i: (0, 0)),
            ]
        ),
        out_specs=pl.BlockSpec((BM, 8), lambda i: (i, 0)),
        out_shape=jax.ShapeDtypeStruct((N, 8), jnp.float32),
        name="tc_layer2",
    )(*aggs, *h1s_tabs, dinv, b1, W2p)



def _final_body(p0, p1, h2p_ref, dinv_ref, b2_ref, o_ref):
    s = p0[...] + p1[...] + h2p_ref[...]
    o_ref[...] = s * dinv_ref[...] + b2_ref[...][None, :]


def _final_call(agg2, h2p, dinv, b2p):
    def part_spec(c):
        return pl.BlockSpec((BM, 8), lambda i, c=c: (c * NB + i, 0))
    return pl.pallas_call(
        _final_body,
        grid=(NB,),
        in_specs=[
            part_spec(0),
            part_spec(1),
            pl.BlockSpec((BM, 8), lambda i: (i, 0)),
            pl.BlockSpec((BM, 1), lambda i: (i, 0)),
            pl.BlockSpec((8,), lambda i: (0,)),
        ],
        out_specs=pl.BlockSpec((BM, 8), lambda i: (i, 0)),
        out_shape=jax.ShapeDtypeStruct((N, 8), jnp.float32),
        name="tc_final",
    )(agg2, agg2, h2p, dinv, b2p)



def kernel(x, edge_index, y, W1, b1, W2, b2):
    ei = edge_index.astype(jnp.int32)
    pad = E_PAD - E
    srcr = jnp.concatenate(
        [ei[0], jnp.zeros((pad,), jnp.int32)]).reshape(R, LW)
    dstr = jnp.concatenate(
        [ei[1], jnp.full((pad,), N, jnp.int32)]).reshape(R, LW)
    W2p = jnp.pad(W2, ((0, 0), (0, 1)))
    b2p = jnp.pad(b2, (0, 1))
    zeros1 = jnp.zeros((ZROWS,), jnp.float32)
    zeros32 = jnp.zeros((ZROWS, 32), jnp.float32)
    zeros8 = jnp.zeros((ZROWS, 8), jnp.float32)

    h1 = _mm1_call(x, W1)
    degflat = _deg_call(dstr, zeros1)
    deg2t = degflat.reshape(NC, ACC_ROWS)[:, :N].T
    *h1s_tabs, dinv = _scale_call(h1, deg2t)
    aggs = _agg1_call(h1s_tabs, srcr, dstr, zeros32)
    h2p = _layer2_call(aggs, h1s_tabs, dinv, b1, W2p)
    agg2 = _agg2_call(h2p, srcr, dstr, zeros8)
    out8 = _final_call(agg2, h2p, dinv, b2p)
    return out8[:, :C]

# --- scband reference (transcript-rebuilt; emitter-appended) ---
"""Pipeline reference for scband-gcn-var-2layer-62397284876498 (READ-ONLY COPY).

The authoritative reference and input builder live on the scoring server;
editing this copy changes nothing except your own understanding.
"""

import jax, jax.numpy as jnp
import numpy as np

N = 50000
E = 1600000
F_IN = 1433
H = 128
C = 7


def gcn_conv(x, edge_index, W, b):
    n = x.shape[0]
    src = edge_index[0]
    dst = edge_index[1]
    loop = jnp.arange(n, dtype=edge_index.dtype)
    src = jnp.concatenate([src, loop])
    dst = jnp.concatenate([dst, loop])
    h = x @ W
    deg = jnp.zeros((n,), dtype=h.dtype).at[dst].add(1.0)
    dinv = jnp.where(deg > 0, 1.0 / jnp.sqrt(deg), 0.0)
    norm = dinv[src] * dinv[dst]
    msg = h[src] * norm[:, None]
    out = jnp.zeros((n, h.shape[1]), dtype=h.dtype).at[dst].add(msg)
    return out + b


def setup_inputs(seed: int = 0) -> dict:
    key = jax.random.key(seed)
    k1, k2, k3, k4, k5, k6, k7 = jax.random.split(key, 7)
    x = jax.random.normal(k1, (N, F_IN), dtype=jnp.float32)
    edge_index = jax.random.randint(k2, (2, E), 0, N, dtype=jnp.int64)
    y = jax.random.randint(k3, (N,), 0, 7, dtype=jnp.int64)
    W1 = jax.random.normal(k4, (F_IN, H), dtype=jnp.float32) * (1.0 / np.sqrt(F_IN))
    b1 = jnp.zeros((H,), dtype=jnp.float32)
    W2 = jax.random.normal(k5, (H, C), dtype=jnp.float32) * (1.0 / np.sqrt(H))
    b2 = jnp.zeros((C,), dtype=jnp.float32)
    return {"x": x, "edge_index": edge_index, "y": y, "W1": W1, "b1": b1, "W2": W2, "b2": b2}


def reference(x, edge_index, y, W1, b1, W2, b2):
    # eval mode: dropout is identity
    z = gcn_conv(x, edge_index, W1, b1)
    z = jax.nn.relu(z)
    z = gcn_conv(z, edge_index, W2, b2)
    return z

if __name__ == "__main__":
    import jax
    _d = setup_inputs()
    print(jax.jit(kernel)(*tuple(_d.values())))

</pallas_src>

<mosaic_0001>
#map = affine_map<(d0, d1) -> (0, 0)>
#map1 = affine_map<(d0, d1) -> (0)>
module attributes {stable_mosaic.version = 14 : i64} {
  func.func @sc_deg_hist(%arg0: i32, %arg1: i32, %arg2: memref<12544x128xi32, #tpu.memory_space<hbm>>, %arg3: memref<3200xf32, #tpu.memory_space<hbm>>, %arg4: memref<102400xf32, #tpu.memory_space<hbm>>, %arg5: memref<128xf32, #tpu.memory_space<vmem>>, %arg6: memref<8x128xi32, #tpu.memory_space<vmem>>, %arg7: memref<51200xf32, #tpu.memory_space<vmem_shared>>, %arg8: memref<!tpu.dma_semaphore, #tpu.memory_space<semaphore_mem>>) attributes {dimension_semantics = [#tpu.dimension_semantics<core_parallel>, #tpu.dimension_semantics<subcore_parallel>], iteration_bounds = array<i64: 2, 16>, scalar_prefetch = 0 : i64, scratch_operands = 4 : i64, tpu.core_type = #tpu.core_type<sc_vector_subcore>, window_params = [{transform_indices = #map}, {transform_indices = #map1}, {transform_indices = #map1}]} {
    %broadcast_in_dim3A = arith.constant 1.000000e+00 : f32
    %broadcast_in_dim3A_0 = vector.broadcast %broadcast_in_dim3A : f32 to vector<16xf32>
    %swap3A = arith.constant 0 : index
    %swap3A_1 = tpu.vector_load %arg5[%swap3A] {strides = array<i32>} : memref<128xf32, #tpu.memory_space<vmem>>, vector<16xf32>,
    %swap3A_2 = vector.shape_cast %swap3A_1 : vector<16xf32> to vector<16xf32>
    %swap3A_3 = vector.shape_cast %broadcast_in_dim3A_0 : vector<16xf32> to vector<16xf32>
    tpu.vector_store %arg5[%swap3A], %swap3A_3 {strides = array<i32>} : memref<128xf32, #tpu.memory_space<vmem>>, vector<16xf32>,
    %swap3A_4 = arith.constant 16 : index
    %swap3A_5 = tpu.vector_load %arg5[%swap3A_4] {strides = array<i32>} : memref<128xf32, #tpu.memory_space<vmem>>, vector<16xf32>,
    %swap3A_6 = vector.shape_cast %swap3A_5 : vector<16xf32> to vector<16xf32>
    %swap3A_7 = vector.shape_cast %broadcast_in_dim3A_0 : vector<16xf32> to vector<16xf32>
    tpu.vector_store %arg5[%swap3A_4], %swap3A_7 {strides = array<i32>} : memref<128xf32, #tpu.memory_space<vmem>>, vector<16xf32>,
    %swap3A_8 = arith.constant 32 : index
    %swap3A_9 = tpu.vector_load %arg5[%swap3A_8] {strides = array<i32>} : memref<128xf32, #tpu.memory_space<vmem>>, vector<16xf32>,
    %swap3A_10 = vector.shape_cast %swap3A_9 : vector<16xf32> to vector<16xf32>
    %swap3A_11 = vector.shape_cast %broadcast_in_dim3A_0 : vector<16xf32> to vector<16xf32>
    tpu.vector_store %arg5[%swap3A_8], %swap3A_11 {strides = array<i32>} : memref<128xf32, #tpu.memory_space<vmem>>, vector<16xf32>,
    %swap3A_12 = arith.constant 48 : index
    %swap3A_13 = tpu.vector_load %arg5[%swap3A_12] {strides = array<i32>} : memref<128xf32, #tpu.memory_space<vmem>>, vector<16xf32>,
    %swap3A_14 = vector.shape_cast %swap3A_13 : vector<16xf32> to vector<16xf32>
    %swap3A_15 = vector.shape_cast %broadcast_in_dim3A_0 : vector<16xf32> to vector<16xf32>
    tpu.vector_store %arg5[%swap3A_12], %swap3A_15 {strides = array<i32>} : memref<128xf32, #tpu.memory_space<vmem>>, vector<16xf32>,
    %swap3A_16 = arith.constant 64 : index
    %swap3A_17 = tpu.vector_load %arg5[%swap3A_16] {strides = array<i32>} : memref<128xf32, #tpu.memory_space<vmem>>, vector<16xf32>,
    %swap3A_18 = vector.shape_cast %swap3A_17 : vector<16xf32> to vector<16xf32>
    %swap3A_19 = vector.shape_cast %broadcast_in_dim3A_0 : vector<16xf32> to vector<16xf32>
    tpu.vector_store %arg5[%swap3A_16], %swap3A_19 {strides = array<i32>} : memref<128xf32, #tpu.memory_space<vmem>>, vector<16xf32>,
    %swap3A_20 = arith.constant 80 : index
    %swap3A_21 = tpu.vector_load %arg5[%swap3A_20] {strides = array<i32>} : memref<128xf32, #tpu.memory_space<vmem>>, vector<16xf32>,
    %swap3A_22 = vector.shape_cast %swap3A_21 : vector<16xf32> to vector<16xf32>
    %swap3A_23 = vector.shape_cast %broadcast_in_dim3A_0 : vector<16xf32> to vector<16xf32>
    tpu.vector_store %arg5[%swap3A_20], %swap3A_23 {strides = array<i32>} : memref<128xf32, #tpu.memory_space<vmem>>, vector<16xf32>,
    %swap3A_24 = arith.constant 96 : index
    %swap3A_25 = tpu.vector_load %arg5[%swap3A_24] {strides = array<i32>} : memref<128xf32, #tpu.memory_space<vmem>>, vector<16xf32>,
    %swap3A_26 = vector.shape_cast %swap3A_25 : vector<16xf32> to vector<16xf32>
    %swap3A_27 = vector.shape_cast %broadcast_in_dim3A_0 : vector<16xf32> to vector<16xf32>
    tpu.vector_store %arg5[%swap3A_24], %swap3A_27 {strides = array<i32>} : memref<128xf32, #tpu.memory_space<vmem>>, vector<16xf32>,
    %swap3A_28 = arith.constant 112 : index
    %swap3A_29 = tpu.vector_load %arg5[%swap3A_28] {strides = array<i32>} : memref<128xf32, #tpu.memory_space<vmem>>, vector<16xf32>,
    %swap3A_30 = vector.shape_cast %swap3A_29 : vector<16xf32> to vector<16xf32>
    %swap3A_31 = vector.shape_cast %broadcast_in_dim3A_0 : vector<16xf32> to vector<16xf32>
    tpu.vector_store %arg5[%swap3A_28], %swap3A_31 {strides = array<i32>} : memref<128xf32, #tpu.memory_space<vmem>>, vector<16xf32>,
    %mul3A = arith.constant 3200 : i32
    %mul3A_32 = arith.muli %arg1, %mul3A : i32
    "tpu.region"() ({
      %run_scoped3A = tpu.sem_alloc : memref<!tpu.dma_semaphore, #tpu.memory_space<semaphore_mem>>
      %dma_start3A = tpu.memref_slice %arg7[%mul3A_32] : memref<51200xf32, #tpu.memory_space<vmem_shared>> -> memref<3200xf32, #tpu.memory_space<vmem_shared>>
      tpu.enqueue_dma source(%arg3 : memref<3200xf32, #tpu.memory_space<hbm>>) target(%dma_start3A : memref<3200xf32, #tpu.memory_space<vmem_shared>>) target_semaphore(%run_scoped3A : memref<!tpu.dma_semaphore, #tpu.memory_space<semaphore_mem>>)
      %dma_wait3A = tpu.memref_slice %arg7[%mul3A_32] : memref<51200xf32, #tpu.memory_space<vmem_shared>> -> memref<3200xf32, #tpu.memory_space<vmem_shared>>
      tpu.wait_dma2 semaphore(%run_scoped3A : memref<!tpu.dma_semaphore, #tpu.memory_space<semaphore_mem>>) src(%arg3 : memref<3200xf32, #tpu.memory_space<hbm>>) dst(%dma_wait3A : memref<3200xf32, #tpu.memory_space<vmem_shared>>)
      tpu.yield
    }) : () -> ()
    %barrier3A = arith.constant 0 : index
    tpu.barrier barrier_id(%barrier3A)
    %scan3A = arith.constant 0 : i32
    %scan3A_33 = arith.constant 0 : i32
    %scan3A_34 = arith.constant 49 : i32
    %scan3A_35 = arith.addi %scan3A_33, %scan3A_34 : i32
    %scan3A_36 = arith.constant 1 : i32
    %scan3A_37 = scf.for %scan3A_46 = %scan3A_33 to %scan3A_35 step %scan3A_36 iter_args(%scan3A_47 = %scan3A) -> (i32)  : i32 {
      %mul3A_48 = arith.constant 6272 : i32
      %mul3A_49 = arith.muli %arg0, %mul3A_48 : i32
      %mul3A_50 = arith.constant 392 : i32
      %mul3A_51 = arith.muli %arg1, %mul3A_50 : i32
      %add3A_52 = arith.addi %mul3A_49, %mul3A_51 : i32
      %mul3A_53 = arith.constant 8 : i32
      %mul3A_54 = arith.muli %scan3A_46, %mul3A_53 : i32
      %add3A_55 = arith.addi %add3A_52, %mul3A_54 : i32
      "tpu.region"() ({
        %run_scoped3A = tpu.sem_alloc : memref<!tpu.dma_semaphore, #tpu.memory_space<semaphore_mem>>
        %dma_start3A_151 = arith.constant 0 : i32
        %dma_start3A_152 = tpu.memref_slice %arg2[%add3A_55, %dma_start3A_151] : memref<12544x128xi32, #tpu.memory_space<hbm>> -> memref<8x128xi32, #tpu.memory_space<hbm>>
        %dma_start3A_153 = arith.constant 0 : i32
        %dma_start3A_154 = tpu.memref_slice %arg2[%add3A_55, %dma_start3A_153] : memref<12544x128xi32, #tpu.memory_space<hbm>> -> memref<8x128xi32, #tpu.memory_space<hbm>>
        tpu.enqueue_dma source(%dma_start3A_154 : memref<8x128xi32, #tpu.memory_space<hbm>>) target(%arg6 : memref<8x128xi32, #tpu.memory_space<vmem>>) target_semaphore(%run_scoped3A : memref<!tpu.dma_semaphore, #tpu.memory_space<semaphore_mem>>)
        %dma_wait3A_155 = arith.constant 0 : i32
        %dma_wait3A_156 = tpu.memref_slice %arg2[%add3A_55, %dma_wait3A_155] : memref<12544x128xi32, #tpu.memory_space<hbm>> -> memref<8x128xi32, #tpu.memory_space<hbm>>
        %dma_wait3A_157 = arith.constant 0 : i32
        %dma_wait3A_158 = tpu.memref_slice %arg2[%add3A_55, %dma_wait3A_157] : memref<12544x128xi32, #tpu.memory_space<hbm>> -> memref<8x128xi32, #tpu.memory_space<hbm>>
        tpu.wait_dma2 semaphore(%run_scoped3A : memref<!tpu.dma_semaphore, #tpu.memory_space<semaphore_mem>>) src(%dma_wait3A_158 : memref<8x128xi32, #tpu.memory_space<hbm>>) dst(%arg6 : memref<8x128xi32, #tpu.memory_space<vmem>>)
        tpu.yield
      }) : () -> ()
      %dma_start3A = arith.constant 0 : i32
      %dma_start3A_56 = arith.constant 0 : i32
      %dma_start3A_57 = tpu.memref_slice %arg6[%dma_start3A, %dma_start3A_56] : memref<8x128xi32, #tpu.memory_space<vmem>> -> memref<1x128xi32, #tpu.memory_space<vmem>>
      %dma_start3A_58 = tpu.memref_squeeze %dma_start3A_57 : memref<1x128xi32, #tpu.memory_space<vmem>> -> memref<128xi32, #tpu.memory_space<vmem>>
      %dma_start3A_59 = arith.constant 0 : i32
      %dma_start3A_60 = tpu.memref_slice %arg7[%dma_start3A_59] : memref<51200xf32, #tpu.memory_space<vmem_shared>> -> memref<51200xf32, #tpu.memory_space<vmem_shared>>
      tpu.enqueue_indirect_dma source(%arg5 : memref<128xf32, #tpu.memory_space<vmem>>) target(%dma_start3A_60 : memref<51200xf32, #tpu.memory_space<vmem_shared>>) offsets(%dma_start3A_58 : memref<128xi32, #tpu.memory_space<vmem>>) semaphore(%arg8 : memref<!tpu.dma_semaphore, #tpu.memory_space<semaphore_mem>>) {add = true}
      %dma_start3A_61 = arith.constant 1 : i32
      %dma_start3A_62 = arith.constant 0 : i32
      %dma_start3A_63 = tpu.memref_slice %arg6[%dma_start3A_61, %dma_start3A_62] : memref<8x128xi32, #tpu.memory_space<vmem>> -> memref<1x128xi32, #tpu.memory_space<vmem>>
      %dma_start3A_64 = tpu.memref_squeeze %dma_start3A_63 : memref<1x128xi32, #tpu.memory_space<vmem>> -> memref<128xi32, #tpu.memory_space<vmem>>
      %dma_start3A_65 = arith.constant 0 : i32
      %dma_start3A_66 = tpu.memref_slice %arg7[%dma_start3A_65] : memref<51200xf32, #tpu.memory_space<vmem_shared>> -> memref<51200xf32, #tpu.memory_space<vmem_shared>>
      tpu.enqueue_indirect_dma source(%arg5 : memref<128xf32, #tpu.memory_space<vmem>>) target(%dma_start3A_66 : memref<51200xf32, #tpu.memory_space<vmem_shared>>) offsets(%dma_start3A_64 : memref<128xi32, #tpu.memory_space<vmem>>) semaphore(%arg8 : memref<!tpu.dma_semaphore, #tpu.memory_space<semaphore_mem>>) {add = true}
      %dma_start3A_67 = arith.constant 2 : i32
      %dma_start3A_68 = arith.constant 0 : i32
      %dma_start3A_69 = tpu.memref_slice %arg6[%dma_start3A_67, %dma_start3A_68] : memref<8x128xi32, #tpu.memory_space<vmem>> -> memref<1x128xi32, #tpu.memory_space<vmem>>
      %dma_start3A_70 = tpu.memref_squeeze %dma_start3A_69 : memref<1x128xi32, #tpu.memory_space<vmem>> -> memref<128xi32, #tpu.memory_space<vmem>>
      %dma_start3A_71 = arith.constant 0 : i32
      %dma_start3A_72 = tpu.memref_slice %arg7[%dma_start3A_71] : memref<51200xf32, #tpu.memory_space<vmem_shared>> -> memref<51200xf32, #tpu.memory_space<vmem_shared>>
      tpu.enqueue_indirect_dma source(%arg5 : memref<128xf32, #tpu.memory_space<vmem>>) target(%dma_start3A_72 : memref<51200xf32, #tpu.memory_space<vmem_shared>>) offsets(%dma_start3A_70 : memref<128xi32, #tpu.memory_space<vmem>>) semaphore(%arg8 : memref<!tpu.dma_semaphore, #tpu.memory_space<semaphore_mem>>) {add = true}
      %dma_start3A_73 = arith.constant 3 : i32
      %dma_start3A_74 = arith.constant 0 : i32
      %dma_start3A_75 = tpu.memref_slice %arg6[%dma_start3A_73, %dma_start3A_74] : memref<8x128xi32, #tpu.memory_space<vmem>> -> memref<1x128xi32, #tpu.memory_space<vmem>>
      %dma_start3A_76 = tpu.memref_squeeze %dma_start3A_75 : memref<1x128xi32, #tpu.memory_space<vmem>> -> memref<128xi32, #tpu.memory_space<vmem>>
      %dma_start3A_77 = arith.constant 0 : i32
      %dma_start3A_78 = tpu.memref_slice %arg7[%dma_start3A_77] : memref<51200xf32, #tpu.memory_space<vmem_shared>> -> memref<51200xf32, #tpu.memory_space<vmem_shared>>
      tpu.enqueue_indirect_dma source(%arg5 : memref<128xf32, #tpu.memory_space<vmem>>) target(%dma_start3A_78 : memref<51200xf32, #tpu.memory_space<vmem_shared>>) offsets(%dma_start3A_76 : memref<128xi32, #tpu.memory_space<vmem>>) semaphore(%arg8 : memref<!tpu.dma_semaphore, #tpu.memory_space<semaphore_mem>>) {add = true}
      %dma_start3A_79 = arith.constant 4 : i32
      %dma_start3A_80 = arith.constant 0 : i32
      %dma_start3A_81 = tpu.memref_slice %arg6[%dma_start3A_79, %dma_start3A_80] : memref<8x128xi32, #tpu.memory_space<vmem>> -> memref<1x128xi32, #tpu.memory_space<vmem>>
      %dma_start3A_82 = tpu.memref_squeeze %dma_start3A_81 : memref<1x128xi32, #tpu.memory_space<vmem>> -> memref<128xi32, #tpu.memory_space<vmem>>
      %dma_start3A_83 = arith.constant 0 : i32
      %dma_start3A_84 = tpu.memref_slice %arg7[%dma_start3A_83] : memref<51200xf32, #tpu.memory_space<vmem_shared>> -> memref<51200xf32, #tpu.memory_space<vmem_shared>>
      tpu.enqueue_indirect_dma source(%arg5 : memref<128xf32, #tpu.memory_space<vmem>>) target(%dma_start3A_84 : memref<51200xf32, #tpu.memory_space<vmem_shared>>) offsets(%dma_start3A_82 : memref<128xi32, #tpu.memory_space<vmem>>) semaphore(%arg8 : memref<!tpu.dma_semaphore, #tpu.memory_space<semaphore_mem>>) {add = true}
      %dma_start3A_85 = arith.constant 5 : i32
      %dma_start3A_86 = arith.constant 0 : i32
      %dma_start3A_87 = tpu.memref_slice %arg6[%dma_start3A_85, %dma_start3A_86] : memref<8x128xi32, #tpu.memory_space<vmem>> -> memref<1x128xi32, #tpu.memory_space<vmem>>
      %dma_start3A_88 = tpu.memref_squeeze %dma_start3A_87 : memref<1x128xi32, #tpu.memory_space<vmem>> -> memref<128xi32, #tpu.memory_space<vmem>>
      %dma_start3A_89 = arith.constant 0 : i32
      %dma_start3A_90 = tpu.memref_slice %arg7[%dma_start3A_89] : memref<51200xf32, #tpu.memory_space<vmem_shared>> -> memref<51200xf32, #tpu.memory_space<vmem_shared>>
      tpu.enqueue_indirect_dma source(%arg5 : memref<128xf32, #tpu.memory_space<vmem>>) target(%dma_start3A_90 : memref<51200xf32, #tpu.memory_space<vmem_shared>>) offsets(%dma_start3A_88 : memref<128xi32, #tpu.memory_space<vmem>>) semaphore(%arg8 : memref<!tpu.dma_semaphore, #tpu.memory_space<semaphore_mem>>) {add = true}
      %dma_start3A_91 = arith.constant 6 : i32
      %dma_start3A_92 = arith.constant 0 : i32
      %dma_start3A_93 = tpu.memref_slice %arg6[%dma_start3A_91, %dma_start3A_92] : memref<8x128xi32, #tpu.memory_space<vmem>> -> memref<1x128xi32, #tpu.memory_space<vmem>>
      %dma_start3A_94 = tpu.memref_squeeze %dma_start3A_93 : memref<1x128xi32, #tpu.memory_space<vmem>> -> memref<128xi32, #tpu.memory_space<vmem>>
      %dma_start3A_95 = arith.constant 0 : i32
      %dma_start3A_96 = tpu.memref_slice %arg7[%dma_start3A_95] : memref<51200xf32, #tpu.memory_space<vmem_shared>> -> memref<51200xf32, #tpu.memory_space<vmem_shared>>
      tpu.enqueue_indirect_dma source(%arg5 : memref<128xf32, #tpu.memory_space<vmem>>) target(%dma_start3A_96 : memref<51200xf32, #tpu.memory_space<vmem_shared>>) offsets(%dma_start3A_94 : memref<128xi32, #tpu.memory_space<vmem>>) semaphore(%arg8 : memref<!tpu.dma_semaphore, #tpu.memory_space<semaphore_mem>>) {add = true}
      %dma_start3A_97 = arith.constant 7 : i32
      %dma_start3A_98 = arith.constant 0 : i32
      %dma_start3A_99 = tpu.memref_slice %arg6[%dma_start3A_97, %dma_start3A_98] : memref<8x128xi32, #tpu.memory_space<vmem>> -> memref<1x128xi32, #tpu.memory_space<vmem>>
      %dma_start3A_100 = tpu.memref_squeeze %dma_start3A_99 : memref<1x128xi32, #tpu.memory_space<vmem>> -> memref<128xi32, #tpu.memory_space<vmem>>
      %dma_start3A_101 = arith.constant 0 : i32
      %dma_start3A_102 = tpu.memref_slice %arg7[%dma_start3A_101] : memref<51200xf32, #tpu.memory_space<vmem_shared>> -> memref<51200xf32, #tpu.memory_space<vmem_shared>>
      tpu.enqueue_indirect_dma source(%arg5 : memref<128xf32, #tpu.memory_space<vmem>>) target(%dma_start3A_102 : memref<51200xf32, #tpu.memory_space<vmem_shared>>) offsets(%dma_start3A_100 : memref<128xi32, #tpu.memory_space<vmem>>) semaphore(%arg8 : memref<!tpu.dma_semaphore, #tpu.memory_space<semaphore_mem>>) {add = true}
      %dma_wait3A = arith.constant 0 : i32
      %dma_wait3A_103 = arith.constant 0 : i32
      %dma_wait3A_104 = tpu.memref_slice %arg6[%dma_wait3A, %dma_wait3A_103] : memref<8x128xi32, #tpu.memory_space<vmem>> -> memref<1x128xi32, #tpu.memory_space<vmem>>
      %dma_wait3A_105 = tpu.memref_squeeze %dma_wait3A_104 : memref<1x128xi32, #tpu.memory_space<vmem>> -> memref<128xi32, #tpu.memory_space<vmem>>
      %dma_wait3A_106 = arith.constant 0 : i32
      %dma_wait3A_107 = tpu.memref_slice %arg7[%dma_wait3A_106] : memref<51200xf32, #tpu.memory_space<vmem_shared>> -> memref<51200xf32, #tpu.memory_space<vmem_shared>>
      tpu.wait_indirect_dma semaphore(%arg8 : memref<!tpu.dma_semaphore, #tpu.memory_space<semaphore_mem>>) src(%arg5 : memref<128xf32, #tpu.memory_space<vmem>>) dst(%dma_wait3A_107 : memref<51200xf32, #tpu.memory_space<vmem_shared>>)
      %dma_wait3A_108 = arith.constant 1 : i32
      %dma_wait3A_109 = arith.constant 0 : i32
      %dma_wait3A_110 = tpu.memref_slice %arg6[%dma_wait3A_108, %dma_wait3A_109] : memref<8x128xi32, #tpu.memory_space<vmem>> -> memref<1x128xi32, #tpu.memory_space<vmem>>
      %dma_wait3A_111 = tpu.memref_squeeze %dma_wait3A_110 : memref<1x128xi32, #tpu.memory_space<vmem>> -> memref<128xi32, #tpu.memory_space<vmem>>
      %dma_wait3A_112 = arith.constant 0 : i32
      %dma_wait3A_113 = tpu.memref_slice %arg7[%dma_wait3A_112] : memref<51200xf32, #tpu.memory_space<vmem_shared>> -> memref<51200xf32, #tpu.memory_space<vmem_shared>>
      tpu.wait_indirect_dma semaphore(%arg8 : memref<!tpu.dma_semaphore, #tpu.memory_space<semaphore_mem>>) src(%arg5 : memref<128xf32, #tpu.memory_space<vmem>>) dst(%dma_wait3A_113 : memref<51200xf32, #tpu.memory_space<vmem_shared>>)
      %dma_wait3A_114 = arith.constant 2 : i32
      %dma_wait3A_115 = arith.constant 0 : i32
      %dma_wait3A_116 = tpu.memref_slice %arg6[%dma_wait3A_114, %dma_wait3A_115] : memref<8x128xi32, #tpu.memory_space<vmem>> -> memref<1x128xi32, #tpu.memory_space<vmem>>
      %dma_wait3A_117 = tpu.memref_squeeze %dma_wait3A_116 : memref<1x128xi32, #tpu.memory_space<vmem>> -> memref<128xi32, #tpu.memory_space<vmem>>
      %dma_wait3A_118 = arith.constant 0 : i32
      %dma_wait3A_119 = tpu.memref_slice %arg7[%dma_wait3A_118] : memref<51200xf32, #tpu.memory_space<vmem_shared>> -> memref<51200xf32, #tpu.memory_space<vmem_shared>>
      tpu.wait_indirect_dma semaphore(%arg8 : memref<!tpu.dma_semaphore, #tpu.memory_space<semaphore_mem>>) src(%arg5 : memref<128xf32, #tpu.memory_space<vmem>>) dst(%dma_wait3A_119 : memref<51200xf32, #tpu.memory_space<vmem_shared>>)
      %dma_wait3A_120 = arith.constant 3 : i32
      %dma_wait3A_121 = arith.constant 0 : i32
      %dma_wait3A_122 = tpu.memref_slice %arg6[%dma_wait3A_120, %dma_wait3A_121] : memref<8x128xi32, #tpu.memory_space<vmem>> -> memref<1x128xi32, #tpu.memory_space<vmem>>
      %dma_wait3A_123 = tpu.memref_squeeze %dma_wait3A_122 : memref<1x128xi32, #tpu.memory_space<vmem>> -> memref<128xi32, #tpu.memory_space<vmem>>
      %dma_wait3A_124 = arith.constant 0 : i32
      %dma_wait3A_125 = tpu.memref_slice %arg7[%dma_wait3A_124] : memref<51200xf32, #tpu.memory_space<vmem_shared>> -> memref<51200xf32, #tpu.memory_space<vmem_shared>>
      tpu.wait_indirect_dma semaphore(%arg8 : memref<!tpu.dma_semaphore, #tpu.memory_space<semaphore_mem>>) src(%arg5 : memref<128xf32, #tpu.memory_space<vmem>>) dst(%dma_wait3A_125 : memref<51200xf32, #tpu.memory_space<vmem_shared>>)
      %dma_wait3A_126 = arith.constant 4 : i32
      %dma_wait3A_127 = arith.constant 0 : i32
      %dma_wait3A_128 = tpu.memref_slice %arg6[%dma_wait3A_126, %dma_wait3A_127] : memref<8x128xi32, #tpu.memory_space<vmem>> -> memref<1x128xi32, #tpu.memory_space<vmem>>
      %dma_wait3A_129 = tpu.memref_squeeze %dma_wait3A_128 : memref<1x128xi32, #tpu.memory_space<vmem>> -> memref<128xi32, #tpu.memory_space<vmem>>
      %dma_wait3A_130 = arith.constant 0 : i32
      %dma_wait3A_131 = tpu.memref_slice %arg7[%dma_wait3A_130] : memref<51200xf32, #tpu.memory_space<vmem_shared>> -> memref<51200xf32, #tpu.memory_space<vmem_shared>>
      tpu.wait_indirect_dma semaphore(%arg8 : memref<!tpu.dma_semaphore, #tpu.memory_space<semaphore_mem>>) src(%arg5 : memref<128xf32, #tpu.memory_space<vmem>>) dst(%dma_wait3A_131 : memref<51200xf32, #tpu.memory_space<vmem_shared>>)
      %dma_wait3A_132 = arith.constant 5 : i32
      %dma_wait3A_133 = arith.constant 0 : i32
      %dma_wait3A_134 = tpu.memref_slice %arg6[%dma_wait3A_132, %dma_wait3A_133] : memref<8x128xi32, #tpu.memory_space<vmem>> -> memref<1x128xi32, #tpu.memory_space<vmem>>
      %dma_wait3A_135 = tpu.memref_squeeze %dma_wait3A_134 : memref<1x128xi32, #tpu.memory_space<vmem>> -> memref<128xi32, #tpu.memory_space<vmem>>
      %dma_wait3A_136 = arith.constant 0 : i32
      %dma_wait3A_137 = tpu.memref_slice %arg7[%dma_wait3A_136] : memref<51200xf32, #tpu.memory_space<vmem_shared>> -> memref<51200xf32, #tpu.memory_space<vmem_shared>>
      tpu.wait_indirect_dma semaphore(%arg8 : memref<!tpu.dma_semaphore, #tpu.memory_space<semaphore_mem>>) src(%arg5 : memref<128xf32, #tpu.memory_space<vmem>>) dst(%dma_wait3A_137 : memref<51200xf32, #tpu.memory_space<vmem_shared>>)
      %dma_wait3A_138 = arith.constant 6 : i32
      %dma_wait3A_139 = arith.constant 0 : i32
      %dma_wait3A_140 = tpu.memref_slice %arg6[%dma_wait3A_138, %dma_wait3A_139] : memref<8x128xi32, #tpu.memory_space<vmem>> -> memref<1x128xi32, #tpu.memory_space<vmem>>
      %dma_wait3A_141 = tpu.memref_squeeze %dma_wait3A_140 : memref<1x128xi32, #tpu.memory_space<vmem>> -> memref<128xi32, #tpu.memory_space<vmem>>
      %dma_wait3A_142 = arith.constant 0 : i32
      %dma_wait3A_143 = tpu.memref_slice %arg7[%dma_wait3A_142] : memref<51200xf32, #tpu.memory_space<vmem_shared>> -> memref<51200xf32, #tpu.memory_space<vmem_shared>>
      tpu.wait_indirect_dma semaphore(%arg8 : memref<!tpu.dma_semaphore, #tpu.memory_space<semaphore_mem>>) src(%arg5 : memref<128xf32, #tpu.memory_space<vmem>>) dst(%dma_wait3A_143 : memref<51200xf32, #tpu.memory_space<vmem_shared>>)
      %dma_wait3A_144 = arith.constant 7 : i32
      %dma_wait3A_145 = arith.constant 0 : i32
      %dma_wait3A_146 = tpu.memref_slice %arg6[%dma_wait3A_144, %dma_wait3A_145] : memref<8x128xi32, #tpu.memory_space<vmem>> -> memref<1x128xi32, #tpu.memory_space<vmem>>
      %dma_wait3A_147 = tpu.memref_squeeze %dma_wait3A_146 : memref<1x128xi32, #tpu.memory_space<vmem>> -> memref<128xi32, #tpu.memory_space<vmem>>
      %dma_wait3A_148 = arith.constant 0 : i32
      %dma_wait3A_149 = tpu.memref_slice %arg7[%dma_wait3A_148] : memref<51200xf32, #tpu.memory_space<vmem_shared>> -> memref<51200xf32, #tpu.memory_space<vmem_shared>>
      tpu.wait_indirect_dma semaphore(%arg8 : memref<!tpu.dma_semaphore, #tpu.memory_space<semaphore_mem>>) src(%arg5 : memref<128xf32, #tpu.memory_space<vmem>>) dst(%dma_wait3A_149 : memref<51200xf32, #tpu.memory_space<vmem_shared>>)
      %scan3A_150 = arith.constant 0 : i32
      scf.yield %scan3A_150 : i32
    }
    %scan3A_38 = arith.constant 49 : i32
    %barrier3A_39 = arith.constant 0 : index
    tpu.barrier barrier_id(%barrier3A_39)
    %mul3A_40 = arith.constant 3200 : i32
    %mul3A_41 = arith.muli %arg1, %mul3A_40 : i32
    %mul3A_42 = arith.constant 51200 : i32
    %mul3A_43 = arith.muli %arg0, %mul3A_42 : i32
    %mul3A_44 = arith.constant 3200 : i32
    %mul3A_45 = arith.muli %arg1, %mul3A_44 : i32
    %add3A = arith.addi %mul3A_43, %mul3A_45 : i32
    "tpu.region"() ({
      %run_scoped3A = tpu.sem_alloc : memref<!tpu.dma_semaphore, #tpu.memory_space<semaphore_mem>>
      %dma_start3A = tpu.memref_slice %arg4[%add3A] : memref<102400xf32, #tpu.memory_space<hbm>> -> memref<3200xf32, #tpu.memory_space<hbm>>
      %dma_start3A_46 = tpu.memref_slice %arg7[%mul3A_41] : memref<51200xf32, #tpu.memory_space<vmem_shared>> -> memref<3200xf32, #tpu.memory_space<vmem_shared>>
      tpu.enqueue_dma source(%dma_start3A_46 : memref<3200xf32, #tpu.memory_space<vmem_shared>>) target(%dma_start3A : memref<3200xf32, #tpu.memory_space<hbm>>) target_semaphore(%run_scoped3A : memref<!tpu.dma_semaphore, #tpu.memory_space<semaphore_mem>>)
      %dma_wait3A = tpu.memref_slice %arg4[%add3A] : memref<102400xf32, #tpu.memory_space<hbm>> -> memref<3200xf32, #tpu.memory_space<hbm>>
      %dma_wait3A_47 = tpu.memref_slice %arg7[%mul3A_41] : memref<51200xf32, #tpu.memory_space<vmem_shared>> -> memref<3200xf32, #tpu.memory_space<vmem_shared>>
      tpu.wait_dma2 semaphore(%run_scoped3A : memref<!tpu.dma_semaphore, #tpu.memory_space<semaphore_mem>>) src(%dma_wait3A_47 : memref<3200xf32, #tpu.memory_space<vmem_shared>>) dst(%dma_wait3A : memref<3200xf32, #tpu.memory_space<hbm>>)
      tpu.yield
    }) : () -> ()
    return
  }
}

#map = affine_map<(d0, d1) -> (0, 0)>
module attributes {stable_mosaic.version = 14 : i64} {
  func.func @sc_agg1(%arg0: i32, %arg1: i32, %arg2: memref<50000x32xf32, #tpu.memory_space<hbm>>, %arg3: memref<50000x32xf32, #tpu.memory_space<hbm>>, %arg4: memref<50000x32xf32, #tpu.memory_space<hbm>>, %arg5: memref<50000x32xf32, #tpu.memory_space<hbm>>, %arg6: memref<12544x128xi32, #tpu.memory_space<hbm>>, %arg7: memref<12544x128xi32, #tpu.memory_space<hbm>>, %arg8: memref<3200x32xf32, #tpu.memory_space<hbm>>, %arg9: memref<50000x32xf32, #tpu.memory_space<hbm>>, %arg10: memref<50000x32xf32, #tpu.memory_space<hbm>>, %arg11: memref<50000x32xf32, #tpu.memory_space<hbm>>, %arg12: memref<50000x32xf32, #tpu.memory_space<hbm>>, %arg13: memref<2x4x128xi32, #tpu.memory_space<vmem>>, %arg14: memref<2x2x128x32xf32, #tpu.memory_space<vmem>>, %arg15: memref<51200x32xf32, #tpu.memory_space<vmem_shared>>, %arg16: memref<!tpu.dma_semaphore, #tpu.memory_space<semaphore_mem>>, %arg17: memref<!tpu.dma_semaphore, #tpu.memory_space<semaphore_mem>>, %arg18: memref<!tpu.dma_semaphore, #tpu.memory_space<semaphore_mem>>, %arg19: memref<!tpu.dma_semaphore, #tpu.memory_space<semaphore_mem>>) attributes {dimension_semantics = [#tpu.dimension_semantics<core_parallel>, #tpu.dimension_semantics<subcore_parallel>], iteration_bounds = array<i64: 2, 16>, scalar_prefetch = 0 : i64, scratch_operands = 7 : i64, tpu.core_type = #tpu.core_type<sc_vector_subcore>, window_params = [{transform_indices = #map}, {transform_indices = #map}, {transform_indices = #map}, {transform_indices = #map}, {transform_indices = #map}, {transform_indices = #map}, {transform_indices = #map}, {transform_indices = #map}, {transform_indices = #map}, {transform_indices = #map}, {transform_indices = #map}]} {
    %mul3A = arith.constant 3200 : i32
    %mul3A_0 = arith.muli %arg1, %mul3A : i32
    "tpu.region"() ({
      %run_scoped3A = tpu.sem_alloc : memref<!tpu.dma_semaphore, #tpu.memory_space<semaphore_mem>>
      %dma_start3A = arith.constant 0 : i32
      %dma_start3A_23 = tpu.memref_slice %arg15[%mul3A_0, %dma_start3A] : memref<51200x32xf32, #tpu.memory_space<vmem_shared>> -> memref<3200x32xf32, #tpu.memory_space<vmem_shared>>
      tpu.enqueue_dma source(%arg8 : memref<3200x32xf32, #tpu.memory_space<hbm>>) target(%dma_start3A_23 : memref<3200x32xf32, #tpu.memory_space<vmem_shared>>) target_semaphore(%run_scoped3A : memref<!tpu.dma_semaphore, #tpu.memory_space<semaphore_mem>>)
      %dma_wait3A = arith.constant 0 : i32
      %dma_wait3A_24 = tpu.memref_slice %arg15[%mul3A_0, %dma_wait3A] : memref<51200x32xf32, #tpu.memory_space<vmem_shared>> -> memref<3200x32xf32, #tpu.memory_space<vmem_shared>>
      tpu.wait_dma2 semaphore(%run_scoped3A : memref<!tpu.dma_semaphore, #tpu.memory_space<semaphore_mem>>) src(%arg8 : memref<3200x32xf32, #tpu.memory_space<hbm>>) dst(%dma_wait3A_24 : memref<3200x32xf32, #tpu.memory_space<vmem_shared>>)
      tpu.yield
    }) : () -> ()
    %barrier3A = arith.constant 0 : index
    tpu.barrier barrier_id(%barrier3A)
    %eq3A = arith.constant 0 : i32
    %eq3A_1 = arith.cmpi eq, %arg0, %eq3A : i32
    %convert_element_type3A = arith.extui %eq3A_1 : i1 to i32
    %cond3A = arith.constant 0 : i32
    %cond3A_2 = arith.cmpi ne, %convert_element_type3A, %cond3A : i32
    scf.if %cond3A_2 {
      %mul3A_23 = arith.constant 784 : i32
      %mul3A_24 = arith.muli %arg1, %mul3A_23 : i32
      %add3A = arith.constant 0 : i32
      %add3A_25 = arith.addi %mul3A_24, %add3A : i32
      %dma_start3A = arith.constant 0 : i32
      %dma_start3A_26 = arith.constant 0 : i32
      %dma_start3A_27 = arith.constant 0 : i32
      %dma_start3A_28 = tpu.memref_slice %arg13[%dma_start3A, %dma_start3A_26, %dma_start3A_27] : memref<2x4x128xi32, #tpu.memory_space<vmem>> -> memref<1x2x128xi32, #tpu.memory_space<vmem>>
      %dma_start3A_29 = tpu.memref_squeeze %dma_start3A_28 : memref<1x2x128xi32, #tpu.memory_space<vmem>> -> memref<2x128xi32, #tpu.memory_space<vmem>>
      %dma_start3A_30 = arith.constant 0 : i32
      %dma_start3A_31 = tpu.memref_slice %arg6[%add3A_25, %dma_start3A_30] : memref<12544x128xi32, #tpu.memory_space<hbm>> -> memref<2x128xi32, #tpu.memory_space<hbm>>
      %dma_start3A_32 = arith.constant 0 : i32
      %dma_start3A_33 = arith.constant 0 : i32
      %dma_start3A_34 = tpu.memref_slice %arg13[%dma_start3A, %dma_start3A_32, %dma_start3A_33] : memref<2x4x128xi32, #tpu.memory_space<vmem>> -> memref<1x2x128xi32, #tpu.memory_space<vmem>>
      %dma_start3A_35 = tpu.memref_squeeze %dma_start3A_34 : memref<1x2x128xi32, #tpu.memory_space<vmem>> -> memref<2x128xi32, #tpu.memory_space<vmem>>
      %dma_start3A_36 = arith.constant 0 : i32
      %dma_start3A_37 = tpu.memref_slice %arg6[%add3A_25, %dma_start3A_36] : memref<12544x128xi32, #tpu.memory_space<hbm>> -> memref<2x128xi32, #tpu.memory_space<hbm>>
      tpu.enqueue_dma source(%dma_start3A_37 : memref<2x128xi32, #tpu.memory_space<hbm>>) target(%dma_start3A_35 : memref<2x128xi32, #tpu.memory_space<vmem>>) target_semaphore(%arg16 : memref<!tpu.dma_semaphore, #tpu.memory_space<semaphore_mem>>)
      %dma_start3A_38 = arith.constant 0 : i32
      %dma_start3A_39 = arith.constant 2 : i32
      %dma_start3A_40 = arith.constant 0 : i32
      %dma_start3A_41 = tpu.memref_slice %arg13[%dma_start3A_38, %dma_start3A_39, %dma_start3A_40] : memref<2x4x128xi32, #tpu.memory_space<vmem>> -> memref<1x2x128xi32, #tpu.memory_space<vmem>>
      %dma_start3A_42 = tpu.memref_squeeze %dma_start3A_41 : memref<1x2x128xi32, #tpu.memory_space<vmem>> -> memref<2x128xi32, #tpu.memory_space<vmem>>
      %dma_start3A_43 = arith.constant 0 : i32
      %dma_start3A_44 = tpu.memref_slice %arg7[%add3A_25, %dma_start3A_43] : memref<12544x128xi32, #tpu.memory_space<hbm>> -> memref<2x128xi32, #tpu.memory_space<hbm>>
      %dma_start3A_45 = arith.constant 2 : i32
      %dma_start3A_46 = arith.constant 0 : i32
      %dma_start3A_47 = tpu.memref_slice %arg13[%dma_start3A_38, %dma_start3A_45, %dma_start3A_46] : memref<2x4x128xi32, #tpu.memory_space<vmem>> -> memref<1x2x128xi32, #tpu.memory_space<vmem>>
      %dma_start3A_48 = tpu.memref_squeeze %dma_start3A_47 : memref<1x2x128xi32, #tpu.memory_space<vmem>> -> memref<2x128xi32, #tpu.memory_space<vmem>>
      %dma_start3A_49 = arith.constant 0 : i32
      %dma_start3A_50 = tpu.memref_slice %arg7[%add3A_25, %dma_start3A_49] : memref<12544x128xi32, #tpu.memory_space<hbm>> -> memref<2x128xi32, #tpu.memory_space<hbm>>
      tpu.enqueue_dma source(%dma_start3A_50 : memref<2x128xi32, #tpu.memory_space<hbm>>) target(%dma_start3A_48 : memref<2x128xi32, #tpu.memory_space<vmem>>) target_semaphore(%arg16 : memref<!tpu.dma_semaphore, #tpu.memory_space<semaphore_mem>>)
      %dma_wait3A = arith.constant 0 : i32
      %dma_wait3A_51 = arith.constant 0 : i32
      %dma_wait3A_52 = arith.constant 0 : i32
      %dma_wait3A_53 = tpu.memref_slice %arg13[%dma_wait3A, %dma_wait3A_51, %dma_wait3A_52] : memref<2x4x128xi32, #tpu.memory_space<vmem>> -> memref<1x2x128xi32, #tpu.memory_space<vmem>>
      %dma_wait3A_54 = tpu.memref_squeeze %dma_wait3A_53 : memref<1x2x128xi32, #tpu.memory_space<vmem>> -> memref<2x128xi32, #tpu.memory_space<vmem>>
      %dma_wait3A_55 = arith.constant 0 : i32
      %dma_wait3A_56 = arith.constant 0 : i32
      %dma_wait3A_57 = tpu.memref_slice %arg6[%dma_wait3A_55, %dma_wait3A_56] : memref<12544x128xi32, #tpu.memory_space<hbm>> -> memref<2x128xi32, #tpu.memory_space<hbm>>
      %dma_wait3A_58 = arith.constant 0 : i32
      %dma_wait3A_59 = arith.constant 0 : i32
      %dma_wait3A_60 = tpu.memref_slice %arg13[%dma_wait3A, %dma_wait3A_58, %dma_wait3A_59] : memref<2x4x128xi32, #tpu.memory_space<vmem>> -> memref<1x2x128xi32, #tpu.memory_space<vmem>>
      %dma_wait3A_61 = tpu.memref_squeeze %dma_wait3A_60 : memref<1x2x128xi32, #tpu.memory_space<vmem>> -> memref<2x128xi32, #tpu.memory_space<vmem>>
      %dma_wait3A_62 = arith.constant 0 : i32
      %dma_wait3A_63 = arith.constant 0 : i32
      %dma_wait3A_64 = tpu.memref_slice %arg6[%dma_wait3A_62, %dma_wait3A_63] : memref<12544x128xi32, #tpu.memory_space<hbm>> -> memref<2x128xi32, #tpu.memory_space<hbm>>
      tpu.wait_dma2 semaphore(%arg16 : memref<!tpu.dma_semaphore, #tpu.memory_space<semaphore_mem>>) src(%dma_wait3A_64 : memref<2x128xi32, #tpu.memory_space<hbm>>) dst(%dma_wait3A_61 : memref<2x128xi32, #tpu.memory_space<vmem>>)
      %dma_wait3A_65 = arith.constant 0 : i32
      %dma_wait3A_66 = arith.constant 2 : i32
      %dma_wait3A_67 = arith.constant 0 : i32
      %dma_wait3A_68 = tpu.memref_slice %arg13[%dma_wait3A_65, %dma_wait3A_66, %dma_wait3A_67] : memref<2x4x128xi32, #tpu.memory_space<vmem>> -> memref<1x2x128xi32, #tpu.memory_space<vmem>>
      %dma_wait3A_69 = tpu.memref_squeeze %dma_wait3A_68 : memref<1x2x128xi32, #tpu.memory_space<vmem>> -> memref<2x128xi32, #tpu.memory_space<vmem>>
      %dma_wait3A_70 = arith.constant 0 : i32
      %dma_wait3A_71 = arith.constant 0 : i32
      %dma_wait3A_72 = tpu.memref_slice %arg6[%dma_wait3A_70, %dma_wait3A_71] : memref<12544x128xi32, #tpu.memory_space<hbm>> -> memref<2x128xi32, #tpu.memory_space<hbm>>
      %dma_wait3A_73 = arith.constant 2 : i32
      %dma_wait3A_74 = arith.constant 0 : i32
      %dma_wait3A_75 = tpu.memref_slice %arg13[%dma_wait3A_65, %dma_wait3A_73, %dma_wait3A_74] : memref<2x4x128xi32, #tpu.memory_space<vmem>> -> memref<1x2x128xi32, #tpu.memory_space<vmem>>
      %dma_wait3A_76 = tpu.memref_squeeze %dma_wait3A_75 : memref<1x2x128xi32, #tpu.memory_space<vmem>> -> memref<2x128xi32, #tpu.memory_space<vmem>>
      %dma_wait3A_77 = arith.constant 0 : i32
      %dma_wait3A_78 = arith.constant 0 : i32
      %dma_wait3A_79 = tpu.memref_slice %arg6[%dma_wait3A_77, %dma_wait3A_78] : memref<12544x128xi32, #tpu.memory_space<hbm>> -> memref<2x128xi32, #tpu.memory_space<hbm>>
      tpu.wait_dma2 semaphore(%arg16 : memref<!tpu.dma_semaphore, #tpu.memory_space<semaphore_mem>>) src(%dma_wait3A_79 : memref<2x128xi32, #tpu.memory_space<hbm>>) dst(%dma_wait3A_76 : memref<2x128xi32, #tpu.memory_space<vmem>>)
      %dma_start3A_80 = arith.constant 0 : i32
      %dma_start3A_81 = arith.constant 0 : i32
      %dma_start3A_82 = arith.constant 0 : i32
      %dma_start3A_83 = arith.constant 0 : i32
      %dma_start3A_84 = arith.constant 0 : i32
      %dma_start3A_85 = arith.constant 0 : i32
      %dma_start3A_86 = tpu.memref_slice %arg14[%dma_start3A_82, %dma_start3A_83, %dma_start3A_84, %dma_start3A_85] : memref<2x2x128x32xf32, #tpu.memory_space<vmem>> -> memref<1x1x128x32xf32, #tpu.memory_space<vmem>>
      %dma_start3A_87 = tpu.memref_squeeze %dma_start3A_86 : memref<1x1x128x32xf32, #tpu.memory_space<vmem>> -> memref<128x32xf32, #tpu.memory_space<vmem>>
      %dma_start3A_88 = arith.constant 0 : i32
      %dma_start3A_89 = tpu.memref_slice %arg13[%dma_start3A_80, %dma_start3A_81, %dma_start3A_88] : memref<2x4x128xi32, #tpu.memory_space<vmem>> -> memref<1x1x128xi32, #tpu.memory_space<vmem>>
      %dma_start3A_90 = tpu.memref_squeeze %dma_start3A_89 : memref<1x1x128xi32, #tpu.memory_space<vmem>> -> memref<128xi32, #tpu.memory_space<vmem>>
      %dma_start3A_91 = arith.constant 0 : i32
      %dma_start3A_92 = arith.constant 0 : i32
      %dma_start3A_93 = tpu.memref_slice %arg2[%dma_start3A_91, %dma_start3A_92] : memref<50000x32xf32, #tpu.memory_space<hbm>> -> memref<50000x32xf32, #tpu.memory_space<hbm>>
      tpu.enqueue_indirect_dma source(%dma_start3A_93 : memref<50000x32xf32, #tpu.memory_space<hbm>>) target(%dma_start3A_87 : memref<128x32xf32, #tpu.memory_space<vmem>>) offsets(%dma_start3A_90 : memref<128xi32, #tpu.memory_space<vmem>>) semaphore(%arg17 : memref<!tpu.dma_semaphore, #tpu.memory_space<semaphore_mem>>)
      %dma_start3A_94 = arith.constant 0 : i32
      %dma_start3A_95 = arith.constant 1 : i32
      %dma_start3A_96 = arith.constant 0 : i32
      %dma_start3A_97 = arith.constant 1 : i32
      %dma_start3A_98 = arith.constant 0 : i32
      %dma_start3A_99 = arith.constant 0 : i32
      %dma_start3A_100 = tpu.memref_slice %arg14[%dma_start3A_96, %dma_start3A_97, %dma_start3A_98, %dma_start3A_99] : memref<2x2x128x32xf32, #tpu.memory_space<vmem>> -> memref<1x1x128x32xf32, #tpu.memory_space<vmem>>
      %dma_start3A_101 = tpu.memref_squeeze %dma_start3A_100 : memref<1x1x128x32xf32, #tpu.memory_space<vmem>> -> memref<128x32xf32, #tpu.memory_space<vmem>>
      %dma_start3A_102 = arith.constant 0 : i32
      %dma_start3A_103 = tpu.memref_slice %arg13[%dma_start3A_94, %dma_start3A_95, %dma_start3A_102] : memref<2x4x128xi32, #tpu.memory_space<vmem>> -> memref<1x1x128xi32, #tpu.memory_space<vmem>>
      %dma_start3A_104 = tpu.memref_squeeze %dma_start3A_103 : memref<1x1x128xi32, #tpu.memory_space<vmem>> -> memref<128xi32, #tpu.memory_space<vmem>>
      %dma_start3A_105 = arith.constant 0 : i32
      %dma_start3A_106 = arith.constant 0 : i32
      %dma_start3A_107 = tpu.memref_slice %arg2[%dma_start3A_105, %dma_start3A_106] : memref<50000x32xf32, #tpu.memory_space<hbm>> -> memref<50000x32xf32, #tpu.memory_space<hbm>>
      tpu.enqueue_indirect_dma source(%dma_start3A_107 : memref<50000x32xf32, #tpu.memory_space<hbm>>) target(%dma_start3A_101 : memref<128x32xf32, #tpu.memory_space<vmem>>) offsets(%dma_start3A_104 : memref<128xi32, #tpu.memory_space<vmem>>) semaphore(%arg17 : memref<!tpu.dma_semaphore, #tpu.memory_space<semaphore_mem>>)
      %mul3A_108 = arith.constant 784 : i32
      %mul3A_109 = arith.muli %arg1, %mul3A_108 : i32
      %add3A_110 = arith.constant 2 : i32
      %add3A_111 = arith.addi %mul3A_109, %add3A_110 : i32
      %dma_start3A_112 = arith.constant 1 : i32
      %dma_start3A_113 = arith.constant 0 : i32
      %dma_start3A_114 = arith.constant 0 : i32
      %dma_start3A_115 = tpu.memref_slice %arg13[%dma_start3A_112, %dma_start3A_113, %dma_start3A_114] : memref<2x4x128xi32, #tpu.memory_space<vmem>> -> memref<1x2x128xi32, #tpu.memory_space<vmem>>
      %dma_start3A_116 = tpu.memref_squeeze %dma_start3A_115 : memref<1x2x128xi32, #tpu.memory_space<vmem>> -> memref<2x128xi32, #tpu.memory_space<vmem>>
      %dma_start3A_117 = arith.constant 0 : i32
      %dma_start3A_118 = tpu.memref_slice %arg6[%add3A_111, %dma_start3A_117] : memref<12544x128xi32, #tpu.memory_space<hbm>> -> memref<2x128xi32, #tpu.memory_space<hbm>>
      %dma_start3A_119 = arith.constant 0 : i32
      %dma_start3A_120 = arith.constant 0 : i32
      %dma_start3A_121 = tpu.memref_slice %arg13[%dma_start3A_112, %dma_start3A_119, %dma_start3A_120] : memref<2x4x128xi32, #tpu.memory_space<vmem>> -> memref<1x2x128xi32, #tpu.memory_space<vmem>>
      %dma_start3A_122 = tpu.memref_squeeze %dma_start3A_121 : memref<1x2x128xi32, #tpu.memory_space<vmem>> -> memref<2x128xi32, #tpu.memory_space<vmem>>
      %dma_start3A_123 = arith.constant 0 : i32
      %dma_start3A_124 = tpu.memref_slice %arg6[%add3A_111, %dma_start3A_123] : memref<12544x128xi32, #tpu.memory_space<hbm>> -> memref<2x128xi32, #tpu.memory_space<hbm>>
      tpu.enqueue_dma source(%dma_start3A_124 : memref<2x128xi32, #tpu.memory_space<hbm>>) target(%dma_start3A_122 : memref<2x128xi32, #tpu.memory_space<vmem>>) target_semaphore(%arg16 : memref<!tpu.dma_semaphore, #tpu.memory_space<semaphore_mem>>)
      %dma_start3A_125 = arith.constant 1 : i32
      %dma_start3A_126 = arith.constant 2 : i32
      %dma_start3A_127 = arith.constant 0 : i32
      %dma_start3A_128 = tpu.memref_slice %arg13[%dma_start3A_125, %dma_start3A_126, %dma_start3A_127] : memref<2x4x128xi32, #tpu.memory_space<vmem>> -> memref<1x2x128xi32, #tpu.memory_space<vmem>>
      %dma_start3A_129 = tpu.memref_squeeze %dma_start3A_128 : memref<1x2x128xi32, #tpu.memory_space<vmem>> -> memref<2x128xi32, #tpu.memory_space<vmem>>
      %dma_start3A_130 = arith.constant 0 : i32
      %dma_start3A_131 = tpu.memref_slice %arg7[%add3A_111, %dma_start3A_130] : memref<12544x128xi32, #tpu.memory_space<hbm>> -> memref<2x128xi32, #tpu.memory_space<hbm>>
      %dma_start3A_132 = arith.constant 2 : i32
      %dma_start3A_133 = arith.constant 0 : i32
      %dma_start3A_134 = tpu.memref_slice %arg13[%dma_start3A_125, %dma_start3A_132, %dma_start3A_133] : memref<2x4x128xi32, #tpu.memory_space<vmem>> -> memref<1x2x128xi32, #tpu.memory_space<vmem>>
      %dma_start3A_135 = tpu.memref_squeeze %dma_start3A_134 : memref<1x2x128xi32, #tpu.memory_space<vmem>> -> memref<2x128xi32, #tpu.memory_space<vmem>>
      %dma_start3A_136 = arith.constant 0 : i32
      %dma_start3A_137 = tpu.memref_slice %arg7[%add3A_111, %dma_start3A_136] : memref<12544x128xi32, #tpu.memory_space<hbm>> -> memref<2x128xi32, #tpu.memory_space<hbm>>
      tpu.enqueue_dma source(%dma_start3A_137 : memref<2x128xi32, #tpu.memory_space<hbm>>) target(%dma_start3A_135 : memref<2x128xi32, #tpu.memory_space<vmem>>) target_semaphore(%arg16 : memref<!tpu.dma_semaphore, #tpu.memory_space<semaphore_mem>>)
      %scan3A = arith.constant 0 : i32
      %scan3A_138 = arith.constant 0 : i32
      %scan3A_139 = arith.constant 196 : i32
      %scan3A_140 = arith.addi %scan3A_138, %scan3A_139 : i32
      %scan3A_141 = arith.constant 1 : i32
      %scan3A_142 = scf.for %scan3A_181 = %scan3A_138 to %scan3A_140 step %scan3A_141 iter_args(%scan3A_182 = %scan3A) -> (i32)  : i32 {
        %dma_wait3A_183 = arith.constant 0 : i32
        %dma_wait3A_184 = arith.constant 0 : i32
        %dma_wait3A_185 = arith.constant 0 : i32
        %dma_wait3A_186 = arith.constant 0 : i32
        %dma_wait3A_187 = tpu.memref_slice %arg14[%dma_wait3A_183, %dma_wait3A_184, %dma_wait3A_185, %dma_wait3A_186] : memref<2x2x128x32xf32, #tpu.memory_space<vmem>> -> memref<1x1x128x32xf32, #tpu.memory_space<vmem>>
        %dma_wait3A_188 = tpu.memref_squeeze %dma_wait3A_187 : memref<1x1x128x32xf32, #tpu.memory_space<vmem>> -> memref<128x32xf32, #tpu.memory_space<vmem>>
        %dma_wait3A_189 = arith.constant 0 : i32
        %dma_wait3A_190 = arith.constant 0 : i32
        %dma_wait3A_191 = tpu.memref_slice %arg2[%dma_wait3A_189, %dma_wait3A_190] : memref<50000x32xf32, #tpu.memory_space<hbm>> -> memref<128x32xf32, #tpu.memory_space<hbm>>
        %dma_wait3A_192 = arith.constant 0 : i32
        %dma_wait3A_193 = arith.constant 0 : i32
        %dma_wait3A_194 = tpu.memref_slice %arg14[%dma_wait3A_183, %dma_wait3A_184, %dma_wait3A_192, %dma_wait3A_193] : memref<2x2x128x32xf32, #tpu.memory_space<vmem>> -> memref<1x1x128x32xf32, #tpu.memory_space<vmem>>
        %dma_wait3A_195 = tpu.memref_squeeze %dma_wait3A_194 : memref<1x1x128x32xf32, #tpu.memory_space<vmem>> -> memref<128x32xf32, #tpu.memory_space<vmem>>
        %dma_wait3A_196 = arith.constant 0 : i32
        %dma_wait3A_197 = arith.constant 0 : i32
        %dma_wait3A_198 = tpu.memref_slice %arg2[%dma_wait3A_196, %dma_wait3A_197] : memref<50000x32xf32, #tpu.memory_space<hbm>> -> memref<128x32xf32, #tpu.memory_space<hbm>>
        tpu.wait_dma2 semaphore(%arg17 : memref<!tpu.dma_semaphore, #tpu.memory_space<semaphore_mem>>) src(%dma_wait3A_198 : memref<128x32xf32, #tpu.memory_space<hbm>>) dst(%dma_wait3A_195 : memref<128x32xf32, #tpu.memory_space<vmem>>)
        %dma_wait3A_199 = arith.constant 0 : i32
        %dma_wait3A_200 = arith.constant 1 : i32
        %dma_wait3A_201 = arith.constant 0 : i32
        %dma_wait3A_202 = arith.constant 0 : i32
        %dma_wait3A_203 = tpu.memref_slice %arg14[%dma_wait3A_199, %dma_wait3A_200, %dma_wait3A_201, %dma_wait3A_202] : memref<2x2x128x32xf32, #tpu.memory_space<vmem>> -> memref<1x1x128x32xf32, #tpu.memory_space<vmem>>
        %dma_wait3A_204 = tpu.memref_squeeze %dma_wait3A_203 : memref<1x1x128x32xf32, #tpu.memory_space<vmem>> -> memref<128x32xf32, #tpu.memory_space<vmem>>
        %dma_wait3A_205 = arith.constant 0 : i32
        %dma_wait3A_206 = arith.constant 0 : i32
        %dma_wait3A_207 = tpu.memref_slice %arg2[%dma_wait3A_205, %dma_wait3A_206] : memref<50000x32xf32, #tpu.memory_space<hbm>> -> memref<128x32xf32, #tpu.memory_space<hbm>>
        %dma_wait3A_208 = arith.constant 0 : i32
        %dma_wait3A_209 = arith.constant 0 : i32
        %dma_wait3A_210 = tpu.memref_slice %arg14[%dma_wait3A_199, %dma_wait3A_200, %dma_wait3A_208, %dma_wait3A_209] : memref<2x2x128x32xf32, #tpu.memory_space<vmem>> -> memref<1x1x128x32xf32, #tpu.memory_space<vmem>>
        %dma_wait3A_211 = tpu.memref_squeeze %dma_wait3A_210 : memref<1x1x128x32xf32, #tpu.memory_space<vmem>> -> memref<128x32xf32, #tpu.memory_space<vmem>>
        %dma_wait3A_212 = arith.constant 0 : i32
        %dma_wait3A_213 = arith.constant 0 : i32
        %dma_wait3A_214 = tpu.memref_slice %arg2[%dma_wait3A_212, %dma_wait3A_213] : memref<50000x32xf32, #tpu.memory_space<hbm>> -> memref<128x32xf32, #tpu.memory_space<hbm>>
        tpu.wait_dma2 semaphore(%arg17 : memref<!tpu.dma_semaphore, #tpu.memory_space<semaphore_mem>>) src(%dma_wait3A_214 : memref<128x32xf32, #tpu.memory_space<hbm>>) dst(%dma_wait3A_211 : memref<128x32xf32, #tpu.memory_space<vmem>>)
        %dma_start3A_215 = arith.constant 0 : i32
        %dma_start3A_216 = arith.constant 0 : i32
        %dma_start3A_217 = arith.constant 0 : i32
        %dma_start3A_218 = arith.constant 2 : i32
        %dma_start3A_219 = arith.constant 0 : i32
        %dma_start3A_220 = arith.constant 0 : i32
        %dma_start3A_221 = tpu.memref_slice %arg14[%dma_start3A_215, %dma_start3A_216, %dma_start3A_219, %dma_start3A_220] : memref<2x2x128x32xf32, #tpu.memory_space<vmem>> -> memref<1x1x128x32xf32, #tpu.memory_space<vmem>>
        %dma_start3A_222 = tpu.memref_squeeze %dma_start3A_221 : memref<1x1x128x32xf32, #tpu.memory_space<vmem>> -> memref<128x32xf32, #tpu.memory_space<vmem>>
        %dma_start3A_223 = arith.constant 0 : i32
        %dma_start3A_224 = tpu.memref_slice %arg13[%dma_start3A_217, %dma_start3A_218, %dma_start3A_223] : memref<2x4x128xi32, #tpu.memory_space<vmem>> -> memref<1x1x128xi32, #tpu.memory_space<vmem>>
        %dma_start3A_225 = tpu.memref_squeeze %dma_start3A_224 : memref<1x1x128xi32, #tpu.memory_space<vmem>> -> memref<128xi32, #tpu.memory_space<vmem>>
        %dma_start3A_226 = arith.constant 0 : i32
        %dma_start3A_227 = arith.constant 0 : i32
        %dma_start3A_228 = tpu.memref_slice %arg15[%dma_start3A_226, %dma_start3A_227] : memref<51200x32xf32, #tpu.memory_space<vmem_shared>> -> memref<51200x32xf32, #tpu.memory_space<vmem_shared>>
        tpu.enqueue_indirect_dma source(%dma_start3A_222 : memref<128x32xf32, #tpu.memory_space<vmem>>) target(%dma_start3A_228 : memref<51200x32xf32, #tpu.memory_space<vmem_shared>>) offsets(%dma_start3A_225 : memref<128xi32, #tpu.memory_space<vmem>>) semaphore(%arg18 : memref<!tpu.dma_semaphore, #tpu.memory_space<semaphore_mem>>) {add = true}
        %dma_start3A_229 = arith.constant 0 : i32
        %dma_start3A_230 = arith.constant 1 : i32
        %dma_start3A_231 = arith.constant 0 : i32
        %dma_start3A_232 = arith.constant 3 : i32
        %dma_start3A_233 = arith.constant 0 : i32
        %dma_start3A_234 = arith.constant 0 : i32
        %dma_start3A_235 = tpu.memref_slice %arg14[%dma_start3A_229, %dma_start3A_230, %dma_start3A_233, %dma_start3A_234] : memref<2x2x128x32xf32, #tpu.memory_space<vmem>> -> memref<1x1x128x32xf32, #tpu.memory_space<vmem>>
        %dma_start3A_236 = tpu.memref_squeeze %dma_start3A_235 : memref<1x1x128x32xf32, #tpu.memory_space<vmem>> -> memref<128x32xf32, #tpu.memory_space<vmem>>
        %dma_start3A_237 = arith.constant 0 : i32
        %dma_start3A_238 = tpu.memref_slice %arg13[%dma_start3A_231, %dma_start3A_232, %dma_start3A_237] : memref<2x4x128xi32, #tpu.memory_space<vmem>> -> memref<1x1x128xi32, #tpu.memory_space<vmem>>
        %dma_start3A_239 = tpu.memref_squeeze %dma_start3A_238 : memref<1x1x128xi32, #tpu.memory_space<vmem>> -> memref<128xi32, #tpu.memory_space<vmem>>
        %dma_start3A_240 = arith.constant 0 : i32
        %dma_start3A_241 = arith.constant 0 : i32
        %dma_start3A_242 = tpu.memref_slice %arg15[%dma_start3A_240, %dma_start3A_241] : memref<51200x32xf32, #tpu.memory_space<vmem_shared>> -> memref<51200x32xf32, #tpu.memory_space<vmem_shared>>
        tpu.enqueue_indirect_dma source(%dma_start3A_236 : memref<128x32xf32, #tpu.memory_space<vmem>>) target(%dma_start3A_242 : memref<51200x32xf32, #tpu.memory_space<vmem_shared>>) offsets(%dma_start3A_239 : memref<128xi32, #tpu.memory_space<vmem>>) semaphore(%arg18 : memref<!tpu.dma_semaphore, #tpu.memory_space<semaphore_mem>>) {add = true}
        %gt3A = arith.constant 0 : i32
        %gt3A_243 = arith.cmpi sgt, %scan3A_181, %gt3A : i32
        %convert_element_type3A_244 = arith.extui %gt3A_243 : i1 to i32
        %cond3A_245 = arith.constant 0 : i32
        %cond3A_246 = arith.cmpi ne, %convert_element_type3A_244, %cond3A_245 : i32
        scf.if %cond3A_246 {
          %dma_wait3A_402 = arith.constant 1 : i32
          %dma_wait3A_403 = arith.constant 0 : i32
          %dma_wait3A_404 = arith.constant 0 : i32
          %dma_wait3A_405 = arith.constant 0 : i32
          %dma_wait3A_406 = tpu.memref_slice %arg14[%dma_wait3A_402, %dma_wait3A_403, %dma_wait3A_404, %dma_wait3A_405] : memref<2x2x128x32xf32, #tpu.memory_space<vmem>> -> memref<1x1x128x32xf32, #tpu.memory_space<vmem>>
          %dma_wait3A_407 = tpu.memref_squeeze %dma_wait3A_406 : memref<1x1x128x32xf32, #tpu.memory_space<vmem>> -> memref<128x32xf32, #tpu.memory_space<vmem>>
          %dma_wait3A_408 = arith.constant 0 : i32
          %dma_wait3A_409 = arith.constant 0 : i32
          %dma_wait3A_410 = tpu.memref_slice %arg2[%dma_wait3A_408, %dma_wait3A_409] : memref<50000x32xf32, #tpu.memory_space<hbm>> -> memref<128x32xf32, #tpu.memory_space<hbm>>
          %dma_wait3A_411 = arith.constant 0 : i32
          %dma_wait3A_412 = arith.constant 0 : i32
          %dma_wait3A_413 = tpu.memref_slice %arg14[%dma_wait3A_402, %dma_wait3A_403, %dma_wait3A_411, %dma_wait3A_412] : memref<2x2x128x32xf32, #tpu.memory_space<vmem>> -> memref<1x1x128x32xf32, #tpu.memory_space<vmem>>
          %dma_wait3A_414 = tpu.memref_squeeze %dma_wait3A_413 : memref<1x1x128x32xf32, #tpu.memory_space<vmem>> -> memref<128x32xf32, #tpu.memory_space<vmem>>
          %dma_wait3A_415 = arith.constant 0 : i32
          %dma_wait3A_416 = arith.constant 0 : i32
          %dma_wait3A_417 = tpu.memref_slice %arg2[%dma_wait3A_415, %dma_wait3A_416] : memref<50000x32xf32, #tpu.memory_space<hbm>> -> memref<128x32xf32, #tpu.memory_space<hbm>>
          tpu.wait_dma2 semaphore(%arg19 : memref<!tpu.dma_semaphore, #tpu.memory_space<semaphore_mem>>) src(%dma_wait3A_417 : memref<128x32xf32, #tpu.memory_space<hbm>>) dst(%dma_wait3A_414 : memref<128x32xf32, #tpu.memory_space<vmem>>)
          %dma_wait3A_418 = arith.constant 1 : i32
          %dma_wait3A_419 = arith.constant 1 : i32
          %dma_wait3A_420 = arith.constant 0 : i32
          %dma_wait3A_421 = arith.constant 0 : i32
          %dma_wait3A_422 = tpu.memref_slice %arg14[%dma_wait3A_418, %dma_wait3A_419, %dma_wait3A_420, %dma_wait3A_421] : memref<2x2x128x32xf32, #tpu.memory_space<vmem>> -> memref<1x1x128x32xf32, #tpu.memory_space<vmem>>
          %dma_wait3A_423 = tpu.memref_squeeze %dma_wait3A_422 : memref<1x1x128x32xf32, #tpu.memory_space<vmem>> -> memref<128x32xf32, #tpu.memory_space<vmem>>
          %dma_wait3A_424 = arith.constant 0 : i32
          %dma_wait3A_425 = arith.constant 0 : i32
          %dma_wait3A_426 = tpu.memref_slice %arg2[%dma_wait3A_424, %dma_wait3A_425] : memref<50000x32xf32, #tpu.memory_space<hbm>> -> memref<128x32xf32, #tpu.memory_space<hbm>>
          %dma_wait3A_427 = arith.constant 0 : i32
          %dma_wait3A_428 = arith.constant 0 : i32
          %dma_wait3A_429 = tpu.memref_slice %arg14[%dma_wait3A_418, %dma_wait3A_419, %dma_wait3A_427, %dma_wait3A_428] : memref<2x2x128x32xf32, #tpu.memory_space<vmem>> -> memref<1x1x128x32xf32, #tpu.memory_space<vmem>>
          %dma_wait3A_430 = tpu.memref_squeeze %dma_wait3A_429 : memref<1x1x128x32xf32, #tpu.memory_space<vmem>> -> memref<128x32xf32, #tpu.memory_space<vmem>>
          %dma_wait3A_431 = arith.constant 0 : i32
          %dma_wait3A_432 = arith.constant 0 : i32
          %dma_wait3A_433 = tpu.memref_slice %arg2[%dma_wait3A_431, %dma_wait3A_432] : memref<50000x32xf32, #tpu.memory_space<hbm>> -> memref<128x32xf32, #tpu.memory_space<hbm>>
          tpu.wait_dma2 semaphore(%arg19 : memref<!tpu.dma_semaphore, #tpu.memory_space<semaphore_mem>>) src(%dma_wait3A_433 : memref<128x32xf32, #tpu.memory_space<hbm>>) dst(%dma_wait3A_430 : memref<128x32xf32, #tpu.memory_space<vmem>>)
          %mul3A_434 = arith.constant 2 : i32
          %mul3A_435 = arith.muli %mul3A_434, %scan3A_181 : i32
          %add3A_436 = arith.constant 1 : i32
          %add3A_437 = arith.addi %mul3A_435, %add3A_436 : i32
          %mul3A_438 = arith.constant 784 : i32
          %mul3A_439 = arith.muli %arg1, %mul3A_438 : i32
          %mul3A_440 = arith.constant 2 : i32
          %mul3A_441 = arith.muli %mul3A_440, %add3A_437 : i32
          %add3A_442 = arith.addi %mul3A_439, %mul3A_441 : i32
          %dma_start3A_443 = arith.constant 1 : i32
          %dma_start3A_444 = arith.constant 0 : i32
          %dma_start3A_445 = arith.constant 0 : i32
          %dma_start3A_446 = tpu.memref_slice %arg13[%dma_start3A_443, %dma_start3A_444, %dma_start3A_445] : memref<2x4x128xi32, #tpu.memory_space<vmem>> -> memref<1x2x128xi32, #tpu.memory_space<vmem>>
          %dma_start3A_447 = tpu.memref_squeeze %dma_start3A_446 : memref<1x2x128xi32, #tpu.memory_space<vmem>> -> memref<2x128xi32, #tpu.memory_space<vmem>>
          %dma_start3A_448 = arith.constant 0 : i32
          %dma_start3A_449 = tpu.memref_slice %arg6[%add3A_442, %dma_start3A_448] : memref<12544x128xi32, #tpu.memory_space<hbm>> -> memref<2x128xi32, #tpu.memory_space<hbm>>
          %dma_start3A_450 = arith.constant 0 : i32
          %dma_start3A_451 = arith.constant 0 : i32
          %dma_start3A_452 = tpu.memref_slice %arg13[%dma_start3A_443, %dma_start3A_450, %dma_start3A_451] : memref<2x4x128xi32, #tpu.memory_space<vmem>> -> memref<1x2x128xi32, #tpu.memory_space<vmem>>
          %dma_start3A_453 = tpu.memref_squeeze %dma_start3A_452 : memref<1x2x128xi32, #tpu.memory_space<vmem>> -> memref<2x128xi32, #tpu.memory_space<vmem>>
          %dma_start3A_454 = arith.constant 0 : i32
          %dma_start3A_455 = tpu.memref_slice %arg6[%add3A_442, %dma_start3A_454] : memref<12544x128xi32, #tpu.memory_space<hbm>> -> memref<2x128xi32, #tpu.memory_space<hbm>>
          tpu.enqueue_dma source(%dma_start3A_455 : memref<2x128xi32, #tpu.memory_space<hbm>>) target(%dma_start3A_453 : memref<2x128xi32, #tpu.memory_space<vmem>>) target_semaphore(%arg16 : memref<!tpu.dma_semaphore, #tpu.memory_space<semaphore_mem>>)
          %dma_start3A_456 = arith.constant 1 : i32
          %dma_start3A_457 = arith.constant 2 : i32
          %dma_start3A_458 = arith.constant 0 : i32
          %dma_start3A_459 = tpu.memref_slice %arg13[%dma_start3A_456, %dma_start3A_457, %dma_start3A_458] : memref<2x4x128xi32, #tpu.memory_space<vmem>> -> memref<1x2x128xi32, #tpu.memory_space<vmem>>
          %dma_start3A_460 = tpu.memref_squeeze %dma_start3A_459 : memref<1x2x128xi32, #tpu.memory_space<vmem>> -> memref<2x128xi32, #tpu.memory_space<vmem>>
          %dma_start3A_461 = arith.constant 0 : i32
          %dma_start3A_462 = tpu.memref_slice %arg7[%add3A_442, %dma_start3A_461] : memref<12544x128xi32, #tpu.memory_space<hbm>> -> memref<2x128xi32, #tpu.memory_space<hbm>>
          %dma_start3A_463 = arith.constant 2 : i32
          %dma_start3A_464 = arith.constant 0 : i32
          %dma_start3A_465 = tpu.memref_slice %arg13[%dma_start3A_456, %dma_start3A_463, %dma_start3A_464] : memref<2x4x128xi32, #tpu.memory_space<vmem>> -> memref<1x2x128xi32, #tpu.memory_space<vmem>>
          %dma_start3A_466 = tpu.memref_squeeze %dma_start3A_465 : memref<1x2x128xi32, #tpu.memory_space<vmem>> -> memref<2x128xi32, #tpu.memory_space<vmem>>
          %dma_start3A_467 = arith.constant 0 : i32
          %dma_start3A_468 = tpu.memref_slice %arg7[%add3A_442, %dma_start3A_467] : memref<12544x128xi32, #tpu.memory_space<hbm>> -> memref<2x128xi32, #tpu.memory_space<hbm>>
          tpu.enqueue_dma source(%dma_start3A_468 : memref<2x128xi32, #tpu.memory_space<hbm>>) target(%dma_start3A_466 : memref<2x128xi32, #tpu.memory_space<vmem>>) target_semaphore(%arg16 : memref<!tpu.dma_semaphore, #tpu.memory_space<semaphore_mem>>)
        } else {
        }
        %dma_wait3A_247 = arith.constant 1 : i32
        %dma_wait3A_248 = arith.constant 0 : i32
        %dma_wait3A_249 = arith.constant 0 : i32
        %dma_wait3A_250 = tpu.memref_slice %arg13[%dma_wait3A_247, %dma_wait3A_248, %dma_wait3A_249] : memref<2x4x128xi32, #tpu.memory_space<vmem>> -> memref<1x2x128xi32, #tpu.memory_space<vmem>>
        %dma_wait3A_251 = tpu.memref_squeeze %dma_wait3A_250 : memref<1x2x128xi32, #tpu.memory_space<vmem>> -> memref<2x128xi32, #tpu.memory_space<vmem>>
        %dma_wait3A_252 = arith.constant 0 : i32
        %dma_wait3A_253 = arith.constant 0 : i32
        %dma_wait3A_254 = tpu.memref_slice %arg6[%dma_wait3A_252, %dma_wait3A_253] : memref<12544x128xi32, #tpu.memory_space<hbm>> -> memref<2x128xi32, #tpu.memory_space<hbm>>
        %dma_wait3A_255 = arith.constant 0 : i32
        %dma_wait3A_256 = arith.constant 0 : i32
        %dma_wait3A_257 = tpu.memref_slice %arg13[%dma_wait3A_247, %dma_wait3A_255, %dma_wait3A_256] : memref<2x4x128xi32, #tpu.memory_space<vmem>> -> memref<1x2x128xi32, #tpu.memory_space<vmem>>
        %dma_wait3A_258 = tpu.memref_squeeze %dma_wait3A_257 : memref<1x2x128xi32, #tpu.memory_space<vmem>> -> memref<2x128xi32, #tpu.memory_space<vmem>>
        %dma_wait3A_259 = arith.constant 0 : i32
        %dma_wait3A_260 = arith.constant 0 : i32
        %dma_wait3A_261 = tpu.memref_slice %arg6[%dma_wait3A_259, %dma_wait3A_260] : memref<12544x128xi32, #tpu.memory_space<hbm>> -> memref<2x128xi32, #tpu.memory_space<hbm>>
        tpu.wait_dma2 semaphore(%arg16 : memref<!tpu.dma_semaphore, #tpu.memory_space<semaphore_mem>>) src(%dma_wait3A_261 : memref<2x128xi32, #tpu.memory_space<hbm>>) dst(%dma_wait3A_258 : memref<2x128xi32, #tpu.memory_space<vmem>>)
        %dma_wait3A_262 = arith.constant 1 : i32
        %dma_wait3A_263 = arith.constant 2 : i32
        %dma_wait3A_264 = arith.constant 0 : i32
        %dma_wait3A_265 = tpu.memref_slice %arg13[%dma_wait3A_262, %dma_wait3A_263, %dma_wait3A_264] : memref<2x4x128xi32, #tpu.memory_space<vmem>> -> memref<1x2x128xi32, #tpu.memory_space<vmem>>
        %dma_wait3A_266 = tpu.memref_squeeze %dma_wait3A_265 : memref<1x2x128xi32, #tpu.memory_space<vmem>> -> memref<2x128xi32, #tpu.memory_space<vmem>>
        %dma_wait3A_267 = arith.constant 0 : i32
        %dma_wait3A_268 = arith.constant 0 : i32
        %dma_wait3A_269 = tpu.memref_slice %arg6[%dma_wait3A_267, %dma_wait3A_268] : memref<12544x128xi32, #tpu.memory_space<hbm>> -> memref<2x128xi32, #tpu.memory_space<hbm>>
        %dma_wait3A_270 = arith.constant 2 : i32
        %dma_wait3A_271 = arith.constant 0 : i32
        %dma_wait3A_272 = tpu.memref_slice %arg13[%dma_wait3A_262, %dma_wait3A_270, %dma_wait3A_271] : memref<2x4x128xi32, #tpu.memory_space<vmem>> -> memref<1x2x128xi32, #tpu.memory_space<vmem>>
        %dma_wait3A_273 = tpu.memref_squeeze %dma_wait3A_272 : memref<1x2x128xi32, #tpu.memory_space<vmem>> -> memref<2x128xi32, #tpu.memory_space<vmem>>
        %dma_wait3A_274 = arith.constant 0 : i32
        %dma_wait3A_275 = arith.constant 0 : i32
        %dma_wait3A_276 = tpu.memref_slice %arg6[%dma_wait3A_274, %dma_wait3A_275] : memref<12544x128xi32, #tpu.memory_space<hbm>> -> memref<2x128xi32, #tpu.memory_space<hbm>>
        tpu.wait_dma2 semaphore(%arg16 : memref<!tpu.dma_semaphore, #tpu.memory_space<semaphore_mem>>) src(%dma_wait3A_276 : memref<2x128xi32, #tpu.memory_space<hbm>>) dst(%dma_wait3A_273 : memref<2x128xi32, #tpu.memory_space<vmem>>)
        %dma_start3A_277 = arith.constant 1 : i32
        %dma_start3A_278 = arith.constant 0 : i32
        %dma_start3A_279 = arith.constant 1 : i32
        %dma_start3A_280 = arith.constant 0 : i32
        %dma_start3A_281 = arith.constant 0 : i32
        %dma_start3A_282 = arith.constant 0 : i32
        %dma_start3A_283 = tpu.memref_slice %arg14[%dma_start3A_279, %dma_start3A_280, %dma_start3A_281, %dma_start3A_282] : memref<2x2x128x32xf32, #tpu.memory_space<vmem>> -> memref<1x1x128x32xf32, #tpu.memory_space<vmem>>
        %dma_start3A_284 = tpu.memref_squeeze %dma_start3A_283 : memref<1x1x128x32xf32, #tpu.memory_space<vmem>> -> memref<128x32xf32, #tpu.memory_space<vmem>>
        %dma_start3A_285 = arith.constant 0 : i32
        %dma_start3A_286 = tpu.memref_slice %arg13[%dma_start3A_277, %dma_start3A_278, %dma_start3A_285] : memref<2x4x128xi32, #tpu.memory_space<vmem>> -> memref<1x1x128xi32, #tpu.memory_space<vmem>>
        %dma_start3A_287 = tpu.memref_squeeze %dma_start3A_286 : memref<1x1x128xi32, #tpu.memory_space<vmem>> -> memref<128xi32, #tpu.memory_space<vmem>>
        %dma_start3A_288 = arith.constant 0 : i32
        %dma_start3A_289 = arith.constant 0 : i32
        %dma_start3A_290 = tpu.memref_slice %arg2[%dma_start3A_288, %dma_start3A_289] : memref<50000x32xf32, #tpu.memory_space<hbm>> -> memref<50000x32xf32, #tpu.memory_space<hbm>>
        tpu.enqueue_indirect_dma source(%dma_start3A_290 : memref<50000x32xf32, #tpu.memory_space<hbm>>) target(%dma_start3A_284 : memref<128x32xf32, #tpu.memory_space<vmem>>) offsets(%dma_start3A_287 : memref<128xi32, #tpu.memory_space<vmem>>) semaphore(%arg17 : memref<!tpu.dma_semaphore, #tpu.memory_space<semaphore_mem>>)
        %dma_start3A_291 = arith.constant 1 : i32
        %dma_start3A_292 = arith.constant 1 : i32
        %dma_start3A_293 = arith.constant 1 : i32
        %dma_start3A_294 = arith.constant 1 : i32
        %dma_start3A_295 = arith.constant 0 : i32
        %dma_start3A_296 = arith.constant 0 : i32
        %dma_start3A_297 = tpu.memref_slice %arg14[%dma_start3A_293, %dma_start3A_294, %dma_start3A_295, %dma_start3A_296] : memref<2x2x128x32xf32, #tpu.memory_space<vmem>> -> memref<1x1x128x32xf32, #tpu.memory_space<vmem>>
        %dma_start3A_298 = tpu.memref_squeeze %dma_start3A_297 : memref<1x1x128x32xf32, #tpu.memory_space<vmem>> -> memref<128x32xf32, #tpu.memory_space<vmem>>
        %dma_start3A_299 = arith.constant 0 : i32
        %dma_start3A_300 = tpu.memref_slice %arg13[%dma_start3A_291, %dma_start3A_292, %dma_start3A_299] : memref<2x4x128xi32, #tpu.memory_space<vmem>> -> memref<1x1x128xi32, #tpu.memory_space<vmem>>
        %dma_start3A_301 = tpu.memref_squeeze %dma_start3A_300 : memref<1x1x128xi32, #tpu.memory_space<vmem>> -> memref<128xi32, #tpu.memory_space<vmem>>
        %dma_start3A_302 = arith.constant 0 : i32
        %dma_start3A_303 = arith.constant 0 : i32
        %dma_start3A_304 = tpu.memref_slice %arg2[%dma_start3A_302, %dma_start3A_303] : memref<50000x32xf32, #tpu.memory_space<hbm>> -> memref<50000x32xf32, #tpu.memory_space<hbm>>
        tpu.enqueue_indirect_dma source(%dma_start3A_304 : memref<50000x32xf32, #tpu.memory_space<hbm>>) target(%dma_start3A_298 : memref<128x32xf32, #tpu.memory_space<vmem>>) offsets(%dma_start3A_301 : memref<128xi32, #tpu.memory_space<vmem>>) semaphore(%arg17 : memref<!tpu.dma_semaphore, #tpu.memory_space<semaphore_mem>>)
        %dma_wait3A_305 = arith.constant 1 : i32
        %dma_wait3A_306 = arith.constant 0 : i32
        %dma_wait3A_307 = arith.constant 0 : i32
        %dma_wait3A_308 = arith.constant 0 : i32
        %dma_wait3A_309 = tpu.memref_slice %arg14[%dma_wait3A_305, %dma_wait3A_306, %dma_wait3A_307, %dma_wait3A_308] : memref<2x2x128x32xf32, #tpu.memory_space<vmem>> -> memref<1x1x128x32xf32, #tpu.memory_space<vmem>>
        %dma_wait3A_310 = tpu.memref_squeeze %dma_wait3A_309 : memref<1x1x128x32xf32, #tpu.memory_space<vmem>> -> memref<128x32xf32, #tpu.memory_space<vmem>>
        %dma_wait3A_311 = arith.constant 0 : i32
        %dma_wait3A_312 = arith.constant 0 : i32
        %dma_wait3A_313 = tpu.memref_slice %arg2[%dma_wait3A_311, %dma_wait3A_312] : memref<50000x32xf32, #tpu.memory_space<hbm>> -> memref<128x32xf32, #tpu.memory_space<hbm>>
        %dma_wait3A_314 = arith.constant 0 : i32
        %dma_wait3A_315 = arith.constant 0 : i32
        %dma_wait3A_316 = tpu.memref_slice %arg14[%dma_wait3A_305, %dma_wait3A_306, %dma_wait3A_314, %dma_wait3A_315] : memref<2x2x128x32xf32, #tpu.memory_space<vmem>> -> memref<1x1x128x32xf32, #tpu.memory_space<vmem>>
        %dma_wait3A_317 = tpu.memref_squeeze %dma_wait3A_316 : memref<1x1x128x32xf32, #tpu.memory_space<vmem>> -> memref<128x32xf32, #tpu.memory_space<vmem>>
        %dma_wait3A_318 = arith.constant 0 : i32
        %dma_wait3A_319 = arith.constant 0 : i32
        %dma_wait3A_320 = tpu.memref_slice %arg2[%dma_wait3A_318, %dma_wait3A_319] : memref<50000x32xf32, #tpu.memory_space<hbm>> -> memref<128x32xf32, #tpu.memory_space<hbm>>
        tpu.wait_dma2 semaphore(%arg17 : memref<!tpu.dma_semaphore, #tpu.memory_space<semaphore_mem>>) src(%dma_wait3A_320 : memref<128x32xf32, #tpu.memory_space<hbm>>) dst(%dma_wait3A_317 : memref<128x32xf32, #tpu.memory_space<vmem>>)
        %dma_wait3A_321 = arith.constant 1 : i32
        %dma_wait3A_322 = arith.constant 1 : i32
        %dma_wait3A_323 = arith.constant 0 : i32
        %dma_wait3A_324 = arith.constant 0 : i32
        %dma_wait3A_325 = tpu.memref_slice %arg14[%dma_wait3A_321, %dma_wait3A_322, %dma_wait3A_323, %dma_wait3A_324] : memref<2x2x128x32xf32, #tpu.memory_space<vmem>> -> memref<1x1x128x32xf32, #tpu.memory_space<vmem>>
        %dma_wait3A_326 = tpu.memref_squeeze %dma_wait3A_325 : memref<1x1x128x32xf32, #tpu.memory_space<vmem>> -> memref<128x32xf32, #tpu.memory_space<vmem>>
        %dma_wait3A_327 = arith.constant 0 : i32
        %dma_wait3A_328 = arith.constant 0 : i32
        %dma_wait3A_329 = tpu.memref_slice %arg2[%dma_wait3A_327, %dma_wait3A_328] : memref<50000x32xf32, #tpu.memory_space<hbm>> -> memref<128x32xf32, #tpu.memory_space<hbm>>
        %dma_wait3A_330 = arith.constant 0 : i32
        %dma_wait3A_331 = arith.constant 0 : i32
        %dma_wait3A_332 = tpu.memref_slice %arg14[%dma_wait3A_321, %dma_wait3A_322, %dma_wait3A_330, %dma_wait3A_331] : memref<2x2x128x32xf32, #tpu.memory_space<vmem>> -> memref<1x1x128x32xf32, #tpu.memory_space<vmem>>
        %dma_wait3A_333 = tpu.memref_squeeze %dma_wait3A_332 : memref<1x1x128x32xf32, #tpu.memory_space<vmem>> -> memref<128x32xf32, #tpu.memory_space<vmem>>
        %dma_wait3A_334 = arith.constant 0 : i32
        %dma_wait3A_335 = arith.constant 0 : i32
        %dma_wait3A_336 = tpu.memref_slice %arg2[%dma_wait3A_334, %dma_wait3A_335] : memref<50000x32xf32, #tpu.memory_space<hbm>> -> memref<128x32xf32, #tpu.memory_space<hbm>>
        tpu.wait_dma2 semaphore(%arg17 : memref<!tpu.dma_semaphore, #tpu.memory_space<semaphore_mem>>) src(%dma_wait3A_336 : memref<128x32xf32, #tpu.memory_space<hbm>>) dst(%dma_wait3A_333 : memref<128x32xf32, #tpu.memory_space<vmem>>)
        %dma_start3A_337 = arith.constant 1 : i32
        %dma_start3A_338 = arith.constant 0 : i32
        %dma_start3A_339 = arith.constant 1 : i32
        %dma_start3A_340 = arith.constant 2 : i32
        %dma_start3A_341 = arith.constant 0 : i32
        %dma_start3A_342 = arith.constant 0 : i32
        %dma_start3A_343 = tpu.memref_slice %arg14[%dma_start3A_337, %dma_start3A_338, %dma_start3A_341, %dma_start3A_342] : memref<2x2x128x32xf32, #tpu.memory_space<vmem>> -> memref<1x1x128x32xf32, #tpu.memory_space<vmem>>
        %dma_start3A_344 = tpu.memref_squeeze %dma_start3A_343 : memref<1x1x128x32xf32, #tpu.memory_space<vmem>> -> memref<128x32xf32, #tpu.memory_space<vmem>>
        %dma_start3A_345 = arith.constant 0 : i32
        %dma_start3A_346 = tpu.memref_slice %arg13[%dma_start3A_339, %dma_start3A_340, %dma_start3A_345] : memref<2x4x128xi32, #tpu.memory_space<vmem>> -> memref<1x1x128xi32, #tpu.memory_space<vmem>>
        %dma_start3A_347 = tpu.memref_squeeze %dma_start3A_346 : memref<1x1x128xi32, #tpu.memory_space<vmem>> -> memref<128xi32, #tpu.memory_space<vmem>>
        %dma_start3A_348 = arith.constant 0 : i32
        %dma_start3A_349 = arith.constant 0 : i32
        %dma_start3A_350 = tpu.memref_slice %arg15[%dma_start3A_348, %dma_start3A_349] : memref<51200x32xf32, #tpu.memory_space<vmem_shared>> -> memref<51200x32xf32, #tpu.memory_space<vmem_shared>>
        tpu.enqueue_indirect_dma source(%dma_start3A_344 : memref<128x32xf32, #tpu.memory_space<vmem>>) target(%dma_start3A_350 : memref<51200x32xf32, #tpu.memory_space<vmem_shared>>) offsets(%dma_start3A_347 : memref<128xi32, #tpu.memory_space<vmem>>) semaphore(%arg19 : memref<!tpu.dma_semaphore, #tpu.memory_space<semaphore_mem>>) {add = true}
        %dma_start3A_351 = arith.constant 1 : i32
        %dma_start3A_352 = arith.constant 1 : i32
        %dma_start3A_353 = arith.constant 1 : i32
        %dma_start3A_354 = arith.constant 3 : i32
        %dma_start3A_355 = arith.constant 0 : i32
        %dma_start3A_356 = arith.constant 0 : i32
        %dma_start3A_357 = tpu.memref_slice %arg14[%dma_start3A_351, %dma_start3A_352, %dma_start3A_355, %dma_start3A_356] : memref<2x2x128x32xf32, #tpu.memory_space<vmem>> -> memref<1x1x128x32xf32, #tpu.memory_space<vmem>>
        %dma_start3A_358 = tpu.memref_squeeze %dma_start3A_357 : memref<1x1x128x32xf32, #tpu.memory_space<vmem>> -> memref<128x32xf32, #tpu.memory_space<vmem>>
        %dma_start3A_359 = arith.constant 0 : i32
        %dma_start3A_360 = tpu.memref_slice %arg13[%dma_start3A_353, %dma_start3A_354, %dma_start3A_359] : memref<2x4x128xi32, #tpu.memory_space<vmem>> -> memref<1x1x128xi32, #tpu.memory_space<vmem>>
        %dma_start3A_361 = tpu.memref_squeeze %dma_start3A_360 : memref<1x1x128xi32, #tpu.memory_space<vmem>> -> memref<128xi32, #tpu.memory_space<vmem>>
        %dma_start3A_362 = arith.constant 0 : i32
        %dma_start3A_363 = arith.constant 0 : i32
        %dma_start3A_364 = tpu.memref_slice %arg15[%dma_start3A_362, %dma_start3A_363] : memref<51200x32xf32, #tpu.memory_space<vmem_shared>> -> memref<51200x32xf32, #tpu.memory_space<vmem_shared>>
        tpu.enqueue_indirect_dma source(%dma_start3A_358 : memref<128x32xf32, #tpu.memory_space<vmem>>) target(%dma_start3A_364 : memref<51200x32xf32, #tpu.memory_space<vmem_shared>>) offsets(%dma_start3A_361 : memref<128xi32, #tpu.memory_space<vmem>>) semaphore(%arg19 : memref<!tpu.dma_semaphore, #tpu.memory_space<semaphore_mem>>) {add = true}
        %dma_wait3A_365 = arith.constant 0 : i32
        %dma_wait3A_366 = arith.constant 0 : i32
        %dma_wait3A_367 = arith.constant 0 : i32
        %dma_wait3A_368 = arith.constant 0 : i32
        %dma_wait3A_369 = tpu.memref_slice %arg14[%dma_wait3A_365, %dma_wait3A_366, %dma_wait3A_367, %dma_wait3A_368] : memref<2x2x128x32xf32, #tpu.memory_space<vmem>> -> memref<1x1x128x32xf32, #tpu.memory_space<vmem>>
        %dma_wait3A_370 = tpu.memref_squeeze %dma_wait3A_369 : memref<1x1x128x32xf32, #tpu.memory_space<vmem>> -> memref<128x32xf32, #tpu.memory_space<vmem>>
        %dma_wait3A_371 = arith.constant 0 : i32
        %dma_wait3A_372 = arith.constant 0 : i32
        %dma_wait3A_373 = tpu.memref_slice %arg2[%dma_wait3A_371, %dma_wait3A_372] : memref<50000x32xf32, #tpu.memory_space<hbm>> -> memref<128x32xf32, #tpu.memory_space<hbm>>
        %dma_wait3A_374 = arith.constant 0 : i32
        %dma_wait3A_375 = arith.constant 0 : i32
        %dma_wait3A_376 = tpu.memref_slice %arg14[%dma_wait3A_365, %dma_wait3A_366, %dma_wait3A_374, %dma_wait3A_375] : memref<2x2x128x32xf32, #tpu.memory_space<vmem>> -> memref<1x1x128x32xf32, #tpu.memory_space<vmem>>
        %dma_wait3A_377 = tpu.memref_squeeze %dma_wait3A_376 : memref<1x1x128x32xf32, #tpu.memory_space<vmem>> -> memref<128x32xf32, #tpu.memory_space<vmem>>
        %dma_wait3A_378 = arith.constant 0 : i32
        %dma_wait3A_379 = arith.constant 0 : i32
        %dma_wait3A_380 = tpu.memref_slice %arg2[%dma_wait3A_378, %dma_wait3A_379] : memref<50000x32xf32, #tpu.memory_space<hbm>> -> memref<128x32xf32, #tpu.memory_space<hbm>>
        tpu.wait_dma2 semaphore(%arg18 : memref<!tpu.dma_semaphore, #tpu.memory_space<semaphore_mem>>) src(%dma_wait3A_380 : memref<128x32xf32, #tpu.memory_space<hbm>>) dst(%dma_wait3A_377 : memref<128x32xf32, #tpu.memory_space<vmem>>)
        %dma_wait3A_381 = arith.constant 0 : i32
        %dma_wait3A_382 = arith.constant 1 : i32
        %dma_wait3A_383 = arith.constant 0 : i32
        %dma_wait3A_384 = arith.constant 0 : i32
        %dma_wait3A_385 = tpu.memref_slice %arg14[%dma_wait3A_381, %dma_wait3A_382, %dma_wait3A_383, %dma_wait3A_384] : memref<2x2x128x32xf32, #tpu.memory_space<vmem>> -> memref<1x1x128x32xf32, #tpu.memory_space<vmem>>
        %dma_wait3A_386 = tpu.memref_squeeze %dma_wait3A_385 : memref<1x1x128x32xf32, #tpu.memory_space<vmem>> -> memref<128x32xf32, #tpu.memory_space<vmem>>
        %dma_wait3A_387 = arith.constant 0 : i32
        %dma_wait3A_388 = arith.constant 0 : i32
        %dma_wait3A_389 = tpu.memref_slice %arg2[%dma_wait3A_387, %dma_wait3A_388] : memref<50000x32xf32, #tpu.memory_space<hbm>> -> memref<128x32xf32, #tpu.memory_space<hbm>>
        %dma_wait3A_390 = arith.constant 0 : i32
        %dma_wait3A_391 = arith.constant 0 : i32
        %dma_wait3A_392 = tpu.memref_slice %arg14[%dma_wait3A_381, %dma_wait3A_382, %dma_wait3A_390, %dma_wait3A_391] : memref<2x2x128x32xf32, #tpu.memory_space<vmem>> -> memref<1x1x128x32xf32, #tpu.memory_space<vmem>>
        %dma_wait3A_393 = tpu.memref_squeeze %dma_wait3A_392 : memref<1x1x128x32xf32, #tpu.memory_space<vmem>> -> memref<128x32xf32, #tpu.memory_space<vmem>>
        %dma_wait3A_394 = arith.constant 0 : i32
        %dma_wait3A_395 = arith.constant 0 : i32
        %dma_wait3A_396 = tpu.memref_slice %arg2[%dma_wait3A_394, %dma_wait3A_395] : memref<50000x32xf32, #tpu.memory_space<hbm>> -> memref<128x32xf32, #tpu.memory_space<hbm>>
        tpu.wait_dma2 semaphore(%arg18 : memref<!tpu.dma_semaphore, #tpu.memory_space<semaphore_mem>>) src(%dma_wait3A_396 : memref<128x32xf32, #tpu.memory_space<hbm>>) dst(%dma_wait3A_393 : memref<128x32xf32, #tpu.memory_space<vmem>>)
        %lt3A = arith.constant 195 : i32
        %lt3A_397 = arith.cmpi slt, %scan3A_181, %lt3A : i32
        %convert_element_type3A_398 = arith.extui %lt3A_397 : i1 to i32
        %cond3A_399 = arith.constant 0 : i32
        %cond3A_400 = arith.cmpi ne, %convert_element_type3A_398, %cond3A_399 : i32
        scf.if %cond3A_400 {
          %mul3A_402 = arith.constant 2 : i32
          %mul3A_403 = arith.muli %mul3A_402, %scan3A_181 : i32
          %add3A_404 = arith.constant 2 : i32
          %add3A_405 = arith.addi %mul3A_403, %add3A_404 : i32
          %mul3A_406 = arith.constant 784 : i32
          %mul3A_407 = arith.muli %arg1, %mul3A_406 : i32
          %mul3A_408 = arith.constant 2 : i32
          %mul3A_409 = arith.muli %mul3A_408, %add3A_405 : i32
          %add3A_410 = arith.addi %mul3A_407, %mul3A_409 : i32
          %dma_start3A_411 = arith.constant 0 : i32
          %dma_start3A_412 = arith.constant 0 : i32
          %dma_start3A_413 = arith.constant 0 : i32
          %dma_start3A_414 = tpu.memref_slice %arg13[%dma_start3A_411, %dma_start3A_412, %dma_start3A_413] : memref<2x4x128xi32, #tpu.memory_space<vmem>> -> memref<1x2x128xi32, #tpu.memory_space<vmem>>
          %dma_start3A_415 = tpu.memref_squeeze %dma_start3A_414 : memref<1x2x128xi32, #tpu.memory_space<vmem>> -> memref<2x128xi32, #tpu.memory_space<vmem>>
          %dma_start3A_416 = arith.constant 0 : i32
          %dma_start3A_417 = tpu.memref_slice %arg6[%add3A_410, %dma_start3A_416] : memref<12544x128xi32, #tpu.memory_space<hbm>> -> memref<2x128xi32, #tpu.memory_space<hbm>>
          %dma_start3A_418 = arith.constant 0 : i32
          %dma_start3A_419 = arith.constant 0 : i32
          %dma_start3A_420 = tpu.memref_slice %arg13[%dma_start3A_411, %dma_start3A_418, %dma_start3A_419] : memref<2x4x128xi32, #tpu.memory_space<vmem>> -> memref<1x2x128xi32, #tpu.memory_space<vmem>>
          %dma_start3A_421 = tpu.memref_squeeze %dma_start3A_420 : memref<1x2x128xi32, #tpu.memory_space<vmem>> -> memref<2x128xi32, #tpu.memory_space<vmem>>
          %dma_start3A_422 = arith.constant 0 : i32
          %dma_start3A_423 = tpu.memref_slice %arg6[%add3A_410, %dma_start3A_422] : memref<12544x128xi32, #tpu.memory_space<hbm>> -> memref<2x128xi32, #tpu.memory_space<hbm>>
          tpu.enqueue_dma source(%dma_start3A_423 : memref<2x128xi32, #tpu.memory_space<hbm>>) target(%dma_start3A_421 : memref<2x128xi32, #tpu.memory_space<vmem>>) target_semaphore(%arg16 : memref<!tpu.dma_semaphore, #tpu.memory_space<semaphore_mem>>)
          %dma_start3A_424 = arith.constant 0 : i32
          %dma_start3A_425 = arith.constant 2 : i32
          %dma_start3A_426 = arith.constant 0 : i32
          %dma_start3A_427 = tpu.memref_slice %arg13[%dma_start3A_424, %dma_start3A_425, %dma_start3A_426] : memref<2x4x128xi32, #tpu.memory_space<vmem>> -> memref<1x2x128xi32, #tpu.memory_space<vmem>>
          %dma_start3A_428 = tpu.memref_squeeze %dma_start3A_427 : memref<1x2x128xi32, #tpu.memory_space<vmem>> -> memref<2x128xi32, #tpu.memory_space<vmem>>
          %dma_start3A_429 = arith.constant 0 : i32
          %dma_start3A_430 = tpu.memref_slice %arg7[%add3A_410, %dma_start3A_429] : memref<12544x128xi32, #tpu.memory_space<hbm>> -> memref<2x128xi32, #tpu.memory_space<hbm>>
          %dma_start3A_431 = arith.constant 2 : i32
          %dma_start3A_432 = arith.constant 0 : i32
          %dma_start3A_433 = tpu.memref_slice %arg13[%dma_start3A_424, %dma_start3A_431, %dma_start3A_432] : memref<2x4x128xi32, #tpu.memory_space<vmem>> -> memref<1x2x128xi32, #tpu.memory_space<vmem>>
          %dma_start3A_434 = tpu.memref_squeeze %dma_start3A_433 : memref<1x2x128xi32, #tpu.memory_space<vmem>> -> memref<2x128xi32, #tpu.memory_space<vmem>>
          %dma_start3A_435 = arith.constant 0 : i32
          %dma_start3A_436 = tpu.memref_slice %arg7[%add3A_410, %dma_start3A_435] : memref<12544x128xi32, #tpu.memory_space<hbm>> -> memref<2x128xi32, #tpu.memory_space<hbm>>
          tpu.enqueue_dma source(%dma_start3A_436 : memref<2x128xi32, #tpu.memory_space<hbm>>) target(%dma_start3A_434 : memref<2x128xi32, #tpu.memory_space<vmem>>) target_semaphore(%arg16 : memref<!tpu.dma_semaphore, #tpu.memory_space<semaphore_mem>>)
          %dma_wait3A_437 = arith.constant 0 : i32
          %dma_wait3A_438 = arith.constant 0 : i32
          %dma_wait3A_439 = arith.constant 0 : i32
          %dma_wait3A_440 = tpu.memref_slice %arg13[%dma_wait3A_437, %dma_wait3A_438, %dma_wait3A_439] : memref<2x4x128xi32, #tpu.memory_space<vmem>> -> memref<1x2x128xi32, #tpu.memory_space<vmem>>
          %dma_wait3A_441 = tpu.memref_squeeze %dma_wait3A_440 : memref<1x2x128xi32, #tpu.memory_space<vmem>> -> memref<2x128xi32, #tpu.memory_space<vmem>>
          %dma_wait3A_442 = arith.constant 0 : i32
          %dma_wait3A_443 = arith.constant 0 : i32
          %dma_wait3A_444 = tpu.memref_slice %arg6[%dma_wait3A_442, %dma_wait3A_443] : memref<12544x128xi32, #tpu.memory_space<hbm>> -> memref<2x128xi32, #tpu.memory_space<hbm>>
          %dma_wait3A_445 = arith.constant 0 : i32
          %dma_wait3A_446 = arith.constant 0 : i32
          %dma_wait3A_447 = tpu.memref_slice %arg13[%dma_wait3A_437, %dma_wait3A_445, %dma_wait3A_446] : memref<2x4x128xi32, #tpu.memory_space<vmem>> -> memref<1x2x128xi32, #tpu.memory_space<vmem>>
          %dma_wait3A_448 = tpu.memref_squeeze %dma_wait3A_447 : memref<1x2x128xi32, #tpu.memory_space<vmem>> -> memref<2x128xi32, #tpu.memory_space<vmem>>
          %dma_wait3A_449 = arith.constant 0 : i32
          %dma_wait3A_450 = arith.constant 0 : i32
          %dma_wait3A_451 = tpu.memref_slice %arg6[%dma_wait3A_449, %dma_wait3A_450] : memref<12544x128xi32, #tpu.memory_space<hbm>> -> memref<2x128xi32, #tpu.memory_space<hbm>>
          tpu.wait_dma2 semaphore(%arg16 : memref<!tpu.dma_semaphore, #tpu.memory_space<semaphore_mem>>) src(%dma_wait3A_451 : memref<2x128xi32, #tpu.memory_space<hbm>>) dst(%dma_wait3A_448 : memref<2x128xi32, #tpu.memory_space<vmem>>)
          %dma_wait3A_452 = arith.constant 0 : i32
          %dma_wait3A_453 = arith.constant 2 : i32
          %dma_wait3A_454 = arith.constant 0 : i32
          %dma_wait3A_455 = tpu.memref_slice %arg13[%dma_wait3A_452, %dma_wait3A_453, %dma_wait3A_454] : memref<2x4x128xi32, #tpu.memory_space<vmem>> -> memref<1x2x128xi32, #tpu.memory_space<vmem>>
          %dma_wait3A_456 = tpu.memref_squeeze %dma_wait3A_455 : memref<1x2x128xi32, #tpu.memory_space<vmem>> -> memref<2x128xi32, #tpu.memory_space<vmem>>
          %dma_wait3A_457 = arith.constant 0 : i32
          %dma_wait3A_458 = arith.constant 0 : i32
          %dma_wait3A_459 = tpu.memref_slice %arg6[%dma_wait3A_457, %dma_wait3A_458] : memref<12544x128xi32, #tpu.memory_space<hbm>> -> memref<2x128xi32, #tpu.memory_space<hbm>>
          %dma_wait3A_460 = arith.constant 2 : i32
          %dma_wait3A_461 = arith.constant 0 : i32
          %dma_wait3A_462 = tpu.memref_slice %arg13[%dma_wait3A_452, %dma_wait3A_460, %dma_wait3A_461] : memref<2x4x128xi32, #tpu.memory_space<vmem>> -> memref<1x2x128xi32, #tpu.memory_space<vmem>>
          %dma_wait3A_463 = tpu.memref_squeeze %dma_wait3A_462 : memref<1x2x128xi32, #tpu.memory_space<vmem>> -> memref<2x128xi32, #tpu.memory_space<vmem>>
          %dma_wait3A_464 = arith.constant 0 : i32
          %dma_wait3A_465 = arith.constant 0 : i32
          %dma_wait3A_466 = tpu.memref_slice %arg6[%dma_wait3A_464, %dma_wait3A_465] : memref<12544x128xi32, #tpu.memory_space<hbm>> -> memref<2x128xi32, #tpu.memory_space<hbm>>
          tpu.wait_dma2 semaphore(%arg16 : memref<!tpu.dma_semaphore, #tpu.memory_space<semaphore_mem>>) src(%dma_wait3A_466 : memref<2x128xi32, #tpu.memory_space<hbm>>) dst(%dma_wait3A_463 : memref<2x128xi32, #tpu.memory_space<vmem>>)
          %dma_start3A_467 = arith.constant 0 : i32
          %dma_start3A_468 = arith.constant 0 : i32
          %dma_start3A_469 = arith.constant 0 : i32
          %dma_start3A_470 = arith.constant 0 : i32
          %dma_start3A_471 = arith.constant 0 : i32
          %dma_start3A_472 = arith.constant 0 : i32
          %dma_start3A_473 = tpu.memref_slice %arg14[%dma_start3A_469, %dma_start3A_470, %dma_start3A_471, %dma_start3A_472] : memref<2x2x128x32xf32, #tpu.memory_space<vmem>> -> memref<1x1x128x32xf32, #tpu.memory_space<vmem>>
          %dma_start3A_474 = tpu.memref_squeeze %dma_start3A_473 : memref<1x1x128x32xf32, #tpu.memory_space<vmem>> -> memref<128x32xf32, #tpu.memory_space<vmem>>
          %dma_start3A_475 = arith.constant 0 : i32
          %dma_start3A_476 = tpu.memref_slice %arg13[%dma_start3A_467, %dma_start3A_468, %dma_start3A_475] : memref<2x4x128xi32, #tpu.memory_space<vmem>> -> memref<1x1x128xi32, #tpu.memory_space<vmem>>
          %dma_start3A_477 = tpu.memref_squeeze %dma_start3A_476 : memref<1x1x128xi32, #tpu.memory_space<vmem>> -> memref<128xi32, #tpu.memory_space<vmem>>
          %dma_start3A_478 = arith.constant 0 : i32
          %dma_start3A_479 = arith.constant 0 : i32
          %dma_start3A_480 = tpu.memref_slice %arg2[%dma_start3A_478, %dma_start3A_479] : memref<50000x32xf32, #tpu.memory_space<hbm>> -> memref<50000x32xf32, #tpu.memory_space<hbm>>
          tpu.enqueue_indirect_dma source(%dma_start3A_480 : memref<50000x32xf32, #tpu.memory_space<hbm>>) target(%dma_start3A_474 : memref<128x32xf32, #tpu.memory_space<vmem>>) offsets(%dma_start3A_477 : memref<128xi32, #tpu.memory_space<vmem>>) semaphore(%arg17 : memref<!tpu.dma_semaphore, #tpu.memory_space<semaphore_mem>>)
          %dma_start3A_481 = arith.constant 0 : i32
          %dma_start3A_482 = arith.constant 1 : i32
          %dma_start3A_483 = arith.constant 0 : i32
          %dma_start3A_484 = arith.constant 1 : i32
          %dma_start3A_485 = arith.constant 0 : i32
          %dma_start3A_486 = arith.constant 0 : i32
          %dma_start3A_487 = tpu.memref_slice %arg14[%dma_start3A_483, %dma_start3A_484, %dma_start3A_485, %dma_start3A_486] : memref<2x2x128x32xf32, #tpu.memory_space<vmem>> -> memref<1x1x128x32xf32, #tpu.memory_space<vmem>>
          %dma_start3A_488 = tpu.memref_squeeze %dma_start3A_487 : memref<1x1x128x32xf32, #tpu.memory_space<vmem>> -> memref<128x32xf32, #tpu.memory_space<vmem>>
          %dma_start3A_489 = arith.constant 0 : i32
          %dma_start3A_490 = tpu.memref_slice %arg13[%dma_start3A_481, %dma_start3A_482, %dma_start3A_489] : memref<2x4x128xi32, #tpu.memory_space<vmem>> -> memref<1x1x128xi32, #tpu.memory_space<vmem>>
          %dma_start3A_491 = tpu.memref_squeeze %dma_start3A_490 : memref<1x1x128xi32, #tpu.memory_space<vmem>> -> memref<128xi32, #tpu.memory_space<vmem>>
          %dma_start3A_492 = arith.constant 0 : i32
          %dma_start3A_493 = arith.constant 0 : i32
          %dma_start3A_494 = tpu.memref_slice %arg2[%dma_start3A_492, %dma_start3A_493] : memref<50000x32xf32, #tpu.memory_space<hbm>> -> memref<50000x32xf32, #tpu.memory_space<hbm>>
          tpu.enqueue_indirect_dma source(%dma_start3A_494 : memref<50000x32xf32, #tpu.memory_space<hbm>>) target(%dma_start3A_488 : memref<128x32xf32, #tpu.memory_space<vmem>>) offsets(%dma_start3A_491 : memref<128xi32, #tpu.memory_space<vmem>>) semaphore(%arg17 : memref<!tpu.dma_semaphore, #tpu.memory_space<semaphore_mem>>)
        } else {
        }
        %scan3A_401 = arith.constant 0 : i32
        scf.yield %scan3A_401 : i32
      }
      %scan3A_143 = arith.constant 196 : i32
      %dma_wait3A_144 = arith.constant 1 : i32
      %dma_wait3A_145 = arith.constant 0 : i32
      %dma_wait3A_146 = arith.constant 0 : i32
      %dma_wait3A_147 = arith.constant 0 : i32
      %dma_wait3A_148 = tpu.memref_slice %arg14[%dma_wait3A_144, %dma_wait3A_145, %dma_wait3A_146, %dma_wait3A_147] : memref<2x2x128x32xf32, #tpu.memory_space<vmem>> -> memref<1x1x128x32xf32, #tpu.memory_space<vmem>>
      %dma_wait3A_149 = tpu.memref_squeeze %dma_wait3A_148 : memref<1x1x128x32xf32, #tpu.memory_space<vmem>> -> memref<128x32xf32, #tpu.memory_space<vmem>>
      %dma_wait3A_150 = arith.constant 0 : i32
      %dma_wait3A_151 = arith.constant 0 : i32
      %dma_wait3A_152 = tpu.memref_slice %arg2[%dma_wait3A_150, %dma_wait3A_151] : memref<50000x32xf32, #tpu.memory_space<hbm>> -> memref<128x32xf32, #tpu.memory_space<hbm>>
      %dma_wait3A_153 = arith.constant 0 : i32
      %dma_wait3A_154 = arith.constant 0 : i32
      %dma_wait3A_155 = tpu.memref_slice %arg14[%dma_wait3A_144, %dma_wait3A_145, %dma_wait3A_153, %dma_wait3A_154] : memref<2x2x128x32xf32, #tpu.memory_space<vmem>> -> memref<1x1x128x32xf32, #tpu.memory_space<vmem>>
      %dma_wait3A_156 = tpu.memref_squeeze %dma_wait3A_155 : memref<1x1x128x32xf32, #tpu.memory_space<vmem>> -> memref<128x32xf32, #tpu.memory_space<vmem>>
      %dma_wait3A_157 = arith.constant 0 : i32
      %dma_wait3A_158 = arith.constant 0 : i32
      %dma_wait3A_159 = tpu.memref_slice %arg2[%dma_wait3A_157, %dma_wait3A_158] : memref<50000x32xf32, #tpu.memory_space<hbm>> -> memref<128x32xf32, #tpu.memory_space<hbm>>
      tpu.wait_dma2 semaphore(%arg19 : memref<!tpu.dma_semaphore, #tpu.memory_space<semaphore_mem>>) src(%dma_wait3A_159 : memref<128x32xf32, #tpu.memory_space<hbm>>) dst(%dma_wait3A_156 : memref<128x32xf32, #tpu.memory_space<vmem>>)
      %dma_wait3A_160 = arith.constant 1 : i32
      %dma_wait3A_161 = arith.constant 1 : i32
      %dma_wait3A_162 = arith.constant 0 : i32
      %dma_wait3A_163 = arith.constant 0 : i32
      %dma_wait3A_164 = tpu.memref_slice %arg14[%dma_wait3A_160, %dma_wait3A_161, %dma_wait3A_162, %dma_wait3A_163] : memref<2x2x128x32xf32, #tpu.memory_space<vmem>> -> memref<1x1x128x32xf32, #tpu.memory_space<vmem>>
      %dma_wait3A_165 = tpu.memref_squeeze %dma_wait3A_164 : memref<1x1x128x32xf32, #tpu.memory_space<vmem>> -> memref<128x32xf32, #tpu.memory_space<vmem>>
      %dma_wait3A_166 = arith.constant 0 : i32
      %dma_wait3A_167 = arith.constant 0 : i32
      %dma_wait3A_168 = tpu.memref_slice %arg2[%dma_wait3A_166, %dma_wait3A_167] : memref<50000x32xf32, #tpu.memory_space<hbm>> -> memref<128x32xf32, #tpu.memory_space<hbm>>
      %dma_wait3A_169 = arith.constant 0 : i32
      %dma_wait3A_170 = arith.constant 0 : i32
      %dma_wait3A_171 = tpu.memref_slice %arg14[%dma_wait3A_160, %dma_wait3A_161, %dma_wait3A_169, %dma_wait3A_170] : memref<2x2x128x32xf32, #tpu.memory_space<vmem>> -> memref<1x1x128x32xf32, #tpu.memory_space<vmem>>
      %dma_wait3A_172 = tpu.memref_squeeze %dma_wait3A_171 : memref<1x1x128x32xf32, #tpu.memory_space<vmem>> -> memref<128x32xf32, #tpu.memory_space<vmem>>
      %dma_wait3A_173 = arith.constant 0 : i32
      %dma_wait3A_174 = arith.constant 0 : i32
      %dma_wait3A_175 = tpu.memref_slice %arg2[%dma_wait3A_173, %dma_wait3A_174] : memref<50000x32xf32, #tpu.memory_space<hbm>> -> memref<128x32xf32, #tpu.memory_space<hbm>>
      tpu.wait_dma2 semaphore(%arg19 : memref<!tpu.dma_semaphore, #tpu.memory_space<semaphore_mem>>) src(%dma_wait3A_175 : memref<128x32xf32, #tpu.memory_space<hbm>>) dst(%dma_wait3A_172 : memref<128x32xf32, #tpu.memory_space<vmem>>)
      %barrier3A_176 = arith.constant 0 : index
      tpu.barrier barrier_id(%barrier3A_176)
      %mul3A_177 = arith.constant 3125 : i32
      %mul3A_178 = arith.muli %arg1, %mul3A_177 : i32
      %mul3A_179 = arith.constant 3125 : i32
      %mul3A_180 = arith.muli %arg1, %mul3A_179 : i32
      "tpu.region"() ({
        %run_scoped3A = tpu.sem_alloc : memref<!tpu.dma_semaphore, #tpu.memory_space<semaphore_mem>>
        %dma_start3A_181 = arith.constant 0 : i32
        %dma_start3A_182 = tpu.memref_slice %arg9[%mul3A_180, %dma_start3A_181] : memref<50000x32xf32, #tpu.memory_space<hbm>> -> memref<3125x32xf32, #tpu.memory_space<hbm>>
        %dma_start3A_183 = arith.constant 0 : i32
        %dma_start3A_184 = tpu.memref_slice %arg15[%mul3A_178, %dma_start3A_183] : memref<51200x32xf32, #tpu.memory_space<vmem_shared>> -> memref<3125x32xf32, #tpu.memory_space<vmem_shared>>
        tpu.enqueue_dma source(%dma_start3A_184 : memref<3125x32xf32, #tpu.memory_space<vmem_shared>>) target(%dma_start3A_182 : memref<3125x32xf32, #tpu.memory_space<hbm>>) target_semaphore(%run_scoped3A : memref<!tpu.dma_semaphore, #tpu.memory_space<semaphore_mem>>)
        %dma_wait3A_185 = arith.constant 0 : i32
        %dma_wait3A_186 = tpu.memref_slice %arg9[%mul3A_180, %dma_wait3A_185] : memref<50000x32xf32, #tpu.memory_space<hbm>> -> memref<3125x32xf32, #tpu.memory_space<hbm>>
        %dma_wait3A_187 = arith.constant 0 : i32
        %dma_wait3A_188 = tpu.memref_slice %arg15[%mul3A_178, %dma_wait3A_187] : memref<51200x32xf32, #tpu.memory_space<vmem_shared>> -> memref<3125x32xf32, #tpu.memory_space<vmem_shared>>
        tpu.wait_dma2 semaphore(%run_scoped3A : memref<!tpu.dma_semaphore, #tpu.memory_space<semaphore_mem>>) src(%dma_wait3A_188 : memref<3125x32xf32, #tpu.memory_space<vmem_shared>>) dst(%dma_wait3A_186 : memref<3125x32xf32, #tpu.memory_space<hbm>>)
        tpu.yield
      }) : () -> ()
    } else {
    }
    %eq3A_3 = arith.constant 1 : i32
    %eq3A_4 = arith.cmpi eq, %arg0, %eq3A_3 : i32
    %convert_element_type3A_5 = arith.extui %eq3A_4 : i1 to i32
    %cond3A_6 = arith.constant 0 : i32
    %cond3A_7 = arith.cmpi ne, %convert_element_type3A_5, %cond3A_6 : i32
    scf.if %cond3A_7 {
      %mul3A_23 = arith.constant 784 : i32
      %mul3A_24 = arith.muli %arg1, %mul3A_23 : i32
      %add3A = arith.constant 0 : i32
      %add3A_25 = arith.addi %mul3A_24, %add3A : i32
      %dma_start3A = arith.constant 0 : i32
      %dma_start3A_26 = arith.constant 0 : i32
      %dma_start3A_27 = arith.constant 0 : i32
      %dma_start3A_28 = tpu.memref_slice %arg13[%dma_start3A, %dma_start3A_26, %dma_start3A_27] : memref<2x4x128xi32, #tpu.memory_space<vmem>> -> memref<1x2x128xi32, #tpu.memory_space<vmem>>
      %dma_start3A_29 = tpu.memref_squeeze %dma_start3A_28 : memref<1x2x128xi32, #tpu.memory_space<vmem>> -> memref<2x128xi32, #tpu.memory_space<vmem>>
      %dma_start3A_30 = arith.constant 0 : i32
      %dma_start3A_31 = tpu.memref_slice %arg6[%add3A_25, %dma_start3A_30] : memref<12544x128xi32, #tpu.memory_space<hbm>> -> memref<2x128xi32, #tpu.memory_space<hbm>>
      %dma_start3A_32 = arith.constant 0 : i32
      %dma_start3A_33 = arith.constant 0 : i32
      %dma_start3A_34 = tpu.memref_slice %arg13[%dma_start3A, %dma_start3A_32, %dma_start3A_33] : memref<2x4x128xi32, #tpu.memory_space<vmem>> -> memref<1x2x128xi32, #tpu.memory_space<vmem>>
      %dma_start3A_35 = tpu.memref_squeeze %dma_start3A_34 : memref<1x2x128xi32, #tpu.memory_space<vmem>> -> memref<2x128xi32, #tpu.memory_space<vmem>>
      %dma_start3A_36 = arith.constant 0 : i32
      %dma_start3A_37 = tpu.memref_slice %arg6[%add3A_25, %dma_start3A_36] : memref<12544x128xi32, #tpu.memory_space<hbm>> -> memref<2x128xi32, #tpu.memory_space<hbm>>
      tpu.enqueue_dma source(%dma_start3A_37 : memref<2x128xi32, #tpu.memory_space<hbm>>) target(%dma_start3A_35 : memref<2x128xi32, #tpu.memory_space<vmem>>) target_semaphore(%arg16 : memref<!tpu.dma_semaphore, #tpu.memory_space<semaphore_mem>>)
      %dma_start3A_38 = arith.constant 0 : i32
      %dma_start3A_39 = arith.constant 2 : i32
      %dma_start3A_40 = arith.constant 0 : i32
      %dma_start3A_41 = tpu.memref_slice %arg13[%dma_start3A_38, %dma_start3A_39, %dma_start3A_40] : memref<2x4x128xi32, #tpu.memory_space<vmem>> -> memref<1x2x128xi32, #tpu.memory_space<vmem>>
      %dma_start3A_42 = tpu.memref_squeeze %dma_start3A_41 : memref<1x2x128xi32, #tpu.memory_space<vmem>> -> memref<2x128xi32, #tpu.memory_space<vmem>>
      %dma_start3A_43 = arith.constant 0 : i32
      %dma_start3A_44 = tpu.memref_slice %arg7[%add3A_25, %dma_start3A_43] : memref<12544x128xi32, #tpu.memory_space<hbm>> -> memref<2x128xi32, #tpu.memory_space<hbm>>
      %dma_start3A_45 = arith.constant 2 : i32
      %dma_start3A_46 = arith.constant 0 : i32
      %dma_start3A_47 = tpu.memref_slice %arg13[%dma_start3A_38, %dma_start3A_45, %dma_start3A_46] : memref<2x4x128xi32, #tpu.memory_space<vmem>> -> memref<1x2x128xi32, #tpu.memory_space<vmem>>
      %dma_start3A_48 = tpu.memref_squeeze %dma_start3A_47 : memref<1x2x128xi32, #tpu.memory_space<vmem>> -> memref<2x128xi32, #tpu.memory_space<vmem>>
      %dma_start3A_49 = arith.constant 0 : i32
      %dma_start3A_50 = tpu.memref_slice %arg7[%add3A_25, %dma_start3A_49] : memref<12544x128xi32, #tpu.memory_space<hbm>> -> memref<2x128xi32, #tpu.memory_space<hbm>>
      tpu.enqueue_dma source(%dma_start3A_50 : memref<2x128xi32, #tpu.memory_space<hbm>>) target(%dma_start3A_48 : memref<2x128xi32, #tpu.memory_space<vmem>>) target_semaphore(%arg16 : memref<!tpu.dma_semaphore, #tpu.memory_space<semaphore_mem>>)
      %dma_wait3A = arith.constant 0 : i32
      %dma_wait3A_51 = arith.constant 0 : i32
      %dma_wait3A_52 = arith.constant 0 : i32
      %dma_wait3A_53 = tpu.memref_slice %arg13[%dma_wait3A, %dma_wait3A_51, %dma_wait3A_52] : memref<2x4x128xi32, #tpu.memory_space<vmem>> -> memref<1x2x128xi32, #tpu.memory_space<vmem>>
      %dma_wait3A_54 = tpu.memref_squeeze %dma_wait3A_53 : memref<1x2x128xi32, #tpu.memory_space<vmem>> -> memref<2x128xi32, #tpu.memory_space<vmem>>
      %dma_wait3A_55 = arith.constant 0 : i32
      %dma_wait3A_56 = arith.constant 0 : i32
      %dma_wait3A_57 = tpu.memref_slice %arg6[%dma_wait3A_55, %dma_wait3A_56] : memref<12544x128xi32, #tpu.memory_space<hbm>> -> memref<2x128xi32, #tpu.memory_space<hbm>>
      %dma_wait3A_58 = arith.constant 0 : i32
      %dma_wait3A_59 = arith.constant 0 : i32
      %dma_wait3A_60 = tpu.memref_slice %arg13[%dma_wait3A, %dma_wait3A_58, %dma_wait3A_59] : memref<2x4x128xi32, #tpu.memory_space<vmem>> -> memref<1x2x128xi32, #tpu.memory_space<vmem>>
      %dma_wait3A_61 = tpu.memref_squeeze %dma_wait3A_60 : memref<1x2x128xi32, #tpu.memory_space<vmem>> -> memref<2x128xi32, #tpu.memory_space<vmem>>
      %dma_wait3A_62 = arith.constant 0 : i32
      %dma_wait3A_63 = arith.constant 0 : i32
      %dma_wait3A_64 = tpu.memref_slice %arg6[%dma_wait3A_62, %dma_wait3A_63] : memref<12544x128xi32, #tpu.memory_space<hbm>> -> memref<2x128xi32, #tpu.memory_space<hbm>>
      tpu.wait_dma2 semaphore(%arg16 : memref<!tpu.dma_semaphore, #tpu.memory_space<semaphore_mem>>) src(%dma_wait3A_64 : memref<2x128xi32, #tpu.memory_space<hbm>>) dst(%dma_wait3A_61 : memref<2x128xi32, #tpu.memory_space<vmem>>)
      %dma_wait3A_65 = arith.constant 0 : i32
      %dma_wait3A_66 = arith.constant 2 : i32
      %dma_wait3A_67 = arith.constant 0 : i32
      %dma_wait3A_68 = tpu.memref_slice %arg13[%dma_wait3A_65, %dma_wait3A_66, %dma_wait3A_67] : memref<2x4x128xi32, #tpu.memory_space<vmem>> -> memref<1x2x128xi32, #tpu.memory_space<vmem>>
      %dma_wait3A_69 = tpu.memref_squeeze %dma_wait3A_68 : memref<1x2x128xi32, #tpu.memory_space<vmem>> -> memref<2x128xi32, #tpu.memory_space<vmem>>
      %dma_wait3A_70 = arith.constant 0 : i32
      %dma_wait3A_71 = arith.constant 0 : i32
      %dma_wait3A_72 = tpu.memref_slice %arg6[%dma_wait3A_70, %dma_wait3A_71] : memref<12544x128xi32, #tpu.memory_space<hbm>> -> memref<2x128xi32, #tpu.memory_space<hbm>>
      %dma_wait3A_73 = arith.constant 2 : i32
      %dma_wait3A_74 = arith.constant 0 : i32
      %dma_wait3A_75 = tpu.memref_slice %arg13[%dma_wait3A_65, %dma_wait3A_73, %dma_wait3A_74] : memref<2x4x128xi32, #tpu.memory_space<vmem>> -> memref<1x2x128xi32, #tpu.memory_space<vmem>>
      %dma_wait3A_76 = tpu.memref_squeeze %dma_wait3A_75 : memref<1x2x128xi32, #tpu.memory_space<vmem>> -> memref<2x128xi32, #tpu.memory_space<vmem>>
      %dma_wait3A_77 = arith.constant 0 : i32
      %dma_wait3A_78 = arith.constant 0 : i32
      %dma_wait3A_79 = tpu.memref_slice %arg6[%dma_wait3A_77, %dma_wait3A_78] : memref<12544x128xi32, #tpu.memory_space<hbm>> -> memref<2x128xi32, #tpu.memory_space<hbm>>
      tpu.wait_dma2 semaphore(%arg16 : memref<!tpu.dma_semaphore, #tpu.memory_space<semaphore_mem>>) src(%dma_wait3A_79 : memref<2x128xi32, #tpu.memory_space<hbm>>) dst(%dma_wait3A_76 : memref<2x128xi32, #tpu.memory_space<vmem>>)
      %dma_start3A_80 = arith.constant 0 : i32
      %dma_start3A_81 = arith.constant 0 : i32
      %dma_start3A_82 = arith.constant 0 : i32
      %dma_start3A_83 = arith.constant 0 : i32
      %dma_start3A_84 = arith.constant 0 : i32
      %dma_start3A_85 = arith.constant 0 : i32
      %dma_start3A_86 = tpu.memref_slice %arg14[%dma_start3A_82, %dma_start3A_83, %dma_start3A_84, %dma_start3A_85] : memref<2x2x128x32xf32, #tpu.memory_space<vmem>> -> memref<1x1x128x32xf32, #tpu.memory_space<vmem>>
      %dma_start3A_87 = tpu.memref_squeeze %dma_start3A_86 : memref<1x1x128x32xf32, #tpu.memory_space<vmem>> -> memref<128x32xf32, #tpu.memory_space<vmem>>
      %dma_start3A_88 = arith.constant 0 : i32
      %dma_start3A_89 = tpu.memref_slice %arg13[%dma_start3A_80, %dma_start3A_81, %dma_start3A_88] : memref<2x4x128xi32, #tpu.memory_space<vmem>> -> memref<1x1x128xi32, #tpu.memory_space<vmem>>
      %dma_start3A_90 = tpu.memref_squeeze %dma_start3A_89 : memref<1x1x128xi32, #tpu.memory_space<vmem>> -> memref<128xi32, #tpu.memory_space<vmem>>
      %dma_start3A_91 = arith.constant 0 : i32
      %dma_start3A_92 = arith.constant 0 : i32
      %dma_start3A_93 = tpu.memref_slice %arg4[%dma_start3A_91, %dma_start3A_92] : memref<50000x32xf32, #tpu.memory_space<hbm>> -> memref<50000x32xf32, #tpu.memory_space<hbm>>
      tpu.enqueue_indirect_dma source(%dma_start3A_93 : memref<50000x32xf32, #tpu.memory_space<hbm>>) target(%dma_start3A_87 : memref<128x32xf32, #tpu.memory_space<vmem>>) offsets(%dma_start3A_90 : memref<128xi32, #tpu.memory_space<vmem>>) semaphore(%arg17 : memref<!tpu.dma_semaphore, #tpu.memory_space<semaphore_mem>>)
      %dma_start3A_94 = arith.constant 0 : i32
      %dma_start3A_95 = arith.constant 1 : i32
      %dma_start3A_96 = arith.constant 0 : i32
      %dma_start3A_97 = arith.constant 1 : i32
      %dma_start3A_98 = arith.constant 0 : i32
      %dma_start3A_99 = arith.constant 0 : i32
      %dma_start3A_100 = tpu.memref_slice %arg14[%dma_start3A_96, %dma_start3A_97, %dma_start3A_98, %dma_start3A_99] : memref<2x2x128x32xf32, #tpu.memory_space<vmem>> -> memref<1x1x128x32xf32, #tpu.memory_space<vmem>>
      %dma_start3A_101 = tpu.memref_squeeze %dma_start3A_100 : memref<1x1x128x32xf32, #tpu.memory_space<vmem>> -> memref<128x32xf32, #tpu.memory_space<vmem>>
      %dma_start3A_102 = arith.constant 0 : i32
      %dma_start3A_103 = tpu.memref_slice %arg13[%dma_start3A_94, %dma_start3A_95, %dma_start3A_102] : memref<2x4x128xi32, #tpu.memory_space<vmem>> -> memref<1x1x128xi32, #tpu.memory_space<vmem>>
      %dma_start3A_104 = tpu.memref_squeeze %dma_start3A_103 : memref<1x1x128xi32, #tpu.memory_space<vmem>> -> memref<128xi32, #tpu.memory_space<vmem>>
      %dma_start3A_105 = arith.constant 0 : i32
      %dma_start3A_106 = arith.constant 0 : i32
      %dma_start3A_107 = tpu.memref_slice %arg4[%dma_start3A_105, %dma_start3A_106] : memref<50000x32xf32, #tpu.memory_space<hbm>> -> memref<50000x32xf32, #tpu.memory_space<hbm>>
      tpu.enqueue_indirect_dma source(%dma_start3A_107 : memref<50000x32xf32, #tpu.memory_space<hbm>>) target(%dma_start3A_101 : memref<128x32xf32, #tpu.memory_space<vmem>>) offsets(%dma_start3A_104 : memref<128xi32, #tpu.memory_space<vmem>>) semaphore(%arg17 : memref<!tpu.dma_semaphore, #tpu.memory_space<semaphore_mem>>)
      %mul3A_108 = arith.constant 784 : i32
      %mul3A_109 = arith.muli %arg1, %mul3A_108 : i32
      %add3A_110 = arith.constant 2 : i32
      %add3A_111 = arith.addi %mul3A_109, %add3A_110 : i32
      %dma_start3A_112 = arith.constant 1 : i32
      %dma_start3A_113 = arith.constant 0 : i32
      %dma_start3A_114 = arith.constant 0 : i32
      %dma_start3A_115 = tpu.memref_slice %arg13[%dma_start3A_112, %dma_start3A_113, %dma_start3A_114] : memref<2x4x128xi32, #tpu.memory_space<vmem>> -> memref<1x2x128xi32, #tpu.memory_space<vmem>>
      %dma_start3A_116 = tpu.memref_squeeze %dma_start3A_115 : memref<1x2x128xi32, #tpu.memory_space<vmem>> -> memref<2x128xi32, #tpu.memory_space<vmem>>
      %dma_start3A_117 = arith.constant 0 : i32
      %dma_start3A_118 = tpu.memref_slice %arg6[%add3A_111, %dma_start3A_117] : memref<12544x128xi32, #tpu.memory_space<hbm>> -> memref<2x128xi32, #tpu.memory_space<hbm>>
      %dma_start3A_119 = arith.constant 0 : i32
      %dma_start3A_120 = arith.constant 0 : i32
      %dma_start3A_121 = tpu.memref_slice %arg13[%dma_start3A_112, %dma_start3A_119, %dma_start3A_120] : memref<2x4x128xi32, #tpu.memory_space<vmem>> -> memref<1x2x128xi32, #tpu.memory_space<vmem>>
      %dma_start3A_122 = tpu.memref_squeeze %dma_start3A_121 : memref<1x2x128xi32, #tpu.memory_space<vmem>> -> memref<2x128xi32, #tpu.memory_space<vmem>>
      %dma_start3A_123 = arith.constant 0 : i32
      %dma_start3A_124 = tpu.memref_slice %arg6[%add3A_111, %dma_start3A_123] : memref<12544x128xi32, #tpu.memory_space<hbm>> -> memref<2x128xi32, #tpu.memory_space<hbm>>
      tpu.enqueue_dma source(%dma_start3A_124 : memref<2x128xi32, #tpu.memory_space<hbm>>) target(%dma_start3A_122 : memref<2x128xi32, #tpu.memory_space<vmem>>) target_semaphore(%arg16 : memref<!tpu.dma_semaphore, #tpu.memory_space<semaphore_mem>>)
      %dma_start3A_125 = arith.constant 1 : i32
      %dma_start3A_126 = arith.constant 2 : i32
      %dma_start3A_127 = arith.constant 0 : i32
      %dma_start3A_128 = tpu.memref_slice %arg13[%dma_start3A_125, %dma_start3A_126, %dma_start3A_127] : memref<2x4x128xi32, #tpu.memory_space<vmem>> -> memref<1x2x128xi32, #tpu.memory_space<vmem>>
      %dma_start3A_129 = tpu.memref_squeeze %dma_start3A_128 : memref<1x2x128xi32, #tpu.memory_space<vmem>> -> memref<2x128xi32, #tpu.memory_space<vmem>>
      %dma_start3A_130 = arith.constant 0 : i32
      %dma_start3A_131 = tpu.memref_slice %arg7[%add3A_111, %dma_start3A_130] : memref<12544x128xi32, #tpu.memory_space<hbm>> -> memref<2x128xi32, #tpu.memory_space<hbm>>
      %dma_start3A_132 = arith.constant 2 : i32
      %dma_start3A_133 = arith.constant 0 : i32
      %dma_start3A_134 = tpu.memref_slice %arg13[%dma_start3A_125, %dma_start3A_132, %dma_start3A_133] : memref<2x4x128xi32, #tpu.memory_space<vmem>> -> memref<1x2x128xi32, #tpu.memory_space<vmem>>
      %dma_start3A_135 = tpu.memref_squeeze %dma_start3A_134 : memref<1x2x128xi32, #tpu.memory_space<vmem>> -> memref<2x128xi32, #tpu.memory_space<vmem>>
      %dma_start3A_136 = arith.constant 0 : i32
      %dma_start3A_137 = tpu.memref_slice %arg7[%add3A_111, %dma_start3A_136] : memref<12544x128xi32, #tpu.memory_space<hbm>> -> memref<2x128xi32, #tpu.memory_space<hbm>>
      tpu.enqueue_dma source(%dma_start3A_137 : memref<2x128xi32, #tpu.memory_space<hbm>>) target(%dma_start3A_135 : memref<2x128xi32, #tpu.memory_space<vmem>>) target_semaphore(%arg16 : memref<!tpu.dma_semaphore, #tpu.memory_space<semaphore_mem>>)
      %scan3A = arith.constant 0 : i32
      %scan3A_138 = arith.constant 0 : i32
      %scan3A_139 = arith.constant 196 : i32
      %scan3A_140 = arith.addi %scan3A_138, %scan3A_139 : i32
      %scan3A_141 = arith.constant 1 : i32
      %scan3A_142 = scf.for %scan3A_181 = %scan3A_138 to %scan3A_140 step %scan3A_141 iter_args(%scan3A_182 = %scan3A) -> (i32)  : i32 {
        %dma_wait3A_183 = arith.constant 0 : i32
        %dma_wait3A_184 = arith.constant 0 : i32
        %dma_wait3A_185 = arith.constant 0 : i32
        %dma_wait3A_186 = arith.constant 0 : i32
        %dma_wait3A_187 = tpu.memref_slice %arg14[%dma_wait3A_183, %dma_wait3A_184, %dma_wait3A_185, %dma_wait3A_186] : memref<2x2x128x32xf32, #tpu.memory_space<vmem>> -> memref<1x1x128x32xf32, #tpu.memory_space<vmem>>
        %dma_wait3A_188 = tpu.memref_squeeze %dma_wait3A_187 : memref<1x1x128x32xf32, #tpu.memory_space<vmem>> -> memref<128x32xf32, #tpu.memory_space<vmem>>
        %dma_wait3A_189 = arith.constant 0 : i32
        %dma_wait3A_190 = arith.constant 0 : i32
        %dma_wait3A_191 = tpu.memref_slice %arg4[%dma_wait3A_189, %dma_wait3A_190] : memref<50000x32xf32, #tpu.memory_space<hbm>> -> memref<128x32xf32, #tpu.memory_space<hbm>>
        %dma_wait3A_192 = arith.constant 0 : i32
        %dma_wait3A_193 = arith.constant 0 : i32
        %dma_wait3A_194 = tpu.memref_slice %arg14[%dma_wait3A_183, %dma_wait3A_184, %dma_wait3A_192, %dma_wait3A_193] : memref<2x2x128x32xf32, #tpu.memory_space<vmem>> -> memref<1x1x128x32xf32, #tpu.memory_space<vmem>>
        %dma_wait3A_195 = tpu.memref_squeeze %dma_wait3A_194 : memref<1x1x128x32xf32, #tpu.memory_space<vmem>> -> memref<128x32xf32, #tpu.memory_space<vmem>>
        %dma_wait3A_196 = arith.constant 0 : i32
        %dma_wait3A_197 = arith.constant 0 : i32
        %dma_wait3A_198 = tpu.memref_slice %arg4[%dma_wait3A_196, %dma_wait3A_197] : memref<50000x32xf32, #tpu.memory_space<hbm>> -> memref<128x32xf32, #tpu.memory_space<hbm>>
        tpu.wait_dma2 semaphore(%arg17 : memref<!tpu.dma_semaphore, #tpu.memory_space<semaphore_mem>>) src(%dma_wait3A_198 : memref<128x32xf32, #tpu.memory_space<hbm>>) dst(%dma_wait3A_195 : memref<128x32xf32, #tpu.memory_space<vmem>>)
        %dma_wait3A_199 = arith.constant 0 : i32
        %dma_wait3A_200 = arith.constant 1 : i32
        %dma_wait3A_201 = arith.constant 0 : i32
        %dma_wait3A_202 = arith.constant 0 : i32
        %dma_wait3A_203 = tpu.memref_slice %arg14[%dma_wait3A_199, %dma_wait3A_200, %dma_wait3A_201, %dma_wait3A_202] : memref<2x2x128x32xf32, #tpu.memory_space<vmem>> -> memref<1x1x128x32xf32, #tpu.memory_space<vmem>>
        %dma_wait3A_204 = tpu.memref_squeeze %dma_wait3A_203 : memref<1x1x128x32xf32, #tpu.memory_space<vmem>> -> memref<128x32xf32, #tpu.memory_space<vmem>>
        %dma_wait3A_205 = arith.constant 0 : i32
        %dma_wait3A_206 = arith.constant 0 : i32
        %dma_wait3A_207 = tpu.memref_slice %arg4[%dma_wait3A_205, %dma_wait3A_206] : memref<50000x32xf32, #tpu.memory_space<hbm>> -> memref<128x32xf32, #tpu.memory_space<hbm>>
        %dma_wait3A_208 = arith.constant 0 : i32
        %dma_wait3A_209 = arith.constant 0 : i32
        %dma_wait3A_210 = tpu.memref_slice %arg14[%dma_wait3A_199, %dma_wait3A_200, %dma_wait3A_208, %dma_wait3A_209] : memref<2x2x128x32xf32, #tpu.memory_space<vmem>> -> memref<1x1x128x32xf32, #tpu.memory_space<vmem>>
        %dma_wait3A_211 = tpu.memref_squeeze %dma_wait3A_210 : memref<1x1x128x32xf32, #tpu.memory_space<vmem>> -> memref<128x32xf32, #tpu.memory_space<vmem>>
        %dma_wait3A_212 = arith.constant 0 : i32
        %dma_wait3A_213 = arith.constant 0 : i32
        %dma_wait3A_214 = tpu.memref_slice %arg4[%dma_wait3A_212, %dma_wait3A_213] : memref<50000x32xf32, #tpu.memory_space<hbm>> -> memref<128x32xf32, #tpu.memory_space<hbm>>
        tpu.wait_dma2 semaphore(%arg17 : memref<!tpu.dma_semaphore, #tpu.memory_space<semaphore_mem>>) src(%dma_wait3A_214 : memref<128x32xf32, #tpu.memory_space<hbm>>) dst(%dma_wait3A_211 : memref<128x32xf32, #tpu.memory_space<vmem>>)
        %dma_start3A_215 = arith.constant 0 : i32
        %dma_start3A_216 = arith.constant 0 : i32
        %dma_start3A_217 = arith.constant 0 : i32
        %dma_start3A_218 = arith.constant 2 : i32
        %dma_start3A_219 = arith.constant 0 : i32
        %dma_start3A_220 = arith.constant 0 : i32
        %dma_start3A_221 = tpu.memref_slice %arg14[%dma_start3A_215, %dma_start3A_216, %dma_start3A_219, %dma_start3A_220] : memref<2x2x128x32xf32, #tpu.memory_space<vmem>> -> memref<1x1x128x32xf32, #tpu.memory_space<vmem>>
        %dma_start3A_222 = tpu.memref_squeeze %dma_start3A_221 : memref<1x1x128x32xf32, #tpu.memory_space<vmem>> -> memref<128x32xf32, #tpu.memory_space<vmem>>
        %dma_start3A_223 = arith.constant 0 : i32
        %dma_start3A_224 = tpu.memref_slice %arg13[%dma_start3A_217, %dma_start3A_218, %dma_start3A_223] : memref<2x4x128xi32, #tpu.memory_space<vmem>> -> memref<1x1x128xi32, #tpu.memory_space<vmem>>
        %dma_start3A_225 = tpu.memref_squeeze %dma_start3A_224 : memref<1x1x128xi32, #tpu.memory_space<vmem>> -> memref<128xi32, #tpu.memory_space<vmem>>
        %dma_start3A_226 = arith.constant 0 : i32
        %dma_start3A_227 = arith.constant 0 : i32
        %dma_start3A_228 = tpu.memref_slice %arg15[%dma_start3A_226, %dma_start3A_227] : memref<51200x32xf32, #tpu.memory_space<vmem_shared>> -> memref<51200x32xf32, #tpu.memory_space<vmem_shared>>
        tpu.enqueue_indirect_dma source(%dma_start3A_222 : memref<128x32xf32, #tpu.memory_space<vmem>>) target(%dma_start3A_228 : memref<51200x32xf32, #tpu.memory_space<vmem_shared>>) offsets(%dma_start3A_225 : memref<128xi32, #tpu.memory_space<vmem>>) semaphore(%arg18 : memref<!tpu.dma_semaphore, #tpu.memory_space<semaphore_mem>>) {add = true}
        %dma_start3A_229 = arith.constant 0 : i32
        %dma_start3A_230 = arith.constant 1 : i32
        %dma_start3A_231 = arith.constant 0 : i32
        %dma_start3A_232 = arith.constant 3 : i32
        %dma_start3A_233 = arith.constant 0 : i32
        %dma_start3A_234 = arith.constant 0 : i32
        %dma_start3A_235 = tpu.memref_slice %arg14[%dma_start3A_229, %dma_start3A_230, %dma_start3A_233, %dma_start3A_234] : memref<2x2x128x32xf32, #tpu.memory_space<vmem>> -> memref<1x1x128x32xf32, #tpu.memory_space<vmem>>
        %dma_start3A_236 = tpu.memref_squeeze %dma_start3A_235 : memref<1x1x128x32xf32, #tpu.memory_space<vmem>> -> memref<128x32xf32, #tpu.memory_space<vmem>>
        %dma_start3A_237 = arith.constant 0 : i32
        %dma_start3A_238 = tpu.memref_slice %arg13[%dma_start3A_231, %dma_start3A_232, %dma_start3A_237] : memref<2x4x128xi32, #tpu.memory_space<vmem>> -> memref<1x1x128xi32, #tpu.memory_space<vmem>>
        %dma_start3A_239 = tpu.memref_squeeze %dma_start3A_238 : memref<1x1x128xi32, #tpu.memory_space<vmem>> -> memref<128xi32, #tpu.memory_space<vmem>>
        %dma_start3A_240 = arith.constant 0 : i32
        %dma_start3A_241 = arith.constant 0 : i32
        %dma_start3A_242 = tpu.memref_slice %arg15[%dma_start3A_240, %dma_start3A_241] : memref<51200x32xf32, #tpu.memory_space<vmem_shared>> -> memref<51200x32xf32, #tpu.memory_space<vmem_shared>>
        tpu.enqueue_indirect_dma source(%dma_start3A_236 : memref<128x32xf32, #tpu.memory_space<vmem>>) target(%dma_start3A_242 : memref<51200x32xf32, #tpu.memory_space<vmem_shared>>) offsets(%dma_start3A_239 : memref<128xi32, #tpu.memory_space<vmem>>) semaphore(%arg18 : memref<!tpu.dma_semaphore, #tpu.memory_space<semaphore_mem>>) {add = true}
        %gt3A = arith.constant 0 : i32
        %gt3A_243 = arith.cmpi sgt, %scan3A_181, %gt3A : i32
        %convert_element_type3A_244 = arith.extui %gt3A_243 : i1 to i32
        %cond3A_245 = arith.constant 0 : i32
        %cond3A_246 = arith.cmpi ne, %convert_element_type3A_244, %cond3A_245 : i32
        scf.if %cond3A_246 {
          %dma_wait3A_402 = arith.constant 1 : i32
          %dma_wait3A_403 = arith.constant 0 : i32
          %dma_wait3A_404 = arith.constant 0 : i32
          %dma_wait3A_405 = arith.constant 0 : i32
          %dma_wait3A_406 = tpu.memref_slice %arg14[%dma_wait3A_402, %dma_wait3A_403, %dma_wait3A_404, %dma_wait3A_405] : memref<2x2x128x32xf32, #tpu.memory_space<vmem>> -> memref<1x1x128x32xf32, #tpu.memory_space<vmem>>
          %dma_wait3A_407 = tpu.memref_squeeze %dma_wait3A_406 : memref<1x1x128x32xf32, #tpu.memory_space<vmem>> -> memref<128x32xf32, #tpu.memory_space<vmem>>
          %dma_wait3A_408 = arith.constant 0 : i32
          %dma_wait3A_409 = arith.constant 0 : i32
          %dma_wait3A_410 = tpu.memref_slice %arg4[%dma_wait3A_408, %dma_wait3A_409] : memref<50000x32xf32, #tpu.memory_space<hbm>> -> memref<128x32xf32, #tpu.memory_space<hbm>>
          %dma_wait3A_411 = arith.constant 0 : i32
          %dma_wait3A_412 = arith.constant 0 : i32
          %dma_wait3A_413 = tpu.memref_slice %arg14[%dma_wait3A_402, %dma_wait3A_403, %dma_wait3A_411, %dma_wait3A_412] : memref<2x2x128x32xf32, #tpu.memory_space<vmem>> -> memref<1x1x128x32xf32, #tpu.memory_space<vmem>>
          %dma_wait3A_414 = tpu.memref_squeeze %dma_wait3A_413 : memref<1x1x128x32xf32, #tpu.memory_space<vmem>> -> memref<128x32xf32, #tpu.memory_space<vmem>>
          %dma_wait3A_415 = arith.constant 0 : i32
          %dma_wait3A_416 = arith.constant 0 : i32
          %dma_wait3A_417 = tpu.memref_slice %arg4[%dma_wait3A_415, %dma_wait3A_416] : memref<50000x32xf32, #tpu.memory_space<hbm>> -> memref<128x32xf32, #tpu.memory_space<hbm>>
          tpu.wait_dma2 semaphore(%arg19 : memref<!tpu.dma_semaphore, #tpu.memory_space<semaphore_mem>>) src(%dma_wait3A_417 : memref<128x32xf32, #tpu.memory_space<hbm>>) dst(%dma_wait3A_414 : memref<128x32xf32, #tpu.memory_space<vmem>>)
          %dma_wait3A_418 = arith.constant 1 : i32
          %dma_wait3A_419 = arith.constant 1 : i32
          %dma_wait3A_420 = arith.constant 0 : i32
          %dma_wait3A_421 = arith.constant 0 : i32
          %dma_wait3A_422 = tpu.memref_slice %arg14[%dma_wait3A_418, %dma_wait3A_419, %dma_wait3A_420, %dma_wait3A_421] : memref<2x2x128x32xf32, #tpu.memory_space<vmem>> -> memref<1x1x128x32xf32, #tpu.memory_space<vmem>>
          %dma_wait3A_423 = tpu.memref_squeeze %dma_wait3A_422 : memref<1x1x128x32xf32, #tpu.memory_space<vmem>> -> memref<128x32xf32, #tpu.memory_space<vmem>>
          %dma_wait3A_424 = arith.constant 0 : i32
          %dma_wait3A_425 = arith.constant 0 : i32
          %dma_wait3A_426 = tpu.memref_slice %arg4[%dma_wait3A_424, %dma_wait3A_425] : memref<50000x32xf32, #tpu.memory_space<hbm>> -> memref<128x32xf32, #tpu.memory_space<hbm>>
          %dma_wait3A_427 = arith.constant 0 : i32
          %dma_wait3A_428 = arith.constant 0 : i32
          %dma_wait3A_429 = tpu.memref_slice %arg14[%dma_wait3A_418, %dma_wait3A_419, %dma_wait3A_427, %dma_wait3A_428] : memref<2x2x128x32xf32, #tpu.memory_space<vmem>> -> memref<1x1x128x32xf32, #tpu.memory_space<vmem>>
          %dma_wait3A_430 = tpu.memref_squeeze %dma_wait3A_429 : memref<1x1x128x32xf32, #tpu.memory_space<vmem>> -> memref<128x32xf32, #tpu.memory_space<vmem>>
          %dma_wait3A_431 = arith.constant 0 : i32
          %dma_wait3A_432 = arith.constant 0 : i32
          %dma_wait3A_433 = tpu.memref_slice %arg4[%dma_wait3A_431, %dma_wait3A_432] : memref<50000x32xf32, #tpu.memory_space<hbm>> -> memref<128x32xf32, #tpu.memory_space<hbm>>
          tpu.wait_dma2 semaphore(%arg19 : memref<!tpu.dma_semaphore, #tpu.memory_space<semaphore_mem>>) src(%dma_wait3A_433 : memref<128x32xf32, #tpu.memory_space<hbm>>) dst(%dma_wait3A_430 : memref<128x32xf32, #tpu.memory_space<vmem>>)
          %mul3A_434 = arith.constant 2 : i32
          %mul3A_435 = arith.muli %mul3A_434, %scan3A_181 : i32
          %add3A_436 = arith.constant 1 : i32
          %add3A_437 = arith.addi %mul3A_435, %add3A_436 : i32
          %mul3A_438 = arith.constant 784 : i32
          %mul3A_439 = arith.muli %arg1, %mul3A_438 : i32
          %mul3A_440 = arith.constant 2 : i32
          %mul3A_441 = arith.muli %mul3A_440, %add3A_437 : i32
          %add3A_442 = arith.addi %mul3A_439, %mul3A_441 : i32
          %dma_start3A_443 = arith.constant 1 : i32
          %dma_start3A_444 = arith.constant 0 : i32
          %dma_start3A_445 = arith.constant 0 : i32
          %dma_start3A_446 = tpu.memref_slice %arg13[%dma_start3A_443, %dma_start3A_444, %dma_start3A_445] : memref<2x4x128xi32, #tpu.memory_space<vmem>> -> memref<1x2x128xi32, #tpu.memory_space<vmem>>
          %dma_start3A_447 = tpu.memref_squeeze %dma_start3A_446 : memref<1x2x128xi32, #tpu.memory_space<vmem>> -> memref<2x128xi32, #tpu.memory_space<vmem>>
          %dma_start3A_448 = arith.constant 0 : i32
          %dma_start3A_449 = tpu.memref_slice %arg6[%add3A_442, %dma_start3A_448] : memref<12544x128xi32, #tpu.memory_space<hbm>> -> memref<2x128xi32, #tpu.memory_space<hbm>>
          %dma_start3A_450 = arith.constant 0 : i32
          %dma_start3A_451 = arith.constant 0 : i32
          %dma_start3A_452 = tpu.memref_slice %arg13[%dma_start3A_443, %dma_start3A_450, %dma_start3A_451] : memref<2x4x128xi32, #tpu.memory_space<vmem>> -> memref<1x2x128xi32, #tpu.memory_space<vmem>>
          %dma_start3A_453 = tpu.memref_squeeze %dma_start3A_452 : memref<1x2x128xi32, #tpu.memory_space<vmem>> -> memref<2x128xi32, #tpu.memory_space<vmem>>
          %dma_start3A_454 = arith.constant 0 : i32
          %dma_start3A_455 = tpu.memref_slice %arg6[%add3A_442, %dma_start3A_454] : memref<12544x128xi32, #tpu.memory_space<hbm>> -> memref<2x128xi32, #tpu.memory_space<hbm>>
          tpu.enqueue_dma source(%dma_start3A_455 : memref<2x128xi32, #tpu.memory_space<hbm>>) target(%dma_start3A_453 : memref<2x128xi32, #tpu.memory_space<vmem>>) target_semaphore(%arg16 : memref<!tpu.dma_semaphore, #tpu.memory_space<semaphore_mem>>)
          %dma_start3A_456 = arith.constant 1 : i32
          %dma_start3A_457 = arith.constant 2 : i32
          %dma_start3A_458 = arith.constant 0 : i32
          %dma_start3A_459 = tpu.memref_slice %arg13[%dma_start3A_456, %dma_start3A_457, %dma_start3A_458] : memref<2x4x128xi32, #tpu.memory_space<vmem>> -> memref<1x2x128xi32, #tpu.memory_space<vmem>>
          %dma_start3A_460 = tpu.memref_squeeze %dma_start3A_459 : memref<1x2x128xi32, #tpu.memory_space<vmem>> -> memref<2x128xi32, #tpu.memory_space<vmem>>
          %dma_start3A_461 = arith.constant 0 : i32
          %dma_start3A_462 = tpu.memref_slice %arg7[%add3A_442, %dma_start3A_461] : memref<12544x128xi32, #tpu.memory_space<hbm>> -> memref<2x128xi32, #tpu.memory_space<hbm>>
          %dma_start3A_463 = arith.constant 2 : i32
          %dma_start3A_464 = arith.constant 0 : i32
          %dma_start3A_465 = tpu.memref_slice %arg13[%dma_start3A_456, %dma_start3A_463, %dma_start3A_464] : memref<2x4x128xi32, #tpu.memory_space<vmem>> -> memref<1x2x128xi32, #tpu.memory_space<vmem>>
          %dma_start3A_466 = tpu.memref_squeeze %dma_start3A_465 : memref<1x2x128xi32, #tpu.memory_space<vmem>> -> memref<2x128xi32, #tpu.memory_space<vmem>>
          %dma_start3A_467 = arith.constant 0 : i32
          %dma_start3A_468 = tpu.memref_slice %arg7[%add3A_442, %dma_start3A_467] : memref<12544x128xi32, #tpu.memory_space<hbm>> -> memref<2x128xi32, #tpu.memory_space<hbm>>
          tpu.enqueue_dma source(%dma_start3A_468 : memref<2x128xi32, #tpu.memory_space<hbm>>) target(%dma_start3A_466 : memref<2x128xi32, #tpu.memory_space<vmem>>) target_semaphore(%arg16 : memref<!tpu.dma_semaphore, #tpu.memory_space<semaphore_mem>>)
        } else {
        }
        %dma_wait3A_247 = arith.constant 1 : i32
        %dma_wait3A_248 = arith.constant 0 : i32
        %dma_wait3A_249 = arith.constant 0 : i32
        %dma_wait3A_250 = tpu.memref_slice %arg13[%dma_wait3A_247, %dma_wait3A_248, %dma_wait3A_249] : memref<2x4x128xi32, #tpu.memory_space<vmem>> -> memref<1x2x128xi32, #tpu.memory_space<vmem>>
        %dma_wait3A_251 = tpu.memref_squeeze %dma_wait3A_250 : memref<1x2x128xi32, #tpu.memory_space<vmem>> -> memref<2x128xi32, #tpu.memory_space<vmem>>
        %dma_wait3A_252 = arith.constant 0 : i32
        %dma_wait3A_253 = arith.constant 0 : i32
        %dma_wait3A_254 = tpu.memref_slice %arg6[%dma_wait3A_252, %dma_wait3A_253] : memref<12544x128xi32, #tpu.memory_space<hbm>> -> memref<2x128xi32, #tpu.memory_space<hbm>>
        %dma_wait3A_255 = arith.constant 0 : i32
        %dma_wait3A_256 = arith.constant 0 : i32
        %dma_wait3A_257 = tpu.memref_slice %arg13[%dma_wait3A_247, %dma_wait3A_255, %dma_wait3A_256] : memref<2x4x128xi32, #tpu.memory_space<vmem>> -> memref<1x2x128xi32, #tpu.memory_space<vmem>>
        %dma_wait3A_258 = tpu.memref_squeeze %dma_wait3A_257 : memref<1x2x128xi32, #tpu.memory_space<vmem>> -> memref<2x128xi32, #tpu.memory_space<vmem>>
        %dma_wait3A_259 = arith.constant 0 : i32
        %dma_wait3A_260 = arith.constant 0 : i32
        %dma_wait3A_261 = tpu.memref_slice %arg6[%dma_wait3A_259, %dma_wait3A_260] : memref<12544x128xi32, #tpu.memory_space<hbm>> -> memref<2x128xi32, #tpu.memory_space<hbm>>
        tpu.wait_dma2 semaphore(%arg16 : memref<!tpu.dma_semaphore, #tpu.memory_space<semaphore_mem>>) src(%dma_wait3A_261 : memref<2x128xi32, #tpu.memory_space<hbm>>) dst(%dma_wait3A_258 : memref<2x128xi32, #tpu.memory_space<vmem>>)
        %dma_wait3A_262 = arith.constant 1 : i32
        %dma_wait3A_263 = arith.constant 2 : i32
        %dma_wait3A_264 = arith.constant 0 : i32
        %dma_wait3A_265 = tpu.memref_slice %arg13[%dma_wait3A_262, %dma_wait3A_263, %dma_wait3A_264] : memref<2x4x128xi32, #tpu.memory_space<vmem>> -> memref<1x2x128xi32, #tpu.memory_space<vmem>>
        %dma_wait3A_266 = tpu.memref_squeeze %dma_wait3A_265 : memref<1x2x128xi32, #tpu.memory_space<vmem>> -> memref<2x128xi32, #tpu.memory_space<vmem>>
        %dma_wait3A_267 = arith.constant 0 : i32
        %dma_wait3A_268 = arith.constant 0 : i32
        %dma_wait3A_269 = tpu.memref_slice %arg6[%dma_wait3A_267, %dma_wait3A_268] : memref<12544x128xi32, #tpu.memory_space<hbm>> -> memref<2x128xi32, #tpu.memory_space<hbm>>
        %dma_wait3A_270 = arith.constant 2 : i32
        %dma_wait3A_271 = arith.constant 0 : i32
        %dma_wait3A_272 = tpu.memref_slice %arg13[%dma_wait3A_262, %dma_wait3A_270, %dma_wait3A_271] : memref<2x4x128xi32, #tpu.memory_space<vmem>> -> memref<1x2x128xi32, #tpu.memory_space<vmem>>
        %dma_wait3A_273 = tpu.memref_squeeze %dma_wait3A_272 : memref<1x2x128xi32, #tpu.memory_space<vmem>> -> memref<2x128xi32, #tpu.memory_space<vmem>>
        %dma_wait3A_274 = arith.constant 0 : i32
        %dma_wait3A_275 = arith.constant 0 : i32
        %dma_wait3A_276 = tpu.memref_slice %arg6[%dma_wait3A_274, %dma_wait3A_275] : memref<12544x128xi32, #tpu.memory_space<hbm>> -> memref<2x128xi32, #tpu.memory_space<hbm>>
        tpu.wait_dma2 semaphore(%arg16 : memref<!tpu.dma_semaphore, #tpu.memory_space<semaphore_mem>>) src(%dma_wait3A_276 : memref<2x128xi32, #tpu.memory_space<hbm>>) dst(%dma_wait3A_273 : memref<2x128xi32, #tpu.memory_space<vmem>>)
        %dma_start3A_277 = arith.constant 1 : i32
        %dma_start3A_278 = arith.constant 0 : i32
        %dma_start3A_279 = arith.constant 1 : i32
        %dma_start3A_280 = arith.constant 0 : i32
        %dma_start3A_281 = arith.constant 0 : i32
        %dma_start3A_282 = arith.constant 0 : i32
        %dma_start3A_283 = tpu.memref_slice %arg14[%dma_start3A_279, %dma_start3A_280, %dma_start3A_281, %dma_start3A_282] : memref<2x2x128x32xf32, #tpu.memory_space<vmem>> -> memref<1x1x128x32xf32, #tpu.memory_space<vmem>>
        %dma_start3A_284 = tpu.memref_squeeze %dma_start3A_283 : memref<1x1x128x32xf32, #tpu.memory_space<vmem>> -> memref<128x32xf32, #tpu.memory_space<vmem>>
        %dma_start3A_285 = arith.constant 0 : i32
        %dma_start3A_286 = tpu.memref_slice %arg13[%dma_start3A_277, %dma_start3A_278, %dma_start3A_285] : memref<2x4x128xi32, #tpu.memory_space<vmem>> -> memref<1x1x128xi32, #tpu.memory_space<vmem>>
        %dma_start3A_287 = tpu.memref_squeeze %dma_start3A_286 : memref<1x1x128xi32, #tpu.memory_space<vmem>> -> memref<128xi32, #tpu.memory_space<vmem>>
        %dma_start3A_288 = arith.constant 0 : i32
        %dma_start3A_289 = arith.constant 0 : i32
        %dma_start3A_290 = tpu.memref_slice %arg4[%dma_start3A_288, %dma_start3A_289] : memref<50000x32xf32, #tpu.memory_space<hbm>> -> memref<50000x32xf32, #tpu.memory_space<hbm>>
        tpu.enqueue_indirect_dma source(%dma_start3A_290 : memref<50000x32xf32, #tpu.memory_space<hbm>>) target(%dma_start3A_284 : memref<128x32xf32, #tpu.memory_space<vmem>>) offsets(%dma_start3A_287 : memref<128xi32, #tpu.memory_space<vmem>>) semaphore(%arg17 : memref<!tpu.dma_semaphore, #tpu.memory_space<semaphore_mem>>)
        %dma_start3A_291 = arith.constant 1 : i32
        %dma_start3A_292 = arith.constant 1 : i32
        %dma_start3A_293 = arith.constant 1 : i32
        %dma_start3A_294 = arith.constant 1 : i32
        %dma_start3A_295 = arith.constant 0 : i32
        %dma_start3A_296 = arith.constant 0 : i32
        %dma_start3A_297 = tpu.memref_slice %arg14[%dma_start3A_293, %dma_start3A_294, %dma_start3A_295, %dma_start3A_296] : memref<2x2x128x32xf32, #tpu.memory_space<vmem>> -> memref<1x1x128x32xf32, #tpu.memory_space<vmem>>
        %dma_start3A_298 = tpu.memref_squeeze %dma_start3A_297 : memref<1x1x128x32xf32, #tpu.memory_space<vmem>> -> memref<128x32xf32, #tpu.memory_space<vmem>>
        %dma_start3A_299 = arith.constant 0 : i32
        %dma_start3A_300 = tpu.memref_slice %arg13[%dma_start3A_291, %dma_start3A_292, %dma_start3A_299] : memref<2x4x128xi32, #tpu.memory_space<vmem>> -> memref<1x1x128xi32, #tpu.memory_space<vmem>>
        %dma_start3A_301 = tpu.memref_squeeze %dma_start3A_300 : memref<1x1x128xi32, #tpu.memory_space<vmem>> -> memref<128xi32, #tpu.memory_space<vmem>>
        %dma_start3A_302 = arith.constant 0 : i32
        %dma_start3A_303 = arith.constant 0 : i32
        %dma_start3A_304 = tpu.memref_slice %arg4[%dma_start3A_302, %dma_start3A_303] : memref<50000x32xf32, #tpu.memory_space<hbm>> -> memref<50000x32xf32, #tpu.memory_space<hbm>>
        tpu.enqueue_indirect_dma source(%dma_start3A_304 : memref<50000x32xf32, #tpu.memory_space<hbm>>) target(%dma_start3A_298 : memref<128x32xf32, #tpu.memory_space<vmem>>) offsets(%dma_start3A_301 : memref<128xi32, #tpu.memory_space<vmem>>) semaphore(%arg17 : memref<!tpu.dma_semaphore, #tpu.memory_space<semaphore_mem>>)
        %dma_wait3A_305 = arith.constant 1 : i32
        %dma_wait3A_306 = arith.constant 0 : i32
        %dma_wait3A_307 = arith.constant 0 : i32
        %dma_wait3A_308 = arith.constant 0 : i32
        %dma_wait3A_309 = tpu.memref_slice %arg14[%dma_wait3A_305, %dma_wait3A_306, %dma_wait3A_307, %dma_wait3A_308] : memref<2x2x128x32xf32, #tpu.memory_space<vmem>> -> memref<1x1x128x32xf32, #tpu.memory_space<vmem>>
        %dma_wait3A_310 = tpu.memref_squeeze %dma_wait3A_309 : memref<1x1x128x32xf32, #tpu.memory_space<vmem>> -> memref<128x32xf32, #tpu.memory_space<vmem>>
        %dma_wait3A_311 = arith.constant 0 : i32
        %dma_wait3A_312 = arith.constant 0 : i32
        %dma_wait3A_313 = tpu.memref_slice %arg4[%dma_wait3A_311, %dma_wait3A_312] : memref<50000x32xf32, #tpu.memory_space<hbm>> -> memref<128x32xf32, #tpu.memory_space<hbm>>
        %dma_wait3A_314 = arith.constant 0 : i32
        %dma_wait3A_315 = arith.constant 0 : i32
        %dma_wait3A_316 = tpu.memref_slice %arg14[%dma_wait3A_305, %dma_wait3A_306, %dma_wait3A_314, %dma_wait3A_315] : memref<2x2x128x32xf32, #tpu.memory_space<vmem>> -> memref<1x1x128x32xf32, #tpu.memory_space<vmem>>
        %dma_wait3A_317 = tpu.memref_squeeze %dma_wait3A_316 : memref<1x1x128x32xf32, #tpu.memory_space<vmem>> -> memref<128x32xf32, #tpu.memory_space<vmem>>
        %dma_wait3A_318 = arith.constant 0 : i32
        %dma_wait3A_319 = arith.constant 0 : i32
        %dma_wait3A_320 = tpu.memref_slice %arg4[%dma_wait3A_318, %dma_wait3A_319] : memref<50000x32xf32, #tpu.memory_space<hbm>> -> memref<128x32xf32, #tpu.memory_space<hbm>>
        tpu.wait_dma2 semaphore(%arg17 : memref<!tpu.dma_semaphore, #tpu.memory_space<semaphore_mem>>) src(%dma_wait3A_320 : memref<128x32xf32, #tpu.memory_space<hbm>>) dst(%dma_wait3A_317 : memref<128x32xf32, #tpu.memory_space<vmem>>)
        %dma_wait3A_321 = arith.constant 1 : i32
        %dma_wait3A_322 = arith.constant 1 : i32
        %dma_wait3A_323 = arith.constant 0 : i32
        %dma_wait3A_324 = arith.constant 0 : i32
        %dma_wait3A_325 = tpu.memref_slice %arg14[%dma_wait3A_321, %dma_wait3A_322, %dma_wait3A_323, %dma_wait3A_324] : memref<2x2x128x32xf32, #tpu.memory_space<vmem>> -> memref<1x1x128x32xf32, #tpu.memory_space<vmem>>
        %dma_wait3A_326 = tpu.memref_squeeze %dma_wait3A_325 : memref<1x1x128x32xf32, #tpu.memory_space<vmem>> -> memref<128x32xf32, #tpu.memory_space<vmem>>
        %dma_wait3A_327 = arith.constant 0 : i32
        %dma_wait3A_328 = arith.constant 0 : i32
        %dma_wait3A_329 = tpu.memref_slice %arg4[%dma_wait3A_327, %dma_wait3A_328] : memref<50000x32xf32, #tpu.memory_space<hbm>> -> memref<128x32xf32, #tpu.memory_space<hbm>>
        %dma_wait3A_330 = arith.constant 0 : i32
        %dma_wait3A_331 = arith.constant 0 : i32
        %dma_wait3A_332 = tpu.memref_slice %arg14[%dma_wait3A_321, %dma_wait3A_322, %dma_wait3A_330, %dma_wait3A_331] : memref<2x2x128x32xf32, #tpu.memory_space<vmem>> -> memref<1x1x128x32xf32, #tpu.memory_space<vmem>>
        %dma_wait3A_333 = tpu.memref_squeeze %dma_wait3A_332 : memref<1x1x128x32xf32, #tpu.memory_space<vmem>> -> memref<128x32xf32, #tpu.memory_space<vmem>>
        %dma_wait3A_334 = arith.constant 0 : i32
        %dma_wait3A_335 = arith.constant 0 : i32
        %dma_wait3A_336 = tpu.memref_slice %arg4[%dma_wait3A_334, %dma_wait3A_335] : memref<50000x32xf32, #tpu.memory_space<hbm>> -> memref<128x32xf32, #tpu.memory_space<hbm>>
        tpu.wait_dma2 semaphore(%arg17 : memref<!tpu.dma_semaphore, #tpu.memory_space<semaphore_mem>>) src(%dma_wait3A_336 : memref<128x32xf32, #tpu.memory_space<hbm>>) dst(%dma_wait3A_333 : memref<128x32xf32, #tpu.memory_space<vmem>>)
        %dma_start3A_337 = arith.constant 1 : i32
        %dma_start3A_338 = arith.constant 0 : i32
        %dma_start3A_339 = arith.constant 1 : i32
        %dma_start3A_340 = arith.constant 2 : i32
        %dma_start3A_341 = arith.constant 0 : i32
        %dma_start3A_342 = arith.constant 0 : i32
        %dma_start3A_343 = tpu.memref_slice %arg14[%dma_start3A_337, %dma_start3A_338, %dma_start3A_341, %dma_start3A_342] : memref<2x2x128x32xf32, #tpu.memory_space<vmem>> -> memref<1x1x128x32xf32, #tpu.memory_space<vmem>>
        %dma_start3A_344 = tpu.memref_squeeze %dma_start3A_343 : memref<1x1x128x32xf32, #tpu.memory_space<vmem>> -> memref<128x32xf32, #tpu.memory_space<vmem>>
        %dma_start3A_345 = arith.constant 0 : i32
        %dma_start3A_346 = tpu.memref_slice %arg13[%dma_start3A_339, %dma_start3A_340, %dma_start3A_345] : memref<2x4x128xi32, #tpu.memory_space<vmem>> -> memref<1x1x128xi32, #tpu.memory_space<vmem>>
        %dma_start3A_347 = tpu.memref_squeeze %dma_start3A_346 : memref<1x1x128xi32, #tpu.memory_space<vmem>> -> memref<128xi32, #tpu.memory_space<vmem>>
        %dma_start3A_348 = arith.constant 0 : i32
        %dma_start3A_349 = arith.constant 0 : i32
        %dma_start3A_350 = tpu.memref_slice %arg15[%dma_start3A_348, %dma_start3A_349] : memref<51200x32xf32, #tpu.memory_space<vmem_shared>> -> memref<51200x32xf32, #tpu.memory_space<vmem_shared>>
        tpu.enqueue_indirect_dma source(%dma_start3A_344 : memref<128x32xf32, #tpu.memory_space<vmem>>) target(%dma_start3A_350 : memref<51200x32xf32, #tpu.memory_space<vmem_shared>>) offsets(%dma_start3A_347 : memref<128xi32, #tpu.memory_space<vmem>>) semaphore(%arg19 : memref<!tpu.dma_semaphore, #tpu.memory_space<semaphore_mem>>) {add = true}
        %dma_start3A_351 = arith.constant 1 : i32
        %dma_start3A_352 = arith.constant 1 : i32
        %dma_start3A_353 = arith.constant 1 : i32
        %dma_start3A_354 = arith.constant 3 : i32
        %dma_start3A_355 = arith.constant 0 : i32
        %dma_start3A_356 = arith.constant 0 : i32
        %dma_start3A_357 = tpu.memref_slice %arg14[%dma_start3A_351, %dma_start3A_352, %dma_start3A_355, %dma_start3A_356] : memref<2x2x128x32xf32, #tpu.memory_space<vmem>> -> memref<1x1x128x32xf32, #tpu.memory_space<vmem>>
        %dma_start3A_358 = tpu.memref_squeeze %dma_start3A_357 : memref<1x1x128x32xf32, #tpu.memory_space<vmem>> -> memref<128x32xf32, #tpu.memory_space<vmem>>
        %dma_start3A_359 = arith.constant 0 : i32
        %dma_start3A_360 = tpu.memref_slice %arg13[%dma_start3A_353, %dma_start3A_354, %dma_start3A_359] : memref<2x4x128xi32, #tpu.memory_space<vmem>> -> memref<1x1x128xi32, #tpu.memory_space<vmem>>
        %dma_start3A_361 = tpu.memref_squeeze %dma_start3A_360 : memref<1x1x128xi32, #tpu.memory_space<vmem>> -> memref<128xi32, #tpu.memory_space<vmem>>
        %dma_start3A_362 = arith.constant 0 : i32
        %dma_start3A_363 = arith.constant 0 : i32
        %dma_start3A_364 = tpu.memref_slice %arg15[%dma_start3A_362, %dma_start3A_363] : memref<51200x32xf32, #tpu.memory_space<vmem_shared>> -> memref<51200x32xf32, #tpu.memory_space<vmem_shared>>
        tpu.enqueue_indirect_dma source(%dma_start3A_358 : memref<128x32xf32, #tpu.memory_space<vmem>>) target(%dma_start3A_364 : memref<51200x32xf32, #tpu.memory_space<vmem_shared>>) offsets(%dma_start3A_361 : memref<128xi32, #tpu.memory_space<vmem>>) semaphore(%arg19 : memref<!tpu.dma_semaphore, #tpu.memory_space<semaphore_mem>>) {add = true}
        %dma_wait3A_365 = arith.constant 0 : i32
        %dma_wait3A_366 = arith.constant 0 : i32
        %dma_wait3A_367 = arith.constant 0 : i32
        %dma_wait3A_368 = arith.constant 0 : i32
        %dma_wait3A_369 = tpu.memref_slice %arg14[%dma_wait3A_365, %dma_wait3A_366, %dma_wait3A_367, %dma_wait3A_368] : memref<2x2x128x32xf32, #tpu.memory_space<vmem>> -> memref<1x1x128x32xf32, #tpu.memory_space<vmem>>
        %dma_wait3A_370 = tpu.memref_squeeze %dma_wait3A_369 : memref<1x1x128x32xf32, #tpu.memory_space<vmem>> -> memref<128x32xf32, #tpu.memory_space<vmem>>
        %dma_wait3A_371 = arith.constant 0 : i32
        %dma_wait3A_372 = arith.constant 0 : i32
        %dma_wait3A_373 = tpu.memref_slice %arg4[%dma_wait3A_371, %dma_wait3A_372] : memref<50000x32xf32, #tpu.memory_space<hbm>> -> memref<128x32xf32, #tpu.memory_space<hbm>>
        %dma_wait3A_374 = arith.constant 0 : i32
        %dma_wait3A_375 = arith.constant 0 : i32
        %dma_wait3A_376 = tpu.memref_slice %arg14[%dma_wait3A_365, %dma_wait3A_366, %dma_wait3A_374, %dma_wait3A_375] : memref<2x2x128x32xf32, #tpu.memory_space<vmem>> -> memref<1x1x128x32xf32, #tpu.memory_space<vmem>>
        %dma_wait3A_377 = tpu.memref_squeeze %dma_wait3A_376 : memref<1x1x128x32xf32, #tpu.memory_space<vmem>> -> memref<128x32xf32, #tpu.memory_space<vmem>>
        %dma_wait3A_378 = arith.constant 0 : i32
        %dma_wait3A_379 = arith.constant 0 : i32
        %dma_wait3A_380 = tpu.memref_slice %arg4[%dma_wait3A_378, %dma_wait3A_379] : memref<50000x32xf32, #tpu.memory_space<hbm>> -> memref<128x32xf32, #tpu.memory_space<hbm>>
        tpu.wait_dma2 semaphore(%arg18 : memref<!tpu.dma_semaphore, #tpu.memory_space<semaphore_mem>>) src(%dma_wait3A_380 : memref<128x32xf32, #tpu.memory_space<hbm>>) dst(%dma_wait3A_377 : memref<128x32xf32, #tpu.memory_space<vmem>>)
        %dma_wait3A_381 = arith.constant 0 : i32
        %dma_wait3A_382 = arith.constant 1 : i32
        %dma_wait3A_383 = arith.constant 0 : i32
        %dma_wait3A_384 = arith.constant 0 : i32
        %dma_wait3A_385 = tpu.memref_slice %arg14[%dma_wait3A_381, %dma_wait3A_382, %dma_wait3A_383, %dma_wait3A_384] : memref<2x2x128x32xf32, #tpu.memory_space<vmem>> -> memref<1x1x128x32xf32, #tpu.memory_space<vmem>>
        %dma_wait3A_386 = tpu.memref_squeeze %dma_wait3A_385 : memref<1x1x128x32xf32, #tpu.memory_space<vmem>> -> memref<128x32xf32, #tpu.memory_space<vmem>>
        %dma_wait3A_387 = arith.constant 0 : i32
        %dma_wait3A_388 = arith.constant 0 : i32
        %dma_wait3A_389 = tpu.memref_slice %arg4[%dma_wait3A_387, %dma_wait3A_388] : memref<50000x32xf32, #tpu.memory_space<hbm>> -> memref<128x32xf32, #tpu.memory_space<hbm>>
        %dma_wait3A_390 = arith.constant 0 : i32
        %dma_wait3A_391 = arith.constant 0 : i32
        %dma_wait3A_392 = tpu.memref_slice %arg14[%dma_wait3A_381, %dma_wait3A_382, %dma_wait3A_390, %dma_wait3A_391] : memref<2x2x128x32xf32, #tpu.memory_space<vmem>> -> memref<1x1x128x32xf32, #tpu.memory_space<vmem>>
        %dma_wait3A_393 = tpu.memref_squeeze %dma_wait3A_392 : memref<1x1x128x32xf32, #tpu.memory_space<vmem>> -> memref<128x32xf32, #tpu.memory_space<vmem>>
        %dma_wait3A_394 = arith.constant 0 : i32
        %dma_wait3A_395 = arith.constant 0 : i32
        %dma_wait3A_396 = tpu.memref_slice %arg4[%dma_wait3A_394, %dma_wait3A_395] : memref<50000x32xf32, #tpu.memory_space<hbm>> -> memref<128x32xf32, #tpu.memory_space<hbm>>
        tpu.wait_dma2 semaphore(%arg18 : memref<!tpu.dma_semaphore, #tpu.memory_space<semaphore_mem>>) src(%dma_wait3A_396 : memref<128x32xf32, #tpu.memory_space<hbm>>) dst(%dma_wait3A_393 : memref<128x32xf32, #tpu.memory_space<vmem>>)
        %lt3A = arith.constant 195 : i32
        %lt3A_397 = arith.cmpi slt, %scan3A_181, %lt3A : i32
        %convert_element_type3A_398 = arith.extui %lt3A_397 : i1 to i32
        %cond3A_399 = arith.constant 0 : i32
        %cond3A_400 = arith.cmpi ne, %convert_element_type3A_398, %cond3A_399 : i32
        scf.if %cond3A_400 {
          %mul3A_402 = arith.constant 2 : i32
          %mul3A_403 = arith.muli %mul3A_402, %scan3A_181 : i32
          %add3A_404 = arith.constant 2 : i32
          %add3A_405 = arith.addi %mul3A_403, %add3A_404 : i32
          %mul3A_406 = arith.constant 784 : i32
          %mul3A_407 = arith.muli %arg1, %mul3A_406 : i32
          %mul3A_408 = arith.constant 2 : i32
          %mul3A_409 = arith.muli %mul3A_408, %add3A_405 : i32
          %add3A_410 = arith.addi %mul3A_407, %mul3A_409 : i32
          %dma_start3A_411 = arith.constant 0 : i32
          %dma_start3A_412 = arith.constant 0 : i32
          %dma_start3A_413 = arith.constant 0 : i32
          %dma_start3A_414 = tpu.memref_slice %arg13[%dma_start3A_411, %dma_start3A_412, %dma_start3A_413] : memref<2x4x128xi32, #tpu.memory_space<vmem>> -> memref<1x2x128xi32, #tpu.memory_space<vmem>>
          %dma_start3A_415 = tpu.memref_squeeze %dma_start3A_414 : memref<1x2x128xi32, #tpu.memory_space<vmem>> -> memref<2x128xi32, #tpu.memory_space<vmem>>
          %dma_start3A_416 = arith.constant 0 : i32
          %dma_start3A_417 = tpu.memref_slice %arg6[%add3A_410, %dma_start3A_416] : memref<12544x128xi32, #tpu.memory_space<hbm>> -> memref<2x128xi32, #tpu.memory_space<hbm>>
          %dma_start3A_418 = arith.constant 0 : i32
          %dma_start3A_419 = arith.constant 0 : i32
          %dma_start3A_420 = tpu.memref_slice %arg13[%dma_start3A_411, %dma_start3A_418, %dma_start3A_419] : memref<2x4x128xi32, #tpu.memory_space<vmem>> -> memref<1x2x128xi32, #tpu.memory_space<vmem>>
          %dma_start3A_421 = tpu.memref_squeeze %dma_start3A_420 : memref<1x2x128xi32, #tpu.memory_space<vmem>> -> memref<2x128xi32, #tpu.memory_space<vmem>>
          %dma_start3A_422 = arith.constant 0 : i32
          %dma_start3A_423 = tpu.memref_slice %arg6[%add3A_410, %dma_start3A_422] : memref<12544x128xi32, #tpu.memory_space<hbm>> -> memref<2x128xi32, #tpu.memory_space<hbm>>
          tpu.enqueue_dma source(%dma_start3A_423 : memref<2x128xi32, #tpu.memory_space<hbm>>) target(%dma_start3A_421 : memref<2x128xi32, #tpu.memory_space<vmem>>) target_semaphore(%arg16 : memref<!tpu.dma_semaphore, #tpu.memory_space<semaphore_mem>>)
          %dma_start3A_424 = arith.constant 0 : i32
          %dma_start3A_425 = arith.constant 2 : i32
          %dma_start3A_426 = arith.constant 0 : i32
          %dma_start3A_427 = tpu.memref_slice %arg13[%dma_start3A_424, %dma_start3A_425, %dma_start3A_426] : memref<2x4x128xi32, #tpu.memory_space<vmem>> -> memref<1x2x128xi32, #tpu.memory_space<vmem>>
          %dma_start3A_428 = tpu.memref_squeeze %dma_start3A_427 : memref<1x2x128xi32, #tpu.memory_space<vmem>> -> memref<2x128xi32, #tpu.memory_space<vmem>>
          %dma_start3A_429 = arith.constant 0 : i32
          %dma_start3A_430 = tpu.memref_slice %arg7[%add3A_410, %dma_start3A_429] : memref<12544x128xi32, #tpu.memory_space<hbm>> -> memref<2x128xi32, #tpu.memory_space<hbm>>
          %dma_start3A_431 = arith.constant 2 : i32
          %dma_start3A_432 = arith.constant 0 : i32
          %dma_start3A_433 = tpu.memref_slice %arg13[%dma_start3A_424, %dma_start3A_431, %dma_start3A_432] : memref<2x4x128xi32, #tpu.memory_space<vmem>> -> memref<1x2x128xi32, #tpu.memory_space<vmem>>
          %dma_start3A_434 = tpu.memref_squeeze %dma_start3A_433 : memref<1x2x128xi32, #tpu.memory_space<vmem>> -> memref<2x128xi32, #tpu.memory_space<vmem>>
          %dma_start3A_435 = arith.constant 0 : i32
          %dma_start3A_436 = tpu.memref_slice %arg7[%add3A_410, %dma_start3A_435] : memref<12544x128xi32, #tpu.memory_space<hbm>> -> memref<2x128xi32, #tpu.memory_space<hbm>>
          tpu.enqueue_dma source(%dma_start3A_436 : memref<2x128xi32, #tpu.memory_space<hbm>>) target(%dma_start3A_434 : memref<2x128xi32, #tpu.memory_space<vmem>>) target_semaphore(%arg16 : memref<!tpu.dma_semaphore, #tpu.memory_space<semaphore_mem>>)
          %dma_wait3A_437 = arith.constant 0 : i32
          %dma_wait3A_438 = arith.constant 0 : i32
          %dma_wait3A_439 = arith.constant 0 : i32
          %dma_wait3A_440 = tpu.memref_slice %arg13[%dma_wait3A_437, %dma_wait3A_438, %dma_wait3A_439] : memref<2x4x128xi32, #tpu.memory_space<vmem>> -> memref<1x2x128xi32, #tpu.memory_space<vmem>>
          %dma_wait3A_441 = tpu.memref_squeeze %dma_wait3A_440 : memref<1x2x128xi32, #tpu.memory_space<vmem>> -> memref<2x128xi32, #tpu.memory_space<vmem>>
          %dma_wait3A_442 = arith.constant 0 : i32
          %dma_wait3A_443 = arith.constant 0 : i32
          %dma_wait3A_444 = tpu.memref_slice %arg6[%dma_wait3A_442, %dma_wait3A_443] : memref<12544x128xi32, #tpu.memory_space<hbm>> -> memref<2x128xi32, #tpu.memory_space<hbm>>
          %dma_wait3A_445 = arith.constant 0 : i32
          %dma_wait3A_446 = arith.constant 0 : i32
          %dma_wait3A_447 = tpu.memref_slice %arg13[%dma_wait3A_437, %dma_wait3A_445, %dma_wait3A_446] : memref<2x4x128xi32, #tpu.memory_space<vmem>> -> memref<1x2x128xi32, #tpu.memory_space<vmem>>
          %dma_wait3A_448 = tpu.memref_squeeze %dma_wait3A_447 : memref<1x2x128xi32, #tpu.memory_space<vmem>> -> memref<2x128xi32, #tpu.memory_space<vmem>>
          %dma_wait3A_449 = arith.constant 0 : i32
          %dma_wait3A_450 = arith.constant 0 : i32
          %dma_wait3A_451 = tpu.memref_slice %arg6[%dma_wait3A_449, %dma_wait3A_450] : memref<12544x128xi32, #tpu.memory_space<hbm>> -> memref<2x128xi32, #tpu.memory_space<hbm>>
          tpu.wait_dma2 semaphore(%arg16 : memref<!tpu.dma_semaphore, #tpu.memory_space<semaphore_mem>>) src(%dma_wait3A_451 : memref<2x128xi32, #tpu.memory_space<hbm>>) dst(%dma_wait3A_448 : memref<2x128xi32, #tpu.memory_space<vmem>>)
          %dma_wait3A_452 = arith.constant 0 : i32
          %dma_wait3A_453 = arith.constant 2 : i32
          %dma_wait3A_454 = arith.constant 0 : i32
          %dma_wait3A_455 = tpu.memref_slice %arg13[%dma_wait3A_452, %dma_wait3A_453, %dma_wait3A_454] : memref<2x4x128xi32, #tpu.memory_space<vmem>> -> memref<1x2x128xi32, #tpu.memory_space<vmem>>
          %dma_wait3A_456 = tpu.memref_squeeze %dma_wait3A_455 : memref<1x2x128xi32, #tpu.memory_space<vmem>> -> memref<2x128xi32, #tpu.memory_space<vmem>>
          %dma_wait3A_457 = arith.constant 0 : i32
          %dma_wait3A_458 = arith.constant 0 : i32
          %dma_wait3A_459 = tpu.memref_slice %arg6[%dma_wait3A_457, %dma_wait3A_458] : memref<12544x128xi32, #tpu.memory_space<hbm>> -> memref<2x128xi32, #tpu.memory_space<hbm>>
          %dma_wait3A_460 = arith.constant 2 : i32
          %dma_wait3A_461 = arith.constant 0 : i32
          %dma_wait3A_462 = tpu.memref_slice %arg13[%dma_wait3A_452, %dma_wait3A_460, %dma_wait3A_461] : memref<2x4x128xi32, #tpu.memory_space<vmem>> -> memref<1x2x128xi32, #tpu.memory_space<vmem>>
          %dma_wait3A_463 = tpu.memref_squeeze %dma_wait3A_462 : memref<1x2x128xi32, #tpu.memory_space<vmem>> -> memref<2x128xi32, #tpu.memory_space<vmem>>
          %dma_wait3A_464 = arith.constant 0 : i32
          %dma_wait3A_465 = arith.constant 0 : i32
          %dma_wait3A_466 = tpu.memref_slice %arg6[%dma_wait3A_464, %dma_wait3A_465] : memref<12544x128xi32, #tpu.memory_space<hbm>> -> memref<2x128xi32, #tpu.memory_space<hbm>>
          tpu.wait_dma2 semaphore(%arg16 : memref<!tpu.dma_semaphore, #tpu.memory_space<semaphore_mem>>) src(%dma_wait3A_466 : memref<2x128xi32, #tpu.memory_space<hbm>>) dst(%dma_wait3A_463 : memref<2x128xi32, #tpu.memory_space<vmem>>)
          %dma_start3A_467 = arith.constant 0 : i32
          %dma_start3A_468 = arith.constant 0 : i32
          %dma_start3A_469 = arith.constant 0 : i32
          %dma_start3A_470 = arith.constant 0 : i32
          %dma_start3A_471 = arith.constant 0 : i32
          %dma_start3A_472 = arith.constant 0 : i32
          %dma_start3A_473 = tpu.memref_slice %arg14[%dma_start3A_469, %dma_start3A_470, %dma_start3A_471, %dma_start3A_472] : memref<2x2x128x32xf32, #tpu.memory_space<vmem>> -> memref<1x1x128x32xf32, #tpu.memory_space<vmem>>
          %dma_start3A_474 = tpu.memref_squeeze %dma_start3A_473 : memref<1x1x128x32xf32, #tpu.memory_space<vmem>> -> memref<128x32xf32, #tpu.memory_space<vmem>>
          %dma_start3A_475 = arith.constant 0 : i32
          %dma_start3A_476 = tpu.memref_slice %arg13[%dma_start3A_467, %dma_start3A_468, %dma_start3A_475] : memref<2x4x128xi32, #tpu.memory_space<vmem>> -> memref<1x1x128xi32, #tpu.memory_space<vmem>>
          %dma_start3A_477 = tpu.memref_squeeze %dma_start3A_476 : memref<1x1x128xi32, #tpu.memory_space<vmem>> -> memref<128xi32, #tpu.memory_space<vmem>>
          %dma_start3A_478 = arith.constant 0 : i32
          %dma_start3A_479 = arith.constant 0 : i32
          %dma_start3A_480 = tpu.memref_slice %arg4[%dma_start3A_478, %dma_start3A_479] : memref<50000x32xf32, #tpu.memory_space<hbm>> -> memref<50000x32xf32, #tpu.memory_space<hbm>>
          tpu.enqueue_indirect_dma source(%dma_start3A_480 : memref<50000x32xf32, #tpu.memory_space<hbm>>) target(%dma_start3A_474 : memref<128x32xf32, #tpu.memory_space<vmem>>) offsets(%dma_start3A_477 : memref<128xi32, #tpu.memory_space<vmem>>) semaphore(%arg17 : memref<!tpu.dma_semaphore, #tpu.memory_space<semaphore_mem>>)
          %dma_start3A_481 = arith.constant 0 : i32
          %dma_start3A_482 = arith.constant 1 : i32
          %dma_start3A_483 = arith.constant 0 : i32
          %dma_start3A_484 = arith.constant 1 : i32
          %dma_start3A_485 = arith.constant 0 : i32
          %dma_start3A_486 = arith.constant 0 : i32
          %dma_start3A_487 = tpu.memref_slice %arg14[%dma_start3A_483, %dma_start3A_484, %dma_start3A_485, %dma_start3A_486] : memref<2x2x128x32xf32, #tpu.memory_space<vmem>> -> memref<1x1x128x32xf32, #tpu.memory_space<vmem>>
          %dma_start3A_488 = tpu.memref_squeeze %dma_start3A_487 : memref<1x1x128x32xf32, #tpu.memory_space<vmem>> -> memref<128x32xf32, #tpu.memory_space<vmem>>
          %dma_start3A_489 = arith.constant 0 : i32
          %dma_start3A_490 = tpu.memref_slice %arg13[%dma_start3A_481, %dma_start3A_482, %dma_start3A_489] : memref<2x4x128xi32, #tpu.memory_space<vmem>> -> memref<1x1x128xi32, #tpu.memory_space<vmem>>
          %dma_start3A_491 = tpu.memref_squeeze %dma_start3A_490 : memref<1x1x128xi32, #tpu.memory_space<vmem>> -> memref<128xi32, #tpu.memory_space<vmem>>
          %dma_start3A_492 = arith.constant 0 : i32
          %dma_start3A_493 = arith.constant 0 : i32
          %dma_start3A_494 = tpu.memref_slice %arg4[%dma_start3A_492, %dma_start3A_493] : memref<50000x32xf32, #tpu.memory_space<hbm>> -> memref<50000x32xf32, #tpu.memory_space<hbm>>
          tpu.enqueue_indirect_dma source(%dma_start3A_494 : memref<50000x32xf32, #tpu.memory_space<hbm>>) target(%dma_start3A_488 : memref<128x32xf32, #tpu.memory_space<vmem>>) offsets(%dma_start3A_491 : memref<128xi32, #tpu.memory_space<vmem>>) semaphore(%arg17 : memref<!tpu.dma_semaphore, #tpu.memory_space<semaphore_mem>>)
        } else {
        }
        %scan3A_401 = arith.constant 0 : i32
        scf.yield %scan3A_401 : i32
      }
      %scan3A_143 = arith.constant 196 : i32
      %dma_wait3A_144 = arith.constant 1 : i32
      %dma_wait3A_145 = arith.constant 0 : i32
      %dma_wait3A_146 = arith.constant 0 : i32
      %dma_wait3A_147 = arith.constant 0 : i32
      %dma_wait3A_148 = tpu.memref_slice %arg14[%dma_wait3A_144, %dma_wait3A_145, %dma_wait3A_146, %dma_wait3A_147] : memref<2x2x128x32xf32, #tpu.memory_space<vmem>> -> memref<1x1x128x32xf32, #tpu.memory_space<vmem>>
      %dma_wait3A_149 = tpu.memref_squeeze %dma_wait3A_148 : memref<1x1x128x32xf32, #tpu.memory_space<vmem>> -> memref<128x32xf32, #tpu.memory_space<vmem>>
      %dma_wait3A_150 = arith.constant 0 : i32
      %dma_wait3A_151 = arith.constant 0 : i32
      %dma_wait3A_152 = tpu.memref_slice %arg4[%dma_wait3A_150, %dma_wait3A_151] : memref<50000x32xf32, #tpu.memory_space<hbm>> -> memref<128x32xf32, #tpu.memory_space<hbm>>
      %dma_wait3A_153 = arith.constant 0 : i32
      %dma_wait3A_154 = arith.constant 0 : i32
      %dma_wait3A_155 = tpu.memref_slice %arg14[%dma_wait3A_144, %dma_wait3A_145, %dma_wait3A_153, %dma_wait3A_154] : memref<2x2x128x32xf32, #tpu.memory_space<vmem>> -> memref<1x1x128x32xf32, #tpu.memory_space<vmem>>
      %dma_wait3A_156 = tpu.memref_squeeze %dma_wait3A_155 : memref<1x1x128x32xf32, #tpu.memory_space<vmem>> -> memref<128x32xf32, #tpu.memory_space<vmem>>
      %dma_wait3A_157 = arith.constant 0 : i32
      %dma_wait3A_158 = arith.constant 0 : i32
      %dma_wait3A_159 = tpu.memref_slice %arg4[%dma_wait3A_157, %dma_wait3A_158] : memref<50000x32xf32, #tpu.memory_space<hbm>> -> memref<128x32xf32, #tpu.memory_space<hbm>>
      tpu.wait_dma2 semaphore(%arg19 : memref<!tpu.dma_semaphore, #tpu.memory_space<semaphore_mem>>) src(%dma_wait3A_159 : memref<128x32xf32, #tpu.memory_space<hbm>>) dst(%dma_wait3A_156 : memref<128x32xf32, #tpu.memory_space<vmem>>)
      %dma_wait3A_160 = arith.constant 1 : i32
      %dma_wait3A_161 = arith.constant 1 : i32
      %dma_wait3A_162 = arith.constant 0 : i32
      %dma_wait3A_163 = arith.constant 0 : i32
      %dma_wait3A_164 = tpu.memref_slice %arg14[%dma_wait3A_160, %dma_wait3A_161, %dma_wait3A_162, %dma_wait3A_163] : memref<2x2x128x32xf32, #tpu.memory_space<vmem>> -> memref<1x1x128x32xf32, #tpu.memory_space<vmem>>
      %dma_wait3A_165 = tpu.memref_squeeze %dma_wait3A_164 : memref<1x1x128x32xf32, #tpu.memory_space<vmem>> -> memref<128x32xf32, #tpu.memory_space<vmem>>
      %dma_wait3A_166 = arith.constant 0 : i32
      %dma_wait3A_167 = arith.constant 0 : i32
      %dma_wait3A_168 = tpu.memref_slice %arg4[%dma_wait3A_166, %dma_wait3A_167] : memref<50000x32xf32, #tpu.memory_space<hbm>> -> memref<128x32xf32, #tpu.memory_space<hbm>>
      %dma_wait3A_169 = arith.constant 0 : i32
      %dma_wait3A_170 = arith.constant 0 : i32
      %dma_wait3A_171 = tpu.memref_slice %arg14[%dma_wait3A_160, %dma_wait3A_161, %dma_wait3A_169, %dma_wait3A_170] : memref<2x2x128x32xf32, #tpu.memory_space<vmem>> -> memref<1x1x128x32xf32, #tpu.memory_space<vmem>>
      %dma_wait3A_172 = tpu.memref_squeeze %dma_wait3A_171 : memref<1x1x128x32xf32, #tpu.memory_space<vmem>> -> memref<128x32xf32, #tpu.memory_space<vmem>>
      %dma_wait3A_173 = arith.constant 0 : i32
      %dma_wait3A_174 = arith.constant 0 : i32
      %dma_wait3A_175 = tpu.memref_slice %arg4[%dma_wait3A_173, %dma_wait3A_174] : memref<50000x32xf32, #tpu.memory_space<hbm>> -> memref<128x32xf32, #tpu.memory_space<hbm>>
      tpu.wait_dma2 semaphore(%arg19 : memref<!tpu.dma_semaphore, #tpu.memory_space<semaphore_mem>>) src(%dma_wait3A_175 : memref<128x32xf32, #tpu.memory_space<hbm>>) dst(%dma_wait3A_172 : memref<128x32xf32, #tpu.memory_space<vmem>>)
      %barrier3A_176 = arith.constant 0 : index
      tpu.barrier barrier_id(%barrier3A_176)
      %mul3A_177 = arith.constant 3125 : i32
      %mul3A_178 = arith.muli %arg1, %mul3A_177 : i32
      %mul3A_179 = arith.constant 3125 : i32
      %mul3A_180 = arith.muli %arg1, %mul3A_179 : i32
      "tpu.region"() ({
        %run_scoped3A = tpu.sem_alloc : memref<!tpu.dma_semaphore, #tpu.memory_space<semaphore_mem>>
        %dma_start3A_181 = arith.constant 0 : i32
        %dma_start3A_182 = tpu.memref_slice %arg11[%mul3A_180, %dma_start3A_181] : memref<50000x32xf32, #tpu.memory_space<hbm>> -> memref<3125x32xf32, #tpu.memory_space<hbm>>
        %dma_start3A_183 = arith.constant 0 : i32
        %dma_start3A_184 = tpu.memref_slice %arg15[%mul3A_178, %dma_start3A_183] : memref<51200x32xf32, #tpu.memory_space<vmem_shared>> -> memref<3125x32xf32, #tpu.memory_space<vmem_shared>>
        tpu.enqueue_dma source(%dma_start3A_184 : memref<3125x32xf32, #tpu.memory_space<vmem_shared>>) target(%dma_start3A_182 : memref<3125x32xf32, #tpu.memory_space<hbm>>) target_semaphore(%run_scoped3A : memref<!tpu.dma_semaphore, #tpu.memory_space<semaphore_mem>>)
        %dma_wait3A_185 = arith.constant 0 : i32
        %dma_wait3A_186 = tpu.memref_slice %arg11[%mul3A_180, %dma_wait3A_185] : memref<50000x32xf32, #tpu.memory_space<hbm>> -> memref<3125x32xf32, #tpu.memory_space<hbm>>
        %dma_wait3A_187 = arith.constant 0 : i32
        %dma_wait3A_188 = tpu.memref_slice %arg15[%mul3A_178, %dma_wait3A_187] : memref<51200x32xf32, #tpu.memory_space<vmem_shared>> -> memref<3125x32xf32, #tpu.memory_space<vmem_shared>>
        tpu.wait_dma2 semaphore(%run_scoped3A : memref<!tpu.dma_semaphore, #tpu.memory_space<semaphore_mem>>) src(%dma_wait3A_188 : memref<3125x32xf32, #tpu.memory_space<vmem_shared>>) dst(%dma_wait3A_186 : memref<3125x32xf32, #tpu.memory_space<hbm>>)
        tpu.yield
      }) : () -> ()
    } else {
    }
    %barrier3A_8 = arith.constant 0 : index
    tpu.barrier barrier_id(%barrier3A_8)
    %mul3A_9 = arith.constant 3200 : i32
    %mul3A_10 = arith.muli %arg1, %mul3A_9 : i32
    "tpu.region"() ({
      %run_scoped3A = tpu.sem_alloc : memref<!tpu.dma_semaphore, #tpu.memory_space<semaphore_mem>>
      %dma_start3A = arith.constant 0 : i32
      %dma_start3A_23 = tpu.memref_slice %arg15[%mul3A_10, %dma_start3A] : memref<51200x32xf32, #tpu.memory_space<vmem_shared>> -> memref<3200x32xf32, #tpu.memory_space<vmem_shared>>
      tpu.enqueue_dma source(%arg8 : memref<3200x32xf32, #tpu.memory_space<hbm>>) target(%dma_start3A_23 : memref<3200x32xf32, #tpu.memory_space<vmem_shared>>) target_semaphore(%run_scoped3A : memref<!tpu.dma_semaphore, #tpu.memory_space<semaphore_mem>>)
      %dma_wait3A = arith.constant 0 : i32
      %dma_wait3A_24 = tpu.memref_slice %arg15[%mul3A_10, %dma_wait3A] : memref<51200x32xf32, #tpu.memory_space<vmem_shared>> -> memref<3200x32xf32, #tpu.memory_space<vmem_shared>>
      tpu.wait_dma2 semaphore(%run_scoped3A : memref<!tpu.dma_semaphore, #tpu.memory_space<semaphore_mem>>) src(%arg8 : memref<3200x32xf32, #tpu.memory_space<hbm>>) dst(%dma_wait3A_24 : memref<3200x32xf32, #tpu.memory_space<vmem_shared>>)
      tpu.yield
    }) : () -> ()
    %barrier3A_11 = arith.constant 0 : index
    tpu.barrier barrier_id(%barrier3A_11)
    %eq3A_12 = arith.constant 0 : i32
    %eq3A_13 = arith.cmpi eq, %arg0, %eq3A_12 : i32
    %convert_element_type3A_14 = arith.extui %eq3A_13 : i1 to i32
    %cond3A_15 = arith.constant 0 : i32
    %cond3A_16 = arith.cmpi ne, %convert_element_type3A_14, %cond3A_15 : i32
    scf.if %cond3A_16 {
      %mul3A_23 = arith.constant 784 : i32
      %mul3A_24 = arith.muli %arg1, %mul3A_23 : i32
      %add3A = arith.constant 0 : i32
      %add3A_25 = arith.addi %mul3A_24, %add3A : i32
      %dma_start3A = arith.constant 0 : i32
      %dma_start3A_26 = arith.constant 0 : i32
      %dma_start3A_27 = arith.constant 0 : i32
      %dma_start3A_28 = tpu.memref_slice %arg13[%dma_start3A, %dma_start3A_26, %dma_start3A_27] : memref<2x4x128xi32, #tpu.memory_space<vmem>> -> memref<1x2x128xi32, #tpu.memory_space<vmem>>
      %dma_start3A_29 = tpu.memref_squeeze %dma_start3A_28 : memref<1x2x128xi32, #tpu.memory_space<vmem>> -> memref<2x128xi32, #tpu.memory_space<vmem>>
      %dma_start3A_30 = arith.constant 0 : i32
      %dma_start3A_31 = tpu.memref_slice %arg6[%add3A_25, %dma_start3A_30] : memref<12544x128xi32, #tpu.memory_space<hbm>> -> memref<2x128xi32, #tpu.memory_space<hbm>>
      %dma_start3A_32 = arith.constant 0 : i32
      %dma_start3A_33 = arith.constant 0 : i32
      %dma_start3A_34 = tpu.memref_slice %arg13[%dma_start3A, %dma_start3A_32, %dma_start3A_33] : memref<2x4x128xi32, #tpu.memory_space<vmem>> -> memref<1x2x128xi32, #tpu.memory_space<vmem>>
      %dma_start3A_35 = tpu.memref_squeeze %dma_start3A_34 : memref<1x2x128xi32, #tpu.memory_space<vmem>> -> memref<2x128xi32, #tpu.memory_space<vmem>>
      %dma_start3A_36 = arith.constant 0 : i32
      %dma_start3A_37 = tpu.memref_slice %arg6[%add3A_25, %dma_start3A_36] : memref<12544x128xi32, #tpu.memory_space<hbm>> -> memref<2x128xi32, #tpu.memory_space<hbm>>
      tpu.enqueue_dma source(%dma_start3A_37 : memref<2x128xi32, #tpu.memory_space<hbm>>) target(%dma_start3A_35 : memref<2x128xi32, #tpu.memory_space<vmem>>) target_semaphore(%arg16 : memref<!tpu.dma_semaphore, #tpu.memory_space<semaphore_mem>>)
      %dma_start3A_38 = arith.constant 0 : i32
      %dma_start3A_39 = arith.constant 2 : i32
      %dma_start3A_40 = arith.constant 0 : i32
      %dma_start3A_41 = tpu.memref_slice %arg13[%dma_start3A_38, %dma_start3A_39, %dma_start3A_40] : memref<2x4x128xi32, #tpu.memory_space<vmem>> -> memref<1x2x128xi32, #tpu.memory_space<vmem>>
      %dma_start3A_42 = tpu.memref_squeeze %dma_start3A_41 : memref<1x2x128xi32, #tpu.memory_space<vmem>> -> memref<2x128xi32, #tpu.memory_space<vmem>>
      %dma_start3A_43 = arith.constant 0 : i32
      %dma_start3A_44 = tpu.memref_slice %arg7[%add3A_25, %dma_start3A_43] : memref<12544x128xi32, #tpu.memory_space<hbm>> -> memref<2x128xi32, #tpu.memory_space<hbm>>
      %dma_start3A_45 = arith.constant 2 : i32
      %dma_start3A_46 = arith.constant 0 : i32
      %dma_start3A_47 = tpu.memref_slice %arg13[%dma_start3A_38, %dma_start3A_45, %dma_start3A_46] : memref<2x4x128xi32, #tpu.memory_space<vmem>> -> memref<1x2x128xi32, #tpu.memory_space<vmem>>
      %dma_start3A_48 = tpu.memref_squeeze %dma_start3A_47 : memref<1x2x128xi32, #tpu.memory_space<vmem>> -> memref<2x128xi32, #tpu.memory_space<vmem>>
      %dma_start3A_49 = arith.constant 0 : i32
      %dma_start3A_50 = tpu.memref_slice %arg7[%add3A_25, %dma_start3A_49] : memref<12544x128xi32, #tpu.memory_space<hbm>> -> memref<2x128xi32, #tpu.memory_space<hbm>>
      tpu.enqueue_dma source(%dma_start3A_50 : memref<2x128xi32, #tpu.memory_space<hbm>>) target(%dma_start3A_48 : memref<2x128xi32, #tpu.memory_space<vmem>>) target_semaphore(%arg16 : memref<!tpu.dma_semaphore, #tpu.memory_space<semaphore_mem>>)
      %dma_wait3A = arith.constant 0 : i32
      %dma_wait3A_51 = arith.constant 0 : i32
      %dma_wait3A_52 = arith.constant 0 : i32
      %dma_wait3A_53 = tpu.memref_slice %arg13[%dma_wait3A, %dma_wait3A_51, %dma_wait3A_52] : memref<2x4x128xi32, #tpu.memory_space<vmem>> -> memref<1x2x128xi32, #tpu.memory_space<vmem>>
      %dma_wait3A_54 = tpu.memref_squeeze %dma_wait3A_53 : memref<1x2x128xi32, #tpu.memory_space<vmem>> -> memref<2x128xi32, #tpu.memory_space<vmem>>
      %dma_wait3A_55 = arith.constant 0 : i32
      %dma_wait3A_56 = arith.constant 0 : i32
      %dma_wait3A_57 = tpu.memref_slice %arg6[%dma_wait3A_55, %dma_wait3A_56] : memref<12544x128xi32, #tpu.memory_space<hbm>> -> memref<2x128xi32, #tpu.memory_space<hbm>>
      %dma_wait3A_58 = arith.constant 0 : i32
      %dma_wait3A_59 = arith.constant 0 : i32
      %dma_wait3A_60 = tpu.memref_slice %arg13[%dma_wait3A, %dma_wait3A_58, %dma_wait3A_59] : memref<2x4x128xi32, #tpu.memory_space<vmem>> -> memref<1x2x128xi32, #tpu.memory_space<vmem>>
      %dma_wait3A_61 = tpu.memref_squeeze %dma_wait3A_60 : memref<1x2x128xi32, #tpu.memory_space<vmem>> -> memref<2x128xi32, #tpu.memory_space<vmem>>
      %dma_wait3A_62 = arith.constant 0 : i32
      %dma_wait3A_63 = arith.constant 0 : i32
      %dma_wait3A_64 = tpu.memref_slice %arg6[%dma_wait3A_62, %dma_wait3A_63] : memref<12544x128xi32, #tpu.memory_space<hbm>> -> memref<2x128xi32, #tpu.memory_space<hbm>>
      tpu.wait_dma2 semaphore(%arg16 : memref<!tpu.dma_semaphore, #tpu.memory_space<semaphore_mem>>) src(%dma_wait3A_64 : memref<2x128xi32, #tpu.memory_space<hbm>>) dst(%dma_wait3A_61 : memref<2x128xi32, #tpu.memory_space<vmem>>)
      %dma_wait3A_65 = arith.constant 0 : i32
      %dma_wait3A_66 = arith.constant 2 : i32
      %dma_wait3A_67 = arith.constant 0 : i32
      %dma_wait3A_68 = tpu.memref_slice %arg13[%dma_wait3A_65, %dma_wait3A_66, %dma_wait3A_67] : memref<2x4x128xi32, #tpu.memory_space<vmem>> -> memref<1x2x128xi32, #tpu.memory_space<vmem>>
      %dma_wait3A_69 = tpu.memref_squeeze %dma_wait3A_68 : memref<1x2x128xi32, #tpu.memory_space<vmem>> -> memref<2x128xi32, #tpu.memory_space<vmem>>
      %dma_wait3A_70 = arith.constant 0 : i32
      %dma_wait3A_71 = arith.constant 0 : i32
      %dma_wait3A_72 = tpu.memref_slice %arg6[%dma_wait3A_70, %dma_wait3A_71] : memref<12544x128xi32, #tpu.memory_space<hbm>> -> memref<2x128xi32, #tpu.memory_space<hbm>>
      %dma_wait3A_73 = arith.constant 2 : i32
      %dma_wait3A_74 = arith.constant 0 : i32
      %dma_wait3A_75 = tpu.memref_slice %arg13[%dma_wait3A_65, %dma_wait3A_73, %dma_wait3A_74] : memref<2x4x128xi32, #tpu.memory_space<vmem>> -> memref<1x2x128xi32, #tpu.memory_space<vmem>>
      %dma_wait3A_76 = tpu.memref_squeeze %dma_wait3A_75 : memref<1x2x128xi32, #tpu.memory_space<vmem>> -> memref<2x128xi32, #tpu.memory_space<vmem>>
      %dma_wait3A_77 = arith.constant 0 : i32
      %dma_wait3A_78 = arith.constant 0 : i32
      %dma_wait3A_79 = tpu.memref_slice %arg6[%dma_wait3A_77, %dma_wait3A_78] : memref<12544x128xi32, #tpu.memory_space<hbm>> -> memref<2x128xi32, #tpu.memory_space<hbm>>
      tpu.wait_dma2 semaphore(%arg16 : memref<!tpu.dma_semaphore, #tpu.memory_space<semaphore_mem>>) src(%dma_wait3A_79 : memref<2x128xi32, #tpu.memory_space<hbm>>) dst(%dma_wait3A_76 : memref<2x128xi32, #tpu.memory_space<vmem>>)
      %dma_start3A_80 = arith.constant 0 : i32
      %dma_start3A_81 = arith.constant 0 : i32
      %dma_start3A_82 = arith.constant 0 : i32
      %dma_start3A_83 = arith.constant 0 : i32
      %dma_start3A_84 = arith.constant 0 : i32
      %dma_start3A_85 = arith.constant 0 : i32
      %dma_start3A_86 = tpu.memref_slice %arg14[%dma_start3A_82, %dma_start3A_83, %dma_start3A_84, %dma_start3A_85] : memref<2x2x128x32xf32, #tpu.memory_space<vmem>> -> memref<1x1x128x32xf32, #tpu.memory_space<vmem>>
      %dma_start3A_87 = tpu.memref_squeeze %dma_start3A_86 : memref<1x1x128x32xf32, #tpu.memory_space<vmem>> -> memref<128x32xf32, #tpu.memory_space<vmem>>
      %dma_start3A_88 = arith.constant 0 : i32
      %dma_start3A_89 = tpu.memref_slice %arg13[%dma_start3A_80, %dma_start3A_81, %dma_start3A_88] : memref<2x4x128xi32, #tpu.memory_space<vmem>> -> memref<1x1x128xi32, #tpu.memory_space<vmem>>
      %dma_start3A_90 = tpu.memref_squeeze %dma_start3A_89 : memref<1x1x128xi32, #tpu.memory_space<vmem>> -> memref<128xi32, #tpu.memory_space<vmem>>
      %dma_start3A_91 = arith.constant 0 : i32
      %dma_start3A_92 = arith.constant 0 : i32
      %dma_start3A_93 = tpu.memref_slice %arg3[%dma_start3A_91, %dma_start3A_92] : memref<50000x32xf32, #tpu.memory_space<hbm>> -> memref<50000x32xf32, #tpu.memory_space<hbm>>
      tpu.enqueue_indirect_dma source(%dma_start3A_93 : memref<50000x32xf32, #tpu.memory_space<hbm>>) target(%dma_start3A_87 : memref<128x32xf32, #tpu.memory_space<vmem>>) offsets(%dma_start3A_90 : memref<128xi32, #tpu.memory_space<vmem>>) semaphore(%arg17 : memref<!tpu.dma_semaphore, #tpu.memory_space<semaphore_mem>>)
      %dma_start3A_94 = arith.constant 0 : i32
      %dma_start3A_95 = arith.constant 1 : i32
      %dma_start3A_96 = arith.constant 0 : i32
      %dma_start3A_97 = arith.constant 1 : i32
      %dma_start3A_98 = arith.constant 0 : i32
      %dma_start3A_99 = arith.constant 0 : i32
      %dma_start3A_100 = tpu.memref_slice %arg14[%dma_start3A_96, %dma_start3A_97, %dma_start3A_98, %dma_start3A_99] : memref<2x2x128x32xf32, #tpu.memory_space<vmem>> -> memref<1x1x128x32xf32, #tpu.memory_space<vmem>>
      %dma_start3A_101 = tpu.memref_squeeze %dma_start3A_100 : memref<1x1x128x32xf32, #tpu.memory_space<vmem>> -> memref<128x32xf32, #tpu.memory_space<vmem>>
      %dma_start3A_102 = arith.constant 0 : i32
      %dma_start3A_103 = tpu.memref_slice %arg13[%dma_start3A_94, %dma_start3A_95, %dma_start3A_102] : memref<2x4x128xi32, #tpu.memory_space<vmem>> -> memref<1x1x128xi32, #tpu.memory_space<vmem>>
      %dma_start3A_104 = tpu.memref_squeeze %dma_start3A_103 : memref<1x1x128xi32, #tpu.memory_space<vmem>> -> memref<128xi32, #tpu.memory_space<vmem>>
      %dma_start3A_105 = arith.constant 0 : i32
      %dma_start3A_106 = arith.constant 0 : i32
      %dma_start3A_107 = tpu.memref_slice %arg3[%dma_start3A_105, %dma_start3A_106] : memref<50000x32xf32, #tpu.memory_space<hbm>> -> memref<50000x32xf32, #tpu.memory_space<hbm>>
      tpu.enqueue_indirect_dma source(%dma_start3A_107 : memref<50000x32xf32, #tpu.memory_space<hbm>>) target(%dma_start3A_101 : memref<128x32xf32, #tpu.memory_space<vmem>>) offsets(%dma_start3A_104 : memref<128xi32, #tpu.memory_space<vmem>>) semaphore(%arg17 : memref<!tpu.dma_semaphore, #tpu.memory_space<semaphore_mem>>)
      %mul3A_108 = arith.constant 784 : i32
      %mul3A_109 = arith.muli %arg1, %mul3A_108 : i32
      %add3A_110 = arith.constant 2 : i32
      %add3A_111 = arith.addi %mul3A_109, %add3A_110 : i32
      %dma_start3A_112 = arith.constant 1 : i32
      %dma_start3A_113 = arith.constant 0 : i32
      %dma_start3A_114 = arith.constant 0 : i32
      %dma_start3A_115 = tpu.memref_slice %arg13[%dma_start3A_112, %dma_start3A_113, %dma_start3A_114] : memref<2x4x128xi32, #tpu.memory_space<vmem>> -> memref<1x2x128xi32, #tpu.memory_space<vmem>>
      %dma_start3A_116 = tpu.memref_squeeze %dma_start3A_115 : memref<1x2x128xi32, #tpu.memory_space<vmem>> -> memref<2x128xi32, #tpu.memory_space<vmem>>
      %dma_start3A_117 = arith.constant 0 : i32
      %dma_start3A_118 = tpu.memref_slice %arg6[%add3A_111, %dma_start3A_117] : memref<12544x128xi32, #tpu.memory_space<hbm>> -> memref<2x128xi32, #tpu.memory_space<hbm>>
      %dma_start3A_119 = arith.constant 0 : i32
      %dma_start3A_120 = arith.constant 0 : i32
      %dma_start3A_121 = tpu.memref_slice %arg13[%dma_start3A_112, %dma_start3A_119, %dma_start3A_120] : memref<2x4x128xi32, #tpu.memory_space<vmem>> -> memref<1x2x128xi32, #tpu.memory_space<vmem>>
      %dma_start3A_122 = tpu.memref_squeeze %dma_start3A_121 : memref<1x2x128xi32, #tpu.memory_space<vmem>> -> memref<2x128xi32, #tpu.memory_space<vmem>>
      %dma_start3A_123 = arith.constant 0 : i32
      %dma_start3A_124 = tpu.memref_slice %arg6[%add3A_111, %dma_start3A_123] : memref<12544x128xi32, #tpu.memory_space<hbm>> -> memref<2x128xi32, #tpu.memory_space<hbm>>
      tpu.enqueue_dma source(%dma_start3A_124 : memref<2x128xi32, #tpu.memory_space<hbm>>) target(%dma_start3A_122 : memref<2x128xi32, #tpu.memory_space<vmem>>) target_semaphore(%arg16 : memref<!tpu.dma_semaphore, #tpu.memory_space<semaphore_mem>>)
      %dma_start3A_125 = arith.constant 1 : i32
      %dma_start3A_126 = arith.constant 2 : i32
      %dma_start3A_127 = arith.constant 0 : i32
      %dma_start3A_128 = tpu.memref_slice %arg13[%dma_start3A_125, %dma_start3A_126, %dma_start3A_127] : memref<2x4x128xi32, #tpu.memory_space<vmem>> -> memref<1x2x128xi32, #tpu.memory_space<vmem>>
      %dma_start3A_129 = tpu.memref_squeeze %dma_start3A_128 : memref<1x2x128xi32, #tpu.memory_space<vmem>> -> memref<2x128xi32, #tpu.memory_space<vmem>>
      %dma_start3A_130 = arith.constant 0 : i32
      %dma_start3A_131 = tpu.memref_slice %arg7[%add3A_111, %dma_start3A_130] : memref<12544x128xi32, #tpu.memory_space<hbm>> -> memref<2x128xi32, #tpu.memory_space<hbm>>
      %dma_start3A_132 = arith.constant 2 : i32
      %dma_start3A_133 = arith.constant 0 : i32
      %dma_start3A_134 = tpu.memref_slice %arg13[%dma_start3A_125, %dma_start3A_132, %dma_start3A_133] : memref<2x4x128xi32, #tpu.memory_space<vmem>> -> memref<1x2x128xi32, #tpu.memory_space<vmem>>
      %dma_start3A_135 = tpu.memref_squeeze %dma_start3A_134 : memref<1x2x128xi32, #tpu.memory_space<vmem>> -> memref<2x128xi32, #tpu.memory_space<vmem>>
      %dma_start3A_136 = arith.constant 0 : i32
      %dma_start3A_137 = tpu.memref_slice %arg7[%add3A_111, %dma_start3A_136] : memref<12544x128xi32, #tpu.memory_space<hbm>> -> memref<2x128xi32, #tpu.memory_space<hbm>>
      tpu.enqueue_dma source(%dma_start3A_137 : memref<2x128xi32, #tpu.memory_space<hbm>>) target(%dma_start3A_135 : memref<2x128xi32, #tpu.memory_space<vmem>>) target_semaphore(%arg16 : memref<!tpu.dma_semaphore, #tpu.memory_space<semaphore_mem>>)
      %scan3A = arith.constant 0 : i32
      %scan3A_138 = arith.constant 0 : i32
      %scan3A_139 = arith.constant 196 : i32
      %scan3A_140 = arith.addi %scan3A_138, %scan3A_139 : i32
      %scan3A_141 = arith.constant 1 : i32
      %scan3A_142 = scf.for %scan3A_181 = %scan3A_138 to %scan3A_140 step %scan3A_141 iter_args(%scan3A_182 = %scan3A) -> (i32)  : i32 {
        %dma_wait3A_183 = arith.constant 0 : i32
        %dma_wait3A_184 = arith.constant 0 : i32
        %dma_wait3A_185 = arith.constant 0 : i32
        %dma_wait3A_186 = arith.constant 0 : i32
        %dma_wait3A_187 = tpu.memref_slice %arg14[%dma_wait3A_183, %dma_wait3A_184, %dma_wait3A_185, %dma_wait3A_186] : memref<2x2x128x32xf32, #tpu.memory_space<vmem>> -> memref<1x1x128x32xf32, #tpu.memory_space<vmem>>
        %dma_wait3A_188 = tpu.memref_squeeze %dma_wait3A_187 : memref<1x1x128x32xf32, #tpu.memory_space<vmem>> -> memref<128x32xf32, #tpu.memory_space<vmem>>
        %dma_wait3A_189 = arith.constant 0 : i32
        %dma_wait3A_190 = arith.constant 0 : i32
        %dma_wait3A_191 = tpu.memref_slice %arg3[%dma_wait3A_189, %dma_wait3A_190] : memref<50000x32xf32, #tpu.memory_space<hbm>> -> memref<128x32xf32, #tpu.memory_space<hbm>>
        %dma_wait3A_192 = arith.constant 0 : i32
        %dma_wait3A_193 = arith.constant 0 : i32
        %dma_wait3A_194 = tpu.memref_slice %arg14[%dma_wait3A_183, %dma_wait3A_184, %dma_wait3A_192, %dma_wait3A_193] : memref<2x2x128x32xf32, #tpu.memory_space<vmem>> -> memref<1x1x128x32xf32, #tpu.memory_space<vmem>>
        %dma_wait3A_195 = tpu.memref_squeeze %dma_wait3A_194 : memref<1x1x128x32xf32, #tpu.memory_space<vmem>> -> memref<128x32xf32, #tpu.memory_space<vmem>>
        %dma_wait3A_196 = arith.constant 0 : i32
        %dma_wait3A_197 = arith.constant 0 : i32
        %dma_wait3A_198 = tpu.memref_slice %arg3[%dma_wait3A_196, %dma_wait3A_197] : memref<50000x32xf32, #tpu.memory_space<hbm>> -> memref<128x32xf32, #tpu.memory_space<hbm>>
        tpu.wait_dma2 semaphore(%arg17 : memref<!tpu.dma_semaphore, #tpu.memory_space<semaphore_mem>>) src(%dma_wait3A_198 : memref<128x32xf32, #tpu.memory_space<hbm>>) dst(%dma_wait3A_195 : memref<128x32xf32, #tpu.memory_space<vmem>>)
        %dma_wait3A_199 = arith.constant 0 : i32
        %dma_wait3A_200 = arith.constant 1 : i32
        %dma_wait3A_201 = arith.constant 0 : i32
        %dma_wait3A_202 = arith.constant 0 : i32
        %dma_wait3A_203 = tpu.memref_slice %arg14[%dma_wait3A_199, %dma_wait3A_200, %dma_wait3A_201, %dma_wait3A_202] : memref<2x2x128x32xf32, #tpu.memory_space<vmem>> -> memref<1x1x128x32xf32, #tpu.memory_space<vmem>>
        %dma_wait3A_204 = tpu.memref_squeeze %dma_wait3A_203 : memref<1x1x128x32xf32, #tpu.memory_space<vmem>> -> memref<128x32xf32, #tpu.memory_space<vmem>>
        %dma_wait3A_205 = arith.constant 0 : i32
        %dma_wait3A_206 = arith.constant 0 : i32
        %dma_wait3A_207 = tpu.memref_slice %arg3[%dma_wait3A_205, %dma_wait3A_206] : memref<50000x32xf32, #tpu.memory_space<hbm>> -> memref<128x32xf32, #tpu.memory_space<hbm>>
        %dma_wait3A_208 = arith.constant 0 : i32
        %dma_wait3A_209 = arith.constant 0 : i32
        %dma_wait3A_210 = tpu.memref_slice %arg14[%dma_wait3A_199, %dma_wait3A_200, %dma_wait3A_208, %dma_wait3A_209] : memref<2x2x128x32xf32, #tpu.memory_space<vmem>> -> memref<1x1x128x32xf32, #tpu.memory_space<vmem>>
        %dma_wait3A_211 = tpu.memref_squeeze %dma_wait3A_210 : memref<1x1x128x32xf32, #tpu.memory_space<vmem>> -> memref<128x32xf32, #tpu.memory_space<vmem>>
        %dma_wait3A_212 = arith.constant 0 : i32
        %dma_wait3A_213 = arith.constant 0 : i32
        %dma_wait3A_214 = tpu.memref_slice %arg3[%dma_wait3A_212, %dma_wait3A_213] : memref<50000x32xf32, #tpu.memory_space<hbm>> -> memref<128x32xf32, #tpu.memory_space<hbm>>
        tpu.wait_dma2 semaphore(%arg17 : memref<!tpu.dma_semaphore, #tpu.memory_space<semaphore_mem>>) src(%dma_wait3A_214 : memref<128x32xf32, #tpu.memory_space<hbm>>) dst(%dma_wait3A_211 : memref<128x32xf32, #tpu.memory_space<vmem>>)
        %dma_start3A_215 = arith.constant 0 : i32
        %dma_start3A_216 = arith.constant 0 : i32
        %dma_start3A_217 = arith.constant 0 : i32
        %dma_start3A_218 = arith.constant 2 : i32
        %dma_start3A_219 = arith.constant 0 : i32
        %dma_start3A_220 = arith.constant 0 : i32
        %dma_start3A_221 = tpu.memref_slice %arg14[%dma_start3A_215, %dma_start3A_216, %dma_start3A_219, %dma_start3A_220] : memref<2x2x128x32xf32, #tpu.memory_space<vmem>> -> memref<1x1x128x32xf32, #tpu.memory_space<vmem>>
        %dma_start3A_222 = tpu.memref_squeeze %dma_start3A_221 : memref<1x1x128x32xf32, #tpu.memory_space<vmem>> -> memref<128x32xf32, #tpu.memory_space<vmem>>
        %dma_start3A_223 = arith.constant 0 : i32
        %dma_start3A_224 = tpu.memref_slice %arg13[%dma_start3A_217, %dma_start3A_218, %dma_start3A_223] : memref<2x4x128xi32, #tpu.memory_space<vmem>> -> memref<1x1x128xi32, #tpu.memory_space<vmem>>
        %dma_start3A_225 = tpu.memref_squeeze %dma_start3A_224 : memref<1x1x128xi32, #tpu.memory_space<vmem>> -> memref<128xi32, #tpu.memory_space<vmem>>
        %dma_start3A_226 = arith.constant 0 : i32
        %dma_start3A_227 = arith.constant 0 : i32
        %dma_start3A_228 = tpu.memref_slice %arg15[%dma_start3A_226, %dma_start3A_227] : memref<51200x32xf32, #tpu.memory_space<vmem_shared>> -> memref<51200x32xf32, #tpu.memory_space<vmem_shared>>
        tpu.enqueue_indirect_dma source(%dma_start3A_222 : memref<128x32xf32, #tpu.memory_space<vmem>>) target(%dma_start3A_228 : memref<51200x32xf32, #tpu.memory_space<vmem_shared>>) offsets(%dma_start3A_225 : memref<128xi32, #tpu.memory_space<vmem>>) semaphore(%arg18 : memref<!tpu.dma_semaphore, #tpu.memory_space<semaphore_mem>>) {add = true}
        %dma_start3A_229 = arith.constant 0 : i32
        %dma_start3A_230 = arith.constant 1 : i32
        %dma_start3A_231 = arith.constant 0 : i32
        %dma_start3A_232 = arith.constant 3 : i32
        %dma_start3A_233 = arith.constant 0 : i32
        %dma_start3A_234 = arith.constant 0 : i32
        %dma_start3A_235 = tpu.memref_slice %arg14[%dma_start3A_229, %dma_start3A_230, %dma_start3A_233, %dma_start3A_234] : memref<2x2x128x32xf32, #tpu.memory_space<vmem>> -> memref<1x1x128x32xf32, #tpu.memory_space<vmem>>
        %dma_start3A_236 = tpu.memref_squeeze %dma_start3A_235 : memref<1x1x128x32xf32, #tpu.memory_space<vmem>> -> memref<128x32xf32, #tpu.memory_space<vmem>>
        %dma_start3A_237 = arith.constant 0 : i32
        %dma_start3A_238 = tpu.memref_slice %arg13[%dma_start3A_231, %dma_start3A_232, %dma_start3A_237] : memref<2x4x128xi32, #tpu.memory_space<vmem>> -> memref<1x1x128xi32, #tpu.memory_space<vmem>>
        %dma_start3A_239 = tpu.memref_squeeze %dma_start3A_238 : memref<1x1x128xi32, #tpu.memory_space<vmem>> -> memref<128xi32, #tpu.memory_space<vmem>>
        %dma_start3A_240 = arith.constant 0 : i32
        %dma_start3A_241 = arith.constant 0 : i32
        %dma_start3A_242 = tpu.memref_slice %arg15[%dma_start3A_240, %dma_start3A_241] : memref<51200x32xf32, #tpu.memory_space<vmem_shared>> -> memref<51200x32xf32, #tpu.memory_space<vmem_shared>>
        tpu.enqueue_indirect_dma source(%dma_start3A_236 : memref<128x32xf32, #tpu.memory_space<vmem>>) target(%dma_start3A_242 : memref<51200x32xf32, #tpu.memory_space<vmem_shared>>) offsets(%dma_start3A_239 : memref<128xi32, #tpu.memory_space<vmem>>) semaphore(%arg18 : memref<!tpu.dma_semaphore, #tpu.memory_space<semaphore_mem>>) {add = true}
        %gt3A = arith.constant 0 : i32
        %gt3A_243 = arith.cmpi sgt, %scan3A_181, %gt3A : i32
        %convert_element_type3A_244 = arith.extui %gt3A_243 : i1 to i32
        %cond3A_245 = arith.constant 0 : i32
        %cond3A_246 = arith.cmpi ne, %convert_element_type3A_244, %cond3A_245 : i32
        scf.if %cond3A_246 {
          %dma_wait3A_402 = arith.constant 1 : i32
          %dma_wait3A_403 = arith.constant 0 : i32
          %dma_wait3A_404 = arith.constant 0 : i32
          %dma_wait3A_405 = arith.constant 0 : i32
          %dma_wait3A_406 = tpu.memref_slice %arg14[%dma_wait3A_402, %dma_wait3A_403, %dma_wait3A_404, %dma_wait3A_405] : memref<2x2x128x32xf32, #tpu.memory_space<vmem>> -> memref<1x1x128x32xf32, #tpu.memory_space<vmem>>
          %dma_wait3A_407 = tpu.memref_squeeze %dma_wait3A_406 : memref<1x1x128x32xf32, #tpu.memory_space<vmem>> -> memref<128x32xf32, #tpu.memory_space<vmem>>
          %dma_wait3A_408 = arith.constant 0 : i32
          %dma_wait3A_409 = arith.constant 0 : i32
          %dma_wait3A_410 = tpu.memref_slice %arg3[%dma_wait3A_408, %dma_wait3A_409] : memref<50000x32xf32, #tpu.memory_space<hbm>> -> memref<128x32xf32, #tpu.memory_space<hbm>>
          %dma_wait3A_411 = arith.constant 0 : i32
          %dma_wait3A_412 = arith.constant 0 : i32
          %dma_wait3A_413 = tpu.memref_slice %arg14[%dma_wait3A_402, %dma_wait3A_403, %dma_wait3A_411, %dma_wait3A_412] : memref<2x2x128x32xf32, #tpu.memory_space<vmem>> -> memref<1x1x128x32xf32, #tpu.memory_space<vmem>>
          %dma_wait3A_414 = tpu.memref_squeeze %dma_wait3A_413 : memref<1x1x128x32xf32, #tpu.memory_space<vmem>> -> memref<128x32xf32, #tpu.memory_space<vmem>>
          %dma_wait3A_415 = arith.constant 0 : i32
          %dma_wait3A_416 = arith.constant 0 : i32
          %dma_wait3A_417 = tpu.memref_slice %arg3[%dma_wait3A_415, %dma_wait3A_416] : memref<50000x32xf32, #tpu.memory_space<hbm>> -> memref<128x32xf32, #tpu.memory_space<hbm>>
          tpu.wait_dma2 semaphore(%arg19 : memref<!tpu.dma_semaphore, #tpu.memory_space<semaphore_mem>>) src(%dma_wait3A_417 : memref<128x32xf32, #tpu.memory_space<hbm>>) dst(%dma_wait3A_414 : memref<128x32xf32, #tpu.memory_space<vmem>>)
          %dma_wait3A_418 = arith.constant 1 : i32
          %dma_wait3A_419 = arith.constant 1 : i32
          %dma_wait3A_420 = arith.constant 0 : i32
          %dma_wait3A_421 = arith.constant 0 : i32
          %dma_wait3A_422 = tpu.memref_slice %arg14[%dma_wait3A_418, %dma_wait3A_419, %dma_wait3A_420, %dma_wait3A_421] : memref<2x2x128x32xf32, #tpu.memory_space<vmem>> -> memref<1x1x128x32xf32, #tpu.memory_space<vmem>>
          %dma_wait3A_423 = tpu.memref_squeeze %dma_wait3A_422 : memref<1x1x128x32xf32, #tpu.memory_space<vmem>> -> memref<128x32xf32, #tpu.memory_space<vmem>>
          %dma_wait3A_424 = arith.constant 0 : i32
          %dma_wait3A_425 = arith.constant 0 : i32
          %dma_wait3A_426 = tpu.memref_slice %arg3[%dma_wait3A_424, %dma_wait3A_425] : memref<50000x32xf32, #tpu.memory_space<hbm>> -> memref<128x32xf32, #tpu.memory_space<hbm>>
          %dma_wait3A_427 = arith.constant 0 : i32
          %dma_wait3A_428 = arith.constant 0 : i32
          %dma_wait3A_429 = tpu.memref_slice %arg14[%dma_wait3A_418, %dma_wait3A_419, %dma_wait3A_427, %dma_wait3A_428] : memref<2x2x128x32xf32, #tpu.memory_space<vmem>> -> memref<1x1x128x32xf32, #tpu.memory_space<vmem>>
          %dma_wait3A_430 = tpu.memref_squeeze %dma_wait3A_429 : memref<1x1x128x32xf32, #tpu.memory_space<vmem>> -> memref<128x32xf32, #tpu.memory_space<vmem>>
          %dma_wait3A_431 = arith.constant 0 : i32
          %dma_wait3A_432 = arith.constant 0 : i32
          %dma_wait3A_433 = tpu.memref_slice %arg3[%dma_wait3A_431, %dma_wait3A_432] : memref<50000x32xf32, #tpu.memory_space<hbm>> -> memref<128x32xf32, #tpu.memory_space<hbm>>
          tpu.wait_dma2 semaphore(%arg19 : memref<!tpu.dma_semaphore, #tpu.memory_space<semaphore_mem>>) src(%dma_wait3A_433 : memref<128x32xf32, #tpu.memory_space<hbm>>) dst(%dma_wait3A_430 : memref<128x32xf32, #tpu.memory_space<vmem>>)
          %mul3A_434 = arith.constant 2 : i32
          %mul3A_435 = arith.muli %mul3A_434, %scan3A_181 : i32
          %add3A_436 = arith.constant 1 : i32
          %add3A_437 = arith.addi %mul3A_435, %add3A_436 : i32
          %mul3A_438 = arith.constant 784 : i32
          %mul3A_439 = arith.muli %arg1, %mul3A_438 : i32
          %mul3A_440 = arith.constant 2 : i32
          %mul3A_441 = arith.muli %mul3A_440, %add3A_437 : i32
          %add3A_442 = arith.addi %mul3A_439, %mul3A_441 : i32
          %dma_start3A_443 = arith.constant 1 : i32
          %dma_start3A_444 = arith.constant 0 : i32
          %dma_start3A_445 = arith.constant 0 : i32
          %dma_start3A_446 = tpu.memref_slice %arg13[%dma_start3A_443, %dma_start3A_444, %dma_start3A_445] : memref<2x4x128xi32, #tpu.memory_space<vmem>> -> memref<1x2x128xi32, #tpu.memory_space<vmem>>
          %dma_start3A_447 = tpu.memref_squeeze %dma_start3A_446 : memref<1x2x128xi32, #tpu.memory_space<vmem>> -> memref<2x128xi32, #tpu.memory_space<vmem>>
          %dma_start3A_448 = arith.constant 0 : i32
          %dma_start3A_449 = tpu.memref_slice %arg6[%add3A_442, %dma_start3A_448] : memref<12544x128xi32, #tpu.memory_space<hbm>> -> memref<2x128xi32, #tpu.memory_space<hbm>>
          %dma_start3A_450 = arith.constant 0 : i32
          %dma_start3A_451 = arith.constant 0 : i32
          %dma_start3A_452 = tpu.memref_slice %arg13[%dma_start3A_443, %dma_start3A_450, %dma_start3A_451] : memref<2x4x128xi32, #tpu.memory_space<vmem>> -> memref<1x2x128xi32, #tpu.memory_space<vmem>>
          %dma_start3A_453 = tpu.memref_squeeze %dma_start3A_452 : memref<1x2x128xi32, #tpu.memory_space<vmem>> -> memref<2x128xi32, #tpu.memory_space<vmem>>
          %dma_start3A_454 = arith.constant 0 : i32
          %dma_start3A_455 = tpu.memref_slice %arg6[%add3A_442, %dma_start3A_454] : memref<12544x128xi32, #tpu.memory_space<hbm>> -> memref<2x128xi32, #tpu.memory_space<hbm>>
          tpu.enqueue_dma source(%dma_start3A_455 : memref<2x128xi32, #tpu.memory_space<hbm>>) target(%dma_start3A_453 : memref<2x128xi32, #tpu.memory_space<vmem>>) target_semaphore(%arg16 : memref<!tpu.dma_semaphore, #tpu.memory_space<semaphore_mem>>)
          %dma_start3A_456 = arith.constant 1 : i32
          %dma_start3A_457 = arith.constant 2 : i32
          %dma_start3A_458 = arith.constant 0 : i32
          %dma_start3A_459 = tpu.memref_slice %arg13[%dma_start3A_456, %dma_start3A_457, %dma_start3A_458] : memref<2x4x128xi32, #tpu.memory_space<vmem>> -> memref<1x2x128xi32, #tpu.memory_space<vmem>>
          %dma_start3A_460 = tpu.memref_squeeze %dma_start3A_459 : memref<1x2x128xi32, #tpu.memory_space<vmem>> -> memref<2x128xi32, #tpu.memory_space<vmem>>
          %dma_start3A_461 = arith.constant 0 : i32
          %dma_start3A_462 = tpu.memref_slice %arg7[%add3A_442, %dma_start3A_461] : memref<12544x128xi32, #tpu.memory_space<hbm>> -> memref<2x128xi32, #tpu.memory_space<hbm>>
          %dma_start3A_463 = arith.constant 2 : i32
          %dma_start3A_464 = arith.constant 0 : i32
          %dma_start3A_465 = tpu.memref_slice %arg13[%dma_start3A_456, %dma_start3A_463, %dma_start3A_464] : memref<2x4x128xi32, #tpu.memory_space<vmem>> -> memref<1x2x128xi32, #tpu.memory_space<vmem>>
          %dma_start3A_466 = tpu.memref_squeeze %dma_start3A_465 : memref<1x2x128xi32, #tpu.memory_space<vmem>> -> memref<2x128xi32, #tpu.memory_space<vmem>>
          %dma_start3A_467 = arith.constant 0 : i32
          %dma_start3A_468 = tpu.memref_slice %arg7[%add3A_442, %dma_start3A_467] : memref<12544x128xi32, #tpu.memory_space<hbm>> -> memref<2x128xi32, #tpu.memory_space<hbm>>
          tpu.enqueue_dma source(%dma_start3A_468 : memref<2x128xi32, #tpu.memory_space<hbm>>) target(%dma_start3A_466 : memref<2x128xi32, #tpu.memory_space<vmem>>) target_semaphore(%arg16 : memref<!tpu.dma_semaphore, #tpu.memory_space<semaphore_mem>>)
        } else {
        }
        %dma_wait3A_247 = arith.constant 1 : i32
        %dma_wait3A_248 = arith.constant 0 : i32
        %dma_wait3A_249 = arith.constant 0 : i32
        %dma_wait3A_250 = tpu.memref_slice %arg13[%dma_wait3A_247, %dma_wait3A_248, %dma_wait3A_249] : memref<2x4x128xi32, #tpu.memory_space<vmem>> -> memref<1x2x128xi32, #tpu.memory_space<vmem>>
        %dma_wait3A_251 = tpu.memref_squeeze %dma_wait3A_250 : memref<1x2x128xi32, #tpu.memory_space<vmem>> -> memref<2x128xi32, #tpu.memory_space<vmem>>
        %dma_wait3A_252 = arith.constant 0 : i32
        %dma_wait3A_253 = arith.constant 0 : i32
        %dma_wait3A_254 = tpu.memref_slice %arg6[%dma_wait3A_252, %dma_wait3A_253] : memref<12544x128xi32, #tpu.memory_space<hbm>> -> memref<2x128xi32, #tpu.memory_space<hbm>>
        %dma_wait3A_255 = arith.constant 0 : i32
        %dma_wait3A_256 = arith.constant 0 : i32
        %dma_wait3A_257 = tpu.memref_slice %arg13[%dma_wait3A_247, %dma_wait3A_255, %dma_wait3A_256] : memref<2x4x128xi32, #tpu.memory_space<vmem>> -> memref<1x2x128xi32, #tpu.memory_space<vmem>>
        %dma_wait3A_258 = tpu.memref_squeeze %dma_wait3A_257 : memref<1x2x128xi32, #tpu.memory_space<vmem>> -> memref<2x128xi32, #tpu.memory_space<vmem>>
        %dma_wait3A_259 = arith.constant 0 : i32
        %dma_wait3A_260 = arith.constant 0 : i32
        %dma_wait3A_261 = tpu.memref_slice %arg6[%dma_wait3A_259, %dma_wait3A_260] : memref<12544x128xi32, #tpu.memory_space<hbm>> -> memref<2x128xi32, #tpu.memory_space<hbm>>
        tpu.wait_dma2 semaphore(%arg16 : memref<!tpu.dma_semaphore, #tpu.memory_space<semaphore_mem>>) src(%dma_wait3A_261 : memref<2x128xi32, #tpu.memory_space<hbm>>) dst(%dma_wait3A_258 : memref<2x128xi32, #tpu.memory_space<vmem>>)
        %dma_wait3A_262 = arith.constant 1 : i32
        %dma_wait3A_263 = arith.constant 2 : i32
        %dma_wait3A_264 = arith.constant 0 : i32
        %dma_wait3A_265 = tpu.memref_slice %arg13[%dma_wait3A_262, %dma_wait3A_263, %dma_wait3A_264] : memref<2x4x128xi32, #tpu.memory_space<vmem>> -> memref<1x2x128xi32, #tpu.memory_space<vmem>>
        %dma_wait3A_266 = tpu.memref_squeeze %dma_wait3A_265 : memref<1x2x128xi32, #tpu.memory_space<vmem>> -> memref<2x128xi32, #tpu.memory_space<vmem>>
        %dma_wait3A_267 = arith.constant 0 : i32
        %dma_wait3A_268 = arith.constant 0 : i32
        %dma_wait3A_269 = tpu.memref_slice %arg6[%dma_wait3A_267, %dma_wait3A_268] : memref<12544x128xi32, #tpu.memory_space<hbm>> -> memref<2x128xi32, #tpu.memory_space<hbm>>
        %dma_wait3A_270 = arith.constant 2 : i32
        %dma_wait3A_271 = arith.constant 0 : i32
        %dma_wait3A_272 = tpu.memref_slice %arg13[%dma_wait3A_262, %dma_wait3A_270, %dma_wait3A_271] : memref<2x4x128xi32, #tpu.memory_space<vmem>> -> memref<1x2x128xi32, #tpu.memory_space<vmem>>
        %dma_wait3A_273 = tpu.memref_squeeze %dma_wait3A_272 : memref<1x2x128xi32, #tpu.memory_space<vmem>> -> memref<2x128xi32, #tpu.memory_space<vmem>>
        %dma_wait3A_274 = arith.constant 0 : i32
        %dma_wait3A_275 = arith.constant 0 : i32
        %dma_wait3A_276 = tpu.memref_slice %arg6[%dma_wait3A_274, %dma_wait3A_275] : memref<12544x128xi32, #tpu.memory_space<hbm>> -> memref<2x128xi32, #tpu.memory_space<hbm>>
        tpu.wait_dma2 semaphore(%arg16 : memref<!tpu.dma_semaphore, #tpu.memory_space<semaphore_mem>>) src(%dma_wait3A_276 : memref<2x128xi32, #tpu.memory_space<hbm>>) dst(%dma_wait3A_273 : memref<2x128xi32, #tpu.memory_space<vmem>>)
        %dma_start3A_277 = arith.constant 1 : i32
        %dma_start3A_278 = arith.constant 0 : i32
        %dma_start3A_279 = arith.constant 1 : i32
        %dma_start3A_280 = arith.constant 0 : i32
        %dma_start3A_281 = arith.constant 0 : i32
        %dma_start3A_282 = arith.constant 0 : i32
        %dma_start3A_283 = tpu.memref_slice %arg14[%dma_start3A_279, %dma_start3A_280, %dma_start3A_281, %dma_start3A_282] : memref<2x2x128x32xf32, #tpu.memory_space<vmem>> -> memref<1x1x128x32xf32, #tpu.memory_space<vmem>>
        %dma_start3A_284 = tpu.memref_squeeze %dma_start3A_283 : memref<1x1x128x32xf32, #tpu.memory_space<vmem>> -> memref<128x32xf32, #tpu.memory_space<vmem>>
        %dma_start3A_285 = arith.constant 0 : i32
        %dma_start3A_286 = tpu.memref_slice %arg13[%dma_start3A_277, %dma_start3A_278, %dma_start3A_285] : memref<2x4x128xi32, #tpu.memory_space<vmem>> -> memref<1x1x128xi32, #tpu.memory_space<vmem>>
        %dma_start3A_287 = tpu.memref_squeeze %dma_start3A_286 : memref<1x1x128xi32, #tpu.memory_space<vmem>> -> memref<128xi32, #tpu.memory_space<vmem>>
        %dma_start3A_288 = arith.constant 0 : i32
        %dma_start3A_289 = arith.constant 0 : i32
        %dma_start3A_290 = tpu.memref_slice %arg3[%dma_start3A_288, %dma_start3A_289] : memref<50000x32xf32, #tpu.memory_space<hbm>> -> memref<50000x32xf32, #tpu.memory_space<hbm>>
        tpu.enqueue_indirect_dma source(%dma_start3A_290 : memref<50000x32xf32, #tpu.memory_space<hbm>>) target(%dma_start3A_284 : memref<128x32xf32, #tpu.memory_space<vmem>>) offsets(%dma_start3A_287 : memref<128xi32, #tpu.memory_space<vmem>>) semaphore(%arg17 : memref<!tpu.dma_semaphore, #tpu.memory_space<semaphore_mem>>)
        %dma_start3A_291 = arith.constant 1 : i32
        %dma_start3A_292 = arith.constant 1 : i32
        %dma_start3A_293 = arith.constant 1 : i32
        %dma_start3A_294 = arith.constant 1 : i32
        %dma_start3A_295 = arith.constant 0 : i32
        %dma_start3A_296 = arith.constant 0 : i32
        %dma_start3A_297 = tpu.memref_slice %arg14[%dma_start3A_293, %dma_start3A_294, %dma_start3A_295, %dma_start3A_296] : memref<2x2x128x32xf32, #tpu.memory_space<vmem>> -> memref<1x1x128x32xf32, #tpu.memory_space<vmem>>
        %dma_start3A_298 = tpu.memref_squeeze %dma_start3A_297 : memref<1x1x128x32xf32, #tpu.memory_space<vmem>> -> memref<128x32xf32, #tpu.memory_space<vmem>>
        %dma_start3A_299 = arith.constant 0 : i32
        %dma_start3A_300 = tpu.memref_slice %arg13[%dma_start3A_291, %dma_start3A_292, %dma_start3A_299] : memref<2x4x128xi32, #tpu.memory_space<vmem>> -> memref<1x1x128xi32, #tpu.memory_space<vmem>>
        %dma_start3A_301 = tpu.memref_squeeze %dma_start3A_300 : memref<1x1x128xi32, #tpu.memory_space<vmem>> -> memref<128xi32, #tpu.memory_space<vmem>>
        %dma_start3A_302 = arith.constant 0 : i32
        %dma_start3A_303 = arith.constant 0 : i32
        %dma_start3A_304 = tpu.memref_slice %arg3[%dma_start3A_302, %dma_start3A_303] : memref<50000x32xf32, #tpu.memory_space<hbm>> -> memref<50000x32xf32, #tpu.memory_space<hbm>>
        tpu.enqueue_indirect_dma source(%dma_start3A_304 : memref<50000x32xf32, #tpu.memory_space<hbm>>) target(%dma_start3A_298 : memref<128x32xf32, #tpu.memory_space<vmem>>) offsets(%dma_start3A_301 : memref<128xi32, #tpu.memory_space<vmem>>) semaphore(%arg17 : memref<!tpu.dma_semaphore, #tpu.memory_space<semaphore_mem>>)
        %dma_wait3A_305 = arith.constant 1 : i32
        %dma_wait3A_306 = arith.constant 0 : i32
        %dma_wait3A_307 = arith.constant 0 : i32
        %dma_wait3A_308 = arith.constant 0 : i32
        %dma_wait3A_309 = tpu.memref_slice %arg14[%dma_wait3A_305, %dma_wait3A_306, %dma_wait3A_307, %dma_wait3A_308] : memref<2x2x128x32xf32, #tpu.memory_space<vmem>> -> memref<1x1x128x32xf32, #tpu.memory_space<vmem>>
        %dma_wait3A_310 = tpu.memref_squeeze %dma_wait3A_309 : memref<1x1x128x32xf32, #tpu.memory_space<vmem>> -> memref<128x32xf32, #tpu.memory_space<vmem>>
        %dma_wait3A_311 = arith.constant 0 : i32
        %dma_wait3A_312 = arith.constant 0 : i32
        %dma_wait3A_313 = tpu.memref_slice %arg3[%dma_wait3A_311, %dma_wait3A_312] : memref<50000x32xf32, #tpu.memory_space<hbm>> -> memref<128x32xf32, #tpu.memory_space<hbm>>
        %dma_wait3A_314 = arith.constant 0 : i32
        %dma_wait3A_315 = arith.constant 0 : i32
        %dma_wait3A_316 = tpu.memref_slice %arg14[%dma_wait3A_305, %dma_wait3A_306, %dma_wait3A_314, %dma_wait3A_315] : memref<2x2x128x32xf32, #tpu.memory_space<vmem>> -> memref<1x1x128x32xf32, #tpu.memory_space<vmem>>
        %dma_wait3A_317 = tpu.memref_squeeze %dma_wait3A_316 : memref<1x1x128x32xf32, #tpu.memory_space<vmem>> -> memref<128x32xf32, #tpu.memory_space<vmem>>
        %dma_wait3A_318 = arith.constant 0 : i32
        %dma_wait3A_319 = arith.constant 0 : i32
        %dma_wait3A_320 = tpu.memref_slice %arg3[%dma_wait3A_318, %dma_wait3A_319] : memref<50000x32xf32, #tpu.memory_space<hbm>> -> memref<128x32xf32, #tpu.memory_space<hbm>>
        tpu.wait_dma2 semaphore(%arg17 : memref<!tpu.dma_semaphore, #tpu.memory_space<semaphore_mem>>) src(%dma_wait3A_320 : memref<128x32xf32, #tpu.memory_space<hbm>>) dst(%dma_wait3A_317 : memref<128x32xf32, #tpu.memory_space<vmem>>)
        %dma_wait3A_321 = arith.constant 1 : i32
        %dma_wait3A_322 = arith.constant 1 : i32
        %dma_wait3A_323 = arith.constant 0 : i32
        %dma_wait3A_324 = arith.constant 0 : i32
        %dma_wait3A_325 = tpu.memref_slice %arg14[%dma_wait3A_321, %dma_wait3A_322, %dma_wait3A_323, %dma_wait3A_324] : memref<2x2x128x32xf32, #tpu.memory_space<vmem>> -> memref<1x1x128x32xf32, #tpu.memory_space<vmem>>
        %dma_wait3A_326 = tpu.memref_squeeze %dma_wait3A_325 : memref<1x1x128x32xf32, #tpu.memory_space<vmem>> -> memref<128x32xf32, #tpu.memory_space<vmem>>
        %dma_wait3A_327 = arith.constant 0 : i32
        %dma_wait3A_328 = arith.constant 0 : i32
        %dma_wait3A_329 = tpu.memref_slice %arg3[%dma_wait3A_327, %dma_wait3A_328] : memref<50000x32xf32, #tpu.memory_space<hbm>> -> memref<128x32xf32, #tpu.memory_space<hbm>>
        %dma_wait3A_330 = arith.constant 0 : i32
        %dma_wait3A_331 = arith.constant 0 : i32
        %dma_wait3A_332 = tpu.memref_slice %arg14[%dma_wait3A_321, %dma_wait3A_322, %dma_wait3A_330, %dma_wait3A_331] : memref<2x2x128x32xf32, #tpu.memory_space<vmem>> -> memref<1x1x128x32xf32, #tpu.memory_space<vmem>>
        %dma_wait3A_333 = tpu.memref_squeeze %dma_wait3A_332 : memref<1x1x128x32xf32, #tpu.memory_space<vmem>> -> memref<128x32xf32, #tpu.memory_space<vmem>>
        %dma_wait3A_334 = arith.constant 0 : i32
        %dma_wait3A_335 = arith.constant 0 : i32
        %dma_wait3A_336 = tpu.memref_slice %arg3[%dma_wait3A_334, %dma_wait3A_335] : memref<50000x32xf32, #tpu.memory_space<hbm>> -> memref<128x32xf32, #tpu.memory_space<hbm>>
        tpu.wait_dma2 semaphore(%arg17 : memref<!tpu.dma_semaphore, #tpu.memory_space<semaphore_mem>>) src(%dma_wait3A_336 : memref<128x32xf32, #tpu.memory_space<hbm>>) dst(%dma_wait3A_333 : memref<128x32xf32, #tpu.memory_space<vmem>>)
        %dma_start3A_337 = arith.constant 1 : i32
        %dma_start3A_338 = arith.constant 0 : i32
        %dma_start3A_339 = arith.constant 1 : i32
        %dma_start3A_340 = arith.constant 2 : i32
        %dma_start3A_341 = arith.constant 0 : i32
        %dma_start3A_342 = arith.constant 0 : i32
        %dma_start3A_343 = tpu.memref_slice %arg14[%dma_start3A_337, %dma_start3A_338, %dma_start3A_341, %dma_start3A_342] : memref<2x2x128x32xf32, #tpu.memory_space<vmem>> -> memref<1x1x128x32xf32, #tpu.memory_space<vmem>>
        %dma_start3A_344 = tpu.memref_squeeze %dma_start3A_343 : memref<1x1x128x32xf32, #tpu.memory_space<vmem>> -> memref<128x32xf32, #tpu.memory_space<vmem>>
        %dma_start3A_345 = arith.constant 0 : i32
        %dma_start3A_346 = tpu.memref_slice %arg13[%dma_start3A_339, %dma_start3A_340, %dma_start3A_345] : memref<2x4x128xi32, #tpu.memory_space<vmem>> -> memref<1x1x128xi32, #tpu.memory_space<vmem>>
        %dma_start3A_347 = tpu.memref_squeeze %dma_start3A_346 : memref<1x1x128xi32, #tpu.memory_space<vmem>> -> memref<128xi32, #tpu.memory_space<vmem>>
        %dma_start3A_348 = arith.constant 0 : i32
        %dma_start3A_349 = arith.constant 0 : i32
        %dma_start3A_350 = tpu.memref_slice %arg15[%dma_start3A_348, %dma_start3A_349] : memref<51200x32xf32, #tpu.memory_space<vmem_shared>> -> memref<51200x32xf32, #tpu.memory_space<vmem_shared>>
        tpu.enqueue_indirect_dma source(%dma_start3A_344 : memref<128x32xf32, #tpu.memory_space<vmem>>) target(%dma_start3A_350 : memref<51200x32xf32, #tpu.memory_space<vmem_shared>>) offsets(%dma_start3A_347 : memref<128xi32, #tpu.memory_space<vmem>>) semaphore(%arg19 : memref<!tpu.dma_semaphore, #tpu.memory_space<semaphore_mem>>) {add = true}
        %dma_start3A_351 = arith.constant 1 : i32
        %dma_start3A_352 = arith.constant 1 : i32
        %dma_start3A_353 = arith.constant 1 : i32
        %dma_start3A_354 = arith.constant 3 : i32
        %dma_start3A_355 = arith.constant 0 : i32
        %dma_start3A_356 = arith.constant 0 : i32
        %dma_start3A_357 = tpu.memref_slice %arg14[%dma_start3A_351, %dma_start3A_352, %dma_start3A_355, %dma_start3A_356] : memref<2x2x128x32xf32, #tpu.memory_space<vmem>> -> memref<1x1x128x32xf32, #tpu.memory_space<vmem>>
        %dma_start3A_358 = tpu.memref_squeeze %dma_start3A_357 : memref<1x1x128x32xf32, #tpu.memory_space<vmem>> -> memref<128x32xf32, #tpu.memory_space<vmem>>
        %dma_start3A_359 = arith.constant 0 : i32
        %dma_start3A_360 = tpu.memref_slice %arg13[%dma_start3A_353, %dma_start3A_354, %dma_start3A_359] : memref<2x4x128xi32, #tpu.memory_space<vmem>> -> memref<1x1x128xi32, #tpu.memory_space<vmem>>
        %dma_start3A_361 = tpu.memref_squeeze %dma_start3A_360 : memref<1x1x128xi32, #tpu.memory_space<vmem>> -> memref<128xi32, #tpu.memory_space<vmem>>
        %dma_start3A_362 = arith.constant 0 : i32
        %dma_start3A_363 = arith.constant 0 : i32
        %dma_start3A_364 = tpu.memref_slice %arg15[%dma_start3A_362, %dma_start3A_363] : memref<51200x32xf32, #tpu.memory_space<vmem_shared>> -> memref<51200x32xf32, #tpu.memory_space<vmem_shared>>
        tpu.enqueue_indirect_dma source(%dma_start3A_358 : memref<128x32xf32, #tpu.memory_space<vmem>>) target(%dma_start3A_364 : memref<51200x32xf32, #tpu.memory_space<vmem_shared>>) offsets(%dma_start3A_361 : memref<128xi32, #tpu.memory_space<vmem>>) semaphore(%arg19 : memref<!tpu.dma_semaphore, #tpu.memory_space<semaphore_mem>>) {add = true}
        %dma_wait3A_365 = arith.constant 0 : i32
        %dma_wait3A_366 = arith.constant 0 : i32
        %dma_wait3A_367 = arith.constant 0 : i32
        %dma_wait3A_368 = arith.constant 0 : i32
        %dma_wait3A_369 = tpu.memref_slice %arg14[%dma_wait3A_365, %dma_wait3A_366, %dma_wait3A_367, %dma_wait3A_368] : memref<2x2x128x32xf32, #tpu.memory_space<vmem>> -> memref<1x1x128x32xf32, #tpu.memory_space<vmem>>
        %dma_wait3A_370 = tpu.memref_squeeze %dma_wait3A_369 : memref<1x1x128x32xf32, #tpu.memory_space<vmem>> -> memref<128x32xf32, #tpu.memory_space<vmem>>
        %dma_wait3A_371 = arith.constant 0 : i32
        %dma_wait3A_372 = arith.constant 0 : i32
        %dma_wait3A_373 = tpu.memref_slice %arg3[%dma_wait3A_371, %dma_wait3A_372] : memref<50000x32xf32, #tpu.memory_space<hbm>> -> memref<128x32xf32, #tpu.memory_space<hbm>>
        %dma_wait3A_374 = arith.constant 0 : i32
        %dma_wait3A_375 = arith.constant 0 : i32
        %dma_wait3A_376 = tpu.memref_slice %arg14[%dma_wait3A_365, %dma_wait3A_366, %dma_wait3A_374, %dma_wait3A_375] : memref<2x2x128x32xf32, #tpu.memory_space<vmem>> -> memref<1x1x128x32xf32, #tpu.memory_space<vmem>>
        %dma_wait3A_377 = tpu.memref_squeeze %dma_wait3A_376 : memref<1x1x128x32xf32, #tpu.memory_space<vmem>> -> memref<128x32xf32, #tpu.memory_space<vmem>>
        %dma_wait3A_378 = arith.constant 0 : i32
        %dma_wait3A_379 = arith.constant 0 : i32
        %dma_wait3A_380 = tpu.memref_slice %arg3[%dma_wait3A_378, %dma_wait3A_379] : memref<50000x32xf32, #tpu.memory_space<hbm>> -> memref<128x32xf32, #tpu.memory_space<hbm>>
        tpu.wait_dma2 semaphore(%arg18 : memref<!tpu.dma_semaphore, #tpu.memory_space<semaphore_mem>>) src(%dma_wait3A_380 : memref<128x32xf32, #tpu.memory_space<hbm>>) dst(%dma_wait3A_377 : memref<128x32xf32, #tpu.memory_space<vmem>>)
        %dma_wait3A_381 = arith.constant 0 : i32
        %dma_wait3A_382 = arith.constant 1 : i32
        %dma_wait3A_383 = arith.constant 0 : i32
        %dma_wait3A_384 = arith.constant 0 : i32
        %dma_wait3A_385 = tpu.memref_slice %arg14[%dma_wait3A_381, %dma_wait3A_382, %dma_wait3A_383, %dma_wait3A_384] : memref<2x2x128x32xf32, #tpu.memory_space<vmem>> -> memref<1x1x128x32xf32, #tpu.memory_space<vmem>>
        %dma_wait3A_386 = tpu.memref_squeeze %dma_wait3A_385 : memref<1x1x128x32xf32, #tpu.memory_space<vmem>> -> memref<128x32xf32, #tpu.memory_space<vmem>>
        %dma_wait3A_387 = arith.constant 0 : i32
        %dma_wait3A_388 = arith.constant 0 : i32
        %dma_wait3A_389 = tpu.memref_slice %arg3[%dma_wait3A_387, %dma_wait3A_388] : memref<50000x32xf32, #tpu.memory_space<hbm>> -> memref<128x32xf32, #tpu.memory_space<hbm>>
        %dma_wait3A_390 = arith.constant 0 : i32
        %dma_wait3A_391 = arith.constant 0 : i32
        %dma_wait3A_392 = tpu.memref_slice %arg14[%dma_wait3A_381, %dma_wait3A_382, %dma_wait3A_390, %dma_wait3A_391] : memref<2x2x128x32xf32, #tpu.memory_space<vmem>> -> memref<1x1x128x32xf32, #tpu.memory_space<vmem>>
        %dma_wait3A_393 = tpu.memref_squeeze %dma_wait3A_392 : memref<1x1x128x32xf32, #tpu.memory_space<vmem>> -> memref<128x32xf32, #tpu.memory_space<vmem>>
        %dma_wait3A_394 = arith.constant 0 : i32
        %dma_wait3A_395 = arith.constant 0 : i32
        %dma_wait3A_396 = tpu.memref_slice %arg3[%dma_wait3A_394, %dma_wait3A_395] : memref<50000x32xf32, #tpu.memory_space<hbm>> -> memref<128x32xf32, #tpu.memory_space<hbm>>
        tpu.wait_dma2 semaphore(%arg18 : memref<!tpu.dma_semaphore, #tpu.memory_space<semaphore_mem>>) src(%dma_wait3A_396 : memref<128x32xf32, #tpu.memory_space<hbm>>) dst(%dma_wait3A_393 : memref<128x32xf32, #tpu.memory_space<vmem>>)
        %lt3A = arith.constant 195 : i32
        %lt3A_397 = arith.cmpi slt, %scan3A_181, %lt3A : i32
        %convert_element_type3A_398 = arith.extui %lt3A_397 : i1 to i32
        %cond3A_399 = arith.constant 0 : i32
        %cond3A_400 = arith.cmpi ne, %convert_element_type3A_398, %cond3A_399 : i32
        scf.if %cond3A_400 {
          %mul3A_402 = arith.constant 2 : i32
          %mul3A_403 = arith.muli %mul3A_402, %scan3A_181 : i32
          %add3A_404 = arith.constant 2 : i32
          %add3A_405 = arith.addi %mul3A_403, %add3A_404 : i32
          %mul3A_406 = arith.constant 784 : i32
          %mul3A_407 = arith.muli %arg1, %mul3A_406 : i32
          %mul3A_408 = arith.constant 2 : i32
          %mul3A_409 = arith.muli %mul3A_408, %add3A_405 : i32
          %add3A_410 = arith.addi %mul3A_407, %mul3A_409 : i32
          %dma_start3A_411 = arith.constant 0 : i32
          %dma_start3A_412 = arith.constant 0 : i32
          %dma_start3A_413 = arith.constant 0 : i32
          %dma_start3A_414 = tpu.memref_slice %arg13[%dma_start3A_411, %dma_start3A_412, %dma_start3A_413] : memref<2x4x128xi32, #tpu.memory_space<vmem>> -> memref<1x2x128xi32, #tpu.memory_space<vmem>>
          %dma_start3A_415 = tpu.memref_squeeze %dma_start3A_414 : memref<1x2x128xi32, #tpu.memory_space<vmem>> -> memref<2x128xi32, #tpu.memory_space<vmem>>
          %dma_start3A_416 = arith.constant 0 : i32
          %dma_start3A_417 = tpu.memref_slice %arg6[%add3A_410, %dma_start3A_416] : memref<12544x128xi32, #tpu.memory_space<hbm>> -> memref<2x128xi32, #tpu.memory_space<hbm>>
          %dma_start3A_418 = arith.constant 0 : i32
          %dma_start3A_419 = arith.constant 0 : i32
          %dma_start3A_420 = tpu.memref_slice %arg13[%dma_start3A_411, %dma_start3A_418, %dma_start3A_419] : memref<2x4x128xi32, #tpu.memory_space<vmem>> -> memref<1x2x128xi32, #tpu.memory_space<vmem>>
          %dma_start3A_421 = tpu.memref_squeeze %dma_start3A_420 : memref<1x2x128xi32, #tpu.memory_space<vmem>> -> memref<2x128xi32, #tpu.memory_space<vmem>>
          %dma_start3A_422 = arith.constant 0 : i32
          %dma_start3A_423 = tpu.memref_slice %arg6[%add3A_410, %dma_start3A_422] : memref<12544x128xi32, #tpu.memory_space<hbm>> -> memref<2x128xi32, #tpu.memory_space<hbm>>
          tpu.enqueue_dma source(%dma_start3A_423 : memref<2x128xi32, #tpu.memory_space<hbm>>) target(%dma_start3A_421 : memref<2x128xi32, #tpu.memory_space<vmem>>) target_semaphore(%arg16 : memref<!tpu.dma_semaphore, #tpu.memory_space<semaphore_mem>>)
          %dma_start3A_424 = arith.constant 0 : i32
          %dma_start3A_425 = arith.constant 2 : i32
          %dma_start3A_426 = arith.constant 0 : i32
          %dma_start3A_427 = tpu.memref_slice %arg13[%dma_start3A_424, %dma_start3A_425, %dma_start3A_426] : memref<2x4x128xi32, #tpu.memory_space<vmem>> -> memref<1x2x128xi32, #tpu.memory_space<vmem>>
          %dma_start3A_428 = tpu.memref_squeeze %dma_start3A_427 : memref<1x2x128xi32, #tpu.memory_space<vmem>> -> memref<2x128xi32, #tpu.memory_space<vmem>>
          %dma_start3A_429 = arith.constant 0 : i32
          %dma_start3A_430 = tpu.memref_slice %arg7[%add3A_410, %dma_start3A_429] : memref<12544x128xi32, #tpu.memory_space<hbm>> -> memref<2x128xi32, #tpu.memory_space<hbm>>
          %dma_start3A_431 = arith.constant 2 : i32
          %dma_start3A_432 = arith.constant 0 : i32
          %dma_start3A_433 = tpu.memref_slice %arg13[%dma_start3A_424, %dma_start3A_431, %dma_start3A_432] : memref<2x4x128xi32, #tpu.memory_space<vmem>> -> memref<1x2x128xi32, #tpu.memory_space<vmem>>
          %dma_start3A_434 = tpu.memref_squeeze %dma_start3A_433 : memref<1x2x128xi32, #tpu.memory_space<vmem>> -> memref<2x128xi32, #tpu.memory_space<vmem>>
          %dma_start3A_435 = arith.constant 0 : i32
          %dma_start3A_436 = tpu.memref_slice %arg7[%add3A_410, %dma_start3A_435] : memref<12544x128xi32, #tpu.memory_space<hbm>> -> memref<2x128xi32, #tpu.memory_space<hbm>>
          tpu.enqueue_dma source(%dma_start3A_436 : memref<2x128xi32, #tpu.memory_space<hbm>>) target(%dma_start3A_434 : memref<2x128xi32, #tpu.memory_space<vmem>>) target_semaphore(%arg16 : memref<!tpu.dma_semaphore, #tpu.memory_space<semaphore_mem>>)
          %dma_wait3A_437 = arith.constant 0 : i32
          %dma_wait3A_438 = arith.constant 0 : i32
          %dma_wait3A_439 = arith.constant 0 : i32
          %dma_wait3A_440 = tpu.memref_slice %arg13[%dma_wait3A_437, %dma_wait3A_438, %dma_wait3A_439] : memref<2x4x128xi32, #tpu.memory_space<vmem>> -> memref<1x2x128xi32, #tpu.memory_space<vmem>>
          %dma_wait3A_441 = tpu.memref_squeeze %dma_wait3A_440 : memref<1x2x128xi32, #tpu.memory_space<vmem>> -> memref<2x128xi32, #tpu.memory_space<vmem>>
          %dma_wait3A_442 = arith.constant 0 : i32
          %dma_wait3A_443 = arith.constant 0 : i32
          %dma_wait3A_444 = tpu.memref_slice %arg6[%dma_wait3A_442, %dma_wait3A_443] : memref<12544x128xi32, #tpu.memory_space<hbm>> -> memref<2x128xi32, #tpu.memory_space<hbm>>
          %dma_wait3A_445 = arith.constant 0 : i32
          %dma_wait3A_446 = arith.constant 0 : i32
          %dma_wait3A_447 = tpu.memref_slice %arg13[%dma_wait3A_437, %dma_wait3A_445, %dma_wait3A_446] : memref<2x4x128xi32, #tpu.memory_space<vmem>> -> memref<1x2x128xi32, #tpu.memory_space<vmem>>
          %dma_wait3A_448 = tpu.memref_squeeze %dma_wait3A_447 : memref<1x2x128xi32, #tpu.memory_space<vmem>> -> memref<2x128xi32, #tpu.memory_space<vmem>>
          %dma_wait3A_449 = arith.constant 0 : i32
          %dma_wait3A_450 = arith.constant 0 : i32
          %dma_wait3A_451 = tpu.memref_slice %arg6[%dma_wait3A_449, %dma_wait3A_450] : memref<12544x128xi32, #tpu.memory_space<hbm>> -> memref<2x128xi32, #tpu.memory_space<hbm>>
          tpu.wait_dma2 semaphore(%arg16 : memref<!tpu.dma_semaphore, #tpu.memory_space<semaphore_mem>>) src(%dma_wait3A_451 : memref<2x128xi32, #tpu.memory_space<hbm>>) dst(%dma_wait3A_448 : memref<2x128xi32, #tpu.memory_space<vmem>>)
          %dma_wait3A_452 = arith.constant 0 : i32
          %dma_wait3A_453 = arith.constant 2 : i32
          %dma_wait3A_454 = arith.constant 0 : i32
          %dma_wait3A_455 = tpu.memref_slice %arg13[%dma_wait3A_452, %dma_wait3A_453, %dma_wait3A_454] : memref<2x4x128xi32, #tpu.memory_space<vmem>> -> memref<1x2x128xi32, #tpu.memory_space<vmem>>
          %dma_wait3A_456 = tpu.memref_squeeze %dma_wait3A_455 : memref<1x2x128xi32, #tpu.memory_space<vmem>> -> memref<2x128xi32, #tpu.memory_space<vmem>>
          %dma_wait3A_457 = arith.constant 0 : i32
          %dma_wait3A_458 = arith.constant 0 : i32
          %dma_wait3A_459 = tpu.memref_slice %arg6[%dma_wait3A_457, %dma_wait3A_458] : memref<12544x128xi32, #tpu.memory_space<hbm>> -> memref<2x128xi32, #tpu.memory_space<hbm>>
          %dma_wait3A_460 = arith.constant 2 : i32
          %dma_wait3A_461 = arith.constant 0 : i32
          %dma_wait3A_462 = tpu.memref_slice %arg13[%dma_wait3A_452, %dma_wait3A_460, %dma_wait3A_461] : memref<2x4x128xi32, #tpu.memory_space<vmem>> -> memref<1x2x128xi32, #tpu.memory_space<vmem>>
          %dma_wait3A_463 = tpu.memref_squeeze %dma_wait3A_462 : memref<1x2x128xi32, #tpu.memory_space<vmem>> -> memref<2x128xi32, #tpu.memory_space<vmem>>
          %dma_wait3A_464 = arith.constant 0 : i32
          %dma_wait3A_465 = arith.constant 0 : i32
          %dma_wait3A_466 = tpu.memref_slice %arg6[%dma_wait3A_464, %dma_wait3A_465] : memref<12544x128xi32, #tpu.memory_space<hbm>> -> memref<2x128xi32, #tpu.memory_space<hbm>>
          tpu.wait_dma2 semaphore(%arg16 : memref<!tpu.dma_semaphore, #tpu.memory_space<semaphore_mem>>) src(%dma_wait3A_466 : memref<2x128xi32, #tpu.memory_space<hbm>>) dst(%dma_wait3A_463 : memref<2x128xi32, #tpu.memory_space<vmem>>)
          %dma_start3A_467 = arith.constant 0 : i32
          %dma_start3A_468 = arith.constant 0 : i32
          %dma_start3A_469 = arith.constant 0 : i32
          %dma_start3A_470 = arith.constant 0 : i32
          %dma_start3A_471 = arith.constant 0 : i32
          %dma_start3A_472 = arith.constant 0 : i32
          %dma_start3A_473 = tpu.memref_slice %arg14[%dma_start3A_469, %dma_start3A_470, %dma_start3A_471, %dma_start3A_472] : memref<2x2x128x32xf32, #tpu.memory_space<vmem>> -> memref<1x1x128x32xf32, #tpu.memory_space<vmem>>
          %dma_start3A_474 = tpu.memref_squeeze %dma_start3A_473 : memref<1x1x128x32xf32, #tpu.memory_space<vmem>> -> memref<128x32xf32, #tpu.memory_space<vmem>>
          %dma_start3A_475 = arith.constant 0 : i32
          %dma_start3A_476 = tpu.memref_slice %arg13[%dma_start3A_467, %dma_start3A_468, %dma_start3A_475] : memref<2x4x128xi32, #tpu.memory_space<vmem>> -> memref<1x1x128xi32, #tpu.memory_space<vmem>>
          %dma_start3A_477 = tpu.memref_squeeze %dma_start3A_476 : memref<1x1x128xi32, #tpu.memory_space<vmem>> -> memref<128xi32, #tpu.memory_space<vmem>>
          %dma_start3A_478 = arith.constant 0 : i32
          %dma_start3A_479 = arith.constant 0 : i32
          %dma_start3A_480 = tpu.memref_slice %arg3[%dma_start3A_478, %dma_start3A_479] : memref<50000x32xf32, #tpu.memory_space<hbm>> -> memref<50000x32xf32, #tpu.memory_space<hbm>>
          tpu.enqueue_indirect_dma source(%dma_start3A_480 : memref<50000x32xf32, #tpu.memory_space<hbm>>) target(%dma_start3A_474 : memref<128x32xf32, #tpu.memory_space<vmem>>) offsets(%dma_start3A_477 : memref<128xi32, #tpu.memory_space<vmem>>) semaphore(%arg17 : memref<!tpu.dma_semaphore, #tpu.memory_space<semaphore_mem>>)
          %dma_start3A_481 = arith.constant 0 : i32
          %dma_start3A_482 = arith.constant 1 : i32
          %dma_start3A_483 = arith.constant 0 : i32
          %dma_start3A_484 = arith.constant 1 : i32
          %dma_start3A_485 = arith.constant 0 : i32
          %dma_start3A_486 = arith.constant 0 : i32
          %dma_start3A_487 = tpu.memref_slice %arg14[%dma_start3A_483, %dma_start3A_484, %dma_start3A_485, %dma_start3A_486] : memref<2x2x128x32xf32, #tpu.memory_space<vmem>> -> memref<1x1x128x32xf32, #tpu.memory_space<vmem>>
          %dma_start3A_488 = tpu.memref_squeeze %dma_start3A_487 : memref<1x1x128x32xf32, #tpu.memory_space<vmem>> -> memref<128x32xf32, #tpu.memory_space<vmem>>
          %dma_start3A_489 = arith.constant 0 : i32
          %dma_start3A_490 = tpu.memref_slice %arg13[%dma_start3A_481, %dma_start3A_482, %dma_start3A_489] : memref<2x4x128xi32, #tpu.memory_space<vmem>> -> memref<1x1x128xi32, #tpu.memory_space<vmem>>
          %dma_start3A_491 = tpu.memref_squeeze %dma_start3A_490 : memref<1x1x128xi32, #tpu.memory_space<vmem>> -> memref<128xi32, #tpu.memory_space<vmem>>
          %dma_start3A_492 = arith.constant 0 : i32
          %dma_start3A_493 = arith.constant 0 : i32
          %dma_start3A_494 = tpu.memref_slice %arg3[%dma_start3A_492, %dma_start3A_493] : memref<50000x32xf32, #tpu.memory_space<hbm>> -> memref<50000x32xf32, #tpu.memory_space<hbm>>
          tpu.enqueue_indirect_dma source(%dma_start3A_494 : memref<50000x32xf32, #tpu.memory_space<hbm>>) target(%dma_start3A_488 : memref<128x32xf32, #tpu.memory_space<vmem>>) offsets(%dma_start3A_491 : memref<128xi32, #tpu.memory_space<vmem>>) semaphore(%arg17 : memref<!tpu.dma_semaphore, #tpu.memory_space<semaphore_mem>>)
        } else {
        }
        %scan3A_401 = arith.constant 0 : i32
        scf.yield %scan3A_401 : i32
      }
      %scan3A_143 = arith.constant 196 : i32
      %dma_wait3A_144 = arith.constant 1 : i32
      %dma_wait3A_145 = arith.constant 0 : i32
      %dma_wait3A_146 = arith.constant 0 : i32
      %dma_wait3A_147 = arith.constant 0 : i32
      %dma_wait3A_148 = tpu.memref_slice %arg14[%dma_wait3A_144, %dma_wait3A_145, %dma_wait3A_146, %dma_wait3A_147] : memref<2x2x128x32xf32, #tpu.memory_space<vmem>> -> memref<1x1x128x32xf32, #tpu.memory_space<vmem>>
      %dma_wait3A_149 = tpu.memref_squeeze %dma_wait3A_148 : memref<1x1x128x32xf32, #tpu.memory_space<vmem>> -> memref<128x32xf32, #tpu.memory_space<vmem>>
      %dma_wait3A_150 = arith.constant 0 : i32
      %dma_wait3A_151 = arith.constant 0 : i32
      %dma_wait3A_152 = tpu.memref_slice %arg3[%dma_wait3A_150, %dma_wait3A_151] : memref<50000x32xf32, #tpu.memory_space<hbm>> -> memref<128x32xf32, #tpu.memory_space<hbm>>
      %dma_wait3A_153 = arith.constant 0 : i32
      %dma_wait3A_154 = arith.constant 0 : i32
      %dma_wait3A_155 = tpu.memref_slice %arg14[%dma_wait3A_144, %dma_wait3A_145, %dma_wait3A_153, %dma_wait3A_154] : memref<2x2x128x32xf32, #tpu.memory_space<vmem>> -> memref<1x1x128x32xf32, #tpu.memory_space<vmem>>
      %dma_wait3A_156 = tpu.memref_squeeze %dma_wait3A_155 : memref<1x1x128x32xf32, #tpu.memory_space<vmem>> -> memref<128x32xf32, #tpu.memory_space<vmem>>
      %dma_wait3A_157 = arith.constant 0 : i32
      %dma_wait3A_158 = arith.constant 0 : i32
      %dma_wait3A_159 = tpu.memref_slice %arg3[%dma_wait3A_157, %dma_wait3A_158] : memref<50000x32xf32, #tpu.memory_space<hbm>> -> memref<128x32xf32, #tpu.memory_space<hbm>>
      tpu.wait_dma2 semaphore(%arg19 : memref<!tpu.dma_semaphore, #tpu.memory_space<semaphore_mem>>) src(%dma_wait3A_159 : memref<128x32xf32, #tpu.memory_space<hbm>>) dst(%dma_wait3A_156 : memref<128x32xf32, #tpu.memory_space<vmem>>)
      %dma_wait3A_160 = arith.constant 1 : i32
      %dma_wait3A_161 = arith.constant 1 : i32
      %dma_wait3A_162 = arith.constant 0 : i32
      %dma_wait3A_163 = arith.constant 0 : i32
      %dma_wait3A_164 = tpu.memref_slice %arg14[%dma_wait3A_160, %dma_wait3A_161, %dma_wait3A_162, %dma_wait3A_163] : memref<2x2x128x32xf32, #tpu.memory_space<vmem>> -> memref<1x1x128x32xf32, #tpu.memory_space<vmem>>
      %dma_wait3A_165 = tpu.memref_squeeze %dma_wait3A_164 : memref<1x1x128x32xf32, #tpu.memory_space<vmem>> -> memref<128x32xf32, #tpu.memory_space<vmem>>
      %dma_wait3A_166 = arith.constant 0 : i32
      %dma_wait3A_167 = arith.constant 0 : i32
      %dma_wait3A_168 = tpu.memref_slice %arg3[%dma_wait3A_166, %dma_wait3A_167] : memref<50000x32xf32, #tpu.memory_space<hbm>> -> memref<128x32xf32, #tpu.memory_space<hbm>>
      %dma_wait3A_169 = arith.constant 0 : i32
      %dma_wait3A_170 = arith.constant 0 : i32
      %dma_wait3A_171 = tpu.memref_slice %arg14[%dma_wait3A_160, %dma_wait3A_161, %dma_wait3A_169, %dma_wait3A_170] : memref<2x2x128x32xf32, #tpu.memory_space<vmem>> -> memref<1x1x128x32xf32, #tpu.memory_space<vmem>>
      %dma_wait3A_172 = tpu.memref_squeeze %dma_wait3A_171 : memref<1x1x128x32xf32, #tpu.memory_space<vmem>> -> memref<128x32xf32, #tpu.memory_space<vmem>>
      %dma_wait3A_173 = arith.constant 0 : i32
      %dma_wait3A_174 = arith.constant 0 : i32
      %dma_wait3A_175 = tpu.memref_slice %arg3[%dma_wait3A_173, %dma_wait3A_174] : memref<50000x32xf32, #tpu.memory_space<hbm>> -> memref<128x32xf32, #tpu.memory_space<hbm>>
      tpu.wait_dma2 semaphore(%arg19 : memref<!tpu.dma_semaphore, #tpu.memory_space<semaphore_mem>>) src(%dma_wait3A_175 : memref<128x32xf32, #tpu.memory_space<hbm>>) dst(%dma_wait3A_172 : memref<128x32xf32, #tpu.memory_space<vmem>>)
      %barrier3A_176 = arith.constant 0 : index
      tpu.barrier barrier_id(%barrier3A_176)
      %mul3A_177 = arith.constant 3125 : i32
      %mul3A_178 = arith.muli %arg1, %mul3A_177 : i32
      %mul3A_179 = arith.constant 3125 : i32
      %mul3A_180 = arith.muli %arg1, %mul3A_179 : i32
      "tpu.region"() ({
        %run_scoped3A = tpu.sem_alloc : memref<!tpu.dma_semaphore, #tpu.memory_space<semaphore_mem>>
        %dma_start3A_181 = arith.constant 0 : i32
        %dma_start3A_182 = tpu.memref_slice %arg10[%mul3A_180, %dma_start3A_181] : memref<50000x32xf32, #tpu.memory_space<hbm>> -> memref<3125x32xf32, #tpu.memory_space<hbm>>
        %dma_start3A_183 = arith.constant 0 : i32
        %dma_start3A_184 = tpu.memref_slice %arg15[%mul3A_178, %dma_start3A_183] : memref<51200x32xf32, #tpu.memory_space<vmem_shared>> -> memref<3125x32xf32, #tpu.memory_space<vmem_shared>>
        tpu.enqueue_dma source(%dma_start3A_184 : memref<3125x32xf32, #tpu.memory_space<vmem_shared>>) target(%dma_start3A_182 : memref<3125x32xf32, #tpu.memory_space<hbm>>) target_semaphore(%run_scoped3A : memref<!tpu.dma_semaphore, #tpu.memory_space<semaphore_mem>>)
        %dma_wait3A_185 = arith.constant 0 : i32
        %dma_wait3A_186 = tpu.memref_slice %arg10[%mul3A_180, %dma_wait3A_185] : memref<50000x32xf32, #tpu.memory_space<hbm>> -> memref<3125x32xf32, #tpu.memory_space<hbm>>
        %dma_wait3A_187 = arith.constant 0 : i32
        %dma_wait3A_188 = tpu.memref_slice %arg15[%mul3A_178, %dma_wait3A_187] : memref<51200x32xf32, #tpu.memory_space<vmem_shared>> -> memref<3125x32xf32, #tpu.memory_space<vmem_shared>>
        tpu.wait_dma2 semaphore(%run_scoped3A : memref<!tpu.dma_semaphore, #tpu.memory_space<semaphore_mem>>) src(%dma_wait3A_188 : memref<3125x32xf32, #tpu.memory_space<vmem_shared>>) dst(%dma_wait3A_186 : memref<3125x32xf32, #tpu.memory_space<hbm>>)
        tpu.yield
      }) : () -> ()
    } else {
    }
    %eq3A_17 = arith.constant 1 : i32
    %eq3A_18 = arith.cmpi eq, %arg0, %eq3A_17 : i32
    %convert_element_type3A_19 = arith.extui %eq3A_18 : i1 to i32
    %cond3A_20 = arith.constant 0 : i32
    %cond3A_21 = arith.cmpi ne, %convert_element_type3A_19, %cond3A_20 : i32
    scf.if %cond3A_21 {
      %mul3A_23 = arith.constant 784 : i32
      %mul3A_24 = arith.muli %arg1, %mul3A_23 : i32
      %add3A = arith.constant 0 : i32
      %add3A_25 = arith.addi %mul3A_24, %add3A : i32
      %dma_start3A = arith.constant 0 : i32
      %dma_start3A_26 = arith.constant 0 : i32
      %dma_start3A_27 = arith.constant 0 : i32
      %dma_start3A_28 = tpu.memref_slice %arg13[%dma_start3A, %dma_start3A_26, %dma_start3A_27] : memref<2x4x128xi32, #tpu.memory_space<vmem>> -> memref<1x2x128xi32, #tpu.memory_space<vmem>>
      %dma_start3A_29 = tpu.memref_squeeze %dma_start3A_28 : memref<1x2x128xi32, #tpu.memory_space<vmem>> -> memref<2x128xi32, #tpu.memory_space<vmem>>
      %dma_start3A_30 = arith.constant 0 : i32
      %dma_start3A_31 = tpu.memref_slice %arg6[%add3A_25, %dma_start3A_30] : memref<12544x128xi32, #tpu.memory_space<hbm>> -> memref<2x128xi32, #tpu.memory_space<hbm>>
      %dma_start3A_32 = arith.constant 0 : i32
      %dma_start3A_33 = arith.constant 0 : i32
      %dma_start3A_34 = tpu.memref_slice %arg13[%dma_start3A, %dma_start3A_32, %dma_start3A_33] : memref<2x4x128xi32, #tpu.memory_space<vmem>> -> memref<1x2x128xi32, #tpu.memory_space<vmem>>
      %dma_start3A_35 = tpu.memref_squeeze %dma_start3A_34 : memref<1x2x128xi32, #tpu.memory_space<vmem>> -> memref<2x128xi32, #tpu.memory_space<vmem>>
      %dma_start3A_36 = arith.constant 0 : i32
      %dma_start3A_37 = tpu.memref_slice %arg6[%add3A_25, %dma_start3A_36] : memref<12544x128xi32, #tpu.memory_space<hbm>> -> memref<2x128xi32, #tpu.memory_space<hbm>>
      tpu.enqueue_dma source(%dma_start3A_37 : memref<2x128xi32, #tpu.memory_space<hbm>>) target(%dma_start3A_35 : memref<2x128xi32, #tpu.memory_space<vmem>>) target_semaphore(%arg16 : memref<!tpu.dma_semaphore, #tpu.memory_space<semaphore_mem>>)
      %dma_start3A_38 = arith.constant 0 : i32
      %dma_start3A_39 = arith.constant 2 : i32
      %dma_start3A_40 = arith.constant 0 : i32
      %dma_start3A_41 = tpu.memref_slice %arg13[%dma_start3A_38, %dma_start3A_39, %dma_start3A_40] : memref<2x4x128xi32, #tpu.memory_space<vmem>> -> memref<1x2x128xi32, #tpu.memory_space<vmem>>
      %dma_start3A_42 = tpu.memref_squeeze %dma_start3A_41 : memref<1x2x128xi32, #tpu.memory_space<vmem>> -> memref<2x128xi32, #tpu.memory_space<vmem>>
      %dma_start3A_43 = arith.constant 0 : i32
      %dma_start3A_44 = tpu.memref_slice %arg7[%add3A_25, %dma_start3A_43] : memref<12544x128xi32, #tpu.memory_space<hbm>> -> memref<2x128xi32, #tpu.memory_space<hbm>>
      %dma_start3A_45 = arith.constant 2 : i32
      %dma_start3A_46 = arith.constant 0 : i32
      %dma_start3A_47 = tpu.memref_slice %arg13[%dma_start3A_38, %dma_start3A_45, %dma_start3A_46] : memref<2x4x128xi32, #tpu.memory_space<vmem>> -> memref<1x2x128xi32, #tpu.memory_space<vmem>>
      %dma_start3A_48 = tpu.memref_squeeze %dma_start3A_47 : memref<1x2x128xi32, #tpu.memory_space<vmem>> -> memref<2x128xi32, #tpu.memory_space<vmem>>
      %dma_start3A_49 = arith.constant 0 : i32
      %dma_start3A_50 = tpu.memref_slice %arg7[%add3A_25, %dma_start3A_49] : memref<12544x128xi32, #tpu.memory_space<hbm>> -> memref<2x128xi32, #tpu.memory_space<hbm>>
      tpu.enqueue_dma source(%dma_start3A_50 : memref<2x128xi32, #tpu.memory_space<hbm>>) target(%dma_start3A_48 : memref<2x128xi32, #tpu.memory_space<vmem>>) target_semaphore(%arg16 : memref<!tpu.dma_semaphore, #tpu.memory_space<semaphore_mem>>)
      %dma_wait3A = arith.constant 0 : i32
      %dma_wait3A_51 = arith.constant 0 : i32
      %dma_wait3A_52 = arith.constant 0 : i32
      %dma_wait3A_53 = tpu.memref_slice %arg13[%dma_wait3A, %dma_wait3A_51, %dma_wait3A_52] : memref<2x4x128xi32, #tpu.memory_space<vmem>> -> memref<1x2x128xi32, #tpu.memory_space<vmem>>
      %dma_wait3A_54 = tpu.memref_squeeze %dma_wait3A_53 : memref<1x2x128xi32, #tpu.memory_space<vmem>> -> memref<2x128xi32, #tpu.memory_space<vmem>>
      %dma_wait3A_55 = arith.constant 0 : i32
      %dma_wait3A_56 = arith.constant 0 : i32
      %dma_wait3A_57 = tpu.memref_slice %arg6[%dma_wait3A_55, %dma_wait3A_56] : memref<12544x128xi32, #tpu.memory_space<hbm>> -> memref<2x128xi32, #tpu.memory_space<hbm>>
      %dma_wait3A_58 = arith.constant 0 : i32
      %dma_wait3A_59 = arith.constant 0 : i32
      %dma_wait3A_60 = tpu.memref_slice %arg13[%dma_wait3A, %dma_wait3A_58, %dma_wait3A_59] : memref<2x4x128xi32, #tpu.memory_space<vmem>> -> memref<1x2x128xi32, #tpu.memory_space<vmem>>
      %dma_wait3A_61 = tpu.memref_squeeze %dma_wait3A_60 : memref<1x2x128xi32, #tpu.memory_space<vmem>> -> memref<2x128xi32, #tpu.memory_space<vmem>>
      %dma_wait3A_62 = arith.constant 0 : i32
      %dma_wait3A_63 = arith.constant 0 : i32
      %dma_wait3A_64 = tpu.memref_slice %arg6[%dma_wait3A_62, %dma_wait3A_63] : memref<12544x128xi32, #tpu.memory_space<hbm>> -> memref<2x128xi32, #tpu.memory_space<hbm>>
      tpu.wait_dma2 semaphore(%arg16 : memref<!tpu.dma_semaphore, #tpu.memory_space<semaphore_mem>>) src(%dma_wait3A_64 : memref<2x128xi32, #tpu.memory_space<hbm>>) dst(%dma_wait3A_61 : memref<2x128xi32, #tpu.memory_space<vmem>>)
      %dma_wait3A_65 = arith.constant 0 : i32
      %dma_wait3A_66 = arith.constant 2 : i32
      %dma_wait3A_67 = arith.constant 0 : i32
      %dma_wait3A_68 = tpu.memref_slice %arg13[%dma_wait3A_65, %dma_wait3A_66, %dma_wait3A_67] : memref<2x4x128xi32, #tpu.memory_space<vmem>> -> memref<1x2x128xi32, #tpu.memory_space<vmem>>
      %dma_wait3A_69 = tpu.memref_squeeze %dma_wait3A_68 : memref<1x2x128xi32, #tpu.memory_space<vmem>> -> memref<2x128xi32, #tpu.memory_space<vmem>>
      %dma_wait3A_70 = arith.constant 0 : i32
      %dma_wait3A_71 = arith.constant 0 : i32
      %dma_wait3A_72 = tpu.memref_slice %arg6[%dma_wait3A_70, %dma_wait3A_71] : memref<12544x128xi32, #tpu.memory_space<hbm>> -> memref<2x128xi32, #tpu.memory_space<hbm>>
      %dma_wait3A_73 = arith.constant 2 : i32
      %dma_wait3A_74 = arith.constant 0 : i32
      %dma_wait3A_75 = tpu.memref_slice %arg13[%dma_wait3A_65, %dma_wait3A_73, %dma_wait3A_74] : memref<2x4x128xi32, #tpu.memory_space<vmem>> -> memref<1x2x128xi32, #tpu.memory_space<vmem>>
      %dma_wait3A_76 = tpu.memref_squeeze %dma_wait3A_75 : memref<1x2x128xi32, #tpu.memory_space<vmem>> -> memref<2x128xi32, #tpu.memory_space<vmem>>
      %dma_wait3A_77 = arith.constant 0 : i32
      %dma_wait3A_78 = arith.constant 0 : i32
      %dma_wait3A_79 = tpu.memref_slice %arg6[%dma_wait3A_77, %dma_wait3A_78] : memref<12544x128xi32, #tpu.memory_space<hbm>> -> memref<2x128xi32, #tpu.memory_space<hbm>>
      tpu.wait_dma2 semaphore(%arg16 : memref<!tpu.dma_semaphore, #tpu.memory_space<semaphore_mem>>) src(%dma_wait3A_79 : memref<2x128xi32, #tpu.memory_space<hbm>>) dst(%dma_wait3A_76 : memref<2x128xi32, #tpu.memory_space<vmem>>)
      %dma_start3A_80 = arith.constant 0 : i32
      %dma_start3A_81 = arith.constant 0 : i32
      %dma_start3A_82 = arith.constant 0 : i32
      %dma_start3A_83 = arith.constant 0 : i32
      %dma_start3A_84 = arith.constant 0 : i32
      %dma_start3A_85 = arith.constant 0 : i32
      %dma_start3A_86 = tpu.memref_slice %arg14[%dma_start3A_82, %dma_start3A_83, %dma_start3A_84, %dma_start3A_85] : memref<2x2x128x32xf32, #tpu.memory_space<vmem>> -> memref<1x1x128x32xf32, #tpu.memory_space<vmem>>
      %dma_start3A_87 = tpu.memref_squeeze %dma_start3A_86 : memref<1x1x128x32xf32, #tpu.memory_space<vmem>> -> memref<128x32xf32, #tpu.memory_space<vmem>>
      %dma_start3A_88 = arith.constant 0 : i32
      %dma_start3A_89 = tpu.memref_slice %arg13[%dma_start3A_80, %dma_start3A_81, %dma_start3A_88] : memref<2x4x128xi32, #tpu.memory_space<vmem>> -> memref<1x1x128xi32, #tpu.memory_space<vmem>>
      %dma_start3A_90 = tpu.memref_squeeze %dma_start3A_89 : memref<1x1x128xi32, #tpu.memory_space<vmem>> -> memref<128xi32, #tpu.memory_space<vmem>>
      %dma_start3A_91 = arith.constant 0 : i32
      %dma_start3A_92 = arith.constant 0 : i32
      %dma_start3A_93 = tpu.memref_slice %arg5[%dma_start3A_91, %dma_start3A_92] : memref<50000x32xf32, #tpu.memory_space<hbm>> -> memref<50000x32xf32, #tpu.memory_space<hbm>>
      tpu.enqueue_indirect_dma source(%dma_start3A_93 : memref<50000x32xf32, #tpu.memory_space<hbm>>) target(%dma_start3A_87 : memref<128x32xf32, #tpu.memory_space<vmem>>) offsets(%dma_start3A_90 : memref<128xi32, #tpu.memory_space<vmem>>) semaphore(%arg17 : memref<!tpu.dma_semaphore, #tpu.memory_space<semaphore_mem>>)
      %dma_start3A_94 = arith.constant 0 : i32
      %dma_start3A_95 = arith.constant 1 : i32
      %dma_start3A_96 = arith.constant 0 : i32
      %dma_start3A_97 = arith.constant 1 : i32
      %dma_start3A_98 = arith.constant 0 : i32
      %dma_start3A_99 = arith.constant 0 : i32
      %dma_start3A_100 = tpu.memref_slice %arg14[%dma_start3A_96, %dma_start3A_97, %dma_start3A_98, %dma_start3A_99] : memref<2x2x128x32xf32, #tpu.memory_space<vmem>> -> memref<1x1x128x32xf32, #tpu.memory_space<vmem>>
      %dma_start3A_101 = tpu.memref_squeeze %dma_start3A_100 : memref<1x1x128x32xf32, #tpu.memory_space<vmem>> -> memref<128x32xf32, #tpu.memory_space<vmem>>
      %dma_start3A_102 = arith.constant 0 : i32
      %dma_start3A_103 = tpu.memref_slice %arg13[%dma_start3A_94, %dma_start3A_95, %dma_start3A_102] : memref<2x4x128xi32, #tpu.memory_space<vmem>> -> memref<1x1x128xi32, #tpu.memory_space<vmem>>
      %dma_start3A_104 = tpu.memref_squeeze %dma_start3A_103 : memref<1x1x128xi32, #tpu.memory_space<vmem>> -> memref<128xi32, #tpu.memory_space<vmem>>
      %dma_start3A_105 = arith.constant 0 : i32
      %dma_start3A_106 = arith.constant 0 : i32
      %dma_start3A_107 = tpu.memref_slice %arg5[%dma_start3A_105, %dma_start3A_106] : memref<50000x32xf32, #tpu.memory_space<hbm>> -> memref<50000x32xf32, #tpu.memory_space<hbm>>
      tpu.enqueue_indirect_dma source(%dma_start3A_107 : memref<50000x32xf32, #tpu.memory_space<hbm>>) target(%dma_start3A_101 : memref<128x32xf32, #tpu.memory_space<vmem>>) offsets(%dma_start3A_104 : memref<128xi32, #tpu.memory_space<vmem>>) semaphore(%arg17 : memref<!tpu.dma_semaphore, #tpu.memory_space<semaphore_mem>>)
      %mul3A_108 = arith.constant 784 : i32
      %mul3A_109 = arith.muli %arg1, %mul3A_108 : i32
      %add3A_110 = arith.constant 2 : i32
      %add3A_111 = arith.addi %mul3A_109, %add3A_110 : i32
      %dma_start3A_112 = arith.constant 1 : i32
      %dma_start3A_113 = arith.constant 0 : i32
      %dma_start3A_114 = arith.constant 0 : i32
      %dma_start3A_115 = tpu.memref_slice %arg13[%dma_start3A_112, %dma_start3A_113, %dma_start3A_114] : memref<2x4x128xi32, #tpu.memory_space<vmem>> -> memref<1x2x128xi32, #tpu.memory_space<vmem>>
      %dma_start3A_116 = tpu.memref_squeeze %dma_start3A_115 : memref<1x2x128xi32, #tpu.memory_space<vmem>> -> memref<2x128xi32, #tpu.memory_space<vmem>>
      %dma_start3A_117 = arith.constant 0 : i32
      %dma_start3A_118 = tpu.memref_slice %arg6[%add3A_111, %dma_start3A_117] : memref<12544x128xi32, #tpu.memory_space<hbm>> -> memref<2x128xi32, #tpu.memory_space<hbm>>
      %dma_start3A_119 = arith.constant 0 : i32
      %dma_start3A_120 = arith.constant 0 : i32
      %dma_start3A_121 = tpu.memref_slice %arg13[%dma_start3A_112, %dma_start3A_119, %dma_start3A_120] : memref<2x4x128xi32, #tpu.memory_space<vmem>> -> memref<1x2x128xi32, #tpu.memory_space<vmem>>
      %dma_start3A_122 = tpu.memref_squeeze %dma_start3A_121 : memref<1x2x128xi32, #tpu.memory_space<vmem>> -> memref<2x128xi32, #tpu.memory_space<vmem>>
      %dma_start3A_123 = arith.constant 0 : i32
      %dma_start3A_124 = tpu.memref_slice %arg6[%add3A_111, %dma_start3A_123] : memref<12544x128xi32, #tpu.memory_space<hbm>> -> memref<2x128xi32, #tpu.memory_space<hbm>>
      tpu.enqueue_dma source(%dma_start3A_124 : memref<2x128xi32, #tpu.memory_space<hbm>>) target(%dma_start3A_122 : memref<2x128xi32, #tpu.memory_space<vmem>>) target_semaphore(%arg16 : memref<!tpu.dma_semaphore, #tpu.memory_space<semaphore_mem>>)
      %dma_start3A_125 = arith.constant 1 : i32
      %dma_start3A_126 = arith.constant 2 : i32
      %dma_start3A_127 = arith.constant 0 : i32
      %dma_start3A_128 = tpu.memref_slice %arg13[%dma_start3A_125, %dma_start3A_126, %dma_start3A_127] : memref<2x4x128xi32, #tpu.memory_space<vmem>> -> memref<1x2x128xi32, #tpu.memory_space<vmem>>
      %dma_start3A_129 = tpu.memref_squeeze %dma_start3A_128 : memref<1x2x128xi32, #tpu.memory_space<vmem>> -> memref<2x128xi32, #tpu.memory_space<vmem>>
      %dma_start3A_130 = arith.constant 0 : i32
      %dma_start3A_131 = tpu.memref_slice %arg7[%add3A_111, %dma_start3A_130] : memref<12544x128xi32, #tpu.memory_space<hbm>> -> memref<2x128xi32, #tpu.memory_space<hbm>>
      %dma_start3A_132 = arith.constant 2 : i32
      %dma_start3A_133 = arith.constant 0 : i32
      %dma_start3A_134 = tpu.memref_slice %arg13[%dma_start3A_125, %dma_start3A_132, %dma_start3A_133] : memref<2x4x128xi32, #tpu.memory_space<vmem>> -> memref<1x2x128xi32, #tpu.memory_space<vmem>>
      %dma_start3A_135 = tpu.memref_squeeze %dma_start3A_134 : memref<1x2x128xi32, #tpu.memory_space<vmem>> -> memref<2x128xi32, #tpu.memory_space<vmem>>
      %dma_start3A_136 = arith.constant 0 : i32
      %dma_start3A_137 = tpu.memref_slice %arg7[%add3A_111, %dma_start3A_136] : memref<12544x128xi32, #tpu.memory_space<hbm>> -> memref<2x128xi32, #tpu.memory_space<hbm>>
      tpu.enqueue_dma source(%dma_start3A_137 : memref<2x128xi32, #tpu.memory_space<hbm>>) target(%dma_start3A_135 : memref<2x128xi32, #tpu.memory_space<vmem>>) target_semaphore(%arg16 : memref<!tpu.dma_semaphore, #tpu.memory_space<semaphore_mem>>)
      %scan3A = arith.constant 0 : i32
      %scan3A_138 = arith.constant 0 : i32
      %scan3A_139 = arith.constant 196 : i32
      %scan3A_140 = arith.addi %scan3A_138, %scan3A_139 : i32
      %scan3A_141 = arith.constant 1 : i32
      %scan3A_142 = scf.for %scan3A_181 = %scan3A_138 to %scan3A_140 step %scan3A_141 iter_args(%scan3A_182 = %scan3A) -> (i32)  : i32 {
        %dma_wait3A_183 = arith.constant 0 : i32
        %dma_wait3A_184 = arith.constant 0 : i32
        %dma_wait3A_185 = arith.constant 0 : i32
        %dma_wait3A_186 = arith.constant 0 : i32
        %dma_wait3A_187 = tpu.memref_slice %arg14[%dma_wait3A_183, %dma_wait3A_184, %dma_wait3A_185, %dma_wait3A_186] : memref<2x2x128x32xf32, #tpu.memory_space<vmem>> -> memref<1x1x128x32xf32, #tpu.memory_space<vmem>>
        %dma_wait3A_188 = tpu.memref_squeeze %dma_wait3A_187 : memref<1x1x128x32xf32, #tpu.memory_space<vmem>> -> memref<128x32xf32, #tpu.memory_space<vmem>>
        %dma_wait3A_189 = arith.constant 0 : i32
        %dma_wait3A_190 = arith.constant 0 : i32
        %dma_wait3A_191 = tpu.memref_slice %arg5[%dma_wait3A_189, %dma_wait3A_190] : memref<50000x32xf32, #tpu.memory_space<hbm>> -> memref<128x32xf32, #tpu.memory_space<hbm>>
        %dma_wait3A_192 = arith.constant 0 : i32
        %dma_wait3A_193 = arith.constant 0 : i32
        %dma_wait3A_194 = tpu.memref_slice %arg14[%dma_wait3A_183, %dma_wait3A_184, %dma_wait3A_192, %dma_wait3A_193] : memref<2x2x128x32xf32, #tpu.memory_space<vmem>> -> memref<1x1x128x32xf32, #tpu.memory_space<vmem>>
        %dma_wait3A_195 = tpu.memref_squeeze %dma_wait3A_194 : memref<1x1x128x32xf32, #tpu.memory_space<vmem>> -> memref<128x32xf32, #tpu.memory_space<vmem>>
        %dma_wait3A_196 = arith.constant 0 : i32
        %dma_wait3A_197 = arith.constant 0 : i32
        %dma_wait3A_198 = tpu.memref_slice %arg5[%dma_wait3A_196, %dma_wait3A_197] : memref<50000x32xf32, #tpu.memory_space<hbm>> -> memref<128x32xf32, #tpu.memory_space<hbm>>
        tpu.wait_dma2 semaphore(%arg17 : memref<!tpu.dma_semaphore, #tpu.memory_space<semaphore_mem>>) src(%dma_wait3A_198 : memref<128x32xf32, #tpu.memory_space<hbm>>) dst(%dma_wait3A_195 : memref<128x32xf32, #tpu.memory_space<vmem>>)
        %dma_wait3A_199 = arith.constant 0 : i32
        %dma_wait3A_200 = arith.constant 1 : i32
        %dma_wait3A_201 = arith.constant 0 : i32
        %dma_wait3A_202 = arith.constant 0 : i32
        %dma_wait3A_203 = tpu.memref_slice %arg14[%dma_wait3A_199, %dma_wait3A_200, %dma_wait3A_201, %dma_wait3A_202] : memref<2x2x128x32xf32, #tpu.memory_space<vmem>> -> memref<1x1x128x32xf32, #tpu.memory_space<vmem>>
        %dma_wait3A_204 = tpu.memref_squeeze %dma_wait3A_203 : memref<1x1x128x32xf32, #tpu.memory_space<vmem>> -> memref<128x32xf32, #tpu.memory_space<vmem>>
        %dma_wait3A_205 = arith.constant 0 : i32
        %dma_wait3A_206 = arith.constant 0 : i32
        %dma_wait3A_207 = tpu.memref_slice %arg5[%dma_wait3A_205, %dma_wait3A_206] : memref<50000x32xf32, #tpu.memory_space<hbm>> -> memref<128x32xf32, #tpu.memory_space<hbm>>
        %dma_wait3A_208 = arith.constant 0 : i32
        %dma_wait3A_209 = arith.constant 0 : i32
        %dma_wait3A_210 = tpu.memref_slice %arg14[%dma_wait3A_199, %dma_wait3A_200, %dma_wait3A_208, %dma_wait3A_209] : memref<2x2x128x32xf32, #tpu.memory_space<vmem>> -> memref<1x1x128x32xf32, #tpu.memory_space<vmem>>
        %dma_wait3A_211 = tpu.memref_squeeze %dma_wait3A_210 : memref<1x1x128x32xf32, #tpu.memory_space<vmem>> -> memref<128x32xf32, #tpu.memory_space<vmem>>
        %dma_wait3A_212 = arith.constant 0 : i32
        %dma_wait3A_213 = arith.constant 0 : i32
        %dma_wait3A_214 = tpu.memref_slice %arg5[%dma_wait3A_212, %dma_wait3A_213] : memref<50000x32xf32, #tpu.memory_space<hbm>> -> memref<128x32xf32, #tpu.memory_space<hbm>>
        tpu.wait_dma2 semaphore(%arg17 : memref<!tpu.dma_semaphore, #tpu.memory_space<semaphore_mem>>) src(%dma_wait3A_214 : memref<128x32xf32, #tpu.memory_space<hbm>>) dst(%dma_wait3A_211 : memref<128x32xf32, #tpu.memory_space<vmem>>)
        %dma_start3A_215 = arith.constant 0 : i32
        %dma_start3A_216 = arith.constant 0 : i32
        %dma_start3A_217 = arith.constant 0 : i32
        %dma_start3A_218 = arith.constant 2 : i32
        %dma_start3A_219 = arith.constant 0 : i32
        %dma_start3A_220 = arith.constant 0 : i32
        %dma_start3A_221 = tpu.memref_slice %arg14[%dma_start3A_215, %dma_start3A_216, %dma_start3A_219, %dma_start3A_220] : memref<2x2x128x32xf32, #tpu.memory_space<vmem>> -> memref<1x1x128x32xf32, #tpu.memory_space<vmem>>
        %dma_start3A_222 = tpu.memref_squeeze %dma_start3A_221 : memref<1x1x128x32xf32, #tpu.memory_space<vmem>> -> memref<128x32xf32, #tpu.memory_space<vmem>>
        %dma_start3A_223 = arith.constant 0 : i32
        %dma_start3A_224 = tpu.memref_slice %arg13[%dma_start3A_217, %dma_start3A_218, %dma_start3A_223] : memref<2x4x128xi32, #tpu.memory_space<vmem>> -> memref<1x1x128xi32, #tpu.memory_space<vmem>>
        %dma_start3A_225 = tpu.memref_squeeze %dma_start3A_224 : memref<1x1x128xi32, #tpu.memory_space<vmem>> -> memref<128xi32, #tpu.memory_space<vmem>>
        %dma_start3A_226 = arith.constant 0 : i32
        %dma_start3A_227 = arith.constant 0 : i32
        %dma_start3A_228 = tpu.memref_slice %arg15[%dma_start3A_226, %dma_start3A_227] : memref<51200x32xf32, #tpu.memory_space<vmem_shared>> -> memref<51200x32xf32, #tpu.memory_space<vmem_shared>>
        tpu.enqueue_indirect_dma source(%dma_start3A_222 : memref<128x32xf32, #tpu.memory_space<vmem>>) target(%dma_start3A_228 : memref<51200x32xf32, #tpu.memory_space<vmem_shared>>) offsets(%dma_start3A_225 : memref<128xi32, #tpu.memory_space<vmem>>) semaphore(%arg18 : memref<!tpu.dma_semaphore, #tpu.memory_space<semaphore_mem>>) {add = true}
        %dma_start3A_229 = arith.constant 0 : i32
        %dma_start3A_230 = arith.constant 1 : i32
        %dma_start3A_231 = arith.constant 0 : i32
        %dma_start3A_232 = arith.constant 3 : i32
        %dma_start3A_233 = arith.constant 0 : i32
        %dma_start3A_234 = arith.constant 0 : i32
        %dma_start3A_235 = tpu.memref_slice %arg14[%dma_start3A_229, %dma_start3A_230, %dma_start3A_233, %dma_start3A_234] : memref<2x2x128x32xf32, #tpu.memory_space<vmem>> -> memref<1x1x128x32xf32, #tpu.memory_space<vmem>>
        %dma_start3A_236 = tpu.memref_squeeze %dma_start3A_235 : memref<1x1x128x32xf32, #tpu.memory_space<vmem>> -> memref<128x32xf32, #tpu.memory_space<vmem>>
        %dma_start3A_237 = arith.constant 0 : i32
        %dma_start3A_238 = tpu.memref_slice %arg13[%dma_start3A_231, %dma_start3A_232, %dma_start3A_237] : memref<2x4x128xi32, #tpu.memory_space<vmem>> -> memref<1x1x128xi32, #tpu.memory_space<vmem>>
        %dma_start3A_239 = tpu.memref_squeeze %dma_start3A_238 : memref<1x1x128xi32, #tpu.memory_space<vmem>> -> memref<128xi32, #tpu.memory_space<vmem>>
        %dma_start3A_240 = arith.constant 0 : i32
        %dma_start3A_241 = arith.constant 0 : i32
        %dma_start3A_242 = tpu.memref_slice %arg15[%dma_start3A_240, %dma_start3A_241] : memref<51200x32xf32, #tpu.memory_space<vmem_shared>> -> memref<51200x32xf32, #tpu.memory_space<vmem_shared>>
        tpu.enqueue_indirect_dma source(%dma_start3A_236 : memref<128x32xf32, #tpu.memory_space<vmem>>) target(%dma_start3A_242 : memref<51200x32xf32, #tpu.memory_space<vmem_shared>>) offsets(%dma_start3A_239 : memref<128xi32, #tpu.memory_space<vmem>>) semaphore(%arg18 : memref<!tpu.dma_semaphore, #tpu.memory_space<semaphore_mem>>) {add = true}
        %gt3A = arith.constant 0 : i32
        %gt3A_243 = arith.cmpi sgt, %scan3A_181, %gt3A : i32
        %convert_element_type3A_244 = arith.extui %gt3A_243 : i1 to i32
        %cond3A_245 = arith.constant 0 : i32
        %cond3A_246 = arith.cmpi ne, %convert_element_type3A_244, %cond3A_245 : i32
        scf.if %cond3A_246 {
          %dma_wait3A_402 = arith.constant 1 : i32
          %dma_wait3A_403 = arith.constant 0 : i32
          %dma_wait3A_404 = arith.constant 0 : i32
          %dma_wait3A_405 = arith.constant 0 : i32
          %dma_wait3A_406 = tpu.memref_slice %arg14[%dma_wait3A_402, %dma_wait3A_403, %dma_wait3A_404, %dma_wait3A_405] : memref<2x2x128x32xf32, #tpu.memory_space<vmem>> -> memref<1x1x128x32xf32, #tpu.memory_space<vmem>>
          %dma_wait3A_407 = tpu.memref_squeeze %dma_wait3A_406 : memref<1x1x128x32xf32, #tpu.memory_space<vmem>> -> memref<128x32xf32, #tpu.memory_space<vmem>>
          %dma_wait3A_408 = arith.constant 0 : i32
          %dma_wait3A_409 = arith.constant 0 : i32
          %dma_wait3A_410 = tpu.memref_slice %arg5[%dma_wait3A_408, %dma_wait3A_409] : memref<50000x32xf32, #tpu.memory_space<hbm>> -> memref<128x32xf32, #tpu.memory_space<hbm>>
          %dma_wait3A_411 = arith.constant 0 : i32
          %dma_wait3A_412 = arith.constant 0 : i32
          %dma_wait3A_413 = tpu.memref_slice %arg14[%dma_wait3A_402, %dma_wait3A_403, %dma_wait3A_411, %dma_wait3A_412] : memref<2x2x128x32xf32, #tpu.memory_space<vmem>> -> memref<1x1x128x32xf32, #tpu.memory_space<vmem>>
          %dma_wait3A_414 = tpu.memref_squeeze %dma_wait3A_413 : memref<1x1x128x32xf32, #tpu.memory_space<vmem>> -> memref<128x32xf32, #tpu.memory_space<vmem>>
          %dma_wait3A_415 = arith.constant 0 : i32
          %dma_wait3A_416 = arith.constant 0 : i32
          %dma_wait3A_417 = tpu.memref_slice %arg5[%dma_wait3A_415, %dma_wait3A_416] : memref<50000x32xf32, #tpu.memory_space<hbm>> -> memref<128x32xf32, #tpu.memory_space<hbm>>
          tpu.wait_dma2 semaphore(%arg19 : memref<!tpu.dma_semaphore, #tpu.memory_space<semaphore_mem>>) src(%dma_wait3A_417 : memref<128x32xf32, #tpu.memory_space<hbm>>) dst(%dma_wait3A_414 : memref<128x32xf32, #tpu.memory_space<vmem>>)
          %dma_wait3A_418 = arith.constant 1 : i32
          %dma_wait3A_419 = arith.constant 1 : i32
          %dma_wait3A_420 = arith.constant 0 : i32
          %dma_wait3A_421 = arith.constant 0 : i32
          %dma_wait3A_422 = tpu.memref_slice %arg14[%dma_wait3A_418, %dma_wait3A_419, %dma_wait3A_420, %dma_wait3A_421] : memref<2x2x128x32xf32, #tpu.memory_space<vmem>> -> memref<1x1x128x32xf32, #tpu.memory_space<vmem>>
          %dma_wait3A_423 = tpu.memref_squeeze %dma_wait3A_422 : memref<1x1x128x32xf32, #tpu.memory_space<vmem>> -> memref<128x32xf32, #tpu.memory_space<vmem>>
          %dma_wait3A_424 = arith.constant 0 : i32
          %dma_wait3A_425 = arith.constant 0 : i32
          %dma_wait3A_426 = tpu.memref_slice %arg5[%dma_wait3A_424, %dma_wait3A_425] : memref<50000x32xf32, #tpu.memory_space<hbm>> -> memref<128x32xf32, #tpu.memory_space<hbm>>
          %dma_wait3A_427 = arith.constant 0 : i32
          %dma_wait3A_428 = arith.constant 0 : i32
          %dma_wait3A_429 = tpu.memref_slice %arg14[%dma_wait3A_418, %dma_wait3A_419, %dma_wait3A_427, %dma_wait3A_428] : memref<2x2x128x32xf32, #tpu.memory_space<vmem>> -> memref<1x1x128x32xf32, #tpu.memory_space<vmem>>
          %dma_wait3A_430 = tpu.memref_squeeze %dma_wait3A_429 : memref<1x1x128x32xf32, #tpu.memory_space<vmem>> -> memref<128x32xf32, #tpu.memory_space<vmem>>
          %dma_wait3A_431 = arith.constant 0 : i32
          %dma_wait3A_432 = arith.constant 0 : i32
          %dma_wait3A_433 = tpu.memref_slice %arg5[%dma_wait3A_431, %dma_wait3A_432] : memref<50000x32xf32, #tpu.memory_space<hbm>> -> memref<128x32xf32, #tpu.memory_space<hbm>>
          tpu.wait_dma2 semaphore(%arg19 : memref<!tpu.dma_semaphore, #tpu.memory_space<semaphore_mem>>) src(%dma_wait3A_433 : memref<128x32xf32, #tpu.memory_space<hbm>>) dst(%dma_wait3A_430 : memref<128x32xf32, #tpu.memory_space<vmem>>)
          %mul3A_434 = arith.constant 2 : i32
          %mul3A_435 = arith.muli %mul3A_434, %scan3A_181 : i32
          %add3A_436 = arith.constant 1 : i32
          %add3A_437 = arith.addi %mul3A_435, %add3A_436 : i32
          %mul3A_438 = arith.constant 784 : i32
          %mul3A_439 = arith.muli %arg1, %mul3A_438 : i32
          %mul3A_440 = arith.constant 2 : i32
          %mul3A_441 = arith.muli %mul3A_440, %add3A_437 : i32
          %add3A_442 = arith.addi %mul3A_439, %mul3A_441 : i32
          %dma_start3A_443 = arith.constant 1 : i32
          %dma_start3A_444 = arith.constant 0 : i32
          %dma_start3A_445 = arith.constant 0 : i32
          %dma_start3A_446 = tpu.memref_slice %arg13[%dma_start3A_443, %dma_start3A_444, %dma_start3A_445] : memref<2x4x128xi32, #tpu.memory_space<vmem>> -> memref<1x2x128xi32, #tpu.memory_space<vmem>>
          %dma_start3A_447 = tpu.memref_squeeze %dma_start3A_446 : memref<1x2x128xi32, #tpu.memory_space<vmem>> -> memref<2x128xi32, #tpu.memory_space<vmem>>
          %dma_start3A_448 = arith.constant 0 : i32
          %dma_start3A_449 = tpu.memref_slice %arg6[%add3A_442, %dma_start3A_448] : memref<12544x128xi32, #tpu.memory_space<hbm>> -> memref<2x128xi32, #tpu.memory_space<hbm>>
          %dma_start3A_450 = arith.constant 0 : i32
          %dma_start3A_451 = arith.constant 0 : i32
          %dma_start3A_452 = tpu.memref_slice %arg13[%dma_start3A_443, %dma_start3A_450, %dma_start3A_451] : memref<2x4x128xi32, #tpu.memory_space<vmem>> -> memref<1x2x128xi32, #tpu.memory_space<vmem>>
          %dma_start3A_453 = tpu.memref_squeeze %dma_start3A_452 : memref<1x2x128xi32, #tpu.memory_space<vmem>> -> memref<2x128xi32, #tpu.memory_space<vmem>>
          %dma_start3A_454 = arith.constant 0 : i32
          %dma_start3A_455 = tpu.memref_slice %arg6[%add3A_442, %dma_start3A_454] : memref<12544x128xi32, #tpu.memory_space<hbm>> -> memref<2x128xi32, #tpu.memory_space<hbm>>
          tpu.enqueue_dma source(%dma_start3A_455 : memref<2x128xi32, #tpu.memory_space<hbm>>) target(%dma_start3A_453 : memref<2x128xi32, #tpu.memory_space<vmem>>) target_semaphore(%arg16 : memref<!tpu.dma_semaphore, #tpu.memory_space<semaphore_mem>>)
          %dma_start3A_456 = arith.constant 1 : i32
          %dma_start3A_457 = arith.constant 2 : i32
          %dma_start3A_458 = arith.constant 0 : i32
          %dma_start3A_459 = tpu.memref_slice %arg13[%dma_start3A_456, %dma_start3A_457, %dma_start3A_458] : memref<2x4x128xi32, #tpu.memory_space<vmem>> -> memref<1x2x128xi32, #tpu.memory_space<vmem>>
          %dma_start3A_460 = tpu.memref_squeeze %dma_start3A_459 : memref<1x2x128xi32, #tpu.memory_space<vmem>> -> memref<2x128xi32, #tpu.memory_space<vmem>>
          %dma_start3A_461 = arith.constant 0 : i32
          %dma_start3A_462 = tpu.memref_slice %arg7[%add3A_442, %dma_start3A_461] : memref<12544x128xi32, #tpu.memory_space<hbm>> -> memref<2x128xi32, #tpu.memory_space<hbm>>
          %dma_start3A_463 = arith.constant 2 : i32
          %dma_start3A_464 = arith.constant 0 : i32
          %dma_start3A_465 = tpu.memref_slice %arg13[%dma_start3A_456, %dma_start3A_463, %dma_start3A_464] : memref<2x4x128xi32, #tpu.memory_space<vmem>> -> memref<1x2x128xi32, #tpu.memory_space<vmem>>
          %dma_start3A_466 = tpu.memref_squeeze %dma_start3A_465 : memref<1x2x128xi32, #tpu.memory_space<vmem>> -> memref<2x128xi32, #tpu.memory_space<vmem>>
          %dma_start3A_467 = arith.constant 0 : i32
          %dma_start3A_468 = tpu.memref_slice %arg7[%add3A_442, %dma_start3A_467] : memref<12544x128xi32, #tpu.memory_space<hbm>> -> memref<2x128xi32, #tpu.memory_space<hbm>>
          tpu.enqueue_dma source(%dma_start3A_468 : memref<2x128xi32, #tpu.memory_space<hbm>>) target(%dma_start3A_466 : memref<2x128xi32, #tpu.memory_space<vmem>>) target_semaphore(%arg16 : memref<!tpu.dma_semaphore, #tpu.memory_space<semaphore_mem>>)
        } else {
        }
        %dma_wait3A_247 = arith.constant 1 : i32
        %dma_wait3A_248 = arith.constant 0 : i32
        %dma_wait3A_249 = arith.constant 0 : i32
        %dma_wait3A_250 = tpu.memref_slice %arg13[%dma_wait3A_247, %dma_wait3A_248, %dma_wait3A_249] : memref<2x4x128xi32, #tpu.memory_space<vmem>> -> memref<1x2x128xi32, #tpu.memory_space<vmem>>
        %dma_wait3A_251 = tpu.memref_squeeze %dma_wait3A_250 : memref<1x2x128xi32, #tpu.memory_space<vmem>> -> memref<2x128xi32, #tpu.memory_space<vmem>>
        %dma_wait3A_252 = arith.constant 0 : i32
        %dma_wait3A_253 = arith.constant 0 : i32
        %dma_wait3A_254 = tpu.memref_slice %arg6[%dma_wait3A_252, %dma_wait3A_253] : memref<12544x128xi32, #tpu.memory_space<hbm>> -> memref<2x128xi32, #tpu.memory_space<hbm>>
        %dma_wait3A_255 = arith.constant 0 : i32
        %dma_wait3A_256 = arith.constant 0 : i32
        %dma_wait3A_257 = tpu.memref_slice %arg13[%dma_wait3A_247, %dma_wait3A_255, %dma_wait3A_256] : memref<2x4x128xi32, #tpu.memory_space<vmem>> -> memref<1x2x128xi32, #tpu.memory_space<vmem>>
        %dma_wait3A_258 = tpu.memref_squeeze %dma_wait3A_257 : memref<1x2x128xi32, #tpu.memory_space<vmem>> -> memref<2x128xi32, #tpu.memory_space<vmem>>
        %dma_wait3A_259 = arith.constant 0 : i32
        %dma_wait3A_260 = arith.constant 0 : i32
        %dma_wait3A_261 = tpu.memref_slice %arg6[%dma_wait3A_259, %dma_wait3A_260] : memref<12544x128xi32, #tpu.memory_space<hbm>> -> memref<2x128xi32, #tpu.memory_space<hbm>>
        tpu.wait_dma2 semaphore(%arg16 : memref<!tpu.dma_semaphore, #tpu.memory_space<semaphore_mem>>) src(%dma_wait3A_261 : memref<2x128xi32, #tpu.memory_space<hbm>>) dst(%dma_wait3A_258 : memref<2x128xi32, #tpu.memory_space<vmem>>)
        %dma_wait3A_262 = arith.constant 1 : i32
        %dma_wait3A_263 = arith.constant 2 : i32
        %dma_wait3A_264 = arith.constant 0 : i32
        %dma_wait3A_265 = tpu.memref_slice %arg13[%dma_wait3A_262, %dma_wait3A_263, %dma_wait3A_264] : memref<2x4x128xi32, #tpu.memory_space<vmem>> -> memref<1x2x128xi32, #tpu.memory_space<vmem>>
        %dma_wait3A_266 = tpu.memref_squeeze %dma_wait3A_265 : memref<1x2x128xi32, #tpu.memory_space<vmem>> -> memref<2x128xi32, #tpu.memory_space<vmem>>
        %dma_wait3A_267 = arith.constant 0 : i32
        %dma_wait3A_268 = arith.constant 0 : i32
        %dma_wait3A_269 = tpu.memref_slice %arg6[%dma_wait3A_267, %dma_wait3A_268] : memref<12544x128xi32, #tpu.memory_space<hbm>> -> memref<2x128xi32, #tpu.memory_space<hbm>>
        %dma_wait3A_270 = arith.constant 2 : i32
        %dma_wait3A_271 = arith.constant 0 : i32
        %dma_wait3A_272 = tpu.memref_slice %arg13[%dma_wait3A_262, %dma_wait3A_270, %dma_wait3A_271] : memref<2x4x128xi32, #tpu.memory_space<vmem>> -> memref<1x2x128xi32, #tpu.memory_space<vmem>>
        %dma_wait3A_273 = tpu.memref_squeeze %dma_wait3A_272 : memref<1x2x128xi32, #tpu.memory_space<vmem>> -> memref<2x128xi32, #tpu.memory_space<vmem>>
        %dma_wait3A_274 = arith.constant 0 : i32
        %dma_wait3A_275 = arith.constant 0 : i32
        %dma_wait3A_276 = tpu.memref_slice %arg6[%dma_wait3A_274, %dma_wait3A_275] : memref<12544x128xi32, #tpu.memory_space<hbm>> -> memref<2x128xi32, #tpu.memory_space<hbm>>
        tpu.wait_dma2 semaphore(%arg16 : memref<!tpu.dma_semaphore, #tpu.memory_space<semaphore_mem>>) src(%dma_wait3A_276 : memref<2x128xi32, #tpu.memory_space<hbm>>) dst(%dma_wait3A_273 : memref<2x128xi32, #tpu.memory_space<vmem>>)
        %dma_start3A_277 = arith.constant 1 : i32
        %dma_start3A_278 = arith.constant 0 : i32
        %dma_start3A_279 = arith.constant 1 : i32
        %dma_start3A_280 = arith.constant 0 : i32
        %dma_start3A_281 = arith.constant 0 : i32
        %dma_start3A_282 = arith.constant 0 : i32
        %dma_start3A_283 = tpu.memref_slice %arg14[%dma_start3A_279, %dma_start3A_280, %dma_start3A_281, %dma_start3A_282] : memref<2x2x128x32xf32, #tpu.memory_space<vmem>> -> memref<1x1x128x32xf32, #tpu.memory_space<vmem>>
        %dma_start3A_284 = tpu.memref_squeeze %dma_start3A_283 : memref<1x1x128x32xf32, #tpu.memory_space<vmem>> -> memref<128x32xf32, #tpu.memory_space<vmem>>
        %dma_start3A_285 = arith.constant 0 : i32
        %dma_start3A_286 = tpu.memref_slice %arg13[%dma_start3A_277, %dma_start3A_278, %dma_start3A_285] : memref<2x4x128xi32, #tpu.memory_space<vmem>> -> memref<1x1x128xi32, #tpu.memory_space<vmem>>
        %dma_start3A_287 = tpu.memref_squeeze %dma_start3A_286 : memref<1x1x128xi32, #tpu.memory_space<vmem>> -> memref<128xi32, #tpu.memory_space<vmem>>
        %dma_start3A_288 = arith.constant 0 : i32
        %dma_start3A_289 = arith.constant 0 : i32
        %dma_start3A_290 = tpu.memref_slice %arg5[%dma_start3A_288, %dma_start3A_289] : memref<50000x32xf32, #tpu.memory_space<hbm>> -> memref<50000x32xf32, #tpu.memory_space<hbm>>
        tpu.enqueue_indirect_dma source(%dma_start3A_290 : memref<50000x32xf32, #tpu.memory_space<hbm>>) target(%dma_start3A_284 : memref<128x32xf32, #tpu.memory_space<vmem>>) offsets(%dma_start3A_287 : memref<128xi32, #tpu.memory_space<vmem>>) semaphore(%arg17 : memref<!tpu.dma_semaphore, #tpu.memory_space<semaphore_mem>>)
        %dma_start3A_291 = arith.constant 1 : i32
        %dma_start3A_292 = arith.constant 1 : i32
        %dma_start3A_293 = arith.constant 1 : i32
        %dma_start3A_294 = arith.constant 1 : i32
        %dma_start3A_295 = arith.constant 0 : i32
        %dma_start3A_296 = arith.constant 0 : i32
        %dma_start3A_297 = tpu.memref_slice %arg14[%dma_start3A_293, %dma_start3A_294, %dma_start3A_295, %dma_start3A_296] : memref<2x2x128x32xf32, #tpu.memory_space<vmem>> -> memref<1x1x128x32xf32, #tpu.memory_space<vmem>>
        %dma_start3A_298 = tpu.memref_squeeze %dma_start3A_297 : memref<1x1x128x32xf32, #tpu.memory_space<vmem>> -> memref<128x32xf32, #tpu.memory_space<vmem>>
        %dma_start3A_299 = arith.constant 0 : i32
        %dma_start3A_300 = tpu.memref_slice %arg13[%dma_start3A_291, %dma_start3A_292, %dma_start3A_299] : memref<2x4x128xi32, #tpu.memory_space<vmem>> -> memref<1x1x128xi32, #tpu.memory_space<vmem>>
        %dma_start3A_301 = tpu.memref_squeeze %dma_start3A_300 : memref<1x1x128xi32, #tpu.memory_space<vmem>> -> memref<128xi32, #tpu.memory_space<vmem>>
        %dma_start3A_302 = arith.constant 0 : i32
        %dma_start3A_303 = arith.constant 0 : i32
        %dma_start3A_304 = tpu.memref_slice %arg5[%dma_start3A_302, %dma_start3A_303] : memref<50000x32xf32, #tpu.memory_space<hbm>> -> memref<50000x32xf32, #tpu.memory_space<hbm>>
        tpu.enqueue_indirect_dma source(%dma_start3A_304 : memref<50000x32xf32, #tpu.memory_space<hbm>>) target(%dma_start3A_298 : memref<128x32xf32, #tpu.memory_space<vmem>>) offsets(%dma_start3A_301 : memref<128xi32, #tpu.memory_space<vmem>>) semaphore(%arg17 : memref<!tpu.dma_semaphore, #tpu.memory_space<semaphore_mem>>)
        %dma_wait3A_305 = arith.constant 1 : i32
        %dma_wait3A_306 = arith.constant 0 : i32
        %dma_wait3A_307 = arith.constant 0 : i32
        %dma_wait3A_308 = arith.constant 0 : i32
        %dma_wait3A_309 = tpu.memref_slice %arg14[%dma_wait3A_305, %dma_wait3A_306, %dma_wait3A_307, %dma_wait3A_308] : memref<2x2x128x32xf32, #tpu.memory_space<vmem>> -> memref<1x1x128x32xf32, #tpu.memory_space<vmem>>
        %dma_wait3A_310 = tpu.memref_squeeze %dma_wait3A_309 : memref<1x1x128x32xf32, #tpu.memory_space<vmem>> -> memref<128x32xf32, #tpu.memory_space<vmem>>
        %dma_wait3A_311 = arith.constant 0 : i32
        %dma_wait3A_312 = arith.constant 0 : i32
        %dma_wait3A_313 = tpu.memref_slice %arg5[%dma_wait3A_311, %dma_wait3A_312] : memref<50000x32xf32, #tpu.memory_space<hbm>> -> memref<128x32xf32, #tpu.memory_space<hbm>>
        %dma_wait3A_314 = arith.constant 0 : i32
        %dma_wait3A_315 = arith.constant 0 : i32
        %dma_wait3A_316 = tpu.memref_slice %arg14[%dma_wait3A_305, %dma_wait3A_306, %dma_wait3A_314, %dma_wait3A_315] : memref<2x2x128x32xf32, #tpu.memory_space<vmem>> -> memref<1x1x128x32xf32, #tpu.memory_space<vmem>>
        %dma_wait3A_317 = tpu.memref_squeeze %dma_wait3A_316 : memref<1x1x128x32xf32, #tpu.memory_space<vmem>> -> memref<128x32xf32, #tpu.memory_space<vmem>>
        %dma_wait3A_318 = arith.constant 0 : i32
        %dma_wait3A_319 = arith.constant 0 : i32
        %dma_wait3A_320 = tpu.memref_slice %arg5[%dma_wait3A_318, %dma_wait3A_319] : memref<50000x32xf32, #tpu.memory_space<hbm>> -> memref<128x32xf32, #tpu.memory_space<hbm>>
        tpu.wait_dma2 semaphore(%arg17 : memref<!tpu.dma_semaphore, #tpu.memory_space<semaphore_mem>>) src(%dma_wait3A_320 : memref<128x32xf32, #tpu.memory_space<hbm>>) dst(%dma_wait3A_317 : memref<128x32xf32, #tpu.memory_space<vmem>>)
        %dma_wait3A_321 = arith.constant 1 : i32
        %dma_wait3A_322 = arith.constant 1 : i32
        %dma_wait3A_323 = arith.constant 0 : i32
        %dma_wait3A_324 = arith.constant 0 : i32
        %dma_wait3A_325 = tpu.memref_slice %arg14[%dma_wait3A_321, %dma_wait3A_322, %dma_wait3A_323, %dma_wait3A_324] : memref<2x2x128x32xf32, #tpu.memory_space<vmem>> -> memref<1x1x128x32xf32, #tpu.memory_space<vmem>>
        %dma_wait3A_326 = tpu.memref_squeeze %dma_wait3A_325 : memref<1x1x128x32xf32, #tpu.memory_space<vmem>> -> memref<128x32xf32, #tpu.memory_space<vmem>>
        %dma_wait3A_327 = arith.constant 0 : i32
        %dma_wait3A_328 = arith.constant 0 : i32
        %dma_wait3A_329 = tpu.memref_slice %arg5[%dma_wait3A_327, %dma_wait3A_328] : memref<50000x32xf32, #tpu.memory_space<hbm>> -> memref<128x32xf32, #tpu.memory_space<hbm>>
        %dma_wait3A_330 = arith.constant 0 : i32
        %dma_wait3A_331 = arith.constant 0 : i32
        %dma_wait3A_332 = tpu.memref_slice %arg14[%dma_wait3A_321, %dma_wait3A_322, %dma_wait3A_330, %dma_wait3A_331] : memref<2x2x128x32xf32, #tpu.memory_space<vmem>> -> memref<1x1x128x32xf32, #tpu.memory_space<vmem>>
        %dma_wait3A_333 = tpu.memref_squeeze %dma_wait3A_332 : memref<1x1x128x32xf32, #tpu.memory_space<vmem>> -> memref<128x32xf32, #tpu.memory_space<vmem>>
        %dma_wait3A_334 = arith.constant 0 : i32
        %dma_wait3A_335 = arith.constant 0 : i32
        %dma_wait3A_336 = tpu.memref_slice %arg5[%dma_wait3A_334, %dma_wait3A_335] : memref<50000x32xf32, #tpu.memory_space<hbm>> -> memref<128x32xf32, #tpu.memory_space<hbm>>
        tpu.wait_dma2 semaphore(%arg17 : memref<!tpu.dma_semaphore, #tpu.memory_space<semaphore_mem>>) src(%dma_wait3A_336 : memref<128x32xf32, #tpu.memory_space<hbm>>) dst(%dma_wait3A_333 : memref<128x32xf32, #tpu.memory_space<vmem>>)
        %dma_start3A_337 = arith.constant 1 : i32
        %dma_start3A_338 = arith.constant 0 : i32
        %dma_start3A_339 = arith.constant 1 : i32
        %dma_start3A_340 = arith.constant 2 : i32
        %dma_start3A_341 = arith.constant 0 : i32
        %dma_start3A_342 = arith.constant 0 : i32
        %dma_start3A_343 = tpu.memref_slice %arg14[%dma_start3A_337, %dma_start3A_338, %dma_start3A_341, %dma_start3A_342] : memref<2x2x128x32xf32, #tpu.memory_space<vmem>> -> memref<1x1x128x32xf32, #tpu.memory_space<vmem>>
        %dma_start3A_344 = tpu.memref_squeeze %dma_start3A_343 : memref<1x1x128x32xf32, #tpu.memory_space<vmem>> -> memref<128x32xf32, #tpu.memory_space<vmem>>
        %dma_start3A_345 = arith.constant 0 : i32
        %dma_start3A_346 = tpu.memref_slice %arg13[%dma_start3A_339, %dma_start3A_340, %dma_start3A_345] : memref<2x4x128xi32, #tpu.memory_space<vmem>> -> memref<1x1x128xi32, #tpu.memory_space<vmem>>
        %dma_start3A_347 = tpu.memref_squeeze %dma_start3A_346 : memref<1x1x128xi32, #tpu.memory_space<vmem>> -> memref<128xi32, #tpu.memory_space<vmem>>
        %dma_start3A_348 = arith.constant 0 : i32
        %dma_start3A_349 = arith.constant 0 : i32
        %dma_start3A_350 = tpu.memref_slice %arg15[%dma_start3A_348, %dma_start3A_349] : memref<51200x32xf32, #tpu.memory_space<vmem_shared>> -> memref<51200x32xf32, #tpu.memory_space<vmem_shared>>
        tpu.enqueue_indirect_dma source(%dma_start3A_344 : memref<128x32xf32, #tpu.memory_space<vmem>>) target(%dma_start3A_350 : memref<51200x32xf32, #tpu.memory_space<vmem_shared>>) offsets(%dma_start3A_347 : memref<128xi32, #tpu.memory_space<vmem>>) semaphore(%arg19 : memref<!tpu.dma_semaphore, #tpu.memory_space<semaphore_mem>>) {add = true}
        %dma_start3A_351 = arith.constant 1 : i32
        %dma_start3A_352 = arith.constant 1 : i32
        %dma_start3A_353 = arith.constant 1 : i32
        %dma_start3A_354 = arith.constant 3 : i32
        %dma_start3A_355 = arith.constant 0 : i32
        %dma_start3A_356 = arith.constant 0 : i32
        %dma_start3A_357 = tpu.memref_slice %arg14[%dma_start3A_351, %dma_start3A_352, %dma_start3A_355, %dma_start3A_356] : memref<2x2x128x32xf32, #tpu.memory_space<vmem>> -> memref<1x1x128x32xf32, #tpu.memory_space<vmem>>
        %dma_start3A_358 = tpu.memref_squeeze %dma_start3A_357 : memref<1x1x128x32xf32, #tpu.memory_space<vmem>> -> memref<128x32xf32, #tpu.memory_space<vmem>>
        %dma_start3A_359 = arith.constant 0 : i32
        %dma_start3A_360 = tpu.memref_slice %arg13[%dma_start3A_353, %dma_start3A_354, %dma_start3A_359] : memref<2x4x128xi32, #tpu.memory_space<vmem>> -> memref<1x1x128xi32, #tpu.memory_space<vmem>>
        %dma_start3A_361 = tpu.memref_squeeze %dma_start3A_360 : memref<1x1x128xi32, #tpu.memory_space<vmem>> -> memref<128xi32, #tpu.memory_space<vmem>>
        %dma_start3A_362 = arith.constant 0 : i32
        %dma_start3A_363 = arith.constant 0 : i32
        %dma_start3A_364 = tpu.memref_slice %arg15[%dma_start3A_362, %dma_start3A_363] : memref<51200x32xf32, #tpu.memory_space<vmem_shared>> -> memref<51200x32xf32, #tpu.memory_space<vmem_shared>>
        tpu.enqueue_indirect_dma source(%dma_start3A_358 : memref<128x32xf32, #tpu.memory_space<vmem>>) target(%dma_start3A_364 : memref<51200x32xf32, #tpu.memory_space<vmem_shared>>) offsets(%dma_start3A_361 : memref<128xi32, #tpu.memory_space<vmem>>) semaphore(%arg19 : memref<!tpu.dma_semaphore, #tpu.memory_space<semaphore_mem>>) {add = true}
        %dma_wait3A_365 = arith.constant 0 : i32
        %dma_wait3A_366 = arith.constant 0 : i32
        %dma_wait3A_367 = arith.constant 0 : i32
        %dma_wait3A_368 = arith.constant 0 : i32
        %dma_wait3A_369 = tpu.memref_slice %arg14[%dma_wait3A_365, %dma_wait3A_366, %dma_wait3A_367, %dma_wait3A_368] : memref<2x2x128x32xf32, #tpu.memory_space<vmem>> -> memref<1x1x128x32xf32, #tpu.memory_space<vmem>>
        %dma_wait3A_370 = tpu.memref_squeeze %dma_wait3A_369 : memref<1x1x128x32xf32, #tpu.memory_space<vmem>> -> memref<128x32xf32, #tpu.memory_space<vmem>>
        %dma_wait3A_371 = arith.constant 0 : i32
        %dma_wait3A_372 = arith.constant 0 : i32
        %dma_wait3A_373 = tpu.memref_slice %arg5[%dma_wait3A_371, %dma_wait3A_372] : memref<50000x32xf32, #tpu.memory_space<hbm>> -> memref<128x32xf32, #tpu.memory_space<hbm>>
        %dma_wait3A_374 = arith.constant 0 : i32
        %dma_wait3A_375 = arith.constant 0 : i32
        %dma_wait3A_376 = tpu.memref_slice %arg14[%dma_wait3A_365, %dma_wait3A_366, %dma_wait3A_374, %dma_wait3A_375] : memref<2x2x128x32xf32, #tpu.memory_space<vmem>> -> memref<1x1x128x32xf32, #tpu.memory_space<vmem>>
        %dma_wait3A_377 = tpu.memref_squeeze %dma_wait3A_376 : memref<1x1x128x32xf32, #tpu.memory_space<vmem>> -> memref<128x32xf32, #tpu.memory_space<vmem>>
        %dma_wait3A_378 = arith.constant 0 : i32
        %dma_wait3A_379 = arith.constant 0 : i32
        %dma_wait3A_380 = tpu.memref_slice %arg5[%dma_wait3A_378, %dma_wait3A_379] : memref<50000x32xf32, #tpu.memory_space<hbm>> -> memref<128x32xf32, #tpu.memory_space<hbm>>
        tpu.wait_dma2 semaphore(%arg18 : memref<!tpu.dma_semaphore, #tpu.memory_space<semaphore_mem>>) src(%dma_wait3A_380 : memref<128x32xf32, #tpu.memory_space<hbm>>) dst(%dma_wait3A_377 : memref<128x32xf32, #tpu.memory_space<vmem>>)
        %dma_wait3A_381 = arith.constant 0 : i32
        %dma_wait3A_382 = arith.constant 1 : i32
        %dma_wait3A_383 = arith.constant 0 : i32
        %dma_wait3A_384 = arith.constant 0 : i32
        %dma_wait3A_385 = tpu.memref_slice %arg14[%dma_wait3A_381, %dma_wait3A_382, %dma_wait3A_383, %dma_wait3A_384] : memref<2x2x128x32xf32, #tpu.memory_space<vmem>> -> memref<1x1x128x32xf32, #tpu.memory_space<vmem>>
        %dma_wait3A_386 = tpu.memref_squeeze %dma_wait3A_385 : memref<1x1x128x32xf32, #tpu.memory_space<vmem>> -> memref<128x32xf32, #tpu.memory_space<vmem>>
        %dma_wait3A_387 = arith.constant 0 : i32
        %dma_wait3A_388 = arith.constant 0 : i32
        %dma_wait3A_389 = tpu.memref_slice %arg5[%dma_wait3A_387, %dma_wait3A_388] : memref<50000x32xf32, #tpu.memory_space<hbm>> -> memref<128x32xf32, #tpu.memory_space<hbm>>
        %dma_wait3A_390 = arith.constant 0 : i32
        %dma_wait3A_391 = arith.constant 0 : i32
        %dma_wait3A_392 = tpu.memref_slice %arg14[%dma_wait3A_381, %dma_wait3A_382, %dma_wait3A_390, %dma_wait3A_391] : memref<2x2x128x32xf32, #tpu.memory_space<vmem>> -> memref<1x1x128x32xf32, #tpu.memory_space<vmem>>
        %dma_wait3A_393 = tpu.memref_squeeze %dma_wait3A_392 : memref<1x1x128x32xf32, #tpu.memory_space<vmem>> -> memref<128x32xf32, #tpu.memory_space<vmem>>
        %dma_wait3A_394 = arith.constant 0 : i32
        %dma_wait3A_395 = arith.constant 0 : i32
        %dma_wait3A_396 = tpu.memref_slice %arg5[%dma_wait3A_394, %dma_wait3A_395] : memref<50000x32xf32, #tpu.memory_space<hbm>> -> memref<128x32xf32, #tpu.memory_space<hbm>>
        tpu.wait_dma2 semaphore(%arg18 : memref<!tpu.dma_semaphore, #tpu.memory_space<semaphore_mem>>) src(%dma_wait3A_396 : memref<128x32xf32, #tpu.memory_space<hbm>>) dst(%dma_wait3A_393 : memref<128x32xf32, #tpu.memory_space<vmem>>)
        %lt3A = arith.constant 195 : i32
        %lt3A_397 = arith.cmpi slt, %scan3A_181, %lt3A : i32
        %convert_element_type3A_398 = arith.extui %lt3A_397 : i1 to i32
        %cond3A_399 = arith.constant 0 : i32
        %cond3A_400 = arith.cmpi ne, %convert_element_type3A_398, %cond3A_399 : i32
        scf.if %cond3A_400 {
          %mul3A_402 = arith.constant 2 : i32
          %mul3A_403 = arith.muli %mul3A_402, %scan3A_181 : i32
          %add3A_404 = arith.constant 2 : i32
          %add3A_405 = arith.addi %mul3A_403, %add3A_404 : i32
          %mul3A_406 = arith.constant 784 : i32
          %mul3A_407 = arith.muli %arg1, %mul3A_406 : i32
          %mul3A_408 = arith.constant 2 : i32
          %mul3A_409 = arith.muli %mul3A_408, %add3A_405 : i32
          %add3A_410 = arith.addi %mul3A_407, %mul3A_409 : i32
          %dma_start3A_411 = arith.constant 0 : i32
          %dma_start3A_412 = arith.constant 0 : i32
          %dma_start3A_413 = arith.constant 0 : i32
          %dma_start3A_414 = tpu.memref_slice %arg13[%dma_start3A_411, %dma_start3A_412, %dma_start3A_413] : memref<2x4x128xi32, #tpu.memory_space<vmem>> -> memref<1x2x128xi32, #tpu.memory_space<vmem>>
          %dma_start3A_415 = tpu.memref_squeeze %dma_start3A_414 : memref<1x2x128xi32, #tpu.memory_space<vmem>> -> memref<2x128xi32, #tpu.memory_space<vmem>>
          %dma_start3A_416 = arith.constant 0 : i32
          %dma_start3A_417 = tpu.memref_slice %arg6[%add3A_410, %dma_start3A_416] : memref<12544x128xi32, #tpu.memory_space<hbm>> -> memref<2x128xi32, #tpu.memory_space<hbm>>
          %dma_start3A_418 = arith.constant 0 : i32
          %dma_start3A_419 = arith.constant 0 : i32
          %dma_start3A_420 = tpu.memref_slice %arg13[%dma_start3A_411, %dma_start3A_418, %dma_start3A_419] : memref<2x4x128xi32, #tpu.memory_space<vmem>> -> memref<1x2x128xi32, #tpu.memory_space<vmem>>
          %dma_start3A_421 = tpu.memref_squeeze %dma_start3A_420 : memref<1x2x128xi32, #tpu.memory_space<vmem>> -> memref<2x128xi32, #tpu.memory_space<vmem>>
          %dma_start3A_422 = arith.constant 0 : i32
          %dma_start3A_423 = tpu.memref_slice %arg6[%add3A_410, %dma_start3A_422] : memref<12544x128xi32, #tpu.memory_space<hbm>> -> memref<2x128xi32, #tpu.memory_space<hbm>>
          tpu.enqueue_dma source(%dma_start3A_423 : memref<2x128xi32, #tpu.memory_space<hbm>>) target(%dma_start3A_421 : memref<2x128xi32, #tpu.memory_space<vmem>>) target_semaphore(%arg16 : memref<!tpu.dma_semaphore, #tpu.memory_space<semaphore_mem>>)
          %dma_start3A_424 = arith.constant 0 : i32
          %dma_start3A_425 = arith.constant 2 : i32
          %dma_start3A_426 = arith.constant 0 : i32
          %dma_start3A_427 = tpu.memref_slice %arg13[%dma_start3A_424, %dma_start3A_425, %dma_start3A_426] : memref<2x4x128xi32, #tpu.memory_space<vmem>> -> memref<1x2x128xi32, #tpu.memory_space<vmem>>
          %dma_start3A_428 = tpu.memref_squeeze %dma_start3A_427 : memref<1x2x128xi32, #tpu.memory_space<vmem>> -> memref<2x128xi32, #tpu.memory_space<vmem>>
          %dma_start3A_429 = arith.constant 0 : i32
          %dma_start3A_430 = tpu.memref_slice %arg7[%add3A_410, %dma_start3A_429] : memref<12544x128xi32, #tpu.memory_space<hbm>> -> memref<2x128xi32, #tpu.memory_space<hbm>>
          %dma_start3A_431 = arith.constant 2 : i32
          %dma_start3A_432 = arith.constant 0 : i32
          %dma_start3A_433 = tpu.memref_slice %arg13[%dma_start3A_424, %dma_start3A_431, %dma_start3A_432] : memref<2x4x128xi32, #tpu.memory_space<vmem>> -> memref<1x2x128xi32, #tpu.memory_space<vmem>>
          %dma_start3A_434 = tpu.memref_squeeze %dma_start3A_433 : memref<1x2x128xi32, #tpu.memory_space<vmem>> -> memref<2x128xi32, #tpu.memory_space<vmem>>
          %dma_start3A_435 = arith.constant 0 : i32
          %dma_start3A_436 = tpu.memref_slice %arg7[%add3A_410, %dma_start3A_435] : memref<12544x128xi32, #tpu.memory_space<hbm>> -> memref<2x128xi32, #tpu.memory_space<hbm>>
          tpu.enqueue_dma source(%dma_start3A_436 : memref<2x128xi32, #tpu.memory_space<hbm>>) target(%dma_start3A_434 : memref<2x128xi32, #tpu.memory_space<vmem>>) target_semaphore(%arg16 : memref<!tpu.dma_semaphore, #tpu.memory_space<semaphore_mem>>)
          %dma_wait3A_437 = arith.constant 0 : i32
          %dma_wait3A_438 = arith.constant 0 : i32
          %dma_wait3A_439 = arith.constant 0 : i32
          %dma_wait3A_440 = tpu.memref_slice %arg13[%dma_wait3A_437, %dma_wait3A_438, %dma_wait3A_439] : memref<2x4x128xi32, #tpu.memory_space<vmem>> -> memref<1x2x128xi32, #tpu.memory_space<vmem>>
          %dma_wait3A_441 = tpu.memref_squeeze %dma_wait3A_440 : memref<1x2x128xi32, #tpu.memory_space<vmem>> -> memref<2x128xi32, #tpu.memory_space<vmem>>
          %dma_wait3A_442 = arith.constant 0 : i32
          %dma_wait3A_443 = arith.constant 0 : i32
          %dma_wait3A_444 = tpu.memref_slice %arg6[%dma_wait3A_442, %dma_wait3A_443] : memref<12544x128xi32, #tpu.memory_space<hbm>> -> memref<2x128xi32, #tpu.memory_space<hbm>>
          %dma_wait3A_445 = arith.constant 0 : i32
          %dma_wait3A_446 = arith.constant 0 : i32
          %dma_wait3A_447 = tpu.memref_slice %arg13[%dma_wait3A_437, %dma_wait3A_445, %dma_wait3A_446] : memref<2x4x128xi32, #tpu.memory_space<vmem>> -> memref<1x2x128xi32, #tpu.memory_space<vmem>>
          %dma_wait3A_448 = tpu.memref_squeeze %dma_wait3A_447 : memref<1x2x128xi32, #tpu.memory_space<vmem>> -> memref<2x128xi32, #tpu.memory_space<vmem>>
          %dma_wait3A_449 = arith.constant 0 : i32
          %dma_wait3A_450 = arith.constant 0 : i32
          %dma_wait3A_451 = tpu.memref_slice %arg6[%dma_wait3A_449, %dma_wait3A_450] : memref<12544x128xi32, #tpu.memory_space<hbm>> -> memref<2x128xi32, #tpu.memory_space<hbm>>
          tpu.wait_dma2 semaphore(%arg16 : memref<!tpu.dma_semaphore, #tpu.memory_space<semaphore_mem>>) src(%dma_wait3A_451 : memref<2x128xi32, #tpu.memory_space<hbm>>) dst(%dma_wait3A_448 : memref<2x128xi32, #tpu.memory_space<vmem>>)
          %dma_wait3A_452 = arith.constant 0 : i32
          %dma_wait3A_453 = arith.constant 2 : i32
          %dma_wait3A_454 = arith.constant 0 : i32
          %dma_wait3A_455 = tpu.memref_slice %arg13[%dma_wait3A_452, %dma_wait3A_453, %dma_wait3A_454] : memref<2x4x128xi32, #tpu.memory_space<vmem>> -> memref<1x2x128xi32, #tpu.memory_space<vmem>>
          %dma_wait3A_456 = tpu.memref_squeeze %dma_wait3A_455 : memref<1x2x128xi32, #tpu.memory_space<vmem>> -> memref<2x128xi32, #tpu.memory_space<vmem>>
          %dma_wait3A_457 = arith.constant 0 : i32
          %dma_wait3A_458 = arith.constant 0 : i32
          %dma_wait3A_459 = tpu.memref_slice %arg6[%dma_wait3A_457, %dma_wait3A_458] : memref<12544x128xi32, #tpu.memory_space<hbm>> -> memref<2x128xi32, #tpu.memory_space<hbm>>
          %dma_wait3A_460 = arith.constant 2 : i32
          %dma_wait3A_461 = arith.constant 0 : i32
          %dma_wait3A_462 = tpu.memref_slice %arg13[%dma_wait3A_452, %dma_wait3A_460, %dma_wait3A_461] : memref<2x4x128xi32, #tpu.memory_space<vmem>> -> memref<1x2x128xi32, #tpu.memory_space<vmem>>
          %dma_wait3A_463 = tpu.memref_squeeze %dma_wait3A_462 : memref<1x2x128xi32, #tpu.memory_space<vmem>> -> memref<2x128xi32, #tpu.memory_space<vmem>>
          %dma_wait3A_464 = arith.constant 0 : i32
          %dma_wait3A_465 = arith.constant 0 : i32
          %dma_wait3A_466 = tpu.memref_slice %arg6[%dma_wait3A_464, %dma_wait3A_465] : memref<12544x128xi32, #tpu.memory_space<hbm>> -> memref<2x128xi32, #tpu.memory_space<hbm>>
          tpu.wait_dma2 semaphore(%arg16 : memref<!tpu.dma_semaphore, #tpu.memory_space<semaphore_mem>>) src(%dma_wait3A_466 : memref<2x128xi32, #tpu.memory_space<hbm>>) dst(%dma_wait3A_463 : memref<2x128xi32, #tpu.memory_space<vmem>>)
          %dma_start3A_467 = arith.constant 0 : i32
          %dma_start3A_468 = arith.constant 0 : i32
          %dma_start3A_469 = arith.constant 0 : i32
          %dma_start3A_470 = arith.constant 0 : i32
          %dma_start3A_471 = arith.constant 0 : i32
          %dma_start3A_472 = arith.constant 0 : i32
          %dma_start3A_473 = tpu.memref_slice %arg14[%dma_start3A_469, %dma_start3A_470, %dma_start3A_471, %dma_start3A_472] : memref<2x2x128x32xf32, #tpu.memory_space<vmem>> -> memref<1x1x128x32xf32, #tpu.memory_space<vmem>>
          %dma_start3A_474 = tpu.memref_squeeze %dma_start3A_473 : memref<1x1x128x32xf32, #tpu.memory_space<vmem>> -> memref<128x32xf32, #tpu.memory_space<vmem>>
          %dma_start3A_475 = arith.constant 0 : i32
          %dma_start3A_476 = tpu.memref_slice %arg13[%dma_start3A_467, %dma_start3A_468, %dma_start3A_475] : memref<2x4x128xi32, #tpu.memory_space<vmem>> -> memref<1x1x128xi32, #tpu.memory_space<vmem>>
          %dma_start3A_477 = tpu.memref_squeeze %dma_start3A_476 : memref<1x1x128xi32, #tpu.memory_space<vmem>> -> memref<128xi32, #tpu.memory_space<vmem>>
          %dma_start3A_478 = arith.constant 0 : i32
          %dma_start3A_479 = arith.constant 0 : i32
          %dma_start3A_480 = tpu.memref_slice %arg5[%dma_start3A_478, %dma_start3A_479] : memref<50000x32xf32, #tpu.memory_space<hbm>> -> memref<50000x32xf32, #tpu.memory_space<hbm>>
          tpu.enqueue_indirect_dma source(%dma_start3A_480 : memref<50000x32xf32, #tpu.memory_space<hbm>>) target(%dma_start3A_474 : memref<128x32xf32, #tpu.memory_space<vmem>>) offsets(%dma_start3A_477 : memref<128xi32, #tpu.memory_space<vmem>>) semaphore(%arg17 : memref<!tpu.dma_semaphore, #tpu.memory_space<semaphore_mem>>)
          %dma_start3A_481 = arith.constant 0 : i32
          %dma_start3A_482 = arith.constant 1 : i32
          %dma_start3A_483 = arith.constant 0 : i32
          %dma_start3A_484 = arith.constant 1 : i32
          %dma_start3A_485 = arith.constant 0 : i32
          %dma_start3A_486 = arith.constant 0 : i32
          %dma_start3A_487 = tpu.memref_slice %arg14[%dma_start3A_483, %dma_start3A_484, %dma_start3A_485, %dma_start3A_486] : memref<2x2x128x32xf32, #tpu.memory_space<vmem>> -> memref<1x1x128x32xf32, #tpu.memory_space<vmem>>
          %dma_start3A_488 = tpu.memref_squeeze %dma_start3A_487 : memref<1x1x128x32xf32, #tpu.memory_space<vmem>> -> memref<128x32xf32, #tpu.memory_space<vmem>>
          %dma_start3A_489 = arith.constant 0 : i32
          %dma_start3A_490 = tpu.memref_slice %arg13[%dma_start3A_481, %dma_start3A_482, %dma_start3A_489] : memref<2x4x128xi32, #tpu.memory_space<vmem>> -> memref<1x1x128xi32, #tpu.memory_space<vmem>>
          %dma_start3A_491 = tpu.memref_squeeze %dma_start3A_490 : memref<1x1x128xi32, #tpu.memory_space<vmem>> -> memref<128xi32, #tpu.memory_space<vmem>>
          %dma_start3A_492 = arith.constant 0 : i32
          %dma_start3A_493 = arith.constant 0 : i32
          %dma_start3A_494 = tpu.memref_slice %arg5[%dma_start3A_492, %dma_start3A_493] : memref<50000x32xf32, #tpu.memory_space<hbm>> -> memref<50000x32xf32, #tpu.memory_space<hbm>>
          tpu.enqueue_indirect_dma source(%dma_start3A_494 : memref<50000x32xf32, #tpu.memory_space<hbm>>) target(%dma_start3A_488 : memref<128x32xf32, #tpu.memory_space<vmem>>) offsets(%dma_start3A_491 : memref<128xi32, #tpu.memory_space<vmem>>) semaphore(%arg17 : memref<!tpu.dma_semaphore, #tpu.memory_space<semaphore_mem>>)
        } else {
        }
        %scan3A_401 = arith.constant 0 : i32
        scf.yield %scan3A_401 : i32
      }
      %scan3A_143 = arith.constant 196 : i32
      %dma_wait3A_144 = arith.constant 1 : i32
      %dma_wait3A_145 = arith.constant 0 : i32
      %dma_wait3A_146 = arith.constant 0 : i32
      %dma_wait3A_147 = arith.constant 0 : i32
      %dma_wait3A_148 = tpu.memref_slice %arg14[%dma_wait3A_144, %dma_wait3A_145, %dma_wait3A_146, %dma_wait3A_147] : memref<2x2x128x32xf32, #tpu.memory_space<vmem>> -> memref<1x1x128x32xf32, #tpu.memory_space<vmem>>
      %dma_wait3A_149 = tpu.memref_squeeze %dma_wait3A_148 : memref<1x1x128x32xf32, #tpu.memory_space<vmem>> -> memref<128x32xf32, #tpu.memory_space<vmem>>
      %dma_wait3A_150 = arith.constant 0 : i32
      %dma_wait3A_151 = arith.constant 0 : i32
      %dma_wait3A_152 = tpu.memref_slice %arg5[%dma_wait3A_150, %dma_wait3A_151] : memref<50000x32xf32, #tpu.memory_space<hbm>> -> memref<128x32xf32, #tpu.memory_space<hbm>>
      %dma_wait3A_153 = arith.constant 0 : i32
      %dma_wait3A_154 = arith.constant 0 : i32
      %dma_wait3A_155 = tpu.memref_slice %arg14[%dma_wait3A_144, %dma_wait3A_145, %dma_wait3A_153, %dma_wait3A_154] : memref<2x2x128x32xf32, #tpu.memory_space<vmem>> -> memref<1x1x128x32xf32, #tpu.memory_space<vmem>>
      %dma_wait3A_156 = tpu.memref_squeeze %dma_wait3A_155 : memref<1x1x128x32xf32, #tpu.memory_space<vmem>> -> memref<128x32xf32, #tpu.memory_space<vmem>>
      %dma_wait3A_157 = arith.constant 0 : i32
      %dma_wait3A_158 = arith.constant 0 : i32
      %dma_wait3A_159 = tpu.memref_slice %arg5[%dma_wait3A_157, %dma_wait3A_158] : memref<50000x32xf32, #tpu.memory_space<hbm>> -> memref<128x32xf32, #tpu.memory_space<hbm>>
      tpu.wait_dma2 semaphore(%arg19 : memref<!tpu.dma_semaphore, #tpu.memory_space<semaphore_mem>>) src(%dma_wait3A_159 : memref<128x32xf32, #tpu.memory_space<hbm>>) dst(%dma_wait3A_156 : memref<128x32xf32, #tpu.memory_space<vmem>>)
      %dma_wait3A_160 = arith.constant 1 : i32
      %dma_wait3A_161 = arith.constant 1 : i32
      %dma_wait3A_162 = arith.constant 0 : i32
      %dma_wait3A_163 = arith.constant 0 : i32
      %dma_wait3A_164 = tpu.memref_slice %arg14[%dma_wait3A_160, %dma_wait3A_161, %dma_wait3A_162, %dma_wait3A_163] : memref<2x2x128x32xf32, #tpu.memory_space<vmem>> -> memref<1x1x128x32xf32, #tpu.memory_space<vmem>>
      %dma_wait3A_165 = tpu.memref_squeeze %dma_wait3A_164 : memref<1x1x128x32xf32, #tpu.memory_space<vmem>> -> memref<128x32xf32, #tpu.memory_space<vmem>>
      %dma_wait3A_166 = arith.constant 0 : i32
      %dma_wait3A_167 = arith.constant 0 : i32
      %dma_wait3A_168 = tpu.memref_slice %arg5[%dma_wait3A_166, %dma_wait3A_167] : memref<50000x32xf32, #tpu.memory_space<hbm>> -> memref<128x32xf32, #tpu.memory_space<hbm>>
      %dma_wait3A_169 = arith.constant 0 : i32
      %dma_wait3A_170 = arith.constant 0 : i32
      %dma_wait3A_171 = tpu.memref_slice %arg14[%dma_wait3A_160, %dma_wait3A_161, %dma_wait3A_169, %dma_wait3A_170] : memref<2x2x128x32xf32, #tpu.memory_space<vmem>> -> memref<1x1x128x32xf32, #tpu.memory_space<vmem>>
      %dma_wait3A_172 = tpu.memref_squeeze %dma_wait3A_171 : memref<1x1x128x32xf32, #tpu.memory_space<vmem>> -> memref<128x32xf32, #tpu.memory_space<vmem>>
      %dma_wait3A_173 = arith.constant 0 : i32
      %dma_wait3A_174 = arith.constant 0 : i32
      %dma_wait3A_175 = tpu.memref_slice %arg5[%dma_wait3A_173, %dma_wait3A_174] : memref<50000x32xf32, #tpu.memory_space<hbm>> -> memref<128x32xf32, #tpu.memory_space<hbm>>
      tpu.wait_dma2 semaphore(%arg19 : memref<!tpu.dma_semaphore, #tpu.memory_space<semaphore_mem>>) src(%dma_wait3A_175 : memref<128x32xf32, #tpu.memory_space<hbm>>) dst(%dma_wait3A_172 : memref<128x32xf32, #tpu.memory_space<vmem>>)
      %barrier3A_176 = arith.constant 0 : index
      tpu.barrier barrier_id(%barrier3A_176)
      %mul3A_177 = arith.constant 3125 : i32
      %mul3A_178 = arith.muli %arg1, %mul3A_177 : i32
      %mul3A_179 = arith.constant 3125 : i32
      %mul3A_180 = arith.muli %arg1, %mul3A_179 : i32
      "tpu.region"() ({
        %run_scoped3A = tpu.sem_alloc : memref<!tpu.dma_semaphore, #tpu.memory_space<semaphore_mem>>
        %dma_start3A_181 = arith.constant 0 : i32
        %dma_start3A_182 = tpu.memref_slice %arg12[%mul3A_180, %dma_start3A_181] : memref<50000x32xf32, #tpu.memory_space<hbm>> -> memref<3125x32xf32, #tpu.memory_space<hbm>>
        %dma_start3A_183 = arith.constant 0 : i32
        %dma_start3A_184 = tpu.memref_slice %arg15[%mul3A_178, %dma_start3A_183] : memref<51200x32xf32, #tpu.memory_space<vmem_shared>> -> memref<3125x32xf32, #tpu.memory_space<vmem_shared>>
        tpu.enqueue_dma source(%dma_start3A_184 : memref<3125x32xf32, #tpu.memory_space<vmem_shared>>) target(%dma_start3A_182 : memref<3125x32xf32, #tpu.memory_space<hbm>>) target_semaphore(%run_scoped3A : memref<!tpu.dma_semaphore, #tpu.memory_space<semaphore_mem>>)
        %dma_wait3A_185 = arith.constant 0 : i32
        %dma_wait3A_186 = tpu.memref_slice %arg12[%mul3A_180, %dma_wait3A_185] : memref<50000x32xf32, #tpu.memory_space<hbm>> -> memref<3125x32xf32, #tpu.memory_space<hbm>>
        %dma_wait3A_187 = arith.constant 0 : i32
        %dma_wait3A_188 = tpu.memref_slice %arg15[%mul3A_178, %dma_wait3A_187] : memref<51200x32xf32, #tpu.memory_space<vmem_shared>> -> memref<3125x32xf32, #tpu.memory_space<vmem_shared>>
        tpu.wait_dma2 semaphore(%run_scoped3A : memref<!tpu.dma_semaphore, #tpu.memory_space<semaphore_mem>>) src(%dma_wait3A_188 : memref<3125x32xf32, #tpu.memory_space<vmem_shared>>) dst(%dma_wait3A_186 : memref<3125x32xf32, #tpu.memory_space<hbm>>)
        tpu.yield
      }) : () -> ()
    } else {
    }
    %barrier3A_22 = arith.constant 0 : index
    tpu.barrier barrier_id(%barrier3A_22)
    return
  }
}

#map = affine_map<(d0, d1) -> (0, 0)>
module attributes {stable_mosaic.version = 14 : i64} {
  func.func @sc_agg2(%arg0: i32, %arg1: i32, %arg2: memref<50000x8xf32, #tpu.memory_space<hbm>>, %arg3: memref<12544x128xi32, #tpu.memory_space<hbm>>, %arg4: memref<12544x128xi32, #tpu.memory_space<hbm>>, %arg5: memref<3200x8xf32, #tpu.memory_space<hbm>>, %arg6: memref<100000x8xf32, #tpu.memory_space<hbm>>, %arg7: memref<8x128xi32, #tpu.memory_space<vmem>>, %arg8: memref<8x128xi32, #tpu.memory_space<vmem>>, %arg9: memref<8x128x8xf32, #tpu.memory_space<vmem>>, %arg10: memref<51200x8xf32, #tpu.memory_space<vmem_shared>>, %arg11: memref<!tpu.dma_semaphore, #tpu.memory_space<semaphore_mem>>, %arg12: memref<!tpu.dma_semaphore, #tpu.memory_space<semaphore_mem>>) attributes {dimension_semantics = [#tpu.dimension_semantics<core_parallel>, #tpu.dimension_semantics<subcore_parallel>], iteration_bounds = array<i64: 2, 16>, scalar_prefetch = 0 : i64, scratch_operands = 6 : i64, tpu.core_type = #tpu.core_type<sc_vector_subcore>, window_params = [{transform_indices = #map}, {transform_indices = #map}, {transform_indices = #map}, {transform_indices = #map}, {transform_indices = #map}]} {
    %mul3A = arith.constant 3200 : i32
    %mul3A_0 = arith.muli %arg1, %mul3A : i32
    "tpu.region"() ({
      %run_scoped3A = tpu.sem_alloc : memref<!tpu.dma_semaphore, #tpu.memory_space<semaphore_mem>>
      %dma_start3A = arith.constant 0 : i32
      %dma_start3A_14 = tpu.memref_slice %arg10[%mul3A_0, %dma_start3A] : memref<51200x8xf32, #tpu.memory_space<vmem_shared>> -> memref<3200x8xf32, #tpu.memory_space<vmem_shared>>
      tpu.enqueue_dma source(%arg5 : memref<3200x8xf32, #tpu.memory_space<hbm>>) target(%dma_start3A_14 : memref<3200x8xf32, #tpu.memory_space<vmem_shared>>) target_semaphore(%run_scoped3A : memref<!tpu.dma_semaphore, #tpu.memory_space<semaphore_mem>>)
      %dma_wait3A = arith.constant 0 : i32
      %dma_wait3A_15 = tpu.memref_slice %arg10[%mul3A_0, %dma_wait3A] : memref<51200x8xf32, #tpu.memory_space<vmem_shared>> -> memref<3200x8xf32, #tpu.memory_space<vmem_shared>>
      tpu.wait_dma2 semaphore(%run_scoped3A : memref<!tpu.dma_semaphore, #tpu.memory_space<semaphore_mem>>) src(%arg5 : memref<3200x8xf32, #tpu.memory_space<hbm>>) dst(%dma_wait3A_15 : memref<3200x8xf32, #tpu.memory_space<vmem_shared>>)
      tpu.yield
    }) : () -> ()
    %barrier3A = arith.constant 0 : index
    tpu.barrier barrier_id(%barrier3A)
    %scan3A = arith.constant 0 : i32
    %scan3A_1 = arith.constant 0 : i32
    %scan3A_2 = arith.constant 49 : i32
    %scan3A_3 = arith.addi %scan3A_1, %scan3A_2 : i32
    %scan3A_4 = arith.constant 1 : i32
    %scan3A_5 = scf.for %scan3A_14 = %scan3A_1 to %scan3A_3 step %scan3A_4 iter_args(%scan3A_15 = %scan3A) -> (i32)  : i32 {
      %mul3A_16 = arith.constant 6272 : i32
      %mul3A_17 = arith.muli %arg0, %mul3A_16 : i32
      %mul3A_18 = arith.constant 392 : i32
      %mul3A_19 = arith.muli %arg1, %mul3A_18 : i32
      %add3A_20 = arith.addi %mul3A_17, %mul3A_19 : i32
      %mul3A_21 = arith.constant 8 : i32
      %mul3A_22 = arith.muli %scan3A_14, %mul3A_21 : i32
      %add3A_23 = arith.addi %add3A_20, %mul3A_22 : i32
      "tpu.region"() ({
        %run_scoped3A = tpu.sem_alloc : memref<!tpu.dma_semaphore, #tpu.memory_space<semaphore_mem>>
        %dma_start3A_407 = arith.constant 0 : i32
        %dma_start3A_408 = tpu.memref_slice %arg3[%add3A_23, %dma_start3A_407] : memref<12544x128xi32, #tpu.memory_space<hbm>> -> memref<8x128xi32, #tpu.memory_space<hbm>>
        %dma_start3A_409 = arith.constant 0 : i32
        %dma_start3A_410 = tpu.memref_slice %arg3[%add3A_23, %dma_start3A_409] : memref<12544x128xi32, #tpu.memory_space<hbm>> -> memref<8x128xi32, #tpu.memory_space<hbm>>
        tpu.enqueue_dma source(%dma_start3A_410 : memref<8x128xi32, #tpu.memory_space<hbm>>) target(%arg7 : memref<8x128xi32, #tpu.memory_space<vmem>>) target_semaphore(%run_scoped3A : memref<!tpu.dma_semaphore, #tpu.memory_space<semaphore_mem>>)
        %dma_wait3A_411 = arith.constant 0 : i32
        %dma_wait3A_412 = tpu.memref_slice %arg3[%add3A_23, %dma_wait3A_411] : memref<12544x128xi32, #tpu.memory_space<hbm>> -> memref<8x128xi32, #tpu.memory_space<hbm>>
        %dma_wait3A_413 = arith.constant 0 : i32
        %dma_wait3A_414 = tpu.memref_slice %arg3[%add3A_23, %dma_wait3A_413] : memref<12544x128xi32, #tpu.memory_space<hbm>> -> memref<8x128xi32, #tpu.memory_space<hbm>>
        tpu.wait_dma2 semaphore(%run_scoped3A : memref<!tpu.dma_semaphore, #tpu.memory_space<semaphore_mem>>) src(%dma_wait3A_414 : memref<8x128xi32, #tpu.memory_space<hbm>>) dst(%arg7 : memref<8x128xi32, #tpu.memory_space<vmem>>)
        tpu.yield
      }) : () -> ()
      "tpu.region"() ({
        %run_scoped3A = tpu.sem_alloc : memref<!tpu.dma_semaphore, #tpu.memory_space<semaphore_mem>>
        %dma_start3A_407 = arith.constant 0 : i32
        %dma_start3A_408 = tpu.memref_slice %arg4[%add3A_23, %dma_start3A_407] : memref<12544x128xi32, #tpu.memory_space<hbm>> -> memref<8x128xi32, #tpu.memory_space<hbm>>
        %dma_start3A_409 = arith.constant 0 : i32
        %dma_start3A_410 = tpu.memref_slice %arg4[%add3A_23, %dma_start3A_409] : memref<12544x128xi32, #tpu.memory_space<hbm>> -> memref<8x128xi32, #tpu.memory_space<hbm>>
        tpu.enqueue_dma source(%dma_start3A_410 : memref<8x128xi32, #tpu.memory_space<hbm>>) target(%arg8 : memref<8x128xi32, #tpu.memory_space<vmem>>) target_semaphore(%run_scoped3A : memref<!tpu.dma_semaphore, #tpu.memory_space<semaphore_mem>>)
        %dma_wait3A_411 = arith.constant 0 : i32
        %dma_wait3A_412 = tpu.memref_slice %arg4[%add3A_23, %dma_wait3A_411] : memref<12544x128xi32, #tpu.memory_space<hbm>> -> memref<8x128xi32, #tpu.memory_space<hbm>>
        %dma_wait3A_413 = arith.constant 0 : i32
        %dma_wait3A_414 = tpu.memref_slice %arg4[%add3A_23, %dma_wait3A_413] : memref<12544x128xi32, #tpu.memory_space<hbm>> -> memref<8x128xi32, #tpu.memory_space<hbm>>
        tpu.wait_dma2 semaphore(%run_scoped3A : memref<!tpu.dma_semaphore, #tpu.memory_space<semaphore_mem>>) src(%dma_wait3A_414 : memref<8x128xi32, #tpu.memory_space<hbm>>) dst(%arg8 : memref<8x128xi32, #tpu.memory_space<vmem>>)
        tpu.yield
      }) : () -> ()
      %dma_start3A = arith.constant 0 : i32
      %dma_start3A_24 = arith.constant 0 : i32
      %dma_start3A_25 = arith.constant 0 : i32
      %dma_start3A_26 = arith.constant 0 : i32
      %dma_start3A_27 = tpu.memref_slice %arg9[%dma_start3A_24, %dma_start3A_25, %dma_start3A_26] : memref<8x128x8xf32, #tpu.memory_space<vmem>> -> memref<1x128x8xf32, #tpu.memory_space<vmem>>
      %dma_start3A_28 = tpu.memref_squeeze %dma_start3A_27 : memref<1x128x8xf32, #tpu.memory_space<vmem>> -> memref<128x8xf32, #tpu.memory_space<vmem>>
      %dma_start3A_29 = arith.constant 0 : i32
      %dma_start3A_30 = tpu.memref_slice %arg7[%dma_start3A, %dma_start3A_29] : memref<8x128xi32, #tpu.memory_space<vmem>> -> memref<1x128xi32, #tpu.memory_space<vmem>>
      %dma_start3A_31 = tpu.memref_squeeze %dma_start3A_30 : memref<1x128xi32, #tpu.memory_space<vmem>> -> memref<128xi32, #tpu.memory_space<vmem>>
      %dma_start3A_32 = arith.constant 0 : i32
      %dma_start3A_33 = arith.constant 0 : i32
      %dma_start3A_34 = tpu.memref_slice %arg2[%dma_start3A_32, %dma_start3A_33] : memref<50000x8xf32, #tpu.memory_space<hbm>> -> memref<50000x8xf32, #tpu.memory_space<hbm>>
      tpu.enqueue_indirect_dma source(%dma_start3A_34 : memref<50000x8xf32, #tpu.memory_space<hbm>>) target(%dma_start3A_28 : memref<128x8xf32, #tpu.memory_space<vmem>>) offsets(%dma_start3A_31 : memref<128xi32, #tpu.memory_space<vmem>>) semaphore(%arg11 : memref<!tpu.dma_semaphore, #tpu.memory_space<semaphore_mem>>)
      %dma_start3A_35 = arith.constant 1 : i32
      %dma_start3A_36 = arith.constant 1 : i32
      %dma_start3A_37 = arith.constant 0 : i32
      %dma_start3A_38 = arith.constant 0 : i32
      %dma_start3A_39 = tpu.memref_slice %arg9[%dma_start3A_36, %dma_start3A_37, %dma_start3A_38] : memref<8x128x8xf32, #tpu.memory_space<vmem>> -> memref<1x128x8xf32, #tpu.memory_space<vmem>>
      %dma_start3A_40 = tpu.memref_squeeze %dma_start3A_39 : memref<1x128x8xf32, #tpu.memory_space<vmem>> -> memref<128x8xf32, #tpu.memory_space<vmem>>
      %dma_start3A_41 = arith.constant 0 : i32
      %dma_start3A_42 = tpu.memref_slice %arg7[%dma_start3A_35, %dma_start3A_41] : memref<8x128xi32, #tpu.memory_space<vmem>> -> memref<1x128xi32, #tpu.memory_space<vmem>>
      %dma_start3A_43 = tpu.memref_squeeze %dma_start3A_42 : memref<1x128xi32, #tpu.memory_space<vmem>> -> memref<128xi32, #tpu.memory_space<vmem>>
      %dma_start3A_44 = arith.constant 0 : i32
      %dma_start3A_45 = arith.constant 0 : i32
      %dma_start3A_46 = tpu.memref_slice %arg2[%dma_start3A_44, %dma_start3A_45] : memref<50000x8xf32, #tpu.memory_space<hbm>> -> memref<50000x8xf32, #tpu.memory_space<hbm>>
      tpu.enqueue_indirect_dma source(%dma_start3A_46 : memref<50000x8xf32, #tpu.memory_space<hbm>>) target(%dma_start3A_40 : memref<128x8xf32, #tpu.memory_space<vmem>>) offsets(%dma_start3A_43 : memref<128xi32, #tpu.memory_space<vmem>>) semaphore(%arg11 : memref<!tpu.dma_semaphore, #tpu.memory_space<semaphore_mem>>)
      %dma_start3A_47 = arith.constant 2 : i32
      %dma_start3A_48 = arith.constant 2 : i32
      %dma_start3A_49 = arith.constant 0 : i32
      %dma_start3A_50 = arith.constant 0 : i32
      %dma_start3A_51 = tpu.memref_slice %arg9[%dma_start3A_48, %dma_start3A_49, %dma_start3A_50] : memref<8x128x8xf32, #tpu.memory_space<vmem>> -> memref<1x128x8xf32, #tpu.memory_space<vmem>>
      %dma_start3A_52 = tpu.memref_squeeze %dma_start3A_51 : memref<1x128x8xf32, #tpu.memory_space<vmem>> -> memref<128x8xf32, #tpu.memory_space<vmem>>
      %dma_start3A_53 = arith.constant 0 : i32
      %dma_start3A_54 = tpu.memref_slice %arg7[%dma_start3A_47, %dma_start3A_53] : memref<8x128xi32, #tpu.memory_space<vmem>> -> memref<1x128xi32, #tpu.memory_space<vmem>>
      %dma_start3A_55 = tpu.memref_squeeze %dma_start3A_54 : memref<1x128xi32, #tpu.memory_space<vmem>> -> memref<128xi32, #tpu.memory_space<vmem>>
      %dma_start3A_56 = arith.constant 0 : i32
      %dma_start3A_57 = arith.constant 0 : i32
      %dma_start3A_58 = tpu.memref_slice %arg2[%dma_start3A_56, %dma_start3A_57] : memref<50000x8xf32, #tpu.memory_space<hbm>> -> memref<50000x8xf32, #tpu.memory_space<hbm>>
      tpu.enqueue_indirect_dma source(%dma_start3A_58 : memref<50000x8xf32, #tpu.memory_space<hbm>>) target(%dma_start3A_52 : memref<128x8xf32, #tpu.memory_space<vmem>>) offsets(%dma_start3A_55 : memref<128xi32, #tpu.memory_space<vmem>>) semaphore(%arg11 : memref<!tpu.dma_semaphore, #tpu.memory_space<semaphore_mem>>)
      %dma_start3A_59 = arith.constant 3 : i32
      %dma_start3A_60 = arith.constant 3 : i32
      %dma_start3A_61 = arith.constant 0 : i32
      %dma_start3A_62 = arith.constant 0 : i32
      %dma_start3A_63 = tpu.memref_slice %arg9[%dma_start3A_60, %dma_start3A_61, %dma_start3A_62] : memref<8x128x8xf32, #tpu.memory_space<vmem>> -> memref<1x128x8xf32, #tpu.memory_space<vmem>>
      %dma_start3A_64 = tpu.memref_squeeze %dma_start3A_63 : memref<1x128x8xf32, #tpu.memory_space<vmem>> -> memref<128x8xf32, #tpu.memory_space<vmem>>
      %dma_start3A_65 = arith.constant 0 : i32
      %dma_start3A_66 = tpu.memref_slice %arg7[%dma_start3A_59, %dma_start3A_65] : memref<8x128xi32, #tpu.memory_space<vmem>> -> memref<1x128xi32, #tpu.memory_space<vmem>>
      %dma_start3A_67 = tpu.memref_squeeze %dma_start3A_66 : memref<1x128xi32, #tpu.memory_space<vmem>> -> memref<128xi32, #tpu.memory_space<vmem>>
      %dma_start3A_68 = arith.constant 0 : i32
      %dma_start3A_69 = arith.constant 0 : i32
      %dma_start3A_70 = tpu.memref_slice %arg2[%dma_start3A_68, %dma_start3A_69] : memref<50000x8xf32, #tpu.memory_space<hbm>> -> memref<50000x8xf32, #tpu.memory_space<hbm>>
      tpu.enqueue_indirect_dma source(%dma_start3A_70 : memref<50000x8xf32, #tpu.memory_space<hbm>>) target(%dma_start3A_64 : memref<128x8xf32, #tpu.memory_space<vmem>>) offsets(%dma_start3A_67 : memref<128xi32, #tpu.memory_space<vmem>>) semaphore(%arg11 : memref<!tpu.dma_semaphore, #tpu.memory_space<semaphore_mem>>)
      %dma_start3A_71 = arith.constant 4 : i32
      %dma_start3A_72 = arith.constant 4 : i32
      %dma_start3A_73 = arith.constant 0 : i32
      %dma_start3A_74 = arith.constant 0 : i32
      %dma_start3A_75 = tpu.memref_slice %arg9[%dma_start3A_72, %dma_start3A_73, %dma_start3A_74] : memref<8x128x8xf32, #tpu.memory_space<vmem>> -> memref<1x128x8xf32, #tpu.memory_space<vmem>>
      %dma_start3A_76 = tpu.memref_squeeze %dma_start3A_75 : memref<1x128x8xf32, #tpu.memory_space<vmem>> -> memref<128x8xf32, #tpu.memory_space<vmem>>
      %dma_start3A_77 = arith.constant 0 : i32
      %dma_start3A_78 = tpu.memref_slice %arg7[%dma_start3A_71, %dma_start3A_77] : memref<8x128xi32, #tpu.memory_space<vmem>> -> memref<1x128xi32, #tpu.memory_space<vmem>>
      %dma_start3A_79 = tpu.memref_squeeze %dma_start3A_78 : memref<1x128xi32, #tpu.memory_space<vmem>> -> memref<128xi32, #tpu.memory_space<vmem>>
      %dma_start3A_80 = arith.constant 0 : i32
      %dma_start3A_81 = arith.constant 0 : i32
      %dma_start3A_82 = tpu.memref_slice %arg2[%dma_start3A_80, %dma_start3A_81] : memref<50000x8xf32, #tpu.memory_space<hbm>> -> memref<50000x8xf32, #tpu.memory_space<hbm>>
      tpu.enqueue_indirect_dma source(%dma_start3A_82 : memref<50000x8xf32, #tpu.memory_space<hbm>>) target(%dma_start3A_76 : memref<128x8xf32, #tpu.memory_space<vmem>>) offsets(%dma_start3A_79 : memref<128xi32, #tpu.memory_space<vmem>>) semaphore(%arg11 : memref<!tpu.dma_semaphore, #tpu.memory_space<semaphore_mem>>)
      %dma_start3A_83 = arith.constant 5 : i32
      %dma_start3A_84 = arith.constant 5 : i32
      %dma_start3A_85 = arith.constant 0 : i32
      %dma_start3A_86 = arith.constant 0 : i32
      %dma_start3A_87 = tpu.memref_slice %arg9[%dma_start3A_84, %dma_start3A_85, %dma_start3A_86] : memref<8x128x8xf32, #tpu.memory_space<vmem>> -> memref<1x128x8xf32, #tpu.memory_space<vmem>>
      %dma_start3A_88 = tpu.memref_squeeze %dma_start3A_87 : memref<1x128x8xf32, #tpu.memory_space<vmem>> -> memref<128x8xf32, #tpu.memory_space<vmem>>
      %dma_start3A_89 = arith.constant 0 : i32
      %dma_start3A_90 = tpu.memref_slice %arg7[%dma_start3A_83, %dma_start3A_89] : memref<8x128xi32, #tpu.memory_space<vmem>> -> memref<1x128xi32, #tpu.memory_space<vmem>>
      %dma_start3A_91 = tpu.memref_squeeze %dma_start3A_90 : memref<1x128xi32, #tpu.memory_space<vmem>> -> memref<128xi32, #tpu.memory_space<vmem>>
      %dma_start3A_92 = arith.constant 0 : i32
      %dma_start3A_93 = arith.constant 0 : i32
      %dma_start3A_94 = tpu.memref_slice %arg2[%dma_start3A_92, %dma_start3A_93] : memref<50000x8xf32, #tpu.memory_space<hbm>> -> memref<50000x8xf32, #tpu.memory_space<hbm>>
      tpu.enqueue_indirect_dma source(%dma_start3A_94 : memref<50000x8xf32, #tpu.memory_space<hbm>>) target(%dma_start3A_88 : memref<128x8xf32, #tpu.memory_space<vmem>>) offsets(%dma_start3A_91 : memref<128xi32, #tpu.memory_space<vmem>>) semaphore(%arg11 : memref<!tpu.dma_semaphore, #tpu.memory_space<semaphore_mem>>)
      %dma_start3A_95 = arith.constant 6 : i32
      %dma_start3A_96 = arith.constant 6 : i32
      %dma_start3A_97 = arith.constant 0 : i32
      %dma_start3A_98 = arith.constant 0 : i32
      %dma_start3A_99 = tpu.memref_slice %arg9[%dma_start3A_96, %dma_start3A_97, %dma_start3A_98] : memref<8x128x8xf32, #tpu.memory_space<vmem>> -> memref<1x128x8xf32, #tpu.memory_space<vmem>>
      %dma_start3A_100 = tpu.memref_squeeze %dma_start3A_99 : memref<1x128x8xf32, #tpu.memory_space<vmem>> -> memref<128x8xf32, #tpu.memory_space<vmem>>
      %dma_start3A_101 = arith.constant 0 : i32
      %dma_start3A_102 = tpu.memref_slice %arg7[%dma_start3A_95, %dma_start3A_101] : memref<8x128xi32, #tpu.memory_space<vmem>> -> memref<1x128xi32, #tpu.memory_space<vmem>>
      %dma_start3A_103 = tpu.memref_squeeze %dma_start3A_102 : memref<1x128xi32, #tpu.memory_space<vmem>> -> memref<128xi32, #tpu.memory_space<vmem>>
      %dma_start3A_104 = arith.constant 0 : i32
      %dma_start3A_105 = arith.constant 0 : i32
      %dma_start3A_106 = tpu.memref_slice %arg2[%dma_start3A_104, %dma_start3A_105] : memref<50000x8xf32, #tpu.memory_space<hbm>> -> memref<50000x8xf32, #tpu.memory_space<hbm>>
      tpu.enqueue_indirect_dma source(%dma_start3A_106 : memref<50000x8xf32, #tpu.memory_space<hbm>>) target(%dma_start3A_100 : memref<128x8xf32, #tpu.memory_space<vmem>>) offsets(%dma_start3A_103 : memref<128xi32, #tpu.memory_space<vmem>>) semaphore(%arg11 : memref<!tpu.dma_semaphore, #tpu.memory_space<semaphore_mem>>)
      %dma_start3A_107 = arith.constant 7 : i32
      %dma_start3A_108 = arith.constant 7 : i32
      %dma_start3A_109 = arith.constant 0 : i32
      %dma_start3A_110 = arith.constant 0 : i32
      %dma_start3A_111 = tpu.memref_slice %arg9[%dma_start3A_108, %dma_start3A_109, %dma_start3A_110] : memref<8x128x8xf32, #tpu.memory_space<vmem>> -> memref<1x128x8xf32, #tpu.memory_space<vmem>>
      %dma_start3A_112 = tpu.memref_squeeze %dma_start3A_111 : memref<1x128x8xf32, #tpu.memory_space<vmem>> -> memref<128x8xf32, #tpu.memory_space<vmem>>
      %dma_start3A_113 = arith.constant 0 : i32
      %dma_start3A_114 = tpu.memref_slice %arg7[%dma_start3A_107, %dma_start3A_113] : memref<8x128xi32, #tpu.memory_space<vmem>> -> memref<1x128xi32, #tpu.memory_space<vmem>>
      %dma_start3A_115 = tpu.memref_squeeze %dma_start3A_114 : memref<1x128xi32, #tpu.memory_space<vmem>> -> memref<128xi32, #tpu.memory_space<vmem>>
      %dma_start3A_116 = arith.constant 0 : i32
      %dma_start3A_117 = arith.constant 0 : i32
      %dma_start3A_118 = tpu.memref_slice %arg2[%dma_start3A_116, %dma_start3A_117] : memref<50000x8xf32, #tpu.memory_space<hbm>> -> memref<50000x8xf32, #tpu.memory_space<hbm>>
      tpu.enqueue_indirect_dma source(%dma_start3A_118 : memref<50000x8xf32, #tpu.memory_space<hbm>>) target(%dma_start3A_112 : memref<128x8xf32, #tpu.memory_space<vmem>>) offsets(%dma_start3A_115 : memref<128xi32, #tpu.memory_space<vmem>>) semaphore(%arg11 : memref<!tpu.dma_semaphore, #tpu.memory_space<semaphore_mem>>)
      %dma_wait3A = arith.constant 0 : i32
      %dma_wait3A_119 = arith.constant 0 : i32
      %dma_wait3A_120 = arith.constant 0 : i32
      %dma_wait3A_121 = arith.constant 0 : i32
      %dma_wait3A_122 = tpu.memref_slice %arg9[%dma_wait3A_119, %dma_wait3A_120, %dma_wait3A_121] : memref<8x128x8xf32, #tpu.memory_space<vmem>> -> memref<1x128x8xf32, #tpu.memory_space<vmem>>
      %dma_wait3A_123 = tpu.memref_squeeze %dma_wait3A_122 : memref<1x128x8xf32, #tpu.memory_space<vmem>> -> memref<128x8xf32, #tpu.memory_space<vmem>>
      %dma_wait3A_124 = arith.constant 0 : i32
      %dma_wait3A_125 = tpu.memref_slice %arg7[%dma_wait3A, %dma_wait3A_124] : memref<8x128xi32, #tpu.memory_space<vmem>> -> memref<1x128xi32, #tpu.memory_space<vmem>>
      %dma_wait3A_126 = tpu.memref_squeeze %dma_wait3A_125 : memref<1x128xi32, #tpu.memory_space<vmem>> -> memref<128xi32, #tpu.memory_space<vmem>>
      %dma_wait3A_127 = arith.constant 0 : i32
      %dma_wait3A_128 = arith.constant 0 : i32
      %dma_wait3A_129 = tpu.memref_slice %arg2[%dma_wait3A_127, %dma_wait3A_128] : memref<50000x8xf32, #tpu.memory_space<hbm>> -> memref<50000x8xf32, #tpu.memory_space<hbm>>
      tpu.wait_indirect_dma semaphore(%arg11 : memref<!tpu.dma_semaphore, #tpu.memory_space<semaphore_mem>>) src(%dma_wait3A_129 : memref<50000x8xf32, #tpu.memory_space<hbm>>) dst(%dma_wait3A_123 : memref<128x8xf32, #tpu.memory_space<vmem>>)
      %dma_wait3A_130 = arith.constant 1 : i32
      %dma_wait3A_131 = arith.constant 1 : i32
      %dma_wait3A_132 = arith.constant 0 : i32
      %dma_wait3A_133 = arith.constant 0 : i32
      %dma_wait3A_134 = tpu.memref_slice %arg9[%dma_wait3A_131, %dma_wait3A_132, %dma_wait3A_133] : memref<8x128x8xf32, #tpu.memory_space<vmem>> -> memref<1x128x8xf32, #tpu.memory_space<vmem>>
      %dma_wait3A_135 = tpu.memref_squeeze %dma_wait3A_134 : memref<1x128x8xf32, #tpu.memory_space<vmem>> -> memref<128x8xf32, #tpu.memory_space<vmem>>
      %dma_wait3A_136 = arith.constant 0 : i32
      %dma_wait3A_137 = tpu.memref_slice %arg7[%dma_wait3A_130, %dma_wait3A_136] : memref<8x128xi32, #tpu.memory_space<vmem>> -> memref<1x128xi32, #tpu.memory_space<vmem>>
      %dma_wait3A_138 = tpu.memref_squeeze %dma_wait3A_137 : memref<1x128xi32, #tpu.memory_space<vmem>> -> memref<128xi32, #tpu.memory_space<vmem>>
      %dma_wait3A_139 = arith.constant 0 : i32
      %dma_wait3A_140 = arith.constant 0 : i32
      %dma_wait3A_141 = tpu.memref_slice %arg2[%dma_wait3A_139, %dma_wait3A_140] : memref<50000x8xf32, #tpu.memory_space<hbm>> -> memref<50000x8xf32, #tpu.memory_space<hbm>>
      tpu.wait_indirect_dma semaphore(%arg11 : memref<!tpu.dma_semaphore, #tpu.memory_space<semaphore_mem>>) src(%dma_wait3A_141 : memref<50000x8xf32, #tpu.memory_space<hbm>>) dst(%dma_wait3A_135 : memref<128x8xf32, #tpu.memory_space<vmem>>)
      %dma_wait3A_142 = arith.constant 2 : i32
      %dma_wait3A_143 = arith.constant 2 : i32
      %dma_wait3A_144 = arith.constant 0 : i32
      %dma_wait3A_145 = arith.constant 0 : i32
      %dma_wait3A_146 = tpu.memref_slice %arg9[%dma_wait3A_143, %dma_wait3A_144, %dma_wait3A_145] : memref<8x128x8xf32, #tpu.memory_space<vmem>> -> memref<1x128x8xf32, #tpu.memory_space<vmem>>
      %dma_wait3A_147 = tpu.memref_squeeze %dma_wait3A_146 : memref<1x128x8xf32, #tpu.memory_space<vmem>> -> memref<128x8xf32, #tpu.memory_space<vmem>>
      %dma_wait3A_148 = arith.constant 0 : i32
      %dma_wait3A_149 = tpu.memref_slice %arg7[%dma_wait3A_142, %dma_wait3A_148] : memref<8x128xi32, #tpu.memory_space<vmem>> -> memref<1x128xi32, #tpu.memory_space<vmem>>
      %dma_wait3A_150 = tpu.memref_squeeze %dma_wait3A_149 : memref<1x128xi32, #tpu.memory_space<vmem>> -> memref<128xi32, #tpu.memory_space<vmem>>
      %dma_wait3A_151 = arith.constant 0 : i32
      %dma_wait3A_152 = arith.constant 0 : i32
      %dma_wait3A_153 = tpu.memref_slice %arg2[%dma_wait3A_151, %dma_wait3A_152] : memref<50000x8xf32, #tpu.memory_space<hbm>> -> memref<50000x8xf32, #tpu.memory_space<hbm>>
      tpu.wait_indirect_dma semaphore(%arg11 : memref<!tpu.dma_semaphore, #tpu.memory_space<semaphore_mem>>) src(%dma_wait3A_153 : memref<50000x8xf32, #tpu.memory_space<hbm>>) dst(%dma_wait3A_147 : memref<128x8xf32, #tpu.memory_space<vmem>>)
      %dma_wait3A_154 = arith.constant 3 : i32
      %dma_wait3A_155 = arith.constant 3 : i32
      %dma_wait3A_156 = arith.constant 0 : i32
      %dma_wait3A_157 = arith.constant 0 : i32
      %dma_wait3A_158 = tpu.memref_slice %arg9[%dma_wait3A_155, %dma_wait3A_156, %dma_wait3A_157] : memref<8x128x8xf32, #tpu.memory_space<vmem>> -> memref<1x128x8xf32, #tpu.memory_space<vmem>>
      %dma_wait3A_159 = tpu.memref_squeeze %dma_wait3A_158 : memref<1x128x8xf32, #tpu.memory_space<vmem>> -> memref<128x8xf32, #tpu.memory_space<vmem>>
      %dma_wait3A_160 = arith.constant 0 : i32
      %dma_wait3A_161 = tpu.memref_slice %arg7[%dma_wait3A_154, %dma_wait3A_160] : memref<8x128xi32, #tpu.memory_space<vmem>> -> memref<1x128xi32, #tpu.memory_space<vmem>>
      %dma_wait3A_162 = tpu.memref_squeeze %dma_wait3A_161 : memref<1x128xi32, #tpu.memory_space<vmem>> -> memref<128xi32, #tpu.memory_space<vmem>>
      %dma_wait3A_163 = arith.constant 0 : i32
      %dma_wait3A_164 = arith.constant 0 : i32
      %dma_wait3A_165 = tpu.memref_slice %arg2[%dma_wait3A_163, %dma_wait3A_164] : memref<50000x8xf32, #tpu.memory_space<hbm>> -> memref<50000x8xf32, #tpu.memory_space<hbm>>
      tpu.wait_indirect_dma semaphore(%arg11 : memref<!tpu.dma_semaphore, #tpu.memory_space<semaphore_mem>>) src(%dma_wait3A_165 : memref<50000x8xf32, #tpu.memory_space<hbm>>) dst(%dma_wait3A_159 : memref<128x8xf32, #tpu.memory_space<vmem>>)
      %dma_wait3A_166 = arith.constant 4 : i32
      %dma_wait3A_167 = arith.constant 4 : i32
      %dma_wait3A_168 = arith.constant 0 : i32
      %dma_wait3A_169 = arith.constant 0 : i32
      %dma_wait3A_170 = tpu.memref_slice %arg9[%dma_wait3A_167, %dma_wait3A_168, %dma_wait3A_169] : memref<8x128x8xf32, #tpu.memory_space<vmem>> -> memref<1x128x8xf32, #tpu.memory_space<vmem>>
      %dma_wait3A_171 = tpu.memref_squeeze %dma_wait3A_170 : memref<1x128x8xf32, #tpu.memory_space<vmem>> -> memref<128x8xf32, #tpu.memory_space<vmem>>
      %dma_wait3A_172 = arith.constant 0 : i32
      %dma_wait3A_173 = tpu.memref_slice %arg7[%dma_wait3A_166, %dma_wait3A_172] : memref<8x128xi32, #tpu.memory_space<vmem>> -> memref<1x128xi32, #tpu.memory_space<vmem>>
      %dma_wait3A_174 = tpu.memref_squeeze %dma_wait3A_173 : memref<1x128xi32, #tpu.memory_space<vmem>> -> memref<128xi32, #tpu.memory_space<vmem>>
      %dma_wait3A_175 = arith.constant 0 : i32
      %dma_wait3A_176 = arith.constant 0 : i32
      %dma_wait3A_177 = tpu.memref_slice %arg2[%dma_wait3A_175, %dma_wait3A_176] : memref<50000x8xf32, #tpu.memory_space<hbm>> -> memref<50000x8xf32, #tpu.memory_space<hbm>>
      tpu.wait_indirect_dma semaphore(%arg11 : memref<!tpu.dma_semaphore, #tpu.memory_space<semaphore_mem>>) src(%dma_wait3A_177 : memref<50000x8xf32, #tpu.memory_space<hbm>>) dst(%dma_wait3A_171 : memref<128x8xf32, #tpu.memory_space<vmem>>)
      %dma_wait3A_178 = arith.constant 5 : i32
      %dma_wait3A_179 = arith.constant 5 : i32
      %dma_wait3A_180 = arith.constant 0 : i32
      %dma_wait3A_181 = arith.constant 0 : i32
      %dma_wait3A_182 = tpu.memref_slice %arg9[%dma_wait3A_179, %dma_wait3A_180, %dma_wait3A_181] : memref<8x128x8xf32, #tpu.memory_space<vmem>> -> memref<1x128x8xf32, #tpu.memory_space<vmem>>
      %dma_wait3A_183 = tpu.memref_squeeze %dma_wait3A_182 : memref<1x128x8xf32, #tpu.memory_space<vmem>> -> memref<128x8xf32, #tpu.memory_space<vmem>>
      %dma_wait3A_184 = arith.constant 0 : i32
      %dma_wait3A_185 = tpu.memref_slice %arg7[%dma_wait3A_178, %dma_wait3A_184] : memref<8x128xi32, #tpu.memory_space<vmem>> -> memref<1x128xi32, #tpu.memory_space<vmem>>
      %dma_wait3A_186 = tpu.memref_squeeze %dma_wait3A_185 : memref<1x128xi32, #tpu.memory_space<vmem>> -> memref<128xi32, #tpu.memory_space<vmem>>
      %dma_wait3A_187 = arith.constant 0 : i32
      %dma_wait3A_188 = arith.constant 0 : i32
      %dma_wait3A_189 = tpu.memref_slice %arg2[%dma_wait3A_187, %dma_wait3A_188] : memref<50000x8xf32, #tpu.memory_space<hbm>> -> memref<50000x8xf32, #tpu.memory_space<hbm>>
      tpu.wait_indirect_dma semaphore(%arg11 : memref<!tpu.dma_semaphore, #tpu.memory_space<semaphore_mem>>) src(%dma_wait3A_189 : memref<50000x8xf32, #tpu.memory_space<hbm>>) dst(%dma_wait3A_183 : memref<128x8xf32, #tpu.memory_space<vmem>>)
      %dma_wait3A_190 = arith.constant 6 : i32
      %dma_wait3A_191 = arith.constant 6 : i32
      %dma_wait3A_192 = arith.constant 0 : i32
      %dma_wait3A_193 = arith.constant 0 : i32
      %dma_wait3A_194 = tpu.memref_slice %arg9[%dma_wait3A_191, %dma_wait3A_192, %dma_wait3A_193] : memref<8x128x8xf32, #tpu.memory_space<vmem>> -> memref<1x128x8xf32, #tpu.memory_space<vmem>>
      %dma_wait3A_195 = tpu.memref_squeeze %dma_wait3A_194 : memref<1x128x8xf32, #tpu.memory_space<vmem>> -> memref<128x8xf32, #tpu.memory_space<vmem>>
      %dma_wait3A_196 = arith.constant 0 : i32
      %dma_wait3A_197 = tpu.memref_slice %arg7[%dma_wait3A_190, %dma_wait3A_196] : memref<8x128xi32, #tpu.memory_space<vmem>> -> memref<1x128xi32, #tpu.memory_space<vmem>>
      %dma_wait3A_198 = tpu.memref_squeeze %dma_wait3A_197 : memref<1x128xi32, #tpu.memory_space<vmem>> -> memref<128xi32, #tpu.memory_space<vmem>>
      %dma_wait3A_199 = arith.constant 0 : i32
      %dma_wait3A_200 = arith.constant 0 : i32
      %dma_wait3A_201 = tpu.memref_slice %arg2[%dma_wait3A_199, %dma_wait3A_200] : memref<50000x8xf32, #tpu.memory_space<hbm>> -> memref<50000x8xf32, #tpu.memory_space<hbm>>
      tpu.wait_indirect_dma semaphore(%arg11 : memref<!tpu.dma_semaphore, #tpu.memory_space<semaphore_mem>>) src(%dma_wait3A_201 : memref<50000x8xf32, #tpu.memory_space<hbm>>) dst(%dma_wait3A_195 : memref<128x8xf32, #tpu.memory_space<vmem>>)
      %dma_wait3A_202 = arith.constant 7 : i32
      %dma_wait3A_203 = arith.constant 7 : i32
      %dma_wait3A_204 = arith.constant 0 : i32
      %dma_wait3A_205 = arith.constant 0 : i32
      %dma_wait3A_206 = tpu.memref_slice %arg9[%dma_wait3A_203, %dma_wait3A_204, %dma_wait3A_205] : memref<8x128x8xf32, #tpu.memory_space<vmem>> -> memref<1x128x8xf32, #tpu.memory_space<vmem>>
      %dma_wait3A_207 = tpu.memref_squeeze %dma_wait3A_206 : memref<1x128x8xf32, #tpu.memory_space<vmem>> -> memref<128x8xf32, #tpu.memory_space<vmem>>
      %dma_wait3A_208 = arith.constant 0 : i32
      %dma_wait3A_209 = tpu.memref_slice %arg7[%dma_wait3A_202, %dma_wait3A_208] : memref<8x128xi32, #tpu.memory_space<vmem>> -> memref<1x128xi32, #tpu.memory_space<vmem>>
      %dma_wait3A_210 = tpu.memref_squeeze %dma_wait3A_209 : memref<1x128xi32, #tpu.memory_space<vmem>> -> memref<128xi32, #tpu.memory_space<vmem>>
      %dma_wait3A_211 = arith.constant 0 : i32
      %dma_wait3A_212 = arith.constant 0 : i32
      %dma_wait3A_213 = tpu.memref_slice %arg2[%dma_wait3A_211, %dma_wait3A_212] : memref<50000x8xf32, #tpu.memory_space<hbm>> -> memref<50000x8xf32, #tpu.memory_space<hbm>>
      tpu.wait_indirect_dma semaphore(%arg11 : memref<!tpu.dma_semaphore, #tpu.memory_space<semaphore_mem>>) src(%dma_wait3A_213 : memref<50000x8xf32, #tpu.memory_space<hbm>>) dst(%dma_wait3A_207 : memref<128x8xf32, #tpu.memory_space<vmem>>)
      %dma_start3A_214 = arith.constant 0 : i32
      %dma_start3A_215 = arith.constant 0 : i32
      %dma_start3A_216 = arith.constant 0 : i32
      %dma_start3A_217 = arith.constant 0 : i32
      %dma_start3A_218 = tpu.memref_slice %arg9[%dma_start3A_214, %dma_start3A_216, %dma_start3A_217] : memref<8x128x8xf32, #tpu.memory_space<vmem>> -> memref<1x128x8xf32, #tpu.memory_space<vmem>>
      %dma_start3A_219 = tpu.memref_squeeze %dma_start3A_218 : memref<1x128x8xf32, #tpu.memory_space<vmem>> -> memref<128x8xf32, #tpu.memory_space<vmem>>
      %dma_start3A_220 = arith.constant 0 : i32
      %dma_start3A_221 = tpu.memref_slice %arg8[%dma_start3A_215, %dma_start3A_220] : memref<8x128xi32, #tpu.memory_space<vmem>> -> memref<1x128xi32, #tpu.memory_space<vmem>>
      %dma_start3A_222 = tpu.memref_squeeze %dma_start3A_221 : memref<1x128xi32, #tpu.memory_space<vmem>> -> memref<128xi32, #tpu.memory_space<vmem>>
      %dma_start3A_223 = arith.constant 0 : i32
      %dma_start3A_224 = arith.constant 0 : i32
      %dma_start3A_225 = tpu.memref_slice %arg10[%dma_start3A_223, %dma_start3A_224] : memref<51200x8xf32, #tpu.memory_space<vmem_shared>> -> memref<51200x8xf32, #tpu.memory_space<vmem_shared>>
      tpu.enqueue_indirect_dma source(%dma_start3A_219 : memref<128x8xf32, #tpu.memory_space<vmem>>) target(%dma_start3A_225 : memref<51200x8xf32, #tpu.memory_space<vmem_shared>>) offsets(%dma_start3A_222 : memref<128xi32, #tpu.memory_space<vmem>>) semaphore(%arg12 : memref<!tpu.dma_semaphore, #tpu.memory_space<semaphore_mem>>) {add = true}
      %dma_start3A_226 = arith.constant 1 : i32
      %dma_start3A_227 = arith.constant 1 : i32
      %dma_start3A_228 = arith.constant 0 : i32
      %dma_start3A_229 = arith.constant 0 : i32
      %dma_start3A_230 = tpu.memref_slice %arg9[%dma_start3A_226, %dma_start3A_228, %dma_start3A_229] : memref<8x128x8xf32, #tpu.memory_space<vmem>> -> memref<1x128x8xf32, #tpu.memory_space<vmem>>
      %dma_start3A_231 = tpu.memref_squeeze %dma_start3A_230 : memref<1x128x8xf32, #tpu.memory_space<vmem>> -> memref<128x8xf32, #tpu.memory_space<vmem>>
      %dma_start3A_232 = arith.constant 0 : i32
      %dma_start3A_233 = tpu.memref_slice %arg8[%dma_start3A_227, %dma_start3A_232] : memref<8x128xi32, #tpu.memory_space<vmem>> -> memref<1x128xi32, #tpu.memory_space<vmem>>
      %dma_start3A_234 = tpu.memref_squeeze %dma_start3A_233 : memref<1x128xi32, #tpu.memory_space<vmem>> -> memref<128xi32, #tpu.memory_space<vmem>>
      %dma_start3A_235 = arith.constant 0 : i32
      %dma_start3A_236 = arith.constant 0 : i32
      %dma_start3A_237 = tpu.memref_slice %arg10[%dma_start3A_235, %dma_start3A_236] : memref<51200x8xf32, #tpu.memory_space<vmem_shared>> -> memref<51200x8xf32, #tpu.memory_space<vmem_shared>>
      tpu.enqueue_indirect_dma source(%dma_start3A_231 : memref<128x8xf32, #tpu.memory_space<vmem>>) target(%dma_start3A_237 : memref<51200x8xf32, #tpu.memory_space<vmem_shared>>) offsets(%dma_start3A_234 : memref<128xi32, #tpu.memory_space<vmem>>) semaphore(%arg12 : memref<!tpu.dma_semaphore, #tpu.memory_space<semaphore_mem>>) {add = true}
      %dma_start3A_238 = arith.constant 2 : i32
      %dma_start3A_239 = arith.constant 2 : i32
      %dma_start3A_240 = arith.constant 0 : i32
      %dma_start3A_241 = arith.constant 0 : i32
      %dma_start3A_242 = tpu.memref_slice %arg9[%dma_start3A_238, %dma_start3A_240, %dma_start3A_241] : memref<8x128x8xf32, #tpu.memory_space<vmem>> -> memref<1x128x8xf32, #tpu.memory_space<vmem>>
      %dma_start3A_243 = tpu.memref_squeeze %dma_start3A_242 : memref<1x128x8xf32, #tpu.memory_space<vmem>> -> memref<128x8xf32, #tpu.memory_space<vmem>>
      %dma_start3A_244 = arith.constant 0 : i32
      %dma_start3A_245 = tpu.memref_slice %arg8[%dma_start3A_239, %dma_start3A_244] : memref<8x128xi32, #tpu.memory_space<vmem>> -> memref<1x128xi32, #tpu.memory_space<vmem>>
      %dma_start3A_246 = tpu.memref_squeeze %dma_start3A_245 : memref<1x128xi32, #tpu.memory_space<vmem>> -> memref<128xi32, #tpu.memory_space<vmem>>
      %dma_start3A_247 = arith.constant 0 : i32
      %dma_start3A_248 = arith.constant 0 : i32
      %dma_start3A_249 = tpu.memref_slice %arg10[%dma_start3A_247, %dma_start3A_248] : memref<51200x8xf32, #tpu.memory_space<vmem_shared>> -> memref<51200x8xf32, #tpu.memory_space<vmem_shared>>
      tpu.enqueue_indirect_dma source(%dma_start3A_243 : memref<128x8xf32, #tpu.memory_space<vmem>>) target(%dma_start3A_249 : memref<51200x8xf32, #tpu.memory_space<vmem_shared>>) offsets(%dma_start3A_246 : memref<128xi32, #tpu.memory_space<vmem>>) semaphore(%arg12 : memref<!tpu.dma_semaphore, #tpu.memory_space<semaphore_mem>>) {add = true}
      %dma_start3A_250 = arith.constant 3 : i32
      %dma_start3A_251 = arith.constant 3 : i32
      %dma_start3A_252 = arith.constant 0 : i32
      %dma_start3A_253 = arith.constant 0 : i32
      %dma_start3A_254 = tpu.memref_slice %arg9[%dma_start3A_250, %dma_start3A_252, %dma_start3A_253] : memref<8x128x8xf32, #tpu.memory_space<vmem>> -> memref<1x128x8xf32, #tpu.memory_space<vmem>>
      %dma_start3A_255 = tpu.memref_squeeze %dma_start3A_254 : memref<1x128x8xf32, #tpu.memory_space<vmem>> -> memref<128x8xf32, #tpu.memory_space<vmem>>
      %dma_start3A_256 = arith.constant 0 : i32
      %dma_start3A_257 = tpu.memref_slice %arg8[%dma_start3A_251, %dma_start3A_256] : memref<8x128xi32, #tpu.memory_space<vmem>> -> memref<1x128xi32, #tpu.memory_space<vmem>>
      %dma_start3A_258 = tpu.memref_squeeze %dma_start3A_257 : memref<1x128xi32, #tpu.memory_space<vmem>> -> memref<128xi32, #tpu.memory_space<vmem>>
      %dma_start3A_259 = arith.constant 0 : i32
      %dma_start3A_260 = arith.constant 0 : i32
      %dma_start3A_261 = tpu.memref_slice %arg10[%dma_start3A_259, %dma_start3A_260] : memref<51200x8xf32, #tpu.memory_space<vmem_shared>> -> memref<51200x8xf32, #tpu.memory_space<vmem_shared>>
      tpu.enqueue_indirect_dma source(%dma_start3A_255 : memref<128x8xf32, #tpu.memory_space<vmem>>) target(%dma_start3A_261 : memref<51200x8xf32, #tpu.memory_space<vmem_shared>>) offsets(%dma_start3A_258 : memref<128xi32, #tpu.memory_space<vmem>>) semaphore(%arg12 : memref<!tpu.dma_semaphore, #tpu.memory_space<semaphore_mem>>) {add = true}
      %dma_start3A_262 = arith.constant 4 : i32
      %dma_start3A_263 = arith.constant 4 : i32
      %dma_start3A_264 = arith.constant 0 : i32
      %dma_start3A_265 = arith.constant 0 : i32
      %dma_start3A_266 = tpu.memref_slice %arg9[%dma_start3A_262, %dma_start3A_264, %dma_start3A_265] : memref<8x128x8xf32, #tpu.memory_space<vmem>> -> memref<1x128x8xf32, #tpu.memory_space<vmem>>
      %dma_start3A_267 = tpu.memref_squeeze %dma_start3A_266 : memref<1x128x8xf32, #tpu.memory_space<vmem>> -> memref<128x8xf32, #tpu.memory_space<vmem>>
      %dma_start3A_268 = arith.constant 0 : i32
      %dma_start3A_269 = tpu.memref_slice %arg8[%dma_start3A_263, %dma_start3A_268] : memref<8x128xi32, #tpu.memory_space<vmem>> -> memref<1x128xi32, #tpu.memory_space<vmem>>
      %dma_start3A_270 = tpu.memref_squeeze %dma_start3A_269 : memref<1x128xi32, #tpu.memory_space<vmem>> -> memref<128xi32, #tpu.memory_space<vmem>>
      %dma_start3A_271 = arith.constant 0 : i32
      %dma_start3A_272 = arith.constant 0 : i32
      %dma_start3A_273 = tpu.memref_slice %arg10[%dma_start3A_271, %dma_start3A_272] : memref<51200x8xf32, #tpu.memory_space<vmem_shared>> -> memref<51200x8xf32, #tpu.memory_space<vmem_shared>>
      tpu.enqueue_indirect_dma source(%dma_start3A_267 : memref<128x8xf32, #tpu.memory_space<vmem>>) target(%dma_start3A_273 : memref<51200x8xf32, #tpu.memory_space<vmem_shared>>) offsets(%dma_start3A_270 : memref<128xi32, #tpu.memory_space<vmem>>) semaphore(%arg12 : memref<!tpu.dma_semaphore, #tpu.memory_space<semaphore_mem>>) {add = true}
      %dma_start3A_274 = arith.constant 5 : i32
      %dma_start3A_275 = arith.constant 5 : i32
      %dma_start3A_276 = arith.constant 0 : i32
      %dma_start3A_277 = arith.constant 0 : i32
      %dma_start3A_278 = tpu.memref_slice %arg9[%dma_start3A_274, %dma_start3A_276, %dma_start3A_277] : memref<8x128x8xf32, #tpu.memory_space<vmem>> -> memref<1x128x8xf32, #tpu.memory_space<vmem>>
      %dma_start3A_279 = tpu.memref_squeeze %dma_start3A_278 : memref<1x128x8xf32, #tpu.memory_space<vmem>> -> memref<128x8xf32, #tpu.memory_space<vmem>>
      %dma_start3A_280 = arith.constant 0 : i32
      %dma_start3A_281 = tpu.memref_slice %arg8[%dma_start3A_275, %dma_start3A_280] : memref<8x128xi32, #tpu.memory_space<vmem>> -> memref<1x128xi32, #tpu.memory_space<vmem>>
      %dma_start3A_282 = tpu.memref_squeeze %dma_start3A_281 : memref<1x128xi32, #tpu.memory_space<vmem>> -> memref<128xi32, #tpu.memory_space<vmem>>
      %dma_start3A_283 = arith.constant 0 : i32
      %dma_start3A_284 = arith.constant 0 : i32
      %dma_start3A_285 = tpu.memref_slice %arg10[%dma_start3A_283, %dma_start3A_284] : memref<51200x8xf32, #tpu.memory_space<vmem_shared>> -> memref<51200x8xf32, #tpu.memory_space<vmem_shared>>
      tpu.enqueue_indirect_dma source(%dma_start3A_279 : memref<128x8xf32, #tpu.memory_space<vmem>>) target(%dma_start3A_285 : memref<51200x8xf32, #tpu.memory_space<vmem_shared>>) offsets(%dma_start3A_282 : memref<128xi32, #tpu.memory_space<vmem>>) semaphore(%arg12 : memref<!tpu.dma_semaphore, #tpu.memory_space<semaphore_mem>>) {add = true}
      %dma_start3A_286 = arith.constant 6 : i32
      %dma_start3A_287 = arith.constant 6 : i32
      %dma_start3A_288 = arith.constant 0 : i32
      %dma_start3A_289 = arith.constant 0 : i32
      %dma_start3A_290 = tpu.memref_slice %arg9[%dma_start3A_286, %dma_start3A_288, %dma_start3A_289] : memref<8x128x8xf32, #tpu.memory_space<vmem>> -> memref<1x128x8xf32, #tpu.memory_space<vmem>>
      %dma_start3A_291 = tpu.memref_squeeze %dma_start3A_290 : memref<1x128x8xf32, #tpu.memory_space<vmem>> -> memref<128x8xf32, #tpu.memory_space<vmem>>
      %dma_start3A_292 = arith.constant 0 : i32
      %dma_start3A_293 = tpu.memref_slice %arg8[%dma_start3A_287, %dma_start3A_292] : memref<8x128xi32, #tpu.memory_space<vmem>> -> memref<1x128xi32, #tpu.memory_space<vmem>>
      %dma_start3A_294 = tpu.memref_squeeze %dma_start3A_293 : memref<1x128xi32, #tpu.memory_space<vmem>> -> memref<128xi32, #tpu.memory_space<vmem>>
      %dma_start3A_295 = arith.constant 0 : i32
      %dma_start3A_296 = arith.constant 0 : i32
      %dma_start3A_297 = tpu.memref_slice %arg10[%dma_start3A_295, %dma_start3A_296] : memref<51200x8xf32, #tpu.memory_space<vmem_shared>> -> memref<51200x8xf32, #tpu.memory_space<vmem_shared>>
      tpu.enqueue_indirect_dma source(%dma_start3A_291 : memref<128x8xf32, #tpu.memory_space<vmem>>) target(%dma_start3A_297 : memref<51200x8xf32, #tpu.memory_space<vmem_shared>>) offsets(%dma_start3A_294 : memref<128xi32, #tpu.memory_space<vmem>>) semaphore(%arg12 : memref<!tpu.dma_semaphore, #tpu.memory_space<semaphore_mem>>) {add = true}
      %dma_start3A_298 = arith.constant 7 : i32
      %dma_start3A_299 = arith.constant 7 : i32
      %dma_start3A_300 = arith.constant 0 : i32
      %dma_start3A_301 = arith.constant 0 : i32
      %dma_start3A_302 = tpu.memref_slice %arg9[%dma_start3A_298, %dma_start3A_300, %dma_start3A_301] : memref<8x128x8xf32, #tpu.memory_space<vmem>> -> memref<1x128x8xf32, #tpu.memory_space<vmem>>
      %dma_start3A_303 = tpu.memref_squeeze %dma_start3A_302 : memref<1x128x8xf32, #tpu.memory_space<vmem>> -> memref<128x8xf32, #tpu.memory_space<vmem>>
      %dma_start3A_304 = arith.constant 0 : i32
      %dma_start3A_305 = tpu.memref_slice %arg8[%dma_start3A_299, %dma_start3A_304] : memref<8x128xi32, #tpu.memory_space<vmem>> -> memref<1x128xi32, #tpu.memory_space<vmem>>
      %dma_start3A_306 = tpu.memref_squeeze %dma_start3A_305 : memref<1x128xi32, #tpu.memory_space<vmem>> -> memref<128xi32, #tpu.memory_space<vmem>>
      %dma_start3A_307 = arith.constant 0 : i32
      %dma_start3A_308 = arith.constant 0 : i32
      %dma_start3A_309 = tpu.memref_slice %arg10[%dma_start3A_307, %dma_start3A_308] : memref<51200x8xf32, #tpu.memory_space<vmem_shared>> -> memref<51200x8xf32, #tpu.memory_space<vmem_shared>>
      tpu.enqueue_indirect_dma source(%dma_start3A_303 : memref<128x8xf32, #tpu.memory_space<vmem>>) target(%dma_start3A_309 : memref<51200x8xf32, #tpu.memory_space<vmem_shared>>) offsets(%dma_start3A_306 : memref<128xi32, #tpu.memory_space<vmem>>) semaphore(%arg12 : memref<!tpu.dma_semaphore, #tpu.memory_space<semaphore_mem>>) {add = true}
      %dma_wait3A_310 = arith.constant 0 : i32
      %dma_wait3A_311 = arith.constant 0 : i32
      %dma_wait3A_312 = arith.constant 0 : i32
      %dma_wait3A_313 = arith.constant 0 : i32
      %dma_wait3A_314 = tpu.memref_slice %arg9[%dma_wait3A_310, %dma_wait3A_312, %dma_wait3A_313] : memref<8x128x8xf32, #tpu.memory_space<vmem>> -> memref<1x128x8xf32, #tpu.memory_space<vmem>>
      %dma_wait3A_315 = tpu.memref_squeeze %dma_wait3A_314 : memref<1x128x8xf32, #tpu.memory_space<vmem>> -> memref<128x8xf32, #tpu.memory_space<vmem>>
      %dma_wait3A_316 = arith.constant 0 : i32
      %dma_wait3A_317 = tpu.memref_slice %arg8[%dma_wait3A_311, %dma_wait3A_316] : memref<8x128xi32, #tpu.memory_space<vmem>> -> memref<1x128xi32, #tpu.memory_space<vmem>>
      %dma_wait3A_318 = tpu.memref_squeeze %dma_wait3A_317 : memref<1x128xi32, #tpu.memory_space<vmem>> -> memref<128xi32, #tpu.memory_space<vmem>>
      %dma_wait3A_319 = arith.constant 0 : i32
      %dma_wait3A_320 = arith.constant 0 : i32
      %dma_wait3A_321 = tpu.memref_slice %arg10[%dma_wait3A_319, %dma_wait3A_320] : memref<51200x8xf32, #tpu.memory_space<vmem_shared>> -> memref<51200x8xf32, #tpu.memory_space<vmem_shared>>
      tpu.wait_indirect_dma semaphore(%arg12 : memref<!tpu.dma_semaphore, #tpu.memory_space<semaphore_mem>>) src(%dma_wait3A_315 : memref<128x8xf32, #tpu.memory_space<vmem>>) dst(%dma_wait3A_321 : memref<51200x8xf32, #tpu.memory_space<vmem_shared>>)
      %dma_wait3A_322 = arith.constant 1 : i32
      %dma_wait3A_323 = arith.constant 1 : i32
      %dma_wait3A_324 = arith.constant 0 : i32
      %dma_wait3A_325 = arith.constant 0 : i32
      %dma_wait3A_326 = tpu.memref_slice %arg9[%dma_wait3A_322, %dma_wait3A_324, %dma_wait3A_325] : memref<8x128x8xf32, #tpu.memory_space<vmem>> -> memref<1x128x8xf32, #tpu.memory_space<vmem>>
      %dma_wait3A_327 = tpu.memref_squeeze %dma_wait3A_326 : memref<1x128x8xf32, #tpu.memory_space<vmem>> -> memref<128x8xf32, #tpu.memory_space<vmem>>
      %dma_wait3A_328 = arith.constant 0 : i32
      %dma_wait3A_329 = tpu.memref_slice %arg8[%dma_wait3A_323, %dma_wait3A_328] : memref<8x128xi32, #tpu.memory_space<vmem>> -> memref<1x128xi32, #tpu.memory_space<vmem>>
      %dma_wait3A_330 = tpu.memref_squeeze %dma_wait3A_329 : memref<1x128xi32, #tpu.memory_space<vmem>> -> memref<128xi32, #tpu.memory_space<vmem>>
      %dma_wait3A_331 = arith.constant 0 : i32
      %dma_wait3A_332 = arith.constant 0 : i32
      %dma_wait3A_333 = tpu.memref_slice %arg10[%dma_wait3A_331, %dma_wait3A_332] : memref<51200x8xf32, #tpu.memory_space<vmem_shared>> -> memref<51200x8xf32, #tpu.memory_space<vmem_shared>>
      tpu.wait_indirect_dma semaphore(%arg12 : memref<!tpu.dma_semaphore, #tpu.memory_space<semaphore_mem>>) src(%dma_wait3A_327 : memref<128x8xf32, #tpu.memory_space<vmem>>) dst(%dma_wait3A_333 : memref<51200x8xf32, #tpu.memory_space<vmem_shared>>)
      %dma_wait3A_334 = arith.constant 2 : i32
      %dma_wait3A_335 = arith.constant 2 : i32
      %dma_wait3A_336 = arith.constant 0 : i32
      %dma_wait3A_337 = arith.constant 0 : i32
      %dma_wait3A_338 = tpu.memref_slice %arg9[%dma_wait3A_334, %dma_wait3A_336, %dma_wait3A_337] : memref<8x128x8xf32, #tpu.memory_space<vmem>> -> memref<1x128x8xf32, #tpu.memory_space<vmem>>
      %dma_wait3A_339 = tpu.memref_squeeze %dma_wait3A_338 : memref<1x128x8xf32, #tpu.memory_space<vmem>> -> memref<128x8xf32, #tpu.memory_space<vmem>>
      %dma_wait3A_340 = arith.constant 0 : i32
      %dma_wait3A_341 = tpu.memref_slice %arg8[%dma_wait3A_335, %dma_wait3A_340] : memref<8x128xi32, #tpu.memory_space<vmem>> -> memref<1x128xi32, #tpu.memory_space<vmem>>
      %dma_wait3A_342 = tpu.memref_squeeze %dma_wait3A_341 : memref<1x128xi32, #tpu.memory_space<vmem>> -> memref<128xi32, #tpu.memory_space<vmem>>
      %dma_wait3A_343 = arith.constant 0 : i32
      %dma_wait3A_344 = arith.constant 0 : i32
      %dma_wait3A_345 = tpu.memref_slice %arg10[%dma_wait3A_343, %dma_wait3A_344] : memref<51200x8xf32, #tpu.memory_space<vmem_shared>> -> memref<51200x8xf32, #tpu.memory_space<vmem_shared>>
      tpu.wait_indirect_dma semaphore(%arg12 : memref<!tpu.dma_semaphore, #tpu.memory_space<semaphore_mem>>) src(%dma_wait3A_339 : memref<128x8xf32, #tpu.memory_space<vmem>>) dst(%dma_wait3A_345 : memref<51200x8xf32, #tpu.memory_space<vmem_shared>>)
      %dma_wait3A_346 = arith.constant 3 : i32
      %dma_wait3A_347 = arith.constant 3 : i32
      %dma_wait3A_348 = arith.constant 0 : i32
      %dma_wait3A_349 = arith.constant 0 : i32
      %dma_wait3A_350 = tpu.memref_slice %arg9[%dma_wait3A_346, %dma_wait3A_348, %dma_wait3A_349] : memref<8x128x8xf32, #tpu.memory_space<vmem>> -> memref<1x128x8xf32, #tpu.memory_space<vmem>>
      %dma_wait3A_351 = tpu.memref_squeeze %dma_wait3A_350 : memref<1x128x8xf32, #tpu.memory_space<vmem>> -> memref<128x8xf32, #tpu.memory_space<vmem>>
      %dma_wait3A_352 = arith.constant 0 : i32
      %dma_wait3A_353 = tpu.memref_slice %arg8[%dma_wait3A_347, %dma_wait3A_352] : memref<8x128xi32, #tpu.memory_space<vmem>> -> memref<1x128xi32, #tpu.memory_space<vmem>>
      %dma_wait3A_354 = tpu.memref_squeeze %dma_wait3A_353 : memref<1x128xi32, #tpu.memory_space<vmem>> -> memref<128xi32, #tpu.memory_space<vmem>>
      %dma_wait3A_355 = arith.constant 0 : i32
      %dma_wait3A_356 = arith.constant 0 : i32
      %dma_wait3A_357 = tpu.memref_slice %arg10[%dma_wait3A_355, %dma_wait3A_356] : memref<51200x8xf32, #tpu.memory_space<vmem_shared>> -> memref<51200x8xf32, #tpu.memory_space<vmem_shared>>
      tpu.wait_indirect_dma semaphore(%arg12 : memref<!tpu.dma_semaphore, #tpu.memory_space<semaphore_mem>>) src(%dma_wait3A_351 : memref<128x8xf32, #tpu.memory_space<vmem>>) dst(%dma_wait3A_357 : memref<51200x8xf32, #tpu.memory_space<vmem_shared>>)
      %dma_wait3A_358 = arith.constant 4 : i32
      %dma_wait3A_359 = arith.constant 4 : i32
      %dma_wait3A_360 = arith.constant 0 : i32
      %dma_wait3A_361 = arith.constant 0 : i32
      %dma_wait3A_362 = tpu.memref_slice %arg9[%dma_wait3A_358, %dma_wait3A_360, %dma_wait3A_361] : memref<8x128x8xf32, #tpu.memory_space<vmem>> -> memref<1x128x8xf32, #tpu.memory_space<vmem>>
      %dma_wait3A_363 = tpu.memref_squeeze %dma_wait3A_362 : memref<1x128x8xf32, #tpu.memory_space<vmem>> -> memref<128x8xf32, #tpu.memory_space<vmem>>
      %dma_wait3A_364 = arith.constant 0 : i32
      %dma_wait3A_365 = tpu.memref_slice %arg8[%dma_wait3A_359, %dma_wait3A_364] : memref<8x128xi32, #tpu.memory_space<vmem>> -> memref<1x128xi32, #tpu.memory_space<vmem>>
      %dma_wait3A_366 = tpu.memref_squeeze %dma_wait3A_365 : memref<1x128xi32, #tpu.memory_space<vmem>> -> memref<128xi32, #tpu.memory_space<vmem>>
      %dma_wait3A_367 = arith.constant 0 : i32
      %dma_wait3A_368 = arith.constant 0 : i32
      %dma_wait3A_369 = tpu.memref_slice %arg10[%dma_wait3A_367, %dma_wait3A_368] : memref<51200x8xf32, #tpu.memory_space<vmem_shared>> -> memref<51200x8xf32, #tpu.memory_space<vmem_shared>>
      tpu.wait_indirect_dma semaphore(%arg12 : memref<!tpu.dma_semaphore, #tpu.memory_space<semaphore_mem>>) src(%dma_wait3A_363 : memref<128x8xf32, #tpu.memory_space<vmem>>) dst(%dma_wait3A_369 : memref<51200x8xf32, #tpu.memory_space<vmem_shared>>)
      %dma_wait3A_370 = arith.constant 5 : i32
      %dma_wait3A_371 = arith.constant 5 : i32
      %dma_wait3A_372 = arith.constant 0 : i32
      %dma_wait3A_373 = arith.constant 0 : i32
      %dma_wait3A_374 = tpu.memref_slice %arg9[%dma_wait3A_370, %dma_wait3A_372, %dma_wait3A_373] : memref<8x128x8xf32, #tpu.memory_space<vmem>> -> memref<1x128x8xf32, #tpu.memory_space<vmem>>
      %dma_wait3A_375 = tpu.memref_squeeze %dma_wait3A_374 : memref<1x128x8xf32, #tpu.memory_space<vmem>> -> memref<128x8xf32, #tpu.memory_space<vmem>>
      %dma_wait3A_376 = arith.constant 0 : i32
      %dma_wait3A_377 = tpu.memref_slice %arg8[%dma_wait3A_371, %dma_wait3A_376] : memref<8x128xi32, #tpu.memory_space<vmem>> -> memref<1x128xi32, #tpu.memory_space<vmem>>
      %dma_wait3A_378 = tpu.memref_squeeze %dma_wait3A_377 : memref<1x128xi32, #tpu.memory_space<vmem>> -> memref<128xi32, #tpu.memory_space<vmem>>
      %dma_wait3A_379 = arith.constant 0 : i32
      %dma_wait3A_380 = arith.constant 0 : i32
      %dma_wait3A_381 = tpu.memref_slice %arg10[%dma_wait3A_379, %dma_wait3A_380] : memref<51200x8xf32, #tpu.memory_space<vmem_shared>> -> memref<51200x8xf32, #tpu.memory_space<vmem_shared>>
      tpu.wait_indirect_dma semaphore(%arg12 : memref<!tpu.dma_semaphore, #tpu.memory_space<semaphore_mem>>) src(%dma_wait3A_375 : memref<128x8xf32, #tpu.memory_space<vmem>>) dst(%dma_wait3A_381 : memref<51200x8xf32, #tpu.memory_space<vmem_shared>>)
      %dma_wait3A_382 = arith.constant 6 : i32
      %dma_wait3A_383 = arith.constant 6 : i32
      %dma_wait3A_384 = arith.constant 0 : i32
      %dma_wait3A_385 = arith.constant 0 : i32
      %dma_wait3A_386 = tpu.memref_slice %arg9[%dma_wait3A_382, %dma_wait3A_384, %dma_wait3A_385] : memref<8x128x8xf32, #tpu.memory_space<vmem>> -> memref<1x128x8xf32, #tpu.memory_space<vmem>>
      %dma_wait3A_387 = tpu.memref_squeeze %dma_wait3A_386 : memref<1x128x8xf32, #tpu.memory_space<vmem>> -> memref<128x8xf32, #tpu.memory_space<vmem>>
      %dma_wait3A_388 = arith.constant 0 : i32
      %dma_wait3A_389 = tpu.memref_slice %arg8[%dma_wait3A_383, %dma_wait3A_388] : memref<8x128xi32, #tpu.memory_space<vmem>> -> memref<1x128xi32, #tpu.memory_space<vmem>>
      %dma_wait3A_390 = tpu.memref_squeeze %dma_wait3A_389 : memref<1x128xi32, #tpu.memory_space<vmem>> -> memref<128xi32, #tpu.memory_space<vmem>>
      %dma_wait3A_391 = arith.constant 0 : i32
      %dma_wait3A_392 = arith.constant 0 : i32
      %dma_wait3A_393 = tpu.memref_slice %arg10[%dma_wait3A_391, %dma_wait3A_392] : memref<51200x8xf32, #tpu.memory_space<vmem_shared>> -> memref<51200x8xf32, #tpu.memory_space<vmem_shared>>
      tpu.wait_indirect_dma semaphore(%arg12 : memref<!tpu.dma_semaphore, #tpu.memory_space<semaphore_mem>>) src(%dma_wait3A_387 : memref<128x8xf32, #tpu.memory_space<vmem>>) dst(%dma_wait3A_393 : memref<51200x8xf32, #tpu.memory_space<vmem_shared>>)
      %dma_wait3A_394 = arith.constant 7 : i32
      %dma_wait3A_395 = arith.constant 7 : i32
      %dma_wait3A_396 = arith.constant 0 : i32
      %dma_wait3A_397 = arith.constant 0 : i32
      %dma_wait3A_398 = tpu.memref_slice %arg9[%dma_wait3A_394, %dma_wait3A_396, %dma_wait3A_397] : memref<8x128x8xf32, #tpu.memory_space<vmem>> -> memref<1x128x8xf32, #tpu.memory_space<vmem>>
      %dma_wait3A_399 = tpu.memref_squeeze %dma_wait3A_398 : memref<1x128x8xf32, #tpu.memory_space<vmem>> -> memref<128x8xf32, #tpu.memory_space<vmem>>
      %dma_wait3A_400 = arith.constant 0 : i32
      %dma_wait3A_401 = tpu.memref_slice %arg8[%dma_wait3A_395, %dma_wait3A_400] : memref<8x128xi32, #tpu.memory_space<vmem>> -> memref<1x128xi32, #tpu.memory_space<vmem>>
      %dma_wait3A_402 = tpu.memref_squeeze %dma_wait3A_401 : memref<1x128xi32, #tpu.memory_space<vmem>> -> memref<128xi32, #tpu.memory_space<vmem>>
      %dma_wait3A_403 = arith.constant 0 : i32
      %dma_wait3A_404 = arith.constant 0 : i32
      %dma_wait3A_405 = tpu.memref_slice %arg10[%dma_wait3A_403, %dma_wait3A_404] : memref<51200x8xf32, #tpu.memory_space<vmem_shared>> -> memref<51200x8xf32, #tpu.memory_space<vmem_shared>>
      tpu.wait_indirect_dma semaphore(%arg12 : memref<!tpu.dma_semaphore, #tpu.memory_space<semaphore_mem>>) src(%dma_wait3A_399 : memref<128x8xf32, #tpu.memory_space<vmem>>) dst(%dma_wait3A_405 : memref<51200x8xf32, #tpu.memory_space<vmem_shared>>)
      %scan3A_406 = arith.constant 0 : i32
      scf.yield %scan3A_406 : i32
    }
    %scan3A_6 = arith.constant 49 : i32
    %barrier3A_7 = arith.constant 0 : index
    tpu.barrier barrier_id(%barrier3A_7)
    %mul3A_8 = arith.constant 3125 : i32
    %mul3A_9 = arith.muli %arg1, %mul3A_8 : i32
    %mul3A_10 = arith.constant 50000 : i32
    %mul3A_11 = arith.muli %arg0, %mul3A_10 : i32
    %mul3A_12 = arith.constant 3125 : i32
    %mul3A_13 = arith.muli %arg1, %mul3A_12 : i32
    %add3A = arith.addi %mul3A_11, %mul3A_13 : i32
    "tpu.region"() ({
      %run_scoped3A = tpu.sem_alloc : memref<!tpu.dma_semaphore, #tpu.memory_space<semaphore_mem>>
      %dma_start3A = arith.constant 0 : i32
      %dma_start3A_14 = tpu.memref_slice %arg6[%add3A, %dma_start3A] : memref<100000x8xf32, #tpu.memory_space<hbm>> -> memref<3125x8xf32, #tpu.memory_space<hbm>>
      %dma_start3A_15 = arith.constant 0 : i32
      %dma_start3A_16 = tpu.memref_slice %arg10[%mul3A_9, %dma_start3A_15] : memref<51200x8xf32, #tpu.memory_space<vmem_shared>> -> memref<3125x8xf32, #tpu.memory_space<vmem_shared>>
      tpu.enqueue_dma source(%dma_start3A_16 : memref<3125x8xf32, #tpu.memory_space<vmem_shared>>) target(%dma_start3A_14 : memref<3125x8xf32, #tpu.memory_space<hbm>>) target_semaphore(%run_scoped3A : memref<!tpu.dma_semaphore, #tpu.memory_space<semaphore_mem>>)
      %dma_wait3A = arith.constant 0 : i32
      %dma_wait3A_17 = tpu.memref_slice %arg6[%add3A, %dma_wait3A] : memref<100000x8xf32, #tpu.memory_space<hbm>> -> memref<3125x8xf32, #tpu.memory_space<hbm>>
      %dma_wait3A_18 = arith.constant 0 : i32
      %dma_wait3A_19 = tpu.memref_slice %arg10[%mul3A_9, %dma_wait3A_18] : memref<51200x8xf32, #tpu.memory_space<vmem_shared>> -> memref<3125x8xf32, #tpu.memory_space<vmem_shared>>
      tpu.wait_dma2 semaphore(%run_scoped3A : memref<!tpu.dma_semaphore, #tpu.memory_space<semaphore_mem>>) src(%dma_wait3A_19 : memref<3125x8xf32, #tpu.memory_space<vmem_shared>>) dst(%dma_wait3A_17 : memref<3125x8xf32, #tpu.memory_space<hbm>>)
      tpu.yield
    }) : () -> ()
    return
  }
}

module attributes {stable_mosaic.version = 14 : i64} {
  func.func @tc_mm1(%arg0: i32, %arg1: memref<1000x1433xf32, #tpu.memory_space<vmem>>, %arg2: memref<1433x128xf32, #tpu.memory_space<vmem>>, %arg3: memref<1000x128xf32, #tpu.memory_space<vmem>>) attributes {dimension_semantics = [#tpu.dimension_semantics<arbitrary>], iteration_bounds = array<i64: 50>, scalar_prefetch = 0 : i64, scratch_operands = 0 : i64, tpu.core_type = #tpu.core_type<tc>, window_params = [{transform_indices = @transform_0, window_bounds = array<i64: 1000, 1433>}, {pipeline_mode = #tpu.pipeline_mode<synchronous>, transform_indices = @transform_1, window_bounds = array<i64: 1433, 128>}, {transform_indices = @transform_2, window_bounds = array<i64: 1000, 128>}]} {
    %get3A = arith.constant 0 : index
    %get3A_0 = arith.constant 0 : index
    %get3A_1 = vector.load %arg1[%get3A, %get3A_0] : memref<1000x1433xf32, #tpu.memory_space<vmem>>, vector<1000x1433xf32>
    %get3A_2 = arith.constant 0 : index
    %get3A_3 = arith.constant 0 : index
    %get3A_4 = vector.load %arg2[%get3A_2, %get3A_3] : memref<1433x128xf32, #tpu.memory_space<vmem>>, vector<1433x128xf32>
    %dot_general3A = arith.constant dense<0.000000e+00> : vector<1000x128xf32>
    %dot_general3A_5 = tpu.matmul %get3A_1, %get3A_4, %dot_general3A {dimension_numbers = #tpu.dot_dimension_numbers<[1], [0], [0], [1], [0, 0, 1, 1], [], []>, transpose_lhs_hint = false} : vector<1000x1433xf32>, vector<1433x128xf32>, vector<1000x128xf32> -> vector<1000x128xf32>
    %swap3A = arith.constant 0 : index
    %swap3A_6 = arith.constant 0 : index
    %swap3A_7 = vector.load %arg3[%swap3A, %swap3A_6] : memref<1000x128xf32, #tpu.memory_space<vmem>>, vector<1000x128xf32>
    tpu.vector_store %arg3[%swap3A, %swap3A_6], %dot_general3A_5 {strides = array<i32>} : memref<1000x128xf32, #tpu.memory_space<vmem>>, vector<1000x128xf32>,
    return
  }
  func.func @transform_0(%arg0: i32) -> (i32, i32) {
    %c0_i32 = arith.constant 0 : i32
    %c0_i32_0 = arith.constant 0 : i32
    return %arg0, %c0_i32 : i32, i32
  }
  func.func @transform_1(%arg0: i32) -> (i32, i32) {
    %c0_i32 = arith.constant 0 : i32
    %c0_i32_0 = arith.constant 0 : i32
    %c0_i32_1 = arith.constant 0 : i32
    return %c0_i32, %c0_i32_0 : i32, i32
  }
  func.func @transform_2(%arg0: i32) -> (i32, i32) {
    %c0_i32 = arith.constant 0 : i32
    %c0_i32_0 = arith.constant 0 : i32
    return %arg0, %c0_i32 : i32, i32
  }
}

module attributes {stable_mosaic.version = 14 : i64} {
  func.func @tc_scale_slice(%arg0: i32, %arg1: memref<1000x128xf32, #tpu.memory_space<vmem>>, %arg2: memref<1000x2xf32, #tpu.memory_space<vmem>>, %arg3: memref<1000x32xf32, #tpu.memory_space<vmem>>, %arg4: memref<1000x32xf32, #tpu.memory_space<vmem>>, %arg5: memref<1000x32xf32, #tpu.memory_space<vmem>>, %arg6: memref<1000x32xf32, #tpu.memory_space<vmem>>, %arg7: memref<1000x1xf32, #tpu.memory_space<vmem>>) attributes {dimension_semantics = [#tpu.dimension_semantics<arbitrary>], iteration_bounds = array<i64: 50>, scalar_prefetch = 0 : i64, scratch_operands = 0 : i64, tpu.core_type = #tpu.core_type<tc>, window_params = [{transform_indices = @transform_0, window_bounds = array<i64: 1000, 128>}, {transform_indices = @transform_1, window_bounds = array<i64: 1000, 2>}, {transform_indices = @transform_2, window_bounds = array<i64: 1000, 32>}, {transform_indices = @transform_3, window_bounds = array<i64: 1000, 32>}, {transform_indices = @transform_4, window_bounds = array<i64: 1000, 32>}, {transform_indices = @transform_5, window_bounds = array<i64: 1000, 32>}, {transform_indices = @transform_6, window_bounds = array<i64: 1000, 1>}]} {
    %get3A = arith.constant 0 : index
    %get3A_0 = arith.constant 0 : index
    %get3A_1 = vector.load %arg2[%get3A, %get3A_0] : memref<1000x2xf32, #tpu.memory_space<vmem>>, vector<1000x1xf32>
    %get3A_2 = arith.constant 0 : index
    %get3A_3 = arith.constant 1 : index
    %get3A_4 = vector.load %arg2[%get3A_2, %get3A_3] : memref<1000x2xf32, #tpu.memory_space<vmem>>, vector<1000x1xf32>
    %add3A = arith.addf %get3A_1, %get3A_4 : vector<1000x1xf32>
    %add3A_5 = arith.constant 1.000000e+00 : f32
    %add3A_6 = vector.broadcast %add3A_5 : f32 to vector<1000x1xf32>
    %add3A_7 = arith.addf %add3A, %add3A_6 : vector<1000x1xf32>
    %rsqrt3A = math.rsqrt %add3A_7 : vector<1000x1xf32>
    %swap3A = arith.constant 0 : index
    %swap3A_8 = arith.constant 0 : index
    %swap3A_9 = vector.load %arg7[%swap3A, %swap3A_8] : memref<1000x1xf32, #tpu.memory_space<vmem>>, vector<1000x1xf32>
    tpu.vector_store %arg7[%swap3A, %swap3A_8], %rsqrt3A {strides = array<i32>} : memref<1000x1xf32, #tpu.memory_space<vmem>>, vector<1000x1xf32>,
    %get3A_10 = arith.constant 0 : index
    %get3A_11 = arith.constant 0 : index
    %get3A_12 = vector.load %arg1[%get3A_10, %get3A_11] : memref<1000x128xf32, #tpu.memory_space<vmem>>, vector<1000x128xf32>
    %mul3A = vector.broadcast %rsqrt3A : vector<1000x1xf32> to vector<1000x128xf32>
    %mul3A_13 = arith.mulf %get3A_12, %mul3A : vector<1000x128xf32>
    %slice3A = vector.extract_strided_slice %mul3A_13 {offsets = [0, 0], sizes = [1000, 32], strides = [1, 1]} : vector<1000x128xf32> to vector<1000x32xf32>
    %swap3A_14 = arith.constant 0 : index
    %swap3A_15 = arith.constant 0 : index
    %swap3A_16 = vector.load %arg3[%swap3A_14, %swap3A_15] : memref<1000x32xf32, #tpu.memory_space<vmem>>, vector<1000x32xf32>
    tpu.vector_store %arg3[%swap3A_14, %swap3A_15], %slice3A {strides = array<i32>} : memref<1000x32xf32, #tpu.memory_space<vmem>>, vector<1000x32xf32>,
    %slice3A_17 = vector.extract_strided_slice %mul3A_13 {offsets = [0, 32], sizes = [1000, 32], strides = [1, 1]} : vector<1000x128xf32> to vector<1000x32xf32>
    %swap3A_18 = arith.constant 0 : index
    %swap3A_19 = arith.constant 0 : index
    %swap3A_20 = vector.load %arg4[%swap3A_18, %swap3A_19] : memref<1000x32xf32, #tpu.memory_space<vmem>>, vector<1000x32xf32>
    tpu.vector_store %arg4[%swap3A_18, %swap3A_19], %slice3A_17 {strides = array<i32>} : memref<1000x32xf32, #tpu.memory_space<vmem>>, vector<1000x32xf32>,
    %slice3A_21 = vector.extract_strided_slice %mul3A_13 {offsets = [0, 64], sizes = [1000, 32], strides = [1, 1]} : vector<1000x128xf32> to vector<1000x32xf32>
    %swap3A_22 = arith.constant 0 : index
    %swap3A_23 = arith.constant 0 : index
    %swap3A_24 = vector.load %arg5[%swap3A_22, %swap3A_23] : memref<1000x32xf32, #tpu.memory_space<vmem>>, vector<1000x32xf32>
    tpu.vector_store %arg5[%swap3A_22, %swap3A_23], %slice3A_21 {strides = array<i32>} : memref<1000x32xf32, #tpu.memory_space<vmem>>, vector<1000x32xf32>,
    %slice3A_25 = vector.extract_strided_slice %mul3A_13 {offsets = [0, 96], sizes = [1000, 32], strides = [1, 1]} : vector<1000x128xf32> to vector<1000x32xf32>
    %swap3A_26 = arith.constant 0 : index
    %swap3A_27 = arith.constant 0 : index
    %swap3A_28 = vector.load %arg6[%swap3A_26, %swap3A_27] : memref<1000x32xf32, #tpu.memory_space<vmem>>, vector<1000x32xf32>
    tpu.vector_store %arg6[%swap3A_26, %swap3A_27], %slice3A_25 {strides = array<i32>} : memref<1000x32xf32, #tpu.memory_space<vmem>>, vector<1000x32xf32>,
    return
  }
  func.func @transform_0(%arg0: i32) -> (i32, i32) {
    %c0_i32 = arith.constant 0 : i32
    %c0_i32_0 = arith.constant 0 : i32
    return %arg0, %c0_i32 : i32, i32
  }
  func.func @transform_1(%arg0: i32) -> (i32, i32) {
    %c0_i32 = arith.constant 0 : i32
    %c0_i32_0 = arith.constant 0 : i32
    return %arg0, %c0_i32 : i32, i32
  }
  func.func @transform_2(%arg0: i32) -> (i32, i32) {
    %c0_i32 = arith.constant 0 : i32
    %c0_i32_0 = arith.constant 0 : i32
    return %arg0, %c0_i32 : i32, i32
  }
  func.func @transform_3(%arg0: i32) -> (i32, i32) {
    %c0_i32 = arith.constant 0 : i32
    %c0_i32_0 = arith.constant 0 : i32
    return %arg0, %c0_i32 : i32, i32
  }
  func.func @transform_4(%arg0: i32) -> (i32, i32) {
    %c0_i32 = arith.constant 0 : i32
    %c0_i32_0 = arith.constant 0 : i32
    return %arg0, %c0_i32 : i32, i32
  }
  func.func @transform_5(%arg0: i32) -> (i32, i32) {
    %c0_i32 = arith.constant 0 : i32
    %c0_i32_0 = arith.constant 0 : i32
    return %arg0, %c0_i32 : i32, i32
  }
  func.func @transform_6(%arg0: i32) -> (i32, i32) {
    %c0_i32 = arith.constant 0 : i32
    %c0_i32_0 = arith.constant 0 : i32
    return %arg0, %c0_i32 : i32, i32
  }
}

module attributes {stable_mosaic.version = 14 : i64} {
  func.func @tc_layer2(%arg0: i32, %arg1: memref<1000x32xf32, #tpu.memory_space<vmem>>, %arg2: memref<1000x32xf32, #tpu.memory_space<vmem>>, %arg3: memref<1000x32xf32, #tpu.memory_space<vmem>>, %arg4: memref<1000x32xf32, #tpu.memory_space<vmem>>, %arg5: memref<1000x32xf32, #tpu.memory_space<vmem>>, %arg6: memref<1000x32xf32, #tpu.memory_space<vmem>>, %arg7: memref<1000x32xf32, #tpu.memory_space<vmem>>, %arg8: memref<1000x32xf32, #tpu.memory_space<vmem>>, %arg9: memref<1000x1xf32, #tpu.memory_space<vmem>>, %arg10: memref<128xf32, #tpu.memory_space<vmem>>, %arg11: memref<128x8xf32, #tpu.memory_space<vmem>>, %arg12: memref<1000x8xf32, #tpu.memory_space<vmem>>) attributes {dimension_semantics = [#tpu.dimension_semantics<arbitrary>], iteration_bounds = array<i64: 50>, scalar_prefetch = 0 : i64, scratch_operands = 0 : i64, tpu.core_type = #tpu.core_type<tc>, window_params = [{transform_indices = @transform_0, window_bounds = array<i64: 1000, 32>}, {transform_indices = @transform_1, window_bounds = array<i64: 1000, 32>}, {transform_indices = @transform_2, window_bounds = array<i64: 1000, 32>}, {transform_indices = @transform_3, window_bounds = array<i64: 1000, 32>}, {transform_indices = @transform_4, window_bounds = array<i64: 1000, 32>}, {transform_indices = @transform_5, window_bounds = array<i64: 1000, 32>}, {transform_indices = @transform_6, window_bounds = array<i64: 1000, 32>}, {transform_indices = @transform_7, window_bounds = array<i64: 1000, 32>}, {transform_indices = @transform_8, window_bounds = array<i64: 1000, 1>}, {pipeline_mode = #tpu.pipeline_mode<synchronous>, transform_indices = @transform_9, window_bounds = array<i64: 128>}, {pipeline_mode = #tpu.pipeline_mode<synchronous>, transform_indices = @transform_10, window_bounds = array<i64: 128, 8>}, {transform_indices = @transform_11, window_bounds = array<i64: 1000, 8>}]} {
    %get3A = arith.constant 0 : index
    %get3A_0 = arith.constant 0 : index
    %get3A_1 = vector.load %arg9[%get3A, %get3A_0] : memref<1000x1xf32, #tpu.memory_space<vmem>>, vector<1000x1xf32>
    %get3A_2 = arith.constant 0 : index
    %get3A_3 = arith.constant 0 : index
    %get3A_4 = vector.load %arg1[%get3A_2, %get3A_3] : memref<1000x32xf32, #tpu.memory_space<vmem>>, vector<1000x32xf32>
    %get3A_5 = arith.constant 0 : index
    %get3A_6 = arith.constant 0 : index
    %get3A_7 = vector.load %arg5[%get3A_5, %get3A_6] : memref<1000x32xf32, #tpu.memory_space<vmem>>, vector<1000x32xf32>
    %add3A = arith.addf %get3A_4, %get3A_7 : vector<1000x32xf32>
    %get3A_8 = arith.constant 0 : index
    %get3A_9 = arith.constant 0 : index
    %get3A_10 = vector.load %arg2[%get3A_8, %get3A_9] : memref<1000x32xf32, #tpu.memory_space<vmem>>, vector<1000x32xf32>
    %get3A_11 = arith.constant 0 : index
    %get3A_12 = arith.constant 0 : index
    %get3A_13 = vector.load %arg6[%get3A_11, %get3A_12] : memref<1000x32xf32, #tpu.memory_space<vmem>>, vector<1000x32xf32>
    %add3A_14 = arith.addf %get3A_10, %get3A_13 : vector<1000x32xf32>
    %get3A_15 = arith.constant 0 : index
    %get3A_16 = arith.constant 0 : index
    %get3A_17 = vector.load %arg3[%get3A_15, %get3A_16] : memref<1000x32xf32, #tpu.memory_space<vmem>>, vector<1000x32xf32>
    %get3A_18 = arith.constant 0 : index
    %get3A_19 = arith.constant 0 : index
    %get3A_20 = vector.load %arg7[%get3A_18, %get3A_19] : memref<1000x32xf32, #tpu.memory_space<vmem>>, vector<1000x32xf32>
    %add3A_21 = arith.addf %get3A_17, %get3A_20 : vector<1000x32xf32>
    %get3A_22 = arith.constant 0 : index
    %get3A_23 = arith.constant 0 : index
    %get3A_24 = vector.load %arg4[%get3A_22, %get3A_23] : memref<1000x32xf32, #tpu.memory_space<vmem>>, vector<1000x32xf32>
    %get3A_25 = arith.constant 0 : index
    %get3A_26 = arith.constant 0 : index
    %get3A_27 = vector.load %arg8[%get3A_25, %get3A_26] : memref<1000x32xf32, #tpu.memory_space<vmem>>, vector<1000x32xf32>
    %add3A_28 = arith.addf %get3A_24, %get3A_27 : vector<1000x32xf32>
    %concatenate3A = tpu.concatenate %add3A, %add3A_14, %add3A_21, %add3A_28 in 1 : vector<1000x32xf32>, vector<1000x32xf32>, vector<1000x32xf32>, vector<1000x32xf32> -> vector<1000x128xf32>
    %mul3A = vector.broadcast %get3A_1 : vector<1000x1xf32> to vector<1000x128xf32>
    %mul3A_29 = arith.mulf %concatenate3A, %mul3A : vector<1000x128xf32>
    %get3A_30 = arith.constant 0 : index
    %get3A_31 = vector.load %arg10[%get3A_30] : memref<128xf32, #tpu.memory_space<vmem>>, vector<128xf32>
    %broadcast_in_dim3A = vector.shape_cast %get3A_31 : vector<128xf32> to vector<1x128xf32>
    %add3A_32 = vector.broadcast %broadcast_in_dim3A : vector<1x128xf32> to vector<1000x128xf32>
    %add3A_33 = arith.addf %mul3A_29, %add3A_32 : vector<1000x128xf32>
    %max3A = arith.constant 0.000000e+00 : f32
    %max3A_34 = vector.broadcast %max3A : f32 to vector<1000x128xf32>
    %max3A_35 = arith.maximumf %add3A_33, %max3A_34 : vector<1000x128xf32>
    %get3A_36 = arith.constant 0 : index
    %get3A_37 = arith.constant 0 : index
    %get3A_38 = vector.load %arg11[%get3A_36, %get3A_37] : memref<128x8xf32, #tpu.memory_space<vmem>>, vector<128x8xf32>
    %dot_general3A = arith.constant dense<0.000000e+00> : vector<1000x8xf32>
    %dot_general3A_39 = tpu.matmul %max3A_35, %get3A_38, %dot_general3A {dimension_numbers = #tpu.dot_dimension_numbers<[1], [0], [0], [1], [0, 0, 1, 1], [], []>, transpose_lhs_hint = false} : vector<1000x128xf32>, vector<128x8xf32>, vector<1000x8xf32> -> vector<1000x8xf32>
    %mul3A_40 = vector.broadcast %get3A_1 : vector<1000x1xf32> to vector<1000x8xf32>
    %mul3A_41 = arith.mulf %dot_general3A_39, %mul3A_40 : vector<1000x8xf32>
    %swap3A = arith.constant 0 : index
    %swap3A_42 = arith.constant 0 : index
    %swap3A_43 = vector.load %arg12[%swap3A, %swap3A_42] : memref<1000x8xf32, #tpu.memory_space<vmem>>, vector<1000x8xf32>
    tpu.vector_store %arg12[%swap3A, %swap3A_42], %mul3A_41 {strides = array<i32>} : memref<1000x8xf32, #tpu.memory_space<vmem>>, vector<1000x8xf32>,
    return
  }
  func.func @transform_0(%arg0: i32) -> (i32, i32) {
    %c0_i32 = arith.constant 0 : i32
    %c0_i32_0 = arith.constant 0 : i32
    return %arg0, %c0_i32 : i32, i32
  }
  func.func @transform_1(%arg0: i32) -> (i32, i32) {
    %c0_i32 = arith.constant 0 : i32
    %c0_i32_0 = arith.constant 0 : i32
    return %arg0, %c0_i32 : i32, i32
  }
  func.func @transform_2(%arg0: i32) -> (i32, i32) {
    %c0_i32 = arith.constant 0 : i32
    %c0_i32_0 = arith.constant 0 : i32
    return %arg0, %c0_i32 : i32, i32
  }
  func.func @transform_3(%arg0: i32) -> (i32, i32) {
    %c0_i32 = arith.constant 0 : i32
    %c0_i32_0 = arith.constant 0 : i32
    return %arg0, %c0_i32 : i32, i32
  }
  func.func @transform_4(%arg0: i32) -> (i32, i32) {
    %c0_i32 = arith.constant 0 : i32
    %c0_i32_0 = arith.constant 0 : i32
    return %arg0, %c0_i32 : i32, i32
  }
  func.func @transform_5(%arg0: i32) -> (i32, i32) {
    %c0_i32 = arith.constant 0 : i32
    %c0_i32_0 = arith.constant 0 : i32
    return %arg0, %c0_i32 : i32, i32
  }
  func.func @transform_6(%arg0: i32) -> (i32, i32) {
    %c0_i32 = arith.constant 0 : i32
    %c0_i32_0 = arith.constant 0 : i32
    return %arg0, %c0_i32 : i32, i32
  }
  func.func @transform_7(%arg0: i32) -> (i32, i32) {
    %c0_i32 = arith.constant 0 : i32
    %c0_i32_0 = arith.constant 0 : i32
    return %arg0, %c0_i32 : i32, i32
  }
  func.func @transform_8(%arg0: i32) -> (i32, i32) {
    %c0_i32 = arith.constant 0 : i32
    %c0_i32_0 = arith.constant 0 : i32
    return %arg0, %c0_i32 : i32, i32
  }
  func.func @transform_9(%arg0: i32) -> i32 {
    %c0_i32 = arith.constant 0 : i32
    %c0_i32_0 = arith.constant 0 : i32
    return %c0_i32 : i32
  }
  func.func @transform_10(%arg0: i32) -> (i32, i32) {
    %c0_i32 = arith.constant 0 : i32
    %c0_i32_0 = arith.constant 0 : i32
    %c0_i32_1 = arith.constant 0 : i32
    return %c0_i32, %c0_i32_0 : i32, i32
  }
  func.func @transform_11(%arg0: i32) -> (i32, i32) {
    %c0_i32 = arith.constant 0 : i32
    %c0_i32_0 = arith.constant 0 : i32
    return %arg0, %c0_i32 : i32, i32
  }
}

module attributes {stable_mosaic.version = 14 : i64} {
  func.func @tc_final(%arg0: i32, %arg1: memref<1000x8xf32, #tpu.memory_space<vmem>>, %arg2: memref<1000x8xf32, #tpu.memory_space<vmem>>, %arg3: memref<1000x8xf32, #tpu.memory_space<vmem>>, %arg4: memref<1000x1xf32, #tpu.memory_space<vmem>>, %arg5: memref<8xf32, #tpu.memory_space<vmem>>, %arg6: memref<1000x8xf32, #tpu.memory_space<vmem>>) attributes {dimension_semantics = [#tpu.dimension_semantics<arbitrary>], iteration_bounds = array<i64: 50>, scalar_prefetch = 0 : i64, scratch_operands = 0 : i64, tpu.core_type = #tpu.core_type<tc>, window_params = [{transform_indices = @transform_0, window_bounds = array<i64: 1000, 8>}, {transform_indices = @transform_1, window_bounds = array<i64: 1000, 8>}, {transform_indices = @transform_2, window_bounds = array<i64: 1000, 8>}, {transform_indices = @transform_3, window_bounds = array<i64: 1000, 1>}, {pipeline_mode = #tpu.pipeline_mode<synchronous>, transform_indices = @transform_4, window_bounds = array<i64: 8>}, {transform_indices = @transform_5, window_bounds = array<i64: 1000, 8>}]} {
    %get3A = arith.constant 0 : index
    %get3A_0 = arith.constant 0 : index
    %get3A_1 = vector.load %arg1[%get3A, %get3A_0] : memref<1000x8xf32, #tpu.memory_space<vmem>>, vector<1000x8xf32>
    %get3A_2 = arith.constant 0 : index
    %get3A_3 = arith.constant 0 : index
    %get3A_4 = vector.load %arg2[%get3A_2, %get3A_3] : memref<1000x8xf32, #tpu.memory_space<vmem>>, vector<1000x8xf32>
    %add3A = arith.addf %get3A_1, %get3A_4 : vector<1000x8xf32>
    %get3A_5 = arith.constant 0 : index
    %get3A_6 = arith.constant 0 : index
    %get3A_7 = vector.load %arg3[%get3A_5, %get3A_6] : memref<1000x8xf32, #tpu.memory_space<vmem>>, vector<1000x8xf32>
    %add3A_8 = arith.addf %add3A, %get3A_7 : vector<1000x8xf32>
    %get3A_9 = arith.constant 0 : index
    %get3A_10 = arith.constant 0 : index
    %get3A_11 = vector.load %arg4[%get3A_9, %get3A_10] : memref<1000x1xf32, #tpu.memory_space<vmem>>, vector<1000x1xf32>
    %mul3A = vector.broadcast %get3A_11 : vector<1000x1xf32> to vector<1000x8xf32>
    %mul3A_12 = arith.mulf %add3A_8, %mul3A : vector<1000x8xf32>
    %get3A_13 = arith.constant 0 : index
    %get3A_14 = vector.load %arg5[%get3A_13] : memref<8xf32, #tpu.memory_space<vmem>>, vector<8xf32>
    %broadcast_in_dim3A = vector.shape_cast %get3A_14 : vector<8xf32> to vector<1x8xf32>
    %add3A_15 = vector.broadcast %broadcast_in_dim3A : vector<1x8xf32> to vector<1000x8xf32>
    %add3A_16 = arith.addf %mul3A_12, %add3A_15 : vector<1000x8xf32>
    %swap3A = arith.constant 0 : index
    %swap3A_17 = arith.constant 0 : index
    %swap3A_18 = vector.load %arg6[%swap3A, %swap3A_17] : memref<1000x8xf32, #tpu.memory_space<vmem>>, vector<1000x8xf32>
    tpu.vector_store %arg6[%swap3A, %swap3A_17], %add3A_16 {strides = array<i32>} : memref<1000x8xf32, #tpu.memory_space<vmem>>, vector<1000x8xf32>,
    return
  }
  func.func @transform_0(%arg0: i32) -> (i32, i32) {
    %add3A = arith.constant 0 : i32
    %add3A_0 = arith.addi %add3A, %arg0 : i32
    %c0_i32 = arith.constant 0 : i32
    %c0_i32_1 = arith.constant 0 : i32
    return %add3A_0, %c0_i32 : i32, i32
  }
  func.func @transform_1(%arg0: i32) -> (i32, i32) {
    %add3A = arith.constant 50 : i32
    %add3A_0 = arith.addi %add3A, %arg0 : i32
    %c0_i32 = arith.constant 0 : i32
    %c0_i32_1 = arith.constant 0 : i32
    return %add3A_0, %c0_i32 : i32, i32
  }
  func.func @transform_2(%arg0: i32) -> (i32, i32) {
    %c0_i32 = arith.constant 0 : i32
    %c0_i32_0 = arith.constant 0 : i32
    return %arg0, %c0_i32 : i32, i32
  }
  func.func @transform_3(%arg0: i32) -> (i32, i32) {
    %c0_i32 = arith.constant 0 : i32
    %c0_i32_0 = arith.constant 0 : i32
    return %arg0, %c0_i32 : i32, i32
  }
  func.func @transform_4(%arg0: i32) -> i32 {
    %c0_i32 = arith.constant 0 : i32
    %c0_i32_0 = arith.constant 0 : i32
    return %c0_i32 : i32
  }
  func.func @transform_5(%arg0: i32) -> (i32, i32) {
    %c0_i32 = arith.constant 0 : i32
    %c0_i32_0 = arith.constant 0 : i32
    return %arg0, %c0_i32 : i32, i32
  }
}

</mosaic_0001>

<sc_bundles>
// kernel: sc_agg1.3.cloned.1.call-start
scs
__scs_entry_jumppad:
0x0: {  	(pc) =	sbr.rel $0x88, $3  }
0x1: {  	(tag) =	ssettag $0x0;
	lr =	simm.s32 $0x1  }
0x2: {  	[smem:$0x3F9B] =	sst lr;
	_ =	strace $0xD0000000  }
0x3: {  	_ = 	snop  }
0x4: {  	_ = 	snop  }
0x5: {  	_ = 	snop  }
0x6: {  	_ = 	snop  }
0x7: {  	_ = 	snop  }
__scs_overlays_trampoline_lowered:
0x8: {  	[smem:$0x3FAA] =	sst s0  }
0x9: {  	[smem:$0x3FAB] =	sst s1  }
0xa: {  	[smem:$0x3FAC] =	sst s2  }
0xb: {  	[smem:$0x3FAD] =	sst s3  }
0xc: {  	[smem:$0x3FAE] =	sst s4  }
0xd: {  	[smem:$0x3FAF] =	sst s5  }
0xe: {  	[smem:$0x3FB0] =	sst s6  }
0xf: {  	[smem:$0x3FB1] =	sst s7  }
0x10: {  	[smem:$0x3FB2] =	sst s8  }
0x11: {  	[smem:$0x3FB3] =	sst s9;
	s0 =	simm.s32 @!p0 $0x0  }
0x12: {  	s1 =	sld [smem:$0x3F99];
	s0 =	simm.s32 @p0 $0x1  }
0x13: {  	[smem:$0x3FB4] =	sst s0;
	s0 =	simm.s32 @!p1 $0x0  }
0x14: {  	s2 =	sld [smem:$0x3F98];
	s0 =	simm.s32 @p1 $0x1  }
0x15: {  	[smem:$0x3FB5] =	sst s0;
	s0 =	simm.s32 @!p2 $0x0  }
0x16: {  	s3 =	sld [smem:$0x3FDB];
	s0 =	simm.s32 @p2 $0x1  }
0x17: {  	s4 =	simm.s32 $0x1BF5;
	[smem:$0x3FB7] =	sst s0  }
0x18: {  	s0 =	sld [smem:$0x3F9A];
	_ =	swait.ge [sflag:s4], $0x0  }
0x19: {  	s7 =	sld [smem:$0x3F9B]  }
0x1a: {  	s8 =	sadd.s32 $0xFFFFE003, lr  }
0x1b: {  	s9 =	sadd.s32 $0xFFFFFEF7, lr;
	s5 =	simm.s32 $0xFFFFFFFF;
	p2 =	slt.u32 s8, $0xFFFFF086  }
0x1c: {  	p1 =	slt.u32 s9, $0xF7A;
	s5 =	simm.s32 @!p2 $0x0  }
0x1d: {  	s5 =	simm.s32 @p1 $0x1;
	p0 =	seq.s32 s7, s2  }
0x1e: {  	s7 =	smul.u32 @!p0 $0xF7A, s2;
	p2 =	seq.s32 @!p0 s5, $0x0  }
0x1f: {  	s9 =	smul.u32 $0xF7A, s1;
	s8 =	simm.s32 @!p0 $0x1BF5;
	p2 =	por !p2, p0  }
0x20: {  	[sflag:s8] =	ssyncset.s32 @!p0 $0xFFFFF086;
	s6 =	sadd.s32 @!p0 s3, s7;
	s7 =	simm.s32 @!p0 $0x108  }
0x21: {  	s3 =	sadd.s32 s3, s9;
	s6 =	sadd.s32 @!p0 $0x88, s6;
	s7 =	simm.s32 @p2 $0x1082  }
0x22: {  	[simem:s7], [sflag:s8] =	dma.local @!p0 [hbm:s6], $0xF7A  }
0x23: {  	s9 =	sor.u32 $0xD0000000, s2;
	s6 =	simm.s32 $0x108;
	_ =	swait.ge @!p0 [sflag:s8], $0x0  }
0x24: {  	s3 =	sadd.s32 $0x88, s3;
	s6 =	simm.s32 @!p1 $0x1082;
	[sflag:s4] =	ssyncset.s32 $0xFFFFF086  }
0x25: {  	[simem:s6], [sflag:s4] =	dma.local [hbm:s3], $0xF7A  }
0x26: {  	[smem:$0x3F9B] =	sst s1;
	(tag) =	ssettag s2;
	_ =	strace s9  }
0x27: {  	s1 =	sld [smem:$0x3FAB]  }
0x28: {  	s2 =	sld [smem:$0x3FAC]  }
0x29: {  	s4 =	sld [smem:$0x3FAE]  }
0x2a: {  	p0 =	seq.s32 s5, $0x0;
	s5 =	sld [smem:$0x3FAF]  }
0x2b: {  	s6 =	sld [smem:$0x3FB0]  }
0x2c: {  	s7 =	sld [smem:$0x3FB1]  }
0x2d: {  	s3 =	simm.s32 $0x108;
	s8 =	sld [smem:$0x3FB2]  }
0x2e: {  	s3 =	simm.s32 @!p0 $0x1082;
	s9 =	sld [smem:$0x3FB3]  }
0x2f: {  	lr =	sadd.s32 s0, s3;
	s0 =	sld [smem:$0x3FAA]  }
0x30: {  	s3 =	sld [smem:$0x3FAD]  }
0x31: {  	[smem:$0x3FB6] =	sst s10  }
0x32: {  	s10 =	sld [smem:$0x3FB4];
	_ =	sdelay $0x3  }
0x33: {  	p0 =	seq.s32 s10, $0x1;
	s10 =	sld [smem:$0x3FB6];
	_ =	sdelay $0x3  }
0x34: {  	[smem:$0x3FB6] =	sst s10  }
0x35: {  	s10 =	sld [smem:$0x3FB5];
	_ =	sdelay $0x3  }
0x36: {  	p1 =	seq.s32 s10, $0x1;
	s10 =	sld [smem:$0x3FB6];
	_ =	sdelay $0x3  }
0x37: {  	[smem:$0x3FB6] =	sst s10  }
0x38: {  	s10 =	sld [smem:$0x3FB7]  }
0x39: {  	_ = 	snop;
	(pc) =	sbr.ind lr, $3  }
0x3a: {  	_ = 	snop  }
0x3b: {  	_ = 	snop  }
0x3c: {  	p2 =	seq.s32 s10, $0x1;
	s10 =	sld [smem:$0x3FB6]  }
0x3d: {  	_ =	shalt  }
0x3e: {  	_ =	shalt  }
0x3f: {  	_ =	shalt  }
0x40: {  	_ =	shalt  }
0x41: {  	_ =	shalt  }
0x42: {  	_ =	shalt  }
0x43: {  	_ =	shalt  }
0x44: {  	_ =	shalt  }
0x45: {  	_ =	shalt  }
0x46: {  	_ =	shalt  }
0x47: {  	_ =	shalt  }
0x48: {  	_ =	shalt  }
0x49: {  	_ =	shalt  }
0x4a: {  	_ =	shalt  }
0x4b: {  	_ =	shalt  }
0x4c: {  	_ =	shalt  }
0x4d: {  	_ =	shalt  }
0x4e: {  	_ =	shalt  }
0x4f: {  	_ =	shalt  }
0x50: {  	_ =	shalt  }
0x51: {  	_ =	shalt  }
0x52: {  	_ =	shalt  }
0x53: {  	_ =	shalt  }
0x54: {  	_ =	shalt  }
0x55: {  	_ =	shalt  }
0x56: {  	_ =	shalt  }
0x57: {  	_ =	shalt  }
0x58: {  	_ =	shalt  }
0x59: {  	_ =	shalt  }
0x5a: {  	_ =	shalt  }
0x5b: {  	_ =	shalt  }
0x5c: {  	_ =	shalt  }
0x5d: {  	_ =	shalt  }
0x5e: {  	_ =	shalt  }
0x5f: {  	_ =	shalt  }
0x60: {  	_ =	shalt  }
0x61: {  	_ =	shalt  }
0x62: {  	_ =	shalt  }
0x63: {  	_ =	shalt  }
0x64: {  	_ =	shalt  }
0x65: {  	_ =	shalt  }
0x66: {  	_ =	shalt  }
0x67: {  	_ =	shalt  }
0x68: {  	_ =	shalt  }
0x69: {  	_ =	shalt  }
0x6a: {  	_ =	shalt  }
0x6b: {  	_ =	shalt  }
0x6c: {  	_ =	shalt  }
0x6d: {  	_ =	shalt  }
0x6e: {  	_ =	shalt  }
0x6f: {  	_ =	shalt  }
0x70: {  	_ =	shalt  }
0x71: {  	_ =	shalt  }
0x72: {  	_ =	shalt  }
0x73: {  	_ =	shalt  }
0x74: {  	_ =	shalt  }
0x75: {  	_ =	shalt  }
0x76: {  	_ =	shalt  }
0x77: {  	_ =	shalt  }
0x78: {  	_ =	shalt  }
0x79: {  	_ =	shalt  }
0x7a: {  	_ =	shalt  }
0x7b: {  	_ =	shalt  }
0x7c: {  	_ =	shalt  }
0x7d: {  	_ =	shalt  }
0x7e: {  	_ =	shalt  }
0x7f: {  	_ =	shalt  }
0x80: {  	_ =	shalt  }
0x81: {  	_ =	shalt  }
0x82: {  	_ =	shalt  }
0x83: {  	_ =	shalt  }
0x84: {  	_ =	shalt  }
0x85: {  	_ =	shalt  }
0x86: {  	_ =	shalt  }
0x87: {  	_ =	shalt  }
.Lfunc_end0:
.L_simem_size_0:
called_computation.1_lowered:
.L_overlay_start_0:
0x88: {  	s2 =	sld [smem:$0x3FD9]  }
0x89: {  	s3 =	sld [smem:$0x3FFE];
	_ =	sdelay $0x1  }
0x8a: {  	s1 =	srdreg.scid  }
0x8b: {  	s0 =	sand.u32 $0x1, s1  }
0x8c: {  	s17 =	sshll.u32 s0, $0xA;
	s2 =	sadd.s32 s3, s2  }
0x8d: {  	s2 =	sadd.s32 s2, s17  }
0x8e: {  	[smem:$0x3FC2] =	sst s2  }
0x8f: {  	_ = 	snop  }
0x90: {  	s2 =	sld [smem:$0x3FD0];
	(tm) =	ssettm $0x1  }
0x91: {  	s18 =	sld [smem:$0x3FFB];
	_ =	sdelay $0x3  }
0x92: {  	_ =	strace s18  }
0x93: {  	s3 =	sld [smem:$0x3FFC];
	_ =	sdelay $0x3  }
0x94: {  	_ =	strace s3  }
0x95: {  	s3 =	sld [smem:$0x3FFD];
	_ =	sdelay $0x3  }
0x96: {  	_ =	strace s3  }
0x97: {  	_ =	strace $0x8FFFFFFF  }
0x98: {  	s19 =	sld [smem:$0x3FDB];
	_ =	sdelay $0x1  }
0x99: {  	s4 =	simm.s32 $_scs_section_size  }
0x9a: {  	s5 =	simm.s32 $_size__tile_overlayer_lowered;
	s6 =	simm.s32 $_tile_overlayer_lowered  }
0x9b: {  	s22 =	simm.s32 $0x1BFF;
	s21 =	sshll.u32 s6, $0x1;
	s3 =	sadd.s32 s4, s19  }
0x9c: {  	s7 =	simm.s32 $0x0;
	s20 =	sshll.u32 s5, $0x1;
	s5 =	sadd.s32 s21, s3  }
0x9d: {  	[timem:s7], [sflag:s22] =	dma.local [hbm:s5], s20  }
0x9e: {  	_ =	swait.ge [sflag:s22], s20  }
0x9f: {  	s4 =	ssub.s32 $0x0, s20;
	[sflag:s22] =	ssyncset.done $0x0  }
0xa0: {  	[sflag:s22] =	ssyncadd.s32 s4;
	_ =	sdelay $0x1  }
0xa1: {  	s23 =	simm.s32 $0x1B8B  }
0xa2: {  	_ =	swait.ge [sflag:s23], $0x1  }
0xa3: {  	[sflag:s23] =	ssyncset.done $0x0  }
0xa4: {  	s25 =	simm.s32 $0x1B8E;
	s24 =	sld [smem:$0x3FFE];
	[sflag:s23] =	ssyncadd.s32 $0xFFFFFFFF  }
0xa5: {  	s26 =	simm.s32 $execute0_lowered;
	[smem:$0x3FD2] =	sst s25  }
0xa6: {  	s5 =	sshll.u32 s26, $0x1;
	_ =	strace $0x80000049;
	[dreg:$0x1] =	wrdreg $0xFFFFFFFF  }
0xa7: {  	s28 =	simm.s32 $_size_execute0_lowered;
	s3 =	sadd.s32 s3, s5;
	[dreg:$0x0] =	wrdreg $0x0  }
0xa8: {  	s5 =	sshll.u32 s28, $0x1;
	[dreg:$0x2] =	wrdreg s3  }
0xa9: {  	[dreg:$0x3] =	wrdreg s5  }
0xaa: {  	[dreg:$0x4] =	wrdreg $0xC0  }
0xab: {  	_ =	task [dreg:s7], $0x5FFFF  }
0xac: {  	[dreg:$0x1] =	wrdreg $0xFFFFFFFF  }
0xad: {  	[dreg:$0x0] =	wrdreg $0x60  }
0xae: {  	[dreg:$0x2] =	wrdreg s24  }
0xaf: {  	[dreg:$0x3] =	wrdreg s2  }
0xb0: {  	[dreg:$0x4] =	wrdreg $0x44000  }
0xb1: {  	[dreg:$0x5] =	wrdreg $0x9  }
0xb2: {  	_ =	task.clear_ibuf [dreg:s7], $0x6FFFF;
	_ =	strace $0x90000049  }
0xb3: {  	s29 =	simm.s32 $0x9;
	_ =	strace $0x8000004B  }
0xb4: {  	_ =	swait.ge [sflag:s29], $0x1  }
0xb5: {  	[sflag:s29] =	ssyncadd.s32 $0xFFFFFFFF  }
0xb6: {  	_ =	strace $0x9000004B  }
0xb7: {  	_ =	sfence  }
0xb8: {  	s30 =	sld [smem:$0x0];
	_ =	sdelay $0x2  }
0xb9: {  	s31 =	sshll.u32 s1, $0xD;
	s1 =	sshrl.u32 s1, $0x2  }
0xba: {  	s3 =	sand.u32 $0x4000, s31;
	s1 =	sadd.s32 s1, s30  }
0xbb: {  	s0 =	sor.u32 s3, s0;
	s1 =	sshll.u32 s1, $0x11  }
0xbc: {  	s0 =	sor.u32 s1, s0  }
0xbd: {  	s0 =	sadd.s32 $0x8F2B, s0  }
0xbe: {  	[sflag:s0] =	ssyncadd.remote.s32 $0x1  }
0xbf: {  	_ =	sfence.sel $0xFFFF  }
0xc0: {  	[dreg:$0x0] =	wrdreg $0xFFFFFFFF;
	(pc) =	sbr.abs _section_cstart, $3  }
0xc1: {  	[dreg:$0x1] =	wrdreg $0xFFFFFFFF  }
0xc2: {  	_ =	task.clear_ibuf [dreg:s7], $0x2FFFF;
	_ =	strace $0x9FFFFFFF  }
0xc3: {  	(tm) =	ssettm $0x7FFFFFFF  }
tec
execute0_lowered:
.L_overlay_start_1:
0x0: {  	(tag) =	ssettag $0x1  }
0x1: {  	s0 =	rddreg [dreg:$0x0]  }
0x2: {  	s23 =	rddreg [dreg:$0x1]  }
0x3: {  	s2 =	rddreg [dreg:$0x2];
	s4 =	simm.s32 $0x0  }
0x4: {  	s15 =	stileid.u32;
	s9 =	srdreg.scid;
	s28 =	simm.s32 $0x80  }
0x5: {  	s29 =	simm.s32 $0x400;
	s30 =	simm.s32 $0x1400;
	s31 =	simm.s32 $0x200  }
0x6: {  	[smem:$0x7FF] =	sst s4;
	s5 =	sadd.s32 $0x1C00, s0;
	s6 =	sadd.s32 $0x94C00, s0  }
0x7: {  	s7 =	sadd.s32 $0xC5A00, s0;
	s1 =	smul.u32 $0x186A0, s15;
	s8 =	sadd.s32 $0xF6800, s0  }
0x8: {  	s3 =	sadd.s32 $0x63C00, s0;
	s10 =	sadd.s32 $0x32A00, s0;
	s9 =	sand.u32 $0x1, s9  }
0x9: {  	s13 =	smul.u32 $0x64000, s15;
	s14 =	sadd.s32 $0x559E00, s0;
	s17 =	sshll.u32 s15, $0x6  }
0xa: {  	s16 =	smul.u32 $0x3100, s15;
	_ =	strace $0x8000004A;
	s12 =	ssub.s32 $0x2, s9  }
0xb: {  	[dreg:$0x5] =	wrdreg s14;
	s17 =	sor.u32 $0x1C05, s17;
	p0 =	sne.s32 s9, $0x0  }
0xc: {  	s9 =	simm.s32 $0x4;
	s11 =	sshrl.u32 s1, $0x3;
	s14 =	sshrl.u32 s12, $0x1  }
0xd: {  	s13 =	sshrl.u32 s13, $0x2;
	s15 =	sadd.s32 s10, s16;
	s19 =	sor.u32 $0x20, s16  }
0xe: {  	s1 =	sadd.s32 s1, s2;
	s24 =	sor.u32 $0x40, s16;
	[dreg:$0x8] =	wrdreg s17  }
0xf: {  	[dreg:$0x4] =	wrdreg s11;
	s11 =	sadd.s32 s11, s0;
	s0 =	sadd.s32 $0x5BBA00, s0  }
0x10: {  	s18 =	sadd.s32 s13, s2;
	s20 =	sadd.s32 s3, s19;
	[dreg:$0xc] =	wrdreg s1  }
0x11: {  	s25 =	sadd.s32 s3, s24;
	s26 =	sadd.s32 s10, s24;
	[dreg:$0x6] =	wrdreg s0  }
0x12: {  	s24 =	simm.s32 $0x5;
	s1 =	simm.s32 $0x380;
	[dreg:$0x7] =	wrdreg s18  }
0x13: {  	s0 =	ssub.s32 s12, s14;
	s14 =	sadd.s32 s3, s16;
	[dreg:$0x9] =	wrdreg s20  }
0x14: {  	s12 =	sadd.s32 s10, s19;
	s21 =	sadd.s32 $0x58AC00, s11;
	[dreg:$0xf] =	wrdreg s25  }
0x15: {  	s22 =	sadd.s32 $0x529000, s11;
	[dreg:$0x10] =	wrdreg s26;
	s25 =	simm.s32 $0x100  }
.Ltmp0:
0x16: {  	s26 =	simm.s32 $0x1;
	s3 =	simm.s32 $0x2;
	(pc) =	sbr.rel .LBB2_1-.Ltmp0, $4  }
0x17: {  	s10 =	simm.s32 $0x180;
	s11 =	simm.s32 $0x2400;
	[dreg:$0xa] =	wrdreg s12  }
0x18: {  	s18 =	simm.s32 $0x280;
	s20 =	simm.s32 $0x3400;
	[dreg:$0xb] =	wrdreg s21  }
0x19: {  	[dreg:$0xd] =	wrdreg s22;
	s0 =	smax.u32 s0, $0x1;
	s12 =	simm.s32 $0x3  }
0x1a: {  	s21 =	simm.s32 $0x0;
	[dreg:$0xe] =	wrdreg s0;
	s0 =	simm.s32 $0x300  }
.LBB2_14:
0x1b: {  	s16 =	rddreg [dreg:$0x6]  }
.LBB2_15:
0x1c: {  	_ =	swait.ge [sflag:s9], $0x1000  }
0x1d: {  	[sflag:s9] =	ssyncset.done $0x0  }
0x1e: {  	[sflag:s9] =	ssyncadd.s32 $0xFFFFF000  }
0x1f: {  	_ =	swait.ge [sflag:s9], $0x1000  }
0x20: {  	[sflag:s9] =	ssyncset.done $0x0  }
0x21: {  	[sflag:s9] =	ssyncadd.s32 $0xFFFFF000  }
0x22: {  	s13 =	rddreg [dreg:$0x4];
	[bflag:$0x0] =	sbarrier.arrive $0xFFFF  }
0x23: {  	s17 =	rddreg [dreg:$0xc]  }
0x24: {  	s16 =	sadd.s32 s16, s13;
	s19 =	rddreg [dreg:$0x8];
	s17 =	sshrl.u32 s17, $0x3  }
0x25: {  	[hbm:s16], [sflag:s19] =	dma.local [spmem:s17], $0x30D4  }
0x26: {  	_ =	swait.ge [sflag:s24], $0x30D4  }
0x27: {  	s21 =	sadd.s32 $0x1, s21;
	s22 =	rddreg [dreg:$0xe]  }
0x28: {  	p1 =	sne.s32 s21, s22  }
.Ltmp1:
0x29: {  	_ = 	snop;
	(pc) =	sbr.rel @!p1 .LBB2_16-.Ltmp1, $4  }
0x2a: {  	[sflag:s24] =	ssyncset.done $0x0  }
0x2b: {  	[sflag:s24] =	ssyncadd.s32 $0xFFFFCF2C  }
0x2c: {  	[bflag:$0x0] =	sbarrier.arrive $0xFFFF  }
0x2d: {  	s17 =	smov.u32 s19  }
.LBB2_1:
0x2e: {  	s13 =	rddreg [dreg:$0x7]  }
0x2f: {  	s16 =	sshrl.u32 s13, $0x3  }
0x30: {  	[spmem:s16], [sflag:s17] =	dma.local [hbm:s23], $0x3200  }
0x31: {  	_ =	swait.ge [sflag:s24], $0x3200  }
0x32: {  	[sflag:s24] =	ssyncset.done $0x0  }
0x33: {  	[sflag:s24] =	ssyncadd.s32 $0xFFFFCE00  }
0x34: {  	[bflag:$0x0] =	sbarrier.arrive $0xFFFF  }
0x35: {  	[tilespmem:s4], [sflag:$0x1] =	stream.linear.gather [hbm4b:s14+s4], $0x100, $0x38;
	[tilespmem:$0x1D400] =	vst v63  }
0x36: {  	_ = 	snop  }
0x37: {  	[tilespmem:s25], [sflag:$0x1] =	stream.linear.gather [hbm4b:s15+s4], $0x100, $0x38;
	[tilespmem:$0x1D400] =	vst v63  }
0x38: {  	_ =	swait.ge [sflag:s26], $0x100  }
.Ltmp2:
0x39: {  	[sflag:s26] =	ssyncset.done $0x0;
	(pc) =	sbr.rel @p0 .LBB2_5-.Ltmp2, $4  }
0x3a: {  	[sflag:s26] =	ssyncadd.s32 $0xFFFFFF00  }
0x3b: {  	_ =	swait.ge [sflag:s26], $0x100  }
0x3c: {  	[sflag:s26] =	ssyncset.done $0x0  }
0x3d: {  	s13 =	smov.u32 s23;
	[sflag:s26] =	ssyncadd.s32 $0xFFFFFF00  }
0x3e: {  	[tilespmem:s29], [sflag:$0x2] =	stream.indirect.gather [hbm4b:s5+s28], $0x20, s4, s28, $0xb8;
	[tilespmem:$0x1D400] =	vst v63  }
0x3f: {  	_ = 	snop  }
0x40: {  	[tilespmem:s30], [sflag:$0x2] =	stream.indirect.gather [hbm4b:s5+s28], $0x20, s28, s28, $0xb8;
	[tilespmem:$0x1D400] =	vst v63  }
0x41: {  	s17 =	rddreg [dreg:$0x9]  }
0x42: {  	[tilespmem:s31], [sflag:$0x1] =	stream.linear.gather [hbm4b:s17+s4], $0x100, $0x38;
	[tilespmem:$0x1D400] =	vst v63  }
0x43: {  	s19 =	rddreg [dreg:$0xa]  }
0x44: {  	[tilespmem:s0], [sflag:$0x1] =	stream.linear.gather [hbm4b:s19+s4], $0x100, $0x38;
	[tilespmem:$0x1D400] =	vst v63  }
0x45: {  	_ =	swait.ge [sflag:s3], $0x1000  }
0x46: {  	[sflag:s3] =	ssyncset.done $0x0  }
0x47: {  	[sflag:s3] =	ssyncadd.s32 $0xFFFFF000  }
0x48: {  	_ =	swait.ge [sflag:s3], $0x1000  }
0x49: {  	[sflag:s3] =	ssyncset.done $0x0  }
0x4a: {  	[sflag:s3] =	ssyncadd.s32 $0xFFFFF000  }
0x4b: {  	[spmem:s2] =	stream.indirect.scatter.add.f32 [tilespmem:s29], [sflag:$0x3], $0x20, s25, s28, $0xb8;
	[tilespmem:$0x1D400] =	vst v63  }
0x4c: {  	_ = 	snop  }
0x4d: {  	[spmem:s2] =	stream.indirect.scatter.add.f32 [tilespmem:s30], [sflag:$0x3], $0x20, s10, s28, $0xb8;
	[tilespmem:$0x1D400] =	vst v63  }
0x4e: {  	_ =	swait.ge [sflag:s26], $0x100  }
0x4f: {  	[sflag:s26] =	ssyncset.done $0x0  }
0x50: {  	[sflag:s26] =	ssyncadd.s32 $0xFFFFFF00  }
0x51: {  	_ =	swait.ge [sflag:s26], $0x100  }
0x52: {  	[sflag:s26] =	ssyncset.done $0x0  }
0x53: {  	[sflag:s26] =	ssyncadd.s32 $0xFFFFFF00  }
0x54: {  	[tilespmem:s11], [sflag:$0x2] =	stream.indirect.gather [hbm4b:s5+s28], $0x20, s31, s28, $0xb8;
	[tilespmem:$0x1D400] =	vst v63  }
0x55: {  	_ = 	snop  }
0x56: {  	[tilespmem:s20], [sflag:$0x2] =	stream.indirect.gather [hbm4b:s5+s28], $0x20, s18, s28, $0xb8;
	[tilespmem:$0x1D400] =	vst v63  }
0x57: {  	_ =	swait.ge [sflag:s3], $0x1000  }
0x58: {  	[sflag:s3] =	ssyncset.done $0x0  }
0x59: {  	[sflag:s3] =	ssyncadd.s32 $0xFFFFF000  }
0x5a: {  	_ =	swait.ge [sflag:s3], $0x1000  }
0x5b: {  	[sflag:s3] =	ssyncset.done $0x0  }
0x5c: {  	[sflag:s3] =	ssyncadd.s32 $0xFFFFF000  }
0x5d: {  	[spmem:s2] =	stream.indirect.scatter.add.f32 [tilespmem:s11], [sflag:$0x4], $0x20, s0, s28, $0xb8;
	[tilespmem:$0x1D400] =	vst v63  }
0x5e: {  	_ = 	snop  }
0x5f: {  	[spmem:s2] =	stream.indirect.scatter.add.f32 [tilespmem:s20], [sflag:$0x4], $0x20, s1, s28, $0xb8;
	[tilespmem:$0x1D400] =	vst v63  }
0x60: {  	_ =	swait.ge [sflag:s12], $0x1000  }
0x61: {  	[sflag:s12] =	ssyncset.done $0x0  }
0x62: {  	[sflag:s12] =	ssyncadd.s32 $0xFFFFF000  }
0x63: {  	_ =	swait.ge [sflag:s12], $0x1000  }
0x64: {  	[sflag:s12] =	ssyncset.done $0x0  }
0x65: {  	s22 =	rddreg [dreg:$0xf];
	[sflag:s12] =	ssyncadd.s32 $0xFFFFF000  }
0x66: {  	[tilespmem:s4], [sflag:$0x1] =	stream.linear.gather [hbm4b:s22+s4], $0x100, $0x38;
	[tilespmem:$0x1D400] =	vst v63  }
0x67: {  	s23 =	rddreg [dreg:$0x10]  }
0x68: {  	[tilespmem:s25], [sflag:$0x1] =	stream.linear.gather [hbm4b:s23+s4], $0x100, $0x38;
	[tilespmem:$0x1D400] =	vst v63  }
0x69: {  	_ =	swait.ge [sflag:s26], $0x100  }
0x6a: {  	[sflag:s26] =	ssyncset.done $0x0  }
0x6b: {  	[sflag:s26] =	ssyncadd.s32 $0xFFFFFF00  }
0x6c: {  	_ =	swait.ge [sflag:s26], $0x100  }
0x6d: {  	[sflag:s26] =	ssyncset.done $0x0  }
0x6e: {  	[sflag:s26] =	ssyncadd.s32 $0xFFFFFF00  }
0x6f: {  	[tilespmem:s29], [sflag:$0x2] =	stream.indirect.gather [hbm4b:s5+s28], $0x20, s4, s28, $0xb8;
	[tilespmem:$0x1D400] =	vst v63  }
0x70: {  	s17 =	simm.s32 $0xFFFFCF80  }
0x71: {  	[tilespmem:s30], [sflag:$0x2] =	stream.indirect.gather [hbm4b:s5+s28], $0x20, s28, s28, $0xb8;
	[tilespmem:$0x1D400] =	vst v63  }
.LBB2_3:
0x72: {  	_ =	swait.ge [sflag:s3], $0x1000  }
0x73: {  	[sflag:s3] =	ssyncset.done $0x0  }
0x74: {  	[sflag:s3] =	ssyncadd.s32 $0xFFFFF000  }
0x75: {  	_ =	swait.ge [sflag:s3], $0x1000  }
0x76: {  	[sflag:s3] =	ssyncset.done $0x0  }
0x77: {  	[sflag:s3] =	ssyncadd.s32 $0xFFFFF000  }
0x78: {  	[spmem:s2] =	stream.indirect.scatter.add.f32 [tilespmem:s29], [sflag:$0x3], $0x20, s25, s28, $0xb8;
	[tilespmem:$0x1D400] =	vst v63  }
0x79: {  	_ = 	snop  }
0x7a: {  	[spmem:s2] =	stream.indirect.scatter.add.f32 [tilespmem:s30], [sflag:$0x3], $0x20, s10, s28, $0xb8;
	[tilespmem:$0x1D400] =	vst v63  }
0x7b: {  	_ =	swait.ge [sflag:s9], $0x1000  }
0x7c: {  	[sflag:s9] =	ssyncset.done $0x0  }
0x7d: {  	[sflag:s9] =	ssyncadd.s32 $0xFFFFF000  }
0x7e: {  	_ =	swait.ge [sflag:s9], $0x1000  }
0x7f: {  	s19 =	sadd.s32 s17, s14;
	[sflag:s9] =	ssyncset.done $0x0  }
0x80: {  	s22 =	sadd.s32 $0x30E0, s19;
	[sflag:s9] =	ssyncadd.s32 $0xFFFFF000  }
0x81: {  	[tilespmem:s31], [sflag:$0x1] =	stream.linear.gather [hbm4b:s22+s4], $0x100, $0x38;
	[tilespmem:$0x1D400] =	vst v63  }
0x82: {  	s22 =	sadd.s32 s17, s15  }
0x83: {  	s23 =	sadd.s32 $0x30E0, s22  }
0x84: {  	[tilespmem:s0], [sflag:$0x1] =	stream.linear.gather [hbm4b:s23+s4], $0x100, $0x38;
	[tilespmem:$0x1D400] =	vst v63  }
0x85: {  	_ =	swait.ge [sflag:s26], $0x100  }
0x86: {  	[sflag:s26] =	ssyncset.done $0x0  }
0x87: {  	[sflag:s26] =	ssyncadd.s32 $0xFFFFFF00  }
0x88: {  	_ =	swait.ge [sflag:s26], $0x100  }
0x89: {  	[sflag:s26] =	ssyncset.done $0x0  }
0x8a: {  	[sflag:s26] =	ssyncadd.s32 $0xFFFFFF00  }
0x8b: {  	[tilespmem:s11], [sflag:$0x2] =	stream.indirect.gather [hbm4b:s5+s28], $0x20, s31, s28, $0xb8;
	[tilespmem:$0x1D400] =	vst v63  }
0x8c: {  	_ = 	snop  }
0x8d: {  	[tilespmem:s20], [sflag:$0x2] =	stream.indirect.gather [hbm4b:s5+s28], $0x20, s18, s28, $0xb8;
	[tilespmem:$0x1D400] =	vst v63  }
0x8e: {  	_ =	swait.ge [sflag:s3], $0x1000  }
0x8f: {  	[sflag:s3] =	ssyncset.done $0x0  }
0x90: {  	[sflag:s3] =	ssyncadd.s32 $0xFFFFF000  }
0x91: {  	_ =	swait.ge [sflag:s3], $0x1000  }
0x92: {  	[sflag:s3] =	ssyncset.done $0x0  }
0x93: {  	[sflag:s3] =	ssyncadd.s32 $0xFFFFF000  }
0x94: {  	[spmem:s2] =	stream.indirect.scatter.add.f32 [tilespmem:s11], [sflag:$0x4], $0x20, s0, s28, $0xb8;
	[tilespmem:$0x1D400] =	vst v63  }
0x95: {  	_ = 	snop  }
0x96: {  	[spmem:s2] =	stream.indirect.scatter.add.f32 [tilespmem:s20], [sflag:$0x4], $0x20, s1, s28, $0xb8;
	[tilespmem:$0x1D400] =	vst v63  }
0x97: {  	p1 =	seq.s32 s17, $0x0;
	_ =	swait.ge [sflag:s12], $0x1000  }
.Ltmp3:
0x98: {  	[sflag:s12] =	ssyncset.done $0x0;
	(pc) =	sbr.rel @p1 .LBB2_8-.Ltmp3, $4  }
0x99: {  	[sflag:s12] =	ssyncadd.s32 $0xFFFFF000  }
0x9a: {  	_ =	swait.ge [sflag:s12], $0x1000  }
0x9b: {  	[sflag:s12] =	ssyncset.done $0x0  }
0x9c: {  	[sflag:s12] =	ssyncadd.s32 $0xFFFFF000  }
0x9d: {  	s19 =	sadd.s32 $0x3100, s19  }
0x9e: {  	[tilespmem:s4], [sflag:$0x1] =	stream.linear.gather [hbm4b:s19+s4], $0x100, $0x38;
	[tilespmem:$0x1D400] =	vst v63  }
0x9f: {  	s23 =	sadd.s32 $0x3100, s22  }
0xa0: {  	[tilespmem:s25], [sflag:$0x1] =	stream.linear.gather [hbm4b:s23+s4], $0x100, $0x38;
	[tilespmem:$0x1D400] =	vst v63  }
0xa1: {  	_ =	swait.ge [sflag:s26], $0x100  }
0xa2: {  	[sflag:s26] =	ssyncset.done $0x0  }
0xa3: {  	[sflag:s26] =	ssyncadd.s32 $0xFFFFFF00  }
0xa4: {  	_ =	swait.ge [sflag:s26], $0x100  }
.Ltmp4:
0xa5: {  	[sflag:s26] =	ssyncset.done $0x0;
	(pc) =	sbr.rel .LBB2_3-.Ltmp4, $4  }
0xa6: {  	[sflag:s26] =	ssyncadd.s32 $0xFFFFFF00  }
0xa7: {  	[tilespmem:s29], [sflag:$0x2] =	stream.indirect.gather [hbm4b:s5+s28], $0x20, s4, s28, $0xb8;
	[tilespmem:$0x1D400] =	vst v63  }
0xa8: {  	s17 =	sadd.s32 $0x40, s17  }
0xa9: {  	[tilespmem:s30], [sflag:$0x2] =	stream.indirect.gather [hbm4b:s5+s28], $0x20, s28, s28, $0xb8;
	[tilespmem:$0x1D400] =	vst v63  }
.LBB2_5:
0xaa: {  	[tilespmem:s29], [sflag:$0x2] =	stream.indirect.gather [hbm4b:s7+s28], $0x20, s4, s28, $0xb8;
	[tilespmem:$0x1D400] =	vst v63  }
0xab: {  	_ = 	snop  }
0xac: {  	[tilespmem:s30], [sflag:$0x2] =	stream.indirect.gather [hbm4b:s7+s28], $0x20, s28, s28, $0xb8;
	[tilespmem:$0x1D400] =	vst v63  }
0xad: {  	s17 =	rddreg [dreg:$0x9]  }
0xae: {  	[tilespmem:s31], [sflag:$0x1] =	stream.linear.gather [hbm4b:s17+s4], $0x100, $0x38;
	[tilespmem:$0x1D400] =	vst v63  }
0xaf: {  	s19 =	rddreg [dreg:$0xa]  }
0xb0: {  	[tilespmem:s0], [sflag:$0x1] =	stream.linear.gather [hbm4b:s19+s4], $0x100, $0x38;
	[tilespmem:$0x1D400] =	vst v63  }
0xb1: {  	_ =	swait.ge [sflag:s3], $0x1000  }
0xb2: {  	[sflag:s3] =	ssyncset.done $0x0  }
0xb3: {  	[sflag:s3] =	ssyncadd.s32 $0xFFFFF000  }
0xb4: {  	_ =	swait.ge [sflag:s3], $0x1000  }
0xb5: {  	[sflag:s3] =	ssyncset.done $0x0  }
0xb6: {  	[sflag:s3] =	ssyncadd.s32 $0xFFFFF000  }
0xb7: {  	[spmem:s2] =	stream.indirect.scatter.add.f32 [tilespmem:s29], [sflag:$0x3], $0x20, s25, s28, $0xb8;
	[tilespmem:$0x1D400] =	vst v63  }
0xb8: {  	_ = 	snop  }
0xb9: {  	[spmem:s2] =	stream.indirect.scatter.add.f32 [tilespmem:s30], [sflag:$0x3], $0x20, s10, s28, $0xb8;
	[tilespmem:$0x1D400] =	vst v63  }
0xba: {  	_ =	swait.ge [sflag:s26], $0x100  }
0xbb: {  	[sflag:s26] =	ssyncset.done $0x0  }
0xbc: {  	[sflag:s26] =	ssyncadd.s32 $0xFFFFFF00  }
0xbd: {  	_ =	swait.ge [sflag:s26], $0x100  }
0xbe: {  	[sflag:s26] =	ssyncset.done $0x0  }
0xbf: {  	[sflag:s26] =	ssyncadd.s32 $0xFFFFFF00  }
0xc0: {  	[tilespmem:s11], [sflag:$0x2] =	stream.indirect.gather [hbm4b:s7+s28], $0x20, s31, s28, $0xb8;
	[tilespmem:$0x1D400] =	vst v63  }
0xc1: {  	_ = 	snop  }
0xc2: {  	[tilespmem:s20], [sflag:$0x2] =	stream.indirect.gather [hbm4b:s7+s28], $0x20, s18, s28, $0xb8;
	[tilespmem:$0x1D400] =	vst v63  }
0xc3: {  	_ =	swait.ge [sflag:s3], $0x1000  }
0xc4: {  	[sflag:s3] =	ssyncset.done $0x0  }
0xc5: {  	[sflag:s3] =	ssyncadd.s32 $0xFFFFF000  }
0xc6: {  	_ =	swait.ge [sflag:s3], $0x1000  }
0xc7: {  	[sflag:s3] =	ssyncset.done $0x0  }
0xc8: {  	[sflag:s3] =	ssyncadd.s32 $0xFFFFF000  }
0xc9: {  	[spmem:s2] =	stream.indirect.scatter.add.f32 [tilespmem:s11], [sflag:$0x4], $0x20, s0, s28, $0xb8;
	[tilespmem:$0x1D400] =	vst v63  }
0xca: {  	_ = 	snop  }
0xcb: {  	[spmem:s2] =	stream.indirect.scatter.add.f32 [tilespmem:s20], [sflag:$0x4], $0x20, s1, s28, $0xb8;
	[tilespmem:$0x1D400] =	vst v63  }
0xcc: {  	_ =	swait.ge [sflag:s12], $0x1000  }
0xcd: {  	[sflag:s12] =	ssyncset.done $0x0  }
0xce: {  	[sflag:s12] =	ssyncadd.s32 $0xFFFFF000  }
0xcf: {  	_ =	swait.ge [sflag:s12], $0x1000  }
0xd0: {  	[sflag:s12] =	ssyncset.done $0x0  }
0xd1: {  	s22 =	rddreg [dreg:$0xf];
	[sflag:s12] =	ssyncadd.s32 $0xFFFFF000  }
0xd2: {  	[tilespmem:s4], [sflag:$0x1] =	stream.linear.gather [hbm4b:s22+s4], $0x100, $0x38;
	[tilespmem:$0x1D400] =	vst v63  }
0xd3: {  	s23 =	rddreg [dreg:$0x10]  }
0xd4: {  	[tilespmem:s25], [sflag:$0x1] =	stream.linear.gather [hbm4b:s23+s4], $0x100, $0x38;
	[tilespmem:$0x1D400] =	vst v63  }
0xd5: {  	_ =	swait.ge [sflag:s26], $0x100  }
0xd6: {  	[sflag:s26] =	ssyncset.done $0x0  }
0xd7: {  	[sflag:s26] =	ssyncadd.s32 $0xFFFFFF00  }
0xd8: {  	_ =	swait.ge [sflag:s26], $0x100  }
0xd9: {  	[sflag:s26] =	ssyncset.done $0x0  }
0xda: {  	[sflag:s26] =	ssyncadd.s32 $0xFFFFFF00  }
0xdb: {  	[tilespmem:s29], [sflag:$0x2] =	stream.indirect.gather [hbm4b:s7+s28], $0x20, s4, s28, $0xb8;
	[tilespmem:$0x1D400] =	vst v63  }
0xdc: {  	s17 =	simm.s32 $0xFFFFCF80  }
0xdd: {  	[tilespmem:s30], [sflag:$0x2] =	stream.indirect.gather [hbm4b:s7+s28], $0x20, s28, s28, $0xb8;
	[tilespmem:$0x1D400] =	vst v63  }
.LBB2_6:
0xde: {  	_ =	swait.ge [sflag:s3], $0x1000  }
0xdf: {  	[sflag:s3] =	ssyncset.done $0x0  }
0xe0: {  	[sflag:s3] =	ssyncadd.s32 $0xFFFFF000  }
0xe1: {  	_ =	swait.ge [sflag:s3], $0x1000  }
0xe2: {  	[sflag:s3] =	ssyncset.done $0x0  }
0xe3: {  	[sflag:s3] =	ssyncadd.s32 $0xFFFFF000  }
0xe4: {  	[spmem:s2] =	stream.indirect.scatter.add.f32 [tilespmem:s29], [sflag:$0x3], $0x20, s25, s28, $0xb8;
	[tilespmem:$0x1D400] =	vst v63  }
0xe5: {  	_ = 	snop  }
0xe6: {  	[spmem:s2] =	stream.indirect.scatter.add.f32 [tilespmem:s30], [sflag:$0x3], $0x20, s10, s28, $0xb8;
	[tilespmem:$0x1D400] =	vst v63  }
0xe7: {  	_ =	swait.ge [sflag:s9], $0x1000  }
0xe8: {  	[sflag:s9] =	ssyncset.done $0x0  }
0xe9: {  	[sflag:s9] =	ssyncadd.s32 $0xFFFFF000  }
0xea: {  	_ =	swait.ge [sflag:s9], $0x1000  }
0xeb: {  	s19 =	sadd.s32 s17, s14;
	[sflag:s9] =	ssyncset.done $0x0  }
0xec: {  	s22 =	sadd.s32 $0x30E0, s19;
	[sflag:s9] =	ssyncadd.s32 $0xFFFFF000  }
0xed: {  	[tilespmem:s31], [sflag:$0x1] =	stream.linear.gather [hbm4b:s22+s4], $0x100, $0x38;
	[tilespmem:$0x1D400] =	vst v63  }
0xee: {  	s22 =	sadd.s32 s17, s15  }
0xef: {  	s23 =	sadd.s32 $0x30E0, s22  }
0xf0: {  	[tilespmem:s0], [sflag:$0x1] =	stream.linear.gather [hbm4b:s23+s4], $0x100, $0x38;
	[tilespmem:$0x1D400] =	vst v63  }
0xf1: {  	_ =	swait.ge [sflag:s26], $0x100  }
0xf2: {  	[sflag:s26] =	ssyncset.done $0x0  }
0xf3: {  	[sflag:s26] =	ssyncadd.s32 $0xFFFFFF00  }
0xf4: {  	_ =	swait.ge [sflag:s26], $0x100  }
0xf5: {  	[sflag:s26] =	ssyncset.done $0x0  }
0xf6: {  	[sflag:s26] =	ssyncadd.s32 $0xFFFFFF00  }
0xf7: {  	[tilespmem:s11], [sflag:$0x2] =	stream.indirect.gather [hbm4b:s7+s28], $0x20, s31, s28, $0xb8;
	[tilespmem:$0x1D400] =	vst v63  }
0xf8: {  	_ = 	snop  }
0xf9: {  	[tilespmem:s20], [sflag:$0x2] =	stream.indirect.gather [hbm4b:s7+s28], $0x20, s18, s28, $0xb8;
	[tilespmem:$0x1D400] =	vst v63  }
0xfa: {  	_ =	swait.ge [sflag:s3], $0x1000  }
0xfb: {  	[sflag:s3] =	ssyncset.done $0x0  }
0xfc: {  	[sflag:s3] =	ssyncadd.s32 $0xFFFFF000  }
0xfd: {  	_ =	swait.ge [sflag:s3], $0x1000  }
0xfe: {  	[sflag:s3] =	ssyncset.done $0x0  }
0xff: {  	[sflag:s3] =	ssyncadd.s32 $0xFFFFF000  }
0x100: {  	[spmem:s2] =	stream.indirect.scatter.add.f32 [tilespmem:s11], [sflag:$0x4], $0x20, s0, s28, $0xb8;
	[tilespmem:$0x1D400] =	vst v63  }
0x101: {  	_ = 	snop  }
0x102: {  	[spmem:s2] =	stream.indirect.scatter.add.f32 [tilespmem:s20], [sflag:$0x4], $0x20, s1, s28, $0xb8;
	[tilespmem:$0x1D400] =	vst v63  }
0x103: {  	p1 =	seq.s32 s17, $0x0;
	_ =	swait.ge [sflag:s12], $0x1000  }
.Ltmp5:
0x104: {  	[sflag:s12] =	ssyncset.done $0x0;
	(pc) =	sbr.rel @p1 .LBB2_12-.Ltmp5, $4  }
0x105: {  	[sflag:s12] =	ssyncadd.s32 $0xFFFFF000  }
0x106: {  	_ =	swait.ge [sflag:s12], $0x1000  }
0x107: {  	[sflag:s12] =	ssyncset.done $0x0  }
0x108: {  	[sflag:s12] =	ssyncadd.s32 $0xFFFFF000  }
0x109: {  	s19 =	sadd.s32 $0x3100, s19  }
0x10a: {  	[tilespmem:s4], [sflag:$0x1] =	stream.linear.gather [hbm4b:s19+s4], $0x100, $0x38;
	[tilespmem:$0x1D400] =	vst v63  }
0x10b: {  	s23 =	sadd.s32 $0x3100, s22  }
0x10c: {  	[tilespmem:s25], [sflag:$0x1] =	stream.linear.gather [hbm4b:s23+s4], $0x100, $0x38;
	[tilespmem:$0x1D400] =	vst v63  }
0x10d: {  	_ =	swait.ge [sflag:s26], $0x100  }
0x10e: {  	[sflag:s26] =	ssyncset.done $0x0  }
0x10f: {  	[sflag:s26] =	ssyncadd.s32 $0xFFFFFF00  }
0x110: {  	_ =	swait.ge [sflag:s26], $0x100  }
.Ltmp6:
0x111: {  	[sflag:s26] =	ssyncset.done $0x0;
	(pc) =	sbr.rel .LBB2_6-.Ltmp6, $4  }
0x112: {  	[sflag:s26] =	ssyncadd.s32 $0xFFFFFF00  }
0x113: {  	[tilespmem:s29], [sflag:$0x2] =	stream.indirect.gather [hbm4b:s7+s28], $0x20, s4, s28, $0xb8;
	[tilespmem:$0x1D400] =	vst v63  }
0x114: {  	s17 =	sadd.s32 $0x40, s17  }
0x115: {  	[tilespmem:s30], [sflag:$0x2] =	stream.indirect.gather [hbm4b:s7+s28], $0x20, s28, s28, $0xb8;
	[tilespmem:$0x1D400] =	vst v63  }
.LBB2_8:
0x116: {  	_ =	swait.ge [sflag:s9], $0x1000  }
0x117: {  	[sflag:s9] =	ssyncset.done $0x0  }
0x118: {  	[sflag:s9] =	ssyncadd.s32 $0xFFFFF000  }
0x119: {  	_ =	swait.ge [sflag:s9], $0x1000  }
0x11a: {  	[sflag:s9] =	ssyncset.done $0x0  }
0x11b: {  	[sflag:s9] =	ssyncadd.s32 $0xFFFFF000  }
0x11c: {  	[bflag:$0x0] =	sbarrier.arrive $0xFFFF  }
0x11d: {  	s17 =	rddreg [dreg:$0xc]  }
0x11e: {  	s19 =	rddreg [dreg:$0x8]  }
0x11f: {  	s22 =	rddreg [dreg:$0xd];
	s17 =	sshrl.u32 s17, $0x3  }
0x120: {  	[hbm:s22], [sflag:s19] =	dma.local [spmem:s17], $0x30D4  }
0x121: {  	_ =	swait.ge [sflag:s24], $0x30D4  }
0x122: {  	[sflag:s24] =	ssyncset.done $0x0  }
0x123: {  	[sflag:s24] =	ssyncadd.s32 $0xFFFFCF2C  }
0x124: {  	[bflag:$0x0] =	sbarrier.arrive $0xFFFF  }
0x125: {  	[spmem:s16], [sflag:s19] =	dma.local [hbm:s13], $0x3200  }
0x126: {  	_ =	swait.ge [sflag:s24], $0x3200  }
0x127: {  	[sflag:s24] =	ssyncset.done $0x0  }
0x128: {  	[sflag:s24] =	ssyncadd.s32 $0xFFFFCE00  }
0x129: {  	[bflag:$0x0] =	sbarrier.arrive $0xFFFF  }
0x12a: {  	[tilespmem:s4], [sflag:$0x1] =	stream.linear.gather [hbm4b:s14+s4], $0x100, $0x38;
	[tilespmem:$0x1D400] =	vst v63  }
0x12b: {  	_ = 	snop  }
0x12c: {  	[tilespmem:s25], [sflag:$0x1] =	stream.linear.gather [hbm4b:s15+s4], $0x100, $0x38;
	[tilespmem:$0x1D400] =	vst v63  }
0x12d: {  	_ =	swait.ge [sflag:s26], $0x100  }
0x12e: {  	[sflag:s26] =	ssyncset.done $0x0  }
0x12f: {  	[sflag:s26] =	ssyncadd.s32 $0xFFFFFF00  }
0x130: {  	_ =	swait.ge [sflag:s26], $0x100  }
0x131: {  	[sflag:s26] =	ssyncset.done $0x0  }
0x132: {  	[sflag:s26] =	ssyncadd.s32 $0xFFFFFF00  }
0x133: {  	[tilespmem:s29], [sflag:$0x2] =	stream.indirect.gather [hbm4b:s6+s28], $0x20, s4, s28, $0xb8;
	[tilespmem:$0x1D400] =	vst v63  }
0x134: {  	_ = 	snop  }
0x135: {  	[tilespmem:s30], [sflag:$0x2] =	stream.indirect.gather [hbm4b:s6+s28], $0x20, s28, s28, $0xb8;
	[tilespmem:$0x1D400] =	vst v63  }
0x136: {  	s16 =	rddreg [dreg:$0x9]  }
0x137: {  	[tilespmem:s31], [sflag:$0x1] =	stream.linear.gather [hbm4b:s16+s4], $0x100, $0x38;
	[tilespmem:$0x1D400] =	vst v63  }
0x138: {  	s17 =	rddreg [dreg:$0xa]  }
0x139: {  	[tilespmem:s0], [sflag:$0x1] =	stream.linear.gather [hbm4b:s17+s4], $0x100, $0x38;
	[tilespmem:$0x1D400] =	vst v63  }
0x13a: {  	_ =	swait.ge [sflag:s3], $0x1000  }
0x13b: {  	[sflag:s3] =	ssyncset.done $0x0  }
0x13c: {  	[sflag:s3] =	ssyncadd.s32 $0xFFFFF000  }
0x13d: {  	_ =	swait.ge [sflag:s3], $0x1000  }
0x13e: {  	[sflag:s3] =	ssyncset.done $0x0  }
0x13f: {  	[sflag:s3] =	ssyncadd.s32 $0xFFFFF000  }
0x140: {  	[spmem:s2] =	stream.indirect.scatter.add.f32 [tilespmem:s29], [sflag:$0x3], $0x20, s25, s28, $0xb8;
	[tilespmem:$0x1D400] =	vst v63  }
0x141: {  	_ = 	snop  }
0x142: {  	[spmem:s2] =	stream.indirect.scatter.add.f32 [tilespmem:s30], [sflag:$0x3], $0x20, s10, s28, $0xb8;
	[tilespmem:$0x1D400] =	vst v63  }
0x143: {  	_ =	swait.ge [sflag:s26], $0x100  }
0x144: {  	[sflag:s26] =	ssyncset.done $0x0  }
0x145: {  	[sflag:s26] =	ssyncadd.s32 $0xFFFFFF00  }
0x146: {  	_ =	swait.ge [sflag:s26], $0x100  }
0x147: {  	[sflag:s26] =	ssyncset.done $0x0  }
0x148: {  	[sflag:s26] =	ssyncadd.s32 $0xFFFFFF00  }
0x149: {  	[tilespmem:s11], [sflag:$0x2] =	stream.indirect.gather [hbm4b:s6+s28], $0x20, s31, s28, $0xb8;
	[tilespmem:$0x1D400] =	vst v63  }
0x14a: {  	_ = 	snop  }
0x14b: {  	[tilespmem:s20], [sflag:$0x2] =	stream.indirect.gather [hbm4b:s6+s28], $0x20, s18, s28, $0xb8;
	[tilespmem:$0x1D400] =	vst v63  }
0x14c: {  	_ =	swait.ge [sflag:s3], $0x1000  }
0x14d: {  	[sflag:s3] =	ssyncset.done $0x0  }
0x14e: {  	[sflag:s3] =	ssyncadd.s32 $0xFFFFF000  }
0x14f: {  	_ =	swait.ge [sflag:s3], $0x1000  }
0x150: {  	[sflag:s3] =	ssyncset.done $0x0  }
0x151: {  	[sflag:s3] =	ssyncadd.s32 $0xFFFFF000  }
0x152: {  	[spmem:s2] =	stream.indirect.scatter.add.f32 [tilespmem:s11], [sflag:$0x4], $0x20, s0, s28, $0xb8;
	[tilespmem:$0x1D400] =	vst v63  }
0x153: {  	_ = 	snop  }
0x154: {  	[spmem:s2] =	stream.indirect.scatter.add.f32 [tilespmem:s20], [sflag:$0x4], $0x20, s1, s28, $0xb8;
	[tilespmem:$0x1D400] =	vst v63  }
0x155: {  	_ =	swait.ge [sflag:s12], $0x1000  }
0x156: {  	[sflag:s12] =	ssyncset.done $0x0  }
0x157: {  	[sflag:s12] =	ssyncadd.s32 $0xFFFFF000  }
0x158: {  	_ =	swait.ge [sflag:s12], $0x1000  }
0x159: {  	[sflag:s12] =	ssyncset.done $0x0  }
0x15a: {  	s19 =	rddreg [dreg:$0xf];
	[sflag:s12] =	ssyncadd.s32 $0xFFFFF000  }
0x15b: {  	[tilespmem:s4], [sflag:$0x1] =	stream.linear.gather [hbm4b:s19+s4], $0x100, $0x38;
	[tilespmem:$0x1D400] =	vst v63  }
0x15c: {  	s22 =	rddreg [dreg:$0x10]  }
0x15d: {  	[tilespmem:s25], [sflag:$0x1] =	stream.linear.gather [hbm4b:s22+s4], $0x100, $0x38;
	[tilespmem:$0x1D400] =	vst v63  }
0x15e: {  	_ =	swait.ge [sflag:s26], $0x100  }
0x15f: {  	[sflag:s26] =	ssyncset.done $0x0  }
0x160: {  	[sflag:s26] =	ssyncadd.s32 $0xFFFFFF00  }
0x161: {  	_ =	swait.ge [sflag:s26], $0x100  }
0x162: {  	[sflag:s26] =	ssyncset.done $0x0  }
0x163: {  	[sflag:s26] =	ssyncadd.s32 $0xFFFFFF00  }
0x164: {  	[tilespmem:s29], [sflag:$0x2] =	stream.indirect.gather [hbm4b:s6+s28], $0x20, s4, s28, $0xb8;
	[tilespmem:$0x1D400] =	vst v63  }
0x165: {  	s23 =	smov.u32 s13;
	s16 =	simm.s32 $0xFFFFCF80  }
0x166: {  	[tilespmem:s30], [sflag:$0x2] =	stream.indirect.gather [hbm4b:s6+s28], $0x20, s28, s28, $0xb8;
	[tilespmem:$0x1D400] =	vst v63  }
.LBB2_9:
0x167: {  	_ =	swait.ge [sflag:s3], $0x1000  }
0x168: {  	[sflag:s3] =	ssyncset.done $0x0  }
0x169: {  	[sflag:s3] =	ssyncadd.s32 $0xFFFFF000  }
0x16a: {  	_ =	swait.ge [sflag:s3], $0x1000  }
0x16b: {  	[sflag:s3] =	ssyncset.done $0x0  }
0x16c: {  	[sflag:s3] =	ssyncadd.s32 $0xFFFFF000  }
0x16d: {  	[spmem:s2] =	stream.indirect.scatter.add.f32 [tilespmem:s29], [sflag:$0x3], $0x20, s25, s28, $0xb8;
	[tilespmem:$0x1D400] =	vst v63  }
0x16e: {  	_ = 	snop  }
0x16f: {  	[spmem:s2] =	stream.indirect.scatter.add.f32 [tilespmem:s30], [sflag:$0x3], $0x20, s10, s28, $0xb8;
	[tilespmem:$0x1D400] =	vst v63  }
0x170: {  	_ =	swait.ge [sflag:s9], $0x1000  }
0x171: {  	[sflag:s9] =	ssyncset.done $0x0  }
0x172: {  	[sflag:s9] =	ssyncadd.s32 $0xFFFFF000  }
0x173: {  	_ =	swait.ge [sflag:s9], $0x1000  }
0x174: {  	s17 =	sadd.s32 s16, s14;
	[sflag:s9] =	ssyncset.done $0x0  }
0x175: {  	s19 =	sadd.s32 $0x30E0, s17;
	[sflag:s9] =	ssyncadd.s32 $0xFFFFF000  }
0x176: {  	[tilespmem:s31], [sflag:$0x1] =	stream.linear.gather [hbm4b:s19+s4], $0x100, $0x38;
	[tilespmem:$0x1D400] =	vst v63  }
0x177: {  	s19 =	sadd.s32 s16, s15  }
0x178: {  	s22 =	sadd.s32 $0x30E0, s19  }
0x179: {  	[tilespmem:s0], [sflag:$0x1] =	stream.linear.gather [hbm4b:s22+s4], $0x100, $0x38;
	[tilespmem:$0x1D400] =	vst v63  }
0x17a: {  	_ =	swait.ge [sflag:s26], $0x100  }
0x17b: {  	[sflag:s26] =	ssyncset.done $0x0  }
0x17c: {  	[sflag:s26] =	ssyncadd.s32 $0xFFFFFF00  }
0x17d: {  	_ =	swait.ge [sflag:s26], $0x100  }
0x17e: {  	[sflag:s26] =	ssyncset.done $0x0  }
0x17f: {  	[sflag:s26] =	ssyncadd.s32 $0xFFFFFF00  }
0x180: {  	[tilespmem:s11], [sflag:$0x2] =	stream.indirect.gather [hbm4b:s6+s28], $0x20, s31, s28, $0xb8;
	[tilespmem:$0x1D400] =	vst v63  }
0x181: {  	_ = 	snop  }
0x182: {  	[tilespmem:s20], [sflag:$0x2] =	stream.indirect.gather [hbm4b:s6+s28], $0x20, s18, s28, $0xb8;
	[tilespmem:$0x1D400] =	vst v63  }
0x183: {  	_ =	swait.ge [sflag:s3], $0x1000  }
0x184: {  	[sflag:s3] =	ssyncset.done $0x0  }
0x185: {  	[sflag:s3] =	ssyncadd.s32 $0xFFFFF000  }
0x186: {  	_ =	swait.ge [sflag:s3], $0x1000  }
0x187: {  	[sflag:s3] =	ssyncset.done $0x0  }
0x188: {  	[sflag:s3] =	ssyncadd.s32 $0xFFFFF000  }
0x189: {  	[spmem:s2] =	stream.indirect.scatter.add.f32 [tilespmem:s11], [sflag:$0x4], $0x20, s0, s28, $0xb8;
	[tilespmem:$0x1D400] =	vst v63  }
0x18a: {  	_ = 	snop  }
0x18b: {  	[spmem:s2] =	stream.indirect.scatter.add.f32 [tilespmem:s20], [sflag:$0x4], $0x20, s1, s28, $0xb8;
	[tilespmem:$0x1D400] =	vst v63  }
0x18c: {  	p1 =	seq.s32 s16, $0x0;
	_ =	swait.ge [sflag:s12], $0x1000  }
.Ltmp7:
0x18d: {  	[sflag:s12] =	ssyncset.done $0x0;
	(pc) =	sbr.rel @p1 .LBB2_10-.Ltmp7, $4  }
0x18e: {  	[sflag:s12] =	ssyncadd.s32 $0xFFFFF000  }
0x18f: {  	_ =	swait.ge [sflag:s12], $0x1000  }
0x190: {  	[sflag:s12] =	ssyncset.done $0x0  }
0x191: {  	[sflag:s12] =	ssyncadd.s32 $0xFFFFF000  }
0x192: {  	s17 =	sadd.s32 $0x3100, s17  }
0x193: {  	[tilespmem:s4], [sflag:$0x1] =	stream.linear.gather [hbm4b:s17+s4], $0x100, $0x38;
	[tilespmem:$0x1D400] =	vst v63  }
0x194: {  	s22 =	sadd.s32 $0x3100, s19  }
0x195: {  	[tilespmem:s25], [sflag:$0x1] =	stream.linear.gather [hbm4b:s22+s4], $0x100, $0x38;
	[tilespmem:$0x1D400] =	vst v63  }
0x196: {  	_ =	swait.ge [sflag:s26], $0x100  }
0x197: {  	[sflag:s26] =	ssyncset.done $0x0  }
0x198: {  	[sflag:s26] =	ssyncadd.s32 $0xFFFFFF00  }
0x199: {  	_ =	swait.ge [sflag:s26], $0x100  }
.Ltmp8:
0x19a: {  	[sflag:s26] =	ssyncset.done $0x0;
	(pc) =	sbr.rel .LBB2_9-.Ltmp8, $4  }
0x19b: {  	[sflag:s26] =	ssyncadd.s32 $0xFFFFFF00  }
0x19c: {  	[tilespmem:s29], [sflag:$0x2] =	stream.indirect.gather [hbm4b:s6+s28], $0x20, s4, s28, $0xb8;
	[tilespmem:$0x1D400] =	vst v63  }
0x19d: {  	s16 =	sadd.s32 $0x40, s16  }
0x19e: {  	[tilespmem:s30], [sflag:$0x2] =	stream.indirect.gather [hbm4b:s6+s28], $0x20, s28, s28, $0xb8;
	[tilespmem:$0x1D400] =	vst v63  }
.LBB2_12:
0x19f: {  	_ =	swait.ge [sflag:s9], $0x1000  }
0x1a0: {  	[sflag:s9] =	ssyncset.done $0x0  }
0x1a1: {  	[sflag:s9] =	ssyncadd.s32 $0xFFFFF000  }
0x1a2: {  	_ =	swait.ge [sflag:s9], $0x1000  }
0x1a3: {  	[sflag:s9] =	ssyncset.done $0x0  }
0x1a4: {  	[sflag:s9] =	ssyncadd.s32 $0xFFFFF000  }
0x1a5: {  	[bflag:$0x0] =	sbarrier.arrive $0xFFFF  }
0x1a6: {  	s17 =	rddreg [dreg:$0xc]  }
0x1a7: {  	s19 =	rddreg [dreg:$0x8]  }
0x1a8: {  	s22 =	rddreg [dreg:$0xb];
	s17 =	sshrl.u32 s17, $0x3  }
0x1a9: {  	[hbm:s22], [sflag:s19] =	dma.local [spmem:s17], $0x30D4  }
0x1aa: {  	_ =	swait.ge [sflag:s24], $0x30D4  }
0x1ab: {  	[sflag:s24] =	ssyncset.done $0x0  }
0x1ac: {  	[sflag:s24] =	ssyncadd.s32 $0xFFFFCF2C  }
0x1ad: {  	[bflag:$0x0] =	sbarrier.arrive $0xFFFF  }
0x1ae: {  	[spmem:s16], [sflag:s19] =	dma.local [hbm:s13], $0x3200  }
0x1af: {  	_ =	swait.ge [sflag:s24], $0x3200  }
0x1b0: {  	[sflag:s24] =	ssyncset.done $0x0  }
0x1b1: {  	[sflag:s24] =	ssyncadd.s32 $0xFFFFCE00  }
0x1b2: {  	[bflag:$0x0] =	sbarrier.arrive $0xFFFF  }
0x1b3: {  	[tilespmem:s4], [sflag:$0x1] =	stream.linear.gather [hbm4b:s14+s4], $0x100, $0x38;
	[tilespmem:$0x1D400] =	vst v63  }
0x1b4: {  	_ = 	snop  }
0x1b5: {  	[tilespmem:s25], [sflag:$0x1] =	stream.linear.gather [hbm4b:s15+s4], $0x100, $0x38;
	[tilespmem:$0x1D400] =	vst v63  }
0x1b6: {  	_ =	swait.ge [sflag:s26], $0x100  }
0x1b7: {  	[sflag:s26] =	ssyncset.done $0x0  }
0x1b8: {  	[sflag:s26] =	ssyncadd.s32 $0xFFFFFF00  }
0x1b9: {  	_ =	swait.ge [sflag:s26], $0x100  }
0x1ba: {  	[sflag:s26] =	ssyncset.done $0x0  }
0x1bb: {  	[sflag:s26] =	ssyncadd.s32 $0xFFFFFF00  }
0x1bc: {  	[tilespmem:s29], [sflag:$0x2] =	stream.indirect.gather [hbm4b:s8+s28], $0x20, s4, s28, $0xb8;
	[tilespmem:$0x1D400] =	vst v63  }
0x1bd: {  	_ = 	snop  }
0x1be: {  	[tilespmem:s30], [sflag:$0x2] =	stream.indirect.gather [hbm4b:s8+s28], $0x20, s28, s28, $0xb8;
	[tilespmem:$0x1D400] =	vst v63  }
0x1bf: {  	s16 =	rddreg [dreg:$0x9]  }
0x1c0: {  	[tilespmem:s31], [sflag:$0x1] =	stream.linear.gather [hbm4b:s16+s4], $0x100, $0x38;
	[tilespmem:$0x1D400] =	vst v63  }
0x1c1: {  	s17 =	rddreg [dreg:$0xa]  }
0x1c2: {  	[tilespmem:s0], [sflag:$0x1] =	stream.linear.gather [hbm4b:s17+s4], $0x100, $0x38;
	[tilespmem:$0x1D400] =	vst v63  }
0x1c3: {  	_ =	swait.ge [sflag:s3], $0x1000  }
0x1c4: {  	[sflag:s3] =	ssyncset.done $0x0  }
0x1c5: {  	[sflag:s3] =	ssyncadd.s32 $0xFFFFF000  }
0x1c6: {  	_ =	swait.ge [sflag:s3], $0x1000  }
0x1c7: {  	[sflag:s3] =	ssyncset.done $0x0  }
0x1c8: {  	[sflag:s3] =	ssyncadd.s32 $0xFFFFF000  }
0x1c9: {  	[spmem:s2] =	stream.indirect.scatter.add.f32 [tilespmem:s29], [sflag:$0x3], $0x20, s25, s28, $0xb8;
	[tilespmem:$0x1D400] =	vst v63  }
0x1ca: {  	_ = 	snop  }
0x1cb: {  	[spmem:s2] =	stream.indirect.scatter.add.f32 [tilespmem:s30], [sflag:$0x3], $0x20, s10, s28, $0xb8;
	[tilespmem:$0x1D400] =	vst v63  }
0x1cc: {  	_ =	swait.ge [sflag:s26], $0x100  }
0x1cd: {  	[sflag:s26] =	ssyncset.done $0x0  }
0x1ce: {  	[sflag:s26] =	ssyncadd.s32 $0xFFFFFF00  }
0x1cf: {  	_ =	swait.ge [sflag:s26], $0x100  }
0x1d0: {  	[sflag:s26] =	ssyncset.done $0x0  }
0x1d1: {  	[sflag:s26] =	ssyncadd.s32 $0xFFFFFF00  }
0x1d2: {  	[tilespmem:s11], [sflag:$0x2] =	stream.indirect.gather [hbm4b:s8+s28], $0x20, s31, s28, $0xb8;
	[tilespmem:$0x1D400] =	vst v63  }
0x1d3: {  	_ = 	snop  }
0x1d4: {  	[tilespmem:s20], [sflag:$0x2] =	stream.indirect.gather [hbm4b:s8+s28], $0x20, s18, s28, $0xb8;
	[tilespmem:$0x1D400] =	vst v63  }
0x1d5: {  	_ =	swait.ge [sflag:s3], $0x1000  }
0x1d6: {  	[sflag:s3] =	ssyncset.done $0x0  }
0x1d7: {  	[sflag:s3] =	ssyncadd.s32 $0xFFFFF000  }
0x1d8: {  	_ =	swait.ge [sflag:s3], $0x1000  }
0x1d9: {  	[sflag:s3] =	ssyncset.done $0x0  }
0x1da: {  	[sflag:s3] =	ssyncadd.s32 $0xFFFFF000  }
0x1db: {  	[spmem:s2] =	stream.indirect.scatter.add.f32 [tilespmem:s11], [sflag:$0x4], $0x20, s0, s28, $0xb8;
	[tilespmem:$0x1D400] =	vst v63  }
0x1dc: {  	_ = 	snop  }
0x1dd: {  	[spmem:s2] =	stream.indirect.scatter.add.f32 [tilespmem:s20], [sflag:$0x4], $0x20, s1, s28, $0xb8;
	[tilespmem:$0x1D400] =	vst v63  }
0x1de: {  	_ =	swait.ge [sflag:s12], $0x1000  }
0x1df: {  	[sflag:s12] =	ssyncset.done $0x0  }
0x1e0: {  	[sflag:s12] =	ssyncadd.s32 $0xFFFFF000  }
0x1e1: {  	_ =	swait.ge [sflag:s12], $0x1000  }
0x1e2: {  	[sflag:s12] =	ssyncset.done $0x0  }
0x1e3: {  	s19 =	rddreg [dreg:$0xf];
	[sflag:s12] =	ssyncadd.s32 $0xFFFFF000  }
0x1e4: {  	[tilespmem:s4], [sflag:$0x1] =	stream.linear.gather [hbm4b:s19+s4], $0x100, $0x38;
	[tilespmem:$0x1D400] =	vst v63  }
0x1e5: {  	s22 =	rddreg [dreg:$0x10]  }
0x1e6: {  	[tilespmem:s25], [sflag:$0x1] =	stream.linear.gather [hbm4b:s22+s4], $0x100, $0x38;
	[tilespmem:$0x1D400] =	vst v63  }
0x1e7: {  	_ =	swait.ge [sflag:s26], $0x100  }
0x1e8: {  	[sflag:s26] =	ssyncset.done $0x0  }
0x1e9: {  	[sflag:s26] =	ssyncadd.s32 $0xFFFFFF00  }
0x1ea: {  	_ =	swait.ge [sflag:s26], $0x100  }
0x1eb: {  	[sflag:s26] =	ssyncset.done $0x0  }
0x1ec: {  	[sflag:s26] =	ssyncadd.s32 $0xFFFFFF00  }
0x1ed: {  	[tilespmem:s29], [sflag:$0x2] =	stream.indirect.gather [hbm4b:s8+s28], $0x20, s4, s28, $0xb8;
	[tilespmem:$0x1D400] =	vst v63  }
0x1ee: {  	s23 =	smov.u32 s13;
	s16 =	simm.s32 $0xFFFFCF80  }
0x1ef: {  	[tilespmem:s30], [sflag:$0x2] =	stream.indirect.gather [hbm4b:s8+s28], $0x20, s28, s28, $0xb8;
	[tilespmem:$0x1D400] =	vst v63  }
.LBB2_13:
0x1f0: {  	_ =	swait.ge [sflag:s3], $0x1000  }
0x1f1: {  	[sflag:s3] =	ssyncset.done $0x0  }
0x1f2: {  	[sflag:s3] =	ssyncadd.s32 $0xFFFFF000  }
0x1f3: {  	_ =	swait.ge [sflag:s3], $0x1000  }
0x1f4: {  	[sflag:s3] =	ssyncset.done $0x0  }
0x1f5: {  	[sflag:s3] =	ssyncadd.s32 $0xFFFFF000  }
0x1f6: {  	[spmem:s2] =	stream.indirect.scatter.add.f32 [tilespmem:s29], [sflag:$0x3], $0x20, s25, s28, $0xb8;
	[tilespmem:$0x1D400] =	vst v63  }
0x1f7: {  	_ = 	snop  }
0x1f8: {  	[spmem:s2] =	stream.indirect.scatter.add.f32 [tilespmem:s30], [sflag:$0x3], $0x20, s10, s28, $0xb8;
	[tilespmem:$0x1D400] =	vst v63  }
0x1f9: {  	_ =	swait.ge [sflag:s9], $0x1000  }
0x1fa: {  	[sflag:s9] =	ssyncset.done $0x0  }
0x1fb: {  	[sflag:s9] =	ssyncadd.s32 $0xFFFFF000  }
0x1fc: {  	_ =	swait.ge [sflag:s9], $0x1000  }
0x1fd: {  	s17 =	sadd.s32 s16, s14;
	[sflag:s9] =	ssyncset.done $0x0  }
0x1fe: {  	s19 =	sadd.s32 $0x30E0, s17;
	[sflag:s9] =	ssyncadd.s32 $0xFFFFF000  }
0x1ff: {  	[tilespmem:s31], [sflag:$0x1] =	stream.linear.gather [hbm4b:s19+s4], $0x100, $0x38;
	[tilespmem:$0x1D400] =	vst v63  }
0x200: {  	s19 =	sadd.s32 s16, s15  }
0x201: {  	s22 =	sadd.s32 $0x30E0, s19  }
0x202: {  	[tilespmem:s0], [sflag:$0x1] =	stream.linear.gather [hbm4b:s22+s4], $0x100, $0x38;
	[tilespmem:$0x1D400] =	vst v63  }
0x203: {  	_ =	swait.ge [sflag:s26], $0x100  }
0x204: {  	[sflag:s26] =	ssyncset.done $0x0  }
0x205: {  	[sflag:s26] =	ssyncadd.s32 $0xFFFFFF00  }
0x206: {  	_ =	swait.ge [sflag:s26], $0x100  }
0x207: {  	[sflag:s26] =	ssyncset.done $0x0  }
0x208: {  	[sflag:s26] =	ssyncadd.s32 $0xFFFFFF00  }
0x209: {  	[tilespmem:s11], [sflag:$0x2] =	stream.indirect.gather [hbm4b:s8+s28], $0x20, s31, s28, $0xb8;
	[tilespmem:$0x1D400] =	vst v63  }
0x20a: {  	_ = 	snop  }
0x20b: {  	[tilespmem:s20], [sflag:$0x2] =	stream.indirect.gather [hbm4b:s8+s28], $0x20, s18, s28, $0xb8;
	[tilespmem:$0x1D400] =	vst v63  }
0x20c: {  	_ =	swait.ge [sflag:s3], $0x1000  }
0x20d: {  	[sflag:s3] =	ssyncset.done $0x0  }
0x20e: {  	[sflag:s3] =	ssyncadd.s32 $0xFFFFF000  }
0x20f: {  	_ =	swait.ge [sflag:s3], $0x1000  }
0x210: {  	[sflag:s3] =	ssyncset.done $0x0  }
0x211: {  	[sflag:s3] =	ssyncadd.s32 $0xFFFFF000  }
0x212: {  	[spmem:s2] =	stream.indirect.scatter.add.f32 [tilespmem:s11], [sflag:$0x4], $0x20, s0, s28, $0xb8;
	[tilespmem:$0x1D400] =	vst v63  }
0x213: {  	_ = 	snop  }
0x214: {  	[spmem:s2] =	stream.indirect.scatter.add.f32 [tilespmem:s20], [sflag:$0x4], $0x20, s1, s28, $0xb8;
	[tilespmem:$0x1D400] =	vst v63  }
0x215: {  	p1 =	seq.s32 s16, $0x0;
	_ =	swait.ge [sflag:s12], $0x1000  }
.Ltmp9:
0x216: {  	[sflag:s12] =	ssyncset.done $0x0;
	(pc) =	sbr.rel @p1 .LBB2_14-.Ltmp9, $4  }
0x217: {  	[sflag:s12] =	ssyncadd.s32 $0xFFFFF000  }
0x218: {  	_ =	swait.ge [sflag:s12], $0x1000  }
0x219: {  	[sflag:s12] =	ssyncset.done $0x0  }
0x21a: {  	[sflag:s12] =	ssyncadd.s32 $0xFFFFF000  }
0x21b: {  	s17 =	sadd.s32 $0x3100, s17  }
0x21c: {  	[tilespmem:s4], [sflag:$0x1] =	stream.linear.gather [hbm4b:s17+s4], $0x100, $0x38;
	[tilespmem:$0x1D400] =	vst v63  }
0x21d: {  	s22 =	sadd.s32 $0x3100, s19  }
0x21e: {  	[tilespmem:s25], [sflag:$0x1] =	stream.linear.gather [hbm4b:s22+s4], $0x100, $0x38;
	[tilespmem:$0x1D400] =	vst v63  }
0x21f: {  	_ =	swait.ge [sflag:s26], $0x100  }
0x220: {  	[sflag:s26] =	ssyncset.done $0x0  }
0x221: {  	[sflag:s26] =	ssyncadd.s32 $0xFFFFFF00  }
0x222: {  	_ =	swait.ge [sflag:s26], $0x100  }
.Ltmp10:
0x223: {  	[sflag:s26] =	ssyncset.done $0x0;
	(pc) =	sbr.rel .LBB2_13-.Ltmp10, $4  }
0x224: {  	[sflag:s26] =	ssyncadd.s32 $0xFFFFFF00  }
0x225: {  	[tilespmem:s29], [sflag:$0x2] =	stream.indirect.gather [hbm4b:s8+s28], $0x20, s4, s28, $0xb8;
	[tilespmem:$0x1D400] =	vst v63  }
0x226: {  	s16 =	sadd.s32 $0x40, s16  }
0x227: {  	[tilespmem:s30], [sflag:$0x2] =	stream.indirect.gather [hbm4b:s8+s28], $0x20, s28, s28, $0xb8;
	[tilespmem:$0x1D400] =	vst v63  }
.LBB2_10:
.Ltmp11:
0x228: {  	(pc) =	sbr.rel .LBB2_15-.Ltmp11, $2  }
0x229: {  	_ =	sdelay $0x2  }
0x22a: {  	s16 =	rddreg [dreg:$0x5]  }
.LBB2_16:
0x22b: {  	_ =	sfence.sel $0x180000  }
0x22c: {  	[bflag:$0x0] =	sbarrier.arrive $0xFFFF  }
0x22d: {  	_ =	strace $0x9000004A  }
0x22e: {  	s0 =	stileid.u32;
	[bflag:$0x2] =	sbarrier.arrive $0xFFFF  }
0x22f: {  	p0 =	sne.s32 s0, $0x0;
	s0 =	rddreg [dreg:$0x3]  }
0x230: {  	s0 =	sadd.s32 @!p0 $0x100000, s0  }
0x231: {  	[sflag:s0] =	ssyncadd.tile.s32 @!p0 $0x1;
	_ =	shalt  }
.Lfunc_end2:
_tile_overlayer_lowered:
.L_overlay_start_2:
0x232: {  	(tag) =	ssettag $0x2  }
0x233: {  	s0 =	rddreg [dreg:$0x0];
	s2 =	stileid.u32  }
0x234: {  	s1 =	rddreg [dreg:$0x1];
	p0 =	sne.s32 s2, $0x0  }
0x235: {  	s3 =	rddreg [dreg:$0x2];
	[bflag:$0x3] =	sbarrier.arrive $0xFFFF;
	s2 =	simm.s32 @!p0 $0x1C05  }
0x236: {  	[timem:s3], [sflag:s2] =	dma.local @!p0 [hbm:s0], s1  }
0x237: {  	s0 =	simm.s32 @!p0 $0x5  }
0x238: {  	_ =	swait.ge @!p0 [sflag:s0], s1  }
0x239: {  	s1 =	ssub.s32 @!p0 $0x0, s1;
	[sflag:s0] =	ssyncset.done @!p0 $0x0  }
0x23a: {  	[sflag:s0] =	ssyncadd.s32 @!p0 s1  }
0x23b: {  	[bflag:$0x3] =	sbarrier.arrive $0xFFFF  }
0x23c: {  	_ =	shalt  }

// kernel: sc_agg2.3.cloned.1.call-start
scs
__scs_entry_jumppad:
0x0: {  	(pc) =	sbr.rel $0x88, $3  }
0x1: {  	(tag) =	ssettag $0x0;
	lr =	simm.s32 $0x1  }
0x2: {  	[smem:$0x3F9B] =	sst lr;
	_ =	strace $0xD0000000  }
0x3: {  	_ = 	snop  }
0x4: {  	_ = 	snop  }
0x5: {  	_ = 	snop  }
0x6: {  	_ = 	snop  }
0x7: {  	_ = 	snop  }
__scs_overlays_trampoline_lowered:
0x8: {  	[smem:$0x3FAA] =	sst s0  }
0x9: {  	[smem:$0x3FAB] =	sst s1  }
0xa: {  	[smem:$0x3FAC] =	sst s2  }
0xb: {  	[smem:$0x3FAD] =	sst s3  }
0xc: {  	[smem:$0x3FAE] =	sst s4  }
0xd: {  	[smem:$0x3FAF] =	sst s5  }
0xe: {  	[smem:$0x3FB0] =	sst s6  }
0xf: {  	[smem:$0x3FB1] =	sst s7  }
0x10: {  	[smem:$0x3FB2] =	sst s8  }
0x11: {  	[smem:$0x3FB3] =	sst s9;
	s0 =	simm.s32 @!p0 $0x0  }
0x12: {  	s1 =	sld [smem:$0x3F99];
	s0 =	simm.s32 @p0 $0x1  }
0x13: {  	[smem:$0x3FB4] =	sst s0;
	s0 =	simm.s32 @!p1 $0x0  }
0x14: {  	s2 =	sld [smem:$0x3F98];
	s0 =	simm.s32 @p1 $0x1  }
0x15: {  	[smem:$0x3FB5] =	sst s0;
	s0 =	simm.s32 @!p2 $0x0  }
0x16: {  	s3 =	sld [smem:$0x3FDB];
	s0 =	simm.s32 @p2 $0x1  }
0x17: {  	s4 =	simm.s32 $0x1BF5;
	[smem:$0x3FB7] =	sst s0  }
0x18: {  	s0 =	sld [smem:$0x3F9A];
	_ =	swait.ge [sflag:s4], $0x0  }
0x19: {  	s7 =	sld [smem:$0x3F9B]  }
0x1a: {  	s8 =	sadd.s32 $0xFFFFE003, lr  }
0x1b: {  	s9 =	sadd.s32 $0xFFFFFEF7, lr;
	s5 =	simm.s32 $0xFFFFFFFF;
	p2 =	slt.u32 s8, $0xFFFFF086  }
0x1c: {  	p1 =	slt.u32 s9, $0xF7A;
	s5 =	simm.s32 @!p2 $0x0  }
0x1d: {  	s5 =	simm.s32 @p1 $0x1;
	p0 =	seq.s32 s7, s2  }
0x1e: {  	s7 =	smul.u32 @!p0 $0xF7A, s2;
	p2 =	seq.s32 @!p0 s5, $0x0  }
0x1f: {  	s9 =	smul.u32 $0xF7A, s1;
	s8 =	simm.s32 @!p0 $0x1BF5;
	p2 =	por !p2, p0  }
0x20: {  	[sflag:s8] =	ssyncset.s32 @!p0 $0xFFFFF086;
	s6 =	sadd.s32 @!p0 s3, s7;
	s7 =	simm.s32 @!p0 $0x108  }
0x21: {  	s3 =	sadd.s32 s3, s9;
	s6 =	sadd.s32 @!p0 $0x88, s6;
	s7 =	simm.s32 @p2 $0x1082  }
0x22: {  	[simem:s7], [sflag:s8] =	dma.local @!p0 [hbm:s6], $0xF7A  }
0x23: {  	s9 =	sor.u32 $0xD0000000, s2;
	s6 =	simm.s32 $0x108;
	_ =	swait.ge @!p0 [sflag:s8], $0x0  }
0x24: {  	s3 =	sadd.s32 $0x88, s3;
	s6 =	simm.s32 @!p1 $0x1082;
	[sflag:s4] =	ssyncset.s32 $0xFFFFF086  }
0x25: {  	[simem:s6], [sflag:s4] =	dma.local [hbm:s3], $0xF7A  }
0x26: {  	[smem:$0x3F9B] =	sst s1;
	(tag) =	ssettag s2;
	_ =	strace s9  }
0x27: {  	s1 =	sld [smem:$0x3FAB]  }
0x28: {  	s2 =	sld [smem:$0x3FAC]  }
0x29: {  	s4 =	sld [smem:$0x3FAE]  }
0x2a: {  	p0 =	seq.s32 s5, $0x0;
	s5 =	sld [smem:$0x3FAF]  }
0x2b: {  	s6 =	sld [smem:$0x3FB0]  }
0x2c: {  	s7 =	sld [smem:$0x3FB1]  }
0x2d: {  	s3 =	simm.s32 $0x108;
	s8 =	sld [smem:$0x3FB2]  }
0x2e: {  	s3 =	simm.s32 @!p0 $0x1082;
	s9 =	sld [smem:$0x3FB3]  }
0x2f: {  	lr =	sadd.s32 s0, s3;
	s0 =	sld [smem:$0x3FAA]  }
0x30: {  	s3 =	sld [smem:$0x3FAD]  }
0x31: {  	[smem:$0x3FB6] =	sst s10  }
0x32: {  	s10 =	sld [smem:$0x3FB4];
	_ =	sdelay $0x3  }
0x33: {  	p0 =	seq.s32 s10, $0x1;
	s10 =	sld [smem:$0x3FB6];
	_ =	sdelay $0x3  }
0x34: {  	[smem:$0x3FB6] =	sst s10  }
0x35: {  	s10 =	sld [smem:$0x3FB5];
	_ =	sdelay $0x3  }
0x36: {  	p1 =	seq.s32 s10, $0x1;
	s10 =	sld [smem:$0x3FB6];
	_ =	sdelay $0x3  }
0x37: {  	[smem:$0x3FB6] =	sst s10  }
0x38: {  	s10 =	sld [smem:$0x3FB7]  }
0x39: {  	_ = 	snop;
	(pc) =	sbr.ind lr, $3  }
0x3a: {  	_ = 	snop  }
0x3b: {  	_ = 	snop  }
0x3c: {  	p2 =	seq.s32 s10, $0x1;
	s10 =	sld [smem:$0x3FB6]  }
0x3d: {  	_ =	shalt  }
0x3e: {  	_ =	shalt  }
0x3f: {  	_ =	shalt  }
0x40: {  	_ =	shalt  }
0x41: {  	_ =	shalt  }
0x42: {  	_ =	shalt  }
0x43: {  	_ =	shalt  }
0x44: {  	_ =	shalt  }
0x45: {  	_ =	shalt  }
0x46: {  	_ =	shalt  }
0x47: {  	_ =	shalt  }
0x48: {  	_ =	shalt  }
0x49: {  	_ =	shalt  }
0x4a: {  	_ =	shalt  }
0x4b: {  	_ =	shalt  }
0x4c: {  	_ =	shalt  }
0x4d: {  	_ =	shalt  }
0x4e: {  	_ =	shalt  }
0x4f: {  	_ =	shalt  }
0x50: {  	_ =	shalt  }
0x51: {  	_ =	shalt  }
0x52: {  	_ =	shalt  }
0x53: {  	_ =	shalt  }
0x54: {  	_ =	shalt  }
0x55: {  	_ =	shalt  }
0x56: {  	_ =	shalt  }
0x57: {  	_ =	shalt  }
0x58: {  	_ =	shalt  }
0x59: {  	_ =	shalt  }
0x5a: {  	_ =	shalt  }
0x5b: {  	_ =	shalt  }
0x5c: {  	_ =	shalt  }
0x5d: {  	_ =	shalt  }
0x5e: {  	_ =	shalt  }
0x5f: {  	_ =	shalt  }
0x60: {  	_ =	shalt  }
0x61: {  	_ =	shalt  }
0x62: {  	_ =	shalt  }
0x63: {  	_ =	shalt  }
0x64: {  	_ =	shalt  }
0x65: {  	_ =	shalt  }
0x66: {  	_ =	shalt  }
0x67: {  	_ =	shalt  }
0x68: {  	_ =	shalt  }
0x69: {  	_ =	shalt  }
0x6a: {  	_ =	shalt  }
0x6b: {  	_ =	shalt  }
0x6c: {  	_ =	shalt  }
0x6d: {  	_ =	shalt  }
0x6e: {  	_ =	shalt  }
0x6f: {  	_ =	shalt  }
0x70: {  	_ =	shalt  }
0x71: {  	_ =	shalt  }
0x72: {  	_ =	shalt  }
0x73: {  	_ =	shalt  }
0x74: {  	_ =	shalt  }
0x75: {  	_ =	shalt  }
0x76: {  	_ =	shalt  }
0x77: {  	_ =	shalt  }
0x78: {  	_ =	shalt  }
0x79: {  	_ =	shalt  }
0x7a: {  	_ =	shalt  }
0x7b: {  	_ =	shalt  }
0x7c: {  	_ =	shalt  }
0x7d: {  	_ =	shalt  }
0x7e: {  	_ =	shalt  }
0x7f: {  	_ =	shalt  }
0x80: {  	_ =	shalt  }
0x81: {  	_ =	shalt  }
0x82: {  	_ =	shalt  }
0x83: {  	_ =	shalt  }
0x84: {  	_ =	shalt  }
0x85: {  	_ =	shalt  }
0x86: {  	_ =	shalt  }
0x87: {  	_ =	shalt  }
.Lfunc_end0:
.L_simem_size_0:
called_computation.2_lowered:
.L_overlay_start_0:
0x88: {  	s2 =	sld [smem:$0x3FD9]  }
0x89: {  	s3 =	sld [smem:$0x3FFE];
	_ =	sdelay $0x1  }
0x8a: {  	s1 =	srdreg.scid  }
0x8b: {  	s0 =	sand.u32 $0x1, s1  }
0x8c: {  	s17 =	sshll.u32 s0, $0xA;
	s2 =	sadd.s32 s3, s2  }
0x8d: {  	s2 =	sadd.s32 s2, s17  }
0x8e: {  	[smem:$0x3FC2] =	sst s2  }
0x8f: {  	_ = 	snop  }
0x90: {  	s2 =	sld [smem:$0x3FD0];
	(tm) =	ssettm $0x1  }
0x91: {  	s18 =	sld [smem:$0x3FFB];
	_ =	sdelay $0x3  }
0x92: {  	_ =	strace s18  }
0x93: {  	s3 =	sld [smem:$0x3FFC];
	_ =	sdelay $0x3  }
0x94: {  	_ =	strace s3  }
0x95: {  	s3 =	sld [smem:$0x3FFD];
	_ =	sdelay $0x3  }
0x96: {  	_ =	strace s3  }
0x97: {  	_ =	strace $0x8FFFFFFF  }
0x98: {  	s19 =	sld [smem:$0x3FDB];
	_ =	sdelay $0x1  }
0x99: {  	s4 =	simm.s32 $_scs_section_size  }
0x9a: {  	s5 =	simm.s32 $_size__tile_overlayer_lowered;
	s6 =	simm.s32 $_tile_overlayer_lowered  }
0x9b: {  	s22 =	simm.s32 $0x1BFF;
	s21 =	sshll.u32 s6, $0x1;
	s3 =	sadd.s32 s4, s19  }
0x9c: {  	s7 =	simm.s32 $0x0;
	s20 =	sshll.u32 s5, $0x1;
	s5 =	sadd.s32 s21, s3  }
0x9d: {  	[timem:s7], [sflag:s22] =	dma.local [hbm:s5], s20  }
0x9e: {  	_ =	swait.ge [sflag:s22], s20  }
0x9f: {  	s4 =	ssub.s32 $0x0, s20;
	[sflag:s22] =	ssyncset.done $0x0  }
0xa0: {  	[sflag:s22] =	ssyncadd.s32 s4;
	_ =	sdelay $0x1  }
0xa1: {  	s23 =	simm.s32 $0x1B8B  }
0xa2: {  	_ =	swait.ge [sflag:s23], $0x1  }
0xa3: {  	[sflag:s23] =	ssyncset.done $0x0  }
0xa4: {  	s25 =	simm.s32 $0x1B8E;
	s24 =	sld [smem:$0x3FFE];
	[sflag:s23] =	ssyncadd.s32 $0xFFFFFFFF  }
0xa5: {  	s26 =	simm.s32 $execute0_lowered;
	[smem:$0x3FD2] =	sst s25  }
0xa6: {  	s5 =	sshll.u32 s26, $0x1;
	_ =	strace $0x8000004C;
	[dreg:$0x1] =	wrdreg $0xFFFFFFFF  }
0xa7: {  	s28 =	simm.s32 $_size_execute0_lowered;
	s3 =	sadd.s32 s3, s5;
	[dreg:$0x0] =	wrdreg $0x0  }
0xa8: {  	s5 =	sshll.u32 s28, $0x1;
	[dreg:$0x2] =	wrdreg s3  }
0xa9: {  	[dreg:$0x3] =	wrdreg s5  }
0xaa: {  	[dreg:$0x4] =	wrdreg $0xC0  }
0xab: {  	_ =	task [dreg:s7], $0x5FFFF  }
0xac: {  	[dreg:$0x1] =	wrdreg $0xFFFFFFFF  }
0xad: {  	[dreg:$0x0] =	wrdreg $0x60  }
0xae: {  	[dreg:$0x2] =	wrdreg s2  }
0xaf: {  	[dreg:$0x3] =	wrdreg s24  }
0xb0: {  	[dreg:$0x4] =	wrdreg $0x28000  }
0xb1: {  	[dreg:$0x5] =	wrdreg $0x9  }
0xb2: {  	_ =	task.clear_ibuf [dreg:s7], $0x6FFFF;
	_ =	strace $0x9000004C  }
0xb3: {  	s29 =	simm.s32 $0x9;
	_ =	strace $0x8000004E  }
0xb4: {  	_ =	swait.ge [sflag:s29], $0x1  }
0xb5: {  	[sflag:s29] =	ssyncadd.s32 $0xFFFFFFFF  }
0xb6: {  	_ =	strace $0x9000004E  }
0xb7: {  	_ =	sfence  }
0xb8: {  	s30 =	sld [smem:$0x0];
	_ =	sdelay $0x2  }
0xb9: {  	s31 =	sshll.u32 s1, $0xD;
	s1 =	sshrl.u32 s1, $0x2  }
0xba: {  	s3 =	sand.u32 $0x4000, s31;
	s1 =	sadd.s32 s1, s30  }
0xbb: {  	s0 =	sor.u32 s3, s0;
	s1 =	sshll.u32 s1, $0x11  }
0xbc: {  	s0 =	sor.u32 s1, s0  }
0xbd: {  	s0 =	sadd.s32 $0x8F2B, s0  }
0xbe: {  	[sflag:s0] =	ssyncadd.remote.s32 $0x1  }
0xbf: {  	_ =	sfence.sel $0xFFFF  }
0xc0: {  	[dreg:$0x0] =	wrdreg $0xFFFFFFFF;
	(pc) =	sbr.abs _section_cstart, $3  }
0xc1: {  	[dreg:$0x1] =	wrdreg $0xFFFFFFFF  }
0xc2: {  	_ =	task.clear_ibuf [dreg:s7], $0x2FFFF;
	_ =	strace $0x9FFFFFFF  }
0xc3: {  	(tm) =	ssettm $0x7FFFFFFF  }
tec
execute0_lowered:
.L_overlay_start_1:
0x0: {  	(tag) =	ssettag $0x1  }
0x1: {  	s1 =	rddreg [dreg:$0x0]  }
0x2: {  	s0 =	rddreg [dreg:$0x1];
	s3 =	srdreg.scid  }
0x3: {  	s2 =	rddreg [dreg:$0x2];
	s4 =	simm.s32 $0x0;
	s10 =	stileid.u32  }
0x4: {  	s11 =	simm.s32 $0x400;
	s12 =	simm.s32 $0x80;
	s13 =	simm.s32 $0x800  }
0x5: {  	s14 =	simm.s32 $0xC00;
	s25 =	simm.s32 $0x100;
	s15 =	simm.s32 $0x1000  }
0x6: {  	s26 =	simm.s32 $0x180;
	s16 =	simm.s32 $0x1400;
	s6 =	smul.u32 $0xC35, s10  }
0x7: {  	s28 =	simm.s32 $0x480;
	s29 =	simm.s32 $0x500;
	s8 =	smul.u32 $0x19000, s10  }
0x8: {  	s30 =	simm.s32 $0x580;
	s31 =	simm.s32 $0x600;
	s20 =	smul.u32 $0x1880, s10  }
0x9: {  	s3 =	sand.u32 $0x1, s3;
	s9 =	sshll.u32 s10, $0x6;
	s10 =	smul.u32 $0x186A0, s10  }
0xa: {  	[smem:$0x7FF] =	sst s4;
	s7 =	sadd.s32 $0x1C00, s0;
	s5 =	smul.u32 $0x18800, s3  }
0xb: {  	_ =	strace $0x8000004D;
	[dreg:$0x8] =	wrdreg s7;
	s17 =	ssub.s32 $0x2, s3  }
0xc: {  	s3 =	smul.u32 $0xC350, s3;
	s9 =	sor.u32 $0x1C03, s9;
	[dreg:$0x6] =	wrdreg s25  }
0xd: {  	[dreg:$0x7] =	wrdreg s26;
	s26 =	simm.s32 $0x1;
	s18 =	sshrl.u32 s17, $0x1  }
0xe: {  	s19 =	sshrl.u32 s8, $0x2;
	s22 =	sshrl.u32 s10, $0x2;
	s10 =	simm.s32 $0x3  }
0xf: {  	s8 =	simm.s32 $0x0;
	[dreg:$0x9] =	wrdreg s9;
	s5 =	sadd.s32 s5, s0  }
0x10: {  	s0 =	sadd.s32 s6, s0;
	s6 =	ssub.s32 s17, s18;
	s7 =	sadd.s32 s19, s2  }
0x11: {  	s17 =	simm.s32 $0x200;
	s18 =	simm.s32 $0x1800;
	s19 =	simm.s32 $0x280  }
0x12: {  	s0 =	sadd.s32 s3, s0;
	s21 =	sadd.s32 s20, s5;
	s23 =	smax.u32 s6, $0x1  }
0x13: {  	s24 =	sshrl.u32 s7, $0x3;
	s20 =	simm.s32 $0x1C00;
	[dreg:$0xb] =	wrdreg s23  }
0x14: {  	s7 =	simm.s32 $0x2;
	s0 =	sadd.s32 $0x2A00, s0;
	[dreg:$0xc] =	wrdreg s24  }
0x15: {  	s5 =	sadd.s32 $0x63C00, s21;
	s3 =	sadd.s32 $0x32A00, s21;
	[dreg:$0xa] =	wrdreg s0  }
0x16: {  	s21 =	simm.s32 $0x300;
	s23 =	simm.s32 $0x380;
	[dreg:$0x4] =	wrdreg s5  }
0x17: {  	s24 =	simm.s32 $0x2400;
	s0 =	sadd.s32 s22, s2;
	[dreg:$0x5] =	wrdreg s3  }
0x18: {  	s22 =	simm.s32 $0x2000;
	s3 =	simm.s32 $0x700;
	s0 =	sshrl.u32 s0, $0x3  }
0x19: {  	s5 =	simm.s32 $0x780;
	[dreg:$0xd] =	wrdreg s0;
	s0 =	simm.s32 $0x680  }
.LBB2_1:
0x1a: {  	[dreg:$0xe] =	wrdreg s8  }
0x1b: {  	s6 =	rddreg [dreg:$0x8]  }
0x1c: {  	s25 =	rddreg [dreg:$0xc]  }
0x1d: {  	[spmem:s25], [sflag:s9] =	dma.local [hbm:s6], $0xC80  }
0x1e: {  	_ =	swait.ge [sflag:s10], $0xC80  }
0x1f: {  	[sflag:s10] =	ssyncset.done $0x0  }
0x20: {  	[sflag:s10] =	ssyncadd.s32 $0xFFFFF380  }
0x21: {  	[bflag:$0x0] =	sbarrier.arrive $0xFFFF  }
0x22: {  	s25 =	rddreg [dreg:$0x4]  }
0x23: {  	s6 =	sadd.s32 $0x0, s25  }
0x24: {  	[tilespmem:s4], [sflag:$0x3] =	stream.linear.gather [hbm4b:s6+s4], $0x400, $0x38;
	[tilespmem:$0x8C00] =	vst v63  }
0x25: {  	_ =	swait.ge [sflag:s10], $0x400  }
0x26: {  	s8 =	rddreg [dreg:$0x5];
	[sflag:s10] =	ssyncset.done $0x0  }
0x27: {  	[sflag:s10] =	ssyncadd.s32 $0xFFFFFC00;
	s6 =	sadd.s32 $0x0, s8  }
0x28: {  	[tilespmem:s11], [sflag:$0x3] =	stream.linear.gather [hbm4b:s6+s4], $0x400, $0x38;
	[tilespmem:$0x8C00] =	vst v63  }
0x29: {  	_ =	swait.ge [sflag:s10], $0x400  }
0x2a: {  	[sflag:s10] =	ssyncset.done $0x0  }
0x2b: {  	[sflag:s10] =	ssyncadd.s32 $0xFFFFFC00  }
0x2c: {  	[tilespmem:s13], [sflag:$0x1] =	stream.indirect.gather [hbm4b:s1+s12], $0x8, s4, s12, $0xb8;
	[tilespmem:$0x8C00] =	vst v63  }
0x2d: {  	_ = 	snop  }
0x2e: {  	[tilespmem:s14], [sflag:$0x1] =	stream.indirect.gather [hbm4b:s1+s12], $0x8, s12, s12, $0xb8;
	[tilespmem:$0x8C00] =	vst v63  }
0x2f: {  	s9 =	rddreg [dreg:$0x6]  }
0x30: {  	[tilespmem:s15], [sflag:$0x1] =	stream.indirect.gather [hbm4b:s1+s12], $0x8, s9, s12, $0xb8;
	[tilespmem:$0x8C00] =	vst v63  }
0x31: {  	s25 =	rddreg [dreg:$0x7]  }
0x32: {  	[tilespmem:s16], [sflag:$0x1] =	stream.indirect.gather [hbm4b:s1+s12], $0x8, s25, s12, $0xb8;
	[tilespmem:$0x8C00] =	vst v63  }
0x33: {  	_ = 	snop  }
0x34: {  	[tilespmem:s18], [sflag:$0x1] =	stream.indirect.gather [hbm4b:s1+s12], $0x8, s17, s12, $0xb8;
	[tilespmem:$0x8C00] =	vst v63  }
0x35: {  	_ = 	snop  }
0x36: {  	[tilespmem:s20], [sflag:$0x1] =	stream.indirect.gather [hbm4b:s1+s12], $0x8, s19, s12, $0xb8;
	[tilespmem:$0x8C00] =	vst v63  }
0x37: {  	_ = 	snop  }
0x38: {  	[tilespmem:s22], [sflag:$0x1] =	stream.indirect.gather [hbm4b:s1+s12], $0x8, s21, s12, $0xb8;
	[tilespmem:$0x8C00] =	vst v63  }
0x39: {  	_ = 	snop  }
0x3a: {  	[tilespmem:s24], [sflag:$0x1] =	stream.indirect.gather [hbm4b:s1+s12], $0x8, s23, s12, $0xb8;
	[tilespmem:$0x8C00] =	vst v63  }
0x3b: {  	_ =	swait.ge [sflag:s26], $0x400  }
0x3c: {  	[sflag:s26] =	ssyncset.done $0x0  }
0x3d: {  	[sflag:s26] =	ssyncadd.s32 $0xFFFFFC00  }
0x3e: {  	_ =	swait.ge [sflag:s26], $0x400  }
0x3f: {  	[sflag:s26] =	ssyncset.done $0x0  }
0x40: {  	[sflag:s26] =	ssyncadd.s32 $0xFFFFFC00  }
0x41: {  	_ =	swait.ge [sflag:s26], $0x400  }
0x42: {  	[sflag:s26] =	ssyncset.done $0x0  }
0x43: {  	[sflag:s26] =	ssyncadd.s32 $0xFFFFFC00  }
0x44: {  	_ =	swait.ge [sflag:s26], $0x400  }
0x45: {  	[sflag:s26] =	ssyncset.done $0x0  }
0x46: {  	[sflag:s26] =	ssyncadd.s32 $0xFFFFFC00  }
0x47: {  	_ =	swait.ge [sflag:s26], $0x400  }
0x48: {  	[sflag:s26] =	ssyncset.done $0x0  }
0x49: {  	[sflag:s26] =	ssyncadd.s32 $0xFFFFFC00  }
0x4a: {  	_ =	swait.ge [sflag:s26], $0x400  }
0x4b: {  	[sflag:s26] =	ssyncset.done $0x0  }
0x4c: {  	[sflag:s26] =	ssyncadd.s32 $0xFFFFFC00  }
0x4d: {  	_ =	swait.ge [sflag:s26], $0x400  }
0x4e: {  	[sflag:s26] =	ssyncset.done $0x0  }
0x4f: {  	[sflag:s26] =	ssyncadd.s32 $0xFFFFFC00  }
0x50: {  	_ =	swait.ge [sflag:s26], $0x400  }
0x51: {  	[sflag:s26] =	ssyncset.done $0x0  }
0x52: {  	[sflag:s26] =	ssyncadd.s32 $0xFFFFFC00  }
0x53: {  	[spmem:s2] =	stream.indirect.scatter.add.f32 [tilespmem:s13], [sflag:$0x2], $0x8, s11, s12, $0xb8;
	[tilespmem:$0x8C00] =	vst v63  }
0x54: {  	_ = 	snop  }
0x55: {  	[spmem:s2] =	stream.indirect.scatter.add.f32 [tilespmem:s14], [sflag:$0x2], $0x8, s28, s12, $0xb8;
	[tilespmem:$0x8C00] =	vst v63  }
0x56: {  	_ = 	snop  }
0x57: {  	[spmem:s2] =	stream.indirect.scatter.add.f32 [tilespmem:s15], [sflag:$0x2], $0x8, s29, s12, $0xb8;
	[tilespmem:$0x8C00] =	vst v63  }
0x58: {  	_ = 	snop  }
0x59: {  	[spmem:s2] =	stream.indirect.scatter.add.f32 [tilespmem:s16], [sflag:$0x2], $0x8, s30, s12, $0xb8;
	[tilespmem:$0x8C00] =	vst v63  }
0x5a: {  	_ = 	snop  }
0x5b: {  	[spmem:s2] =	stream.indirect.scatter.add.f32 [tilespmem:s18], [sflag:$0x2], $0x8, s31, s12, $0xb8;
	[tilespmem:$0x8C00] =	vst v63  }
0x5c: {  	_ = 	snop  }
0x5d: {  	[spmem:s2] =	stream.indirect.scatter.add.f32 [tilespmem:s20], [sflag:$0x2], $0x8, s0, s12, $0xb8;
	[tilespmem:$0x8C00] =	vst v63  }
0x5e: {  	_ = 	snop  }
0x5f: {  	[spmem:s2] =	stream.indirect.scatter.add.f32 [tilespmem:s22], [sflag:$0x2], $0x8, s3, s12, $0xb8;
	[tilespmem:$0x8C00] =	vst v63  }
0x60: {  	_ = 	snop  }
0x61: {  	[spmem:s2] =	stream.indirect.scatter.add.f32 [tilespmem:s24], [sflag:$0x2], $0x8, s5, s12, $0xb8;
	[tilespmem:$0x8C00] =	vst v63  }
0x62: {  	_ =	swait.ge [sflag:s7], $0x400  }
0x63: {  	[sflag:s7] =	ssyncset.done $0x0  }
0x64: {  	[sflag:s7] =	ssyncadd.s32 $0xFFFFFC00  }
0x65: {  	_ =	swait.ge [sflag:s7], $0x400  }
0x66: {  	[sflag:s7] =	ssyncset.done $0x0  }
0x67: {  	[sflag:s7] =	ssyncadd.s32 $0xFFFFFC00  }
0x68: {  	_ =	swait.ge [sflag:s7], $0x400  }
0x69: {  	[sflag:s7] =	ssyncset.done $0x0  }
0x6a: {  	[sflag:s7] =	ssyncadd.s32 $0xFFFFFC00  }
0x6b: {  	_ =	swait.ge [sflag:s7], $0x400  }
0x6c: {  	[sflag:s7] =	ssyncset.done $0x0  }
0x6d: {  	[sflag:s7] =	ssyncadd.s32 $0xFFFFFC00  }
0x6e: {  	_ =	swait.ge [sflag:s7], $0x400  }
0x6f: {  	[sflag:s7] =	ssyncset.done $0x0  }
0x70: {  	[sflag:s7] =	ssyncadd.s32 $0xFFFFFC00  }
0x71: {  	_ =	swait.ge [sflag:s7], $0x400  }
0x72: {  	[sflag:s7] =	ssyncset.done $0x0  }
0x73: {  	[sflag:s7] =	ssyncadd.s32 $0xFFFFFC00  }
0x74: {  	_ =	swait.ge [sflag:s7], $0x400  }
0x75: {  	[sflag:s7] =	ssyncset.done $0x0  }
0x76: {  	[sflag:s7] =	ssyncadd.s32 $0xFFFFFC00  }
0x77: {  	s9 =	simm.s32 $0x80;
	_ =	swait.ge [sflag:s7], $0x400  }
0x78: {  	s25 =	simm.s32 $0x100;
	s6 =	rddreg [dreg:$0x4];
	[sflag:s7] =	ssyncset.done $0x0  }
.LBB2_2:
0x79: {  	[sflag:s7] =	ssyncadd.s32 $0xFFFFFC00;
	s6 =	sadd.s32 s9, s6  }
0x7a: {  	[tilespmem:s4], [sflag:$0x3] =	stream.linear.gather [hbm4b:s6+s4], $0x400, $0x38;
	[tilespmem:$0x8C00] =	vst v63  }
0x7b: {  	_ =	swait.ge [sflag:s10], $0x400  }
0x7c: {  	s6 =	rddreg [dreg:$0x5];
	[sflag:s10] =	ssyncset.done $0x0  }
0x7d: {  	[sflag:s10] =	ssyncadd.s32 $0xFFFFFC00;
	s6 =	sadd.s32 s9, s6  }
0x7e: {  	[tilespmem:s11], [sflag:$0x3] =	stream.linear.gather [hbm4b:s6+s4], $0x400, $0x38;
	[tilespmem:$0x8C00] =	vst v63  }
0x7f: {  	_ =	swait.ge [sflag:s10], $0x400  }
0x80: {  	[sflag:s10] =	ssyncset.done $0x0  }
0x81: {  	[sflag:s10] =	ssyncadd.s32 $0xFFFFFC00  }
0x82: {  	[tilespmem:s13], [sflag:$0x1] =	stream.indirect.gather [hbm4b:s1+s12], $0x8, s4, s12, $0xb8;
	[tilespmem:$0x8C00] =	vst v63  }
0x83: {  	_ = 	snop  }
0x84: {  	[tilespmem:s14], [sflag:$0x1] =	stream.indirect.gather [hbm4b:s1+s12], $0x8, s12, s12, $0xb8;
	[tilespmem:$0x8C00] =	vst v63  }
0x85: {  	s8 =	smov.u32 s25;
	s6 =	rddreg [dreg:$0x6]  }
0x86: {  	[tilespmem:s15], [sflag:$0x1] =	stream.indirect.gather [hbm4b:s1+s12], $0x8, s6, s12, $0xb8;
	[tilespmem:$0x8C00] =	vst v63  }
0x87: {  	s9 =	smov.u32 s8;
	s8 =	rddreg [dreg:$0x7]  }
0x88: {  	[tilespmem:s16], [sflag:$0x1] =	stream.indirect.gather [hbm4b:s1+s12], $0x8, s8, s12, $0xb8;
	[tilespmem:$0x8C00] =	vst v63  }
0x89: {  	_ = 	snop  }
0x8a: {  	[tilespmem:s18], [sflag:$0x1] =	stream.indirect.gather [hbm4b:s1+s12], $0x8, s17, s12, $0xb8;
	[tilespmem:$0x8C00] =	vst v63  }
0x8b: {  	_ = 	snop  }
0x8c: {  	[tilespmem:s20], [sflag:$0x1] =	stream.indirect.gather [hbm4b:s1+s12], $0x8, s19, s12, $0xb8;
	[tilespmem:$0x8C00] =	vst v63  }
0x8d: {  	_ = 	snop  }
0x8e: {  	[tilespmem:s22], [sflag:$0x1] =	stream.indirect.gather [hbm4b:s1+s12], $0x8, s21, s12, $0xb8;
	[tilespmem:$0x8C00] =	vst v63  }
0x8f: {  	_ = 	snop  }
0x90: {  	[tilespmem:s24], [sflag:$0x1] =	stream.indirect.gather [hbm4b:s1+s12], $0x8, s23, s12, $0xb8;
	[tilespmem:$0x8C00] =	vst v63  }
0x91: {  	_ =	swait.ge [sflag:s26], $0x400  }
0x92: {  	[sflag:s26] =	ssyncset.done $0x0  }
0x93: {  	[sflag:s26] =	ssyncadd.s32 $0xFFFFFC00  }
0x94: {  	_ =	swait.ge [sflag:s26], $0x400  }
0x95: {  	[sflag:s26] =	ssyncset.done $0x0  }
0x96: {  	[sflag:s26] =	ssyncadd.s32 $0xFFFFFC00  }
0x97: {  	_ =	swait.ge [sflag:s26], $0x400  }
0x98: {  	[sflag:s26] =	ssyncset.done $0x0  }
0x99: {  	[sflag:s26] =	ssyncadd.s32 $0xFFFFFC00  }
0x9a: {  	_ =	swait.ge [sflag:s26], $0x400  }
0x9b: {  	[sflag:s26] =	ssyncset.done $0x0  }
0x9c: {  	[sflag:s26] =	ssyncadd.s32 $0xFFFFFC00  }
0x9d: {  	_ =	swait.ge [sflag:s26], $0x400  }
0x9e: {  	[sflag:s26] =	ssyncset.done $0x0  }
0x9f: {  	[sflag:s26] =	ssyncadd.s32 $0xFFFFFC00  }
0xa0: {  	_ =	swait.ge [sflag:s26], $0x400  }
0xa1: {  	[sflag:s26] =	ssyncset.done $0x0  }
0xa2: {  	[sflag:s26] =	ssyncadd.s32 $0xFFFFFC00  }
0xa3: {  	_ =	swait.ge [sflag:s26], $0x400  }
0xa4: {  	[sflag:s26] =	ssyncset.done $0x0  }
0xa5: {  	[sflag:s26] =	ssyncadd.s32 $0xFFFFFC00  }
0xa6: {  	_ =	swait.ge [sflag:s26], $0x400  }
0xa7: {  	[sflag:s26] =	ssyncset.done $0x0  }
0xa8: {  	[sflag:s26] =	ssyncadd.s32 $0xFFFFFC00  }
0xa9: {  	[spmem:s2] =	stream.indirect.scatter.add.f32 [tilespmem:s13], [sflag:$0x2], $0x8, s11, s12, $0xb8;
	[tilespmem:$0x8C00] =	vst v63  }
0xaa: {  	_ = 	snop  }
0xab: {  	[spmem:s2] =	stream.indirect.scatter.add.f32 [tilespmem:s14], [sflag:$0x2], $0x8, s28, s12, $0xb8;
	[tilespmem:$0x8C00] =	vst v63  }
0xac: {  	_ = 	snop  }
0xad: {  	[spmem:s2] =	stream.indirect.scatter.add.f32 [tilespmem:s15], [sflag:$0x2], $0x8, s29, s12, $0xb8;
	[tilespmem:$0x8C00] =	vst v63  }
0xae: {  	_ = 	snop  }
0xaf: {  	[spmem:s2] =	stream.indirect.scatter.add.f32 [tilespmem:s16], [sflag:$0x2], $0x8, s30, s12, $0xb8;
	[tilespmem:$0x8C00] =	vst v63  }
0xb0: {  	_ = 	snop  }
0xb1: {  	[spmem:s2] =	stream.indirect.scatter.add.f32 [tilespmem:s18], [sflag:$0x2], $0x8, s31, s12, $0xb8;
	[tilespmem:$0x8C00] =	vst v63  }
0xb2: {  	_ = 	snop  }
0xb3: {  	[spmem:s2] =	stream.indirect.scatter.add.f32 [tilespmem:s20], [sflag:$0x2], $0x8, s0, s12, $0xb8;
	[tilespmem:$0x8C00] =	vst v63  }
0xb4: {  	_ = 	snop  }
0xb5: {  	[spmem:s2] =	stream.indirect.scatter.add.f32 [tilespmem:s22], [sflag:$0x2], $0x8, s3, s12, $0xb8;
	[tilespmem:$0x8C00] =	vst v63  }
0xb6: {  	_ = 	snop  }
0xb7: {  	[spmem:s2] =	stream.indirect.scatter.add.f32 [tilespmem:s24], [sflag:$0x2], $0x8, s5, s12, $0xb8;
	[tilespmem:$0x8C00] =	vst v63  }
0xb8: {  	_ =	swait.ge [sflag:s7], $0x400  }
0xb9: {  	[sflag:s7] =	ssyncset.done $0x0  }
0xba: {  	[sflag:s7] =	ssyncadd.s32 $0xFFFFFC00  }
0xbb: {  	_ =	swait.ge [sflag:s7], $0x400  }
0xbc: {  	[sflag:s7] =	ssyncset.done $0x0  }
0xbd: {  	[sflag:s7] =	ssyncadd.s32 $0xFFFFFC00  }
0xbe: {  	_ =	swait.ge [sflag:s7], $0x400  }
0xbf: {  	[sflag:s7] =	ssyncset.done $0x0  }
0xc0: {  	[sflag:s7] =	ssyncadd.s32 $0xFFFFFC00  }
0xc1: {  	_ =	swait.ge [sflag:s7], $0x400  }
0xc2: {  	[sflag:s7] =	ssyncset.done $0x0  }
0xc3: {  	[sflag:s7] =	ssyncadd.s32 $0xFFFFFC00  }
0xc4: {  	_ =	swait.ge [sflag:s7], $0x400  }
0xc5: {  	[sflag:s7] =	ssyncset.done $0x0  }
0xc6: {  	[sflag:s7] =	ssyncadd.s32 $0xFFFFFC00  }
0xc7: {  	_ =	swait.ge [sflag:s7], $0x400  }
0xc8: {  	[sflag:s7] =	ssyncset.done $0x0  }
0xc9: {  	p0 =	sne.s32 s25, $0x1800;
	[sflag:s7] =	ssyncadd.s32 $0xFFFFFC00  }
.Ltmp0:
0xca: {  	_ =	swait.ge [sflag:s7], $0x400;
	(pc) =	sbr.rel @p0 .LBB2_2-.Ltmp0, $4  }
0xcb: {  	[sflag:s7] =	ssyncset.done $0x0  }
0xcc: {  	[sflag:s7] =	ssyncadd.s32 $0xFFFFFC00  }
0xcd: {  	_ =	swait.ge [sflag:s7], $0x400  }
0xce: {  	s25 =	sadd.s32 $0x80, s25;
	s6 =	rddreg [dreg:$0x4];
	[sflag:s7] =	ssyncset.done $0x0  }
0xcf: {  	[sflag:s7] =	ssyncadd.s32 $0xFFFFFC00;
	s6 =	sadd.s32 s9, s6  }
0xd0: {  	[tilespmem:s4], [sflag:$0x3] =	stream.linear.gather [hbm4b:s6+s4], $0x400, $0x38;
	[tilespmem:$0x8C00] =	vst v63  }
0xd1: {  	_ =	swait.ge [sflag:s10], $0x400  }
0xd2: {  	s8 =	rddreg [dreg:$0x5];
	[sflag:s10] =	ssyncset.done $0x0  }
0xd3: {  	[sflag:s10] =	ssyncadd.s32 $0xFFFFFC00;
	s6 =	sadd.s32 s9, s8  }
0xd4: {  	[tilespmem:s11], [sflag:$0x3] =	stream.linear.gather [hbm4b:s6+s4], $0x400, $0x38;
	[tilespmem:$0x8C00] =	vst v63  }
0xd5: {  	_ =	swait.ge [sflag:s10], $0x400  }
0xd6: {  	[sflag:s10] =	ssyncset.done $0x0  }
0xd7: {  	[sflag:s10] =	ssyncadd.s32 $0xFFFFFC00  }
0xd8: {  	[tilespmem:s13], [sflag:$0x1] =	stream.indirect.gather [hbm4b:s1+s12], $0x8, s4, s12, $0xb8;
	[tilespmem:$0x8C00] =	vst v63  }
0xd9: {  	_ = 	snop  }
0xda: {  	[tilespmem:s14], [sflag:$0x1] =	stream.indirect.gather [hbm4b:s1+s12], $0x8, s12, s12, $0xb8;
	[tilespmem:$0x8C00] =	vst v63  }
0xdb: {  	s25 =	rddreg [dreg:$0x6]  }
0xdc: {  	[tilespmem:s15], [sflag:$0x1] =	stream.indirect.gather [hbm4b:s1+s12], $0x8, s25, s12, $0xb8;
	[tilespmem:$0x8C00] =	vst v63  }
0xdd: {  	s8 =	rddreg [dreg:$0x7]  }
0xde: {  	[tilespmem:s16], [sflag:$0x1] =	stream.indirect.gather [hbm4b:s1+s12], $0x8, s8, s12, $0xb8;
	[tilespmem:$0x8C00] =	vst v63  }
0xdf: {  	_ = 	snop  }
0xe0: {  	[tilespmem:s18], [sflag:$0x1] =	stream.indirect.gather [hbm4b:s1+s12], $0x8, s17, s12, $0xb8;
	[tilespmem:$0x8C00] =	vst v63  }
0xe1: {  	_ = 	snop  }
0xe2: {  	[tilespmem:s20], [sflag:$0x1] =	stream.indirect.gather [hbm4b:s1+s12], $0x8, s19, s12, $0xb8;
	[tilespmem:$0x8C00] =	vst v63  }
0xe3: {  	_ = 	snop  }
0xe4: {  	[tilespmem:s22], [sflag:$0x1] =	stream.indirect.gather [hbm4b:s1+s12], $0x8, s21, s12, $0xb8;
	[tilespmem:$0x8C00] =	vst v63  }
0xe5: {  	_ = 	snop  }
0xe6: {  	[tilespmem:s24], [sflag:$0x1] =	stream.indirect.gather [hbm4b:s1+s12], $0x8, s23, s12, $0xb8;
	[tilespmem:$0x8C00] =	vst v63  }
0xe7: {  	_ =	swait.ge [sflag:s26], $0x400  }
0xe8: {  	[sflag:s26] =	ssyncset.done $0x0  }
0xe9: {  	[sflag:s26] =	ssyncadd.s32 $0xFFFFFC00  }
0xea: {  	_ =	swait.ge [sflag:s26], $0x400  }
0xeb: {  	[sflag:s26] =	ssyncset.done $0x0  }
0xec: {  	[sflag:s26] =	ssyncadd.s32 $0xFFFFFC00  }
0xed: {  	_ =	swait.ge [sflag:s26], $0x400  }
0xee: {  	[sflag:s26] =	ssyncset.done $0x0  }
0xef: {  	[sflag:s26] =	ssyncadd.s32 $0xFFFFFC00  }
0xf0: {  	_ =	swait.ge [sflag:s26], $0x400  }
0xf1: {  	[sflag:s26] =	ssyncset.done $0x0  }
0xf2: {  	[sflag:s26] =	ssyncadd.s32 $0xFFFFFC00  }
0xf3: {  	_ =	swait.ge [sflag:s26], $0x400  }
0xf4: {  	[sflag:s26] =	ssyncset.done $0x0  }
0xf5: {  	[sflag:s26] =	ssyncadd.s32 $0xFFFFFC00  }
0xf6: {  	_ =	swait.ge [sflag:s26], $0x400  }
0xf7: {  	[sflag:s26] =	ssyncset.done $0x0  }
0xf8: {  	[sflag:s26] =	ssyncadd.s32 $0xFFFFFC00  }
0xf9: {  	_ =	swait.ge [sflag:s26], $0x400  }
0xfa: {  	[sflag:s26] =	ssyncset.done $0x0  }
0xfb: {  	[sflag:s26] =	ssyncadd.s32 $0xFFFFFC00  }
0xfc: {  	_ =	swait.ge [sflag:s26], $0x400  }
0xfd: {  	[sflag:s26] =	ssyncset.done $0x0  }
0xfe: {  	[sflag:s26] =	ssyncadd.s32 $0xFFFFFC00  }
0xff: {  	[spmem:s2] =	stream.indirect.scatter.add.f32 [tilespmem:s13], [sflag:$0x2], $0x8, s11, s12, $0xb8;
	[tilespmem:$0x8C00] =	vst v63  }
0x100: {  	_ = 	snop  }
0x101: {  	[spmem:s2] =	stream.indirect.scatter.add.f32 [tilespmem:s14], [sflag:$0x2], $0x8, s28, s12, $0xb8;
	[tilespmem:$0x8C00] =	vst v63  }
0x102: {  	_ = 	snop  }
0x103: {  	[spmem:s2] =	stream.indirect.scatter.add.f32 [tilespmem:s15], [sflag:$0x2], $0x8, s29, s12, $0xb8;
	[tilespmem:$0x8C00] =	vst v63  }
0x104: {  	_ = 	snop  }
0x105: {  	[spmem:s2] =	stream.indirect.scatter.add.f32 [tilespmem:s16], [sflag:$0x2], $0x8, s30, s12, $0xb8;
	[tilespmem:$0x8C00] =	vst v63  }
0x106: {  	_ = 	snop  }
0x107: {  	[spmem:s2] =	stream.indirect.scatter.add.f32 [tilespmem:s18], [sflag:$0x2], $0x8, s31, s12, $0xb8;
	[tilespmem:$0x8C00] =	vst v63  }
0x108: {  	_ = 	snop  }
0x109: {  	[spmem:s2] =	stream.indirect.scatter.add.f32 [tilespmem:s20], [sflag:$0x2], $0x8, s0, s12, $0xb8;
	[tilespmem:$0x8C00] =	vst v63  }
0x10a: {  	_ = 	snop  }
0x10b: {  	[spmem:s2] =	stream.indirect.scatter.add.f32 [tilespmem:s22], [sflag:$0x2], $0x8, s3, s12, $0xb8;
	[tilespmem:$0x8C00] =	vst v63  }
0x10c: {  	_ = 	snop  }
0x10d: {  	[spmem:s2] =	stream.indirect.scatter.add.f32 [tilespmem:s24], [sflag:$0x2], $0x8, s5, s12, $0xb8;
	[tilespmem:$0x8C00] =	vst v63  }
0x10e: {  	_ =	swait.ge [sflag:s7], $0x400  }
0x10f: {  	[sflag:s7] =	ssyncset.done $0x0  }
0x110: {  	[sflag:s7] =	ssyncadd.s32 $0xFFFFFC00  }
0x111: {  	_ =	swait.ge [sflag:s7], $0x400  }
0x112: {  	[sflag:s7] =	ssyncset.done $0x0  }
0x113: {  	[sflag:s7] =	ssyncadd.s32 $0xFFFFFC00  }
0x114: {  	_ =	swait.ge [sflag:s7], $0x400  }
0x115: {  	[sflag:s7] =	ssyncset.done $0x0  }
0x116: {  	[sflag:s7] =	ssyncadd.s32 $0xFFFFFC00  }
0x117: {  	_ =	swait.ge [sflag:s7], $0x400  }
0x118: {  	[sflag:s7] =	ssyncset.done $0x0  }
0x119: {  	[sflag:s7] =	ssyncadd.s32 $0xFFFFFC00  }
0x11a: {  	_ =	swait.ge [sflag:s7], $0x400  }
0x11b: {  	[sflag:s7] =	ssyncset.done $0x0  }
0x11c: {  	[sflag:s7] =	ssyncadd.s32 $0xFFFFFC00  }
0x11d: {  	_ =	swait.ge [sflag:s7], $0x400  }
0x11e: {  	[sflag:s7] =	ssyncset.done $0x0  }
0x11f: {  	[sflag:s7] =	ssyncadd.s32 $0xFFFFFC00  }
0x120: {  	_ =	swait.ge [sflag:s7], $0x400  }
0x121: {  	[sflag:s7] =	ssyncset.done $0x0  }
0x122: {  	[sflag:s7] =	ssyncadd.s32 $0xFFFFFC00  }
0x123: {  	_ =	swait.ge [sflag:s7], $0x400  }
0x124: {  	[sflag:s7] =	ssyncset.done $0x0  }
0x125: {  	[sflag:s7] =	ssyncadd.s32 $0xFFFFFC00  }
0x126: {  	[bflag:$0x0] =	sbarrier.arrive $0xFFFF  }
0x127: {  	s9 =	rddreg [dreg:$0x9]  }
0x128: {  	s8 =	rddreg [dreg:$0xa]  }
0x129: {  	s25 =	rddreg [dreg:$0xd]  }
0x12a: {  	[hbm:s8], [sflag:s9] =	dma.local [spmem:s25], $0xC35  }
0x12b: {  	_ =	swait.ge [sflag:s10], $0xC35  }
0x12c: {  	s6 =	rddreg [dreg:$0xe]  }
0x12d: {  	s25 =	rddreg [dreg:$0xb];
	s8 =	sadd.s32 $0x1, s6  }
0x12e: {  	p0 =	sne.s32 s8, s25  }
.Ltmp1:
0x12f: {  	_ = 	snop;
	(pc) =	sbr.rel @p0 .LBB2_1-.Ltmp1, $3  }
0x130: {  	_ =	sdelay $0x1  }
0x131: {  	[sflag:s10] =	ssyncset.done $0x0  }
0x132: {  	[sflag:s10] =	ssyncadd.s32 $0xFFFFF3CB  }
0x133: {  	_ =	sfence.sel $0x180000  }
0x134: {  	[bflag:$0x0] =	sbarrier.arrive $0xFFFF  }
0x135: {  	_ =	strace $0x9000004D  }
0x136: {  	s0 =	stileid.u32;
	[bflag:$0x2] =	sbarrier.arrive $0xFFFF  }
0x137: {  	p0 =	sne.s32 s0, $0x0;
	s0 =	rddreg [dreg:$0x3]  }
0x138: {  	s0 =	sadd.s32 @!p0 $0x100000, s0  }
0x139: {  	[sflag:s0] =	ssyncadd.tile.s32 @!p0 $0x1;
	_ =	shalt  }
.Lfunc_end2:
_tile_overlayer_lowered:
.L_overlay_start_2:
0x13a: {  	(tag) =	ssettag $0x2  }
0x13b: {  	s0 =	rddreg [dreg:$0x0];
	s2 =	stileid.u32  }
0x13c: {  	s1 =	rddreg [dreg:$0x1];
	p0 =	sne.s32 s2, $0x0  }
0x13d: {  	s3 =	rddreg [dreg:$0x2];
	[bflag:$0x3] =	sbarrier.arrive $0xFFFF;
	s2 =	simm.s32 @!p0 $0x1C03  }
0x13e: {  	[timem:s3], [sflag:s2] =	dma.local @!p0 [hbm:s0], s1  }
0x13f: {  	s0 =	simm.s32 @!p0 $0x3  }
0x140: {  	_ =	swait.ge @!p0 [sflag:s0], s1  }
0x141: {  	s1 =	ssub.s32 @!p0 $0x0, s1;
	[sflag:s0] =	ssyncset.done @!p0 $0x0  }
0x142: {  	[sflag:s0] =	ssyncadd.s32 @!p0 s1  }
0x143: {  	[bflag:$0x3] =	sbarrier.arrive $0xFFFF  }
0x144: {  	_ =	shalt  }

// kernel: sc_deg_hist.3.cloned.1.call-start
scs
__scs_entry_jumppad:
0x0: {  	(pc) =	sbr.rel $0x88, $3  }
0x1: {  	(tag) =	ssettag $0x0;
	lr =	simm.s32 $0x1  }
0x2: {  	[smem:$0x3F9B] =	sst lr;
	_ =	strace $0xD0000000  }
0x3: {  	_ = 	snop  }
0x4: {  	_ = 	snop  }
0x5: {  	_ = 	snop  }
0x6: {  	_ = 	snop  }
0x7: {  	_ = 	snop  }
__scs_overlays_trampoline_lowered:
0x8: {  	[smem:$0x3FAA] =	sst s0  }
0x9: {  	[smem:$0x3FAB] =	sst s1  }
0xa: {  	[smem:$0x3FAC] =	sst s2  }
0xb: {  	[smem:$0x3FAD] =	sst s3  }
0xc: {  	[smem:$0x3FAE] =	sst s4  }
0xd: {  	[smem:$0x3FAF] =	sst s5  }
0xe: {  	[smem:$0x3FB0] =	sst s6  }
0xf: {  	[smem:$0x3FB1] =	sst s7  }
0x10: {  	[smem:$0x3FB2] =	sst s8  }
0x11: {  	[smem:$0x3FB3] =	sst s9;
	s0 =	simm.s32 @!p0 $0x0  }
0x12: {  	s1 =	sld [smem:$0x3F99];
	s0 =	simm.s32 @p0 $0x1  }
0x13: {  	[smem:$0x3FB4] =	sst s0;
	s0 =	simm.s32 @!p1 $0x0  }
0x14: {  	s2 =	sld [smem:$0x3F98];
	s0 =	simm.s32 @p1 $0x1  }
0x15: {  	[smem:$0x3FB5] =	sst s0;
	s0 =	simm.s32 @!p2 $0x0  }
0x16: {  	s3 =	sld [smem:$0x3FDB];
	s0 =	simm.s32 @p2 $0x1  }
0x17: {  	s4 =	simm.s32 $0x1BF5;
	[smem:$0x3FB7] =	sst s0  }
0x18: {  	s0 =	sld [smem:$0x3F9A];
	_ =	swait.ge [sflag:s4], $0x0  }
0x19: {  	s7 =	sld [smem:$0x3F9B]  }
0x1a: {  	s8 =	sadd.s32 $0xFFFFE003, lr  }
0x1b: {  	s9 =	sadd.s32 $0xFFFFFEF7, lr;
	s5 =	simm.s32 $0xFFFFFFFF;
	p2 =	slt.u32 s8, $0xFFFFF086  }
0x1c: {  	p1 =	slt.u32 s9, $0xF7A;
	s5 =	simm.s32 @!p2 $0x0  }
0x1d: {  	s5 =	simm.s32 @p1 $0x1;
	p0 =	seq.s32 s7, s2  }
0x1e: {  	s7 =	smul.u32 @!p0 $0xF7A, s2;
	p2 =	seq.s32 @!p0 s5, $0x0  }
0x1f: {  	s9 =	smul.u32 $0xF7A, s1;
	s8 =	simm.s32 @!p0 $0x1BF5;
	p2 =	por !p2, p0  }
0x20: {  	[sflag:s8] =	ssyncset.s32 @!p0 $0xFFFFF086;
	s6 =	sadd.s32 @!p0 s3, s7;
	s7 =	simm.s32 @!p0 $0x108  }
0x21: {  	s3 =	sadd.s32 s3, s9;
	s6 =	sadd.s32 @!p0 $0x88, s6;
	s7 =	simm.s32 @p2 $0x1082  }
0x22: {  	[simem:s7], [sflag:s8] =	dma.local @!p0 [hbm:s6], $0xF7A  }
0x23: {  	s9 =	sor.u32 $0xD0000000, s2;
	s6 =	simm.s32 $0x108;
	_ =	swait.ge @!p0 [sflag:s8], $0x0  }
0x24: {  	s3 =	sadd.s32 $0x88, s3;
	s6 =	simm.s32 @!p1 $0x1082;
	[sflag:s4] =	ssyncset.s32 $0xFFFFF086  }
0x25: {  	[simem:s6], [sflag:s4] =	dma.local [hbm:s3], $0xF7A  }
0x26: {  	[smem:$0x3F9B] =	sst s1;
	(tag) =	ssettag s2;
	_ =	strace s9  }
0x27: {  	s1 =	sld [smem:$0x3FAB]  }
0x28: {  	s2 =	sld [smem:$0x3FAC]  }
0x29: {  	s4 =	sld [smem:$0x3FAE]  }
0x2a: {  	p0 =	seq.s32 s5, $0x0;
	s5 =	sld [smem:$0x3FAF]  }
0x2b: {  	s6 =	sld [smem:$0x3FB0]  }
0x2c: {  	s7 =	sld [smem:$0x3FB1]  }
0x2d: {  	s3 =	simm.s32 $0x108;
	s8 =	sld [smem:$0x3FB2]  }
0x2e: {  	s3 =	simm.s32 @!p0 $0x1082;
	s9 =	sld [smem:$0x3FB3]  }
0x2f: {  	lr =	sadd.s32 s0, s3;
	s0 =	sld [smem:$0x3FAA]  }
0x30: {  	s3 =	sld [smem:$0x3FAD]  }
0x31: {  	[smem:$0x3FB6] =	sst s10  }
0x32: {  	s10 =	sld [smem:$0x3FB4];
	_ =	sdelay $0x3  }
0x33: {  	p0 =	seq.s32 s10, $0x1;
	s10 =	sld [smem:$0x3FB6];
	_ =	sdelay $0x3  }
0x34: {  	[smem:$0x3FB6] =	sst s10  }
0x35: {  	s10 =	sld [smem:$0x3FB5];
	_ =	sdelay $0x3  }
0x36: {  	p1 =	seq.s32 s10, $0x1;
	s10 =	sld [smem:$0x3FB6];
	_ =	sdelay $0x3  }
0x37: {  	[smem:$0x3FB6] =	sst s10  }
0x38: {  	s10 =	sld [smem:$0x3FB7]  }
0x39: {  	_ = 	snop;
	(pc) =	sbr.ind lr, $3  }
0x3a: {  	_ = 	snop  }
0x3b: {  	_ = 	snop  }
0x3c: {  	p2 =	seq.s32 s10, $0x1;
	s10 =	sld [smem:$0x3FB6]  }
0x3d: {  	_ =	shalt  }
0x3e: {  	_ =	shalt  }
0x3f: {  	_ =	shalt  }
0x40: {  	_ =	shalt  }
0x41: {  	_ =	shalt  }
0x42: {  	_ =	shalt  }
0x43: {  	_ =	shalt  }
0x44: {  	_ =	shalt  }
0x45: {  	_ =	shalt  }
0x46: {  	_ =	shalt  }
0x47: {  	_ =	shalt  }
0x48: {  	_ =	shalt  }
0x49: {  	_ =	shalt  }
0x4a: {  	_ =	shalt  }
0x4b: {  	_ =	shalt  }
0x4c: {  	_ =	shalt  }
0x4d: {  	_ =	shalt  }
0x4e: {  	_ =	shalt  }
0x4f: {  	_ =	shalt  }
0x50: {  	_ =	shalt  }
0x51: {  	_ =	shalt  }
0x52: {  	_ =	shalt  }
0x53: {  	_ =	shalt  }
0x54: {  	_ =	shalt  }
0x55: {  	_ =	shalt  }
0x56: {  	_ =	shalt  }
0x57: {  	_ =	shalt  }
0x58: {  	_ =	shalt  }
0x59: {  	_ =	shalt  }
0x5a: {  	_ =	shalt  }
0x5b: {  	_ =	shalt  }
0x5c: {  	_ =	shalt  }
0x5d: {  	_ =	shalt  }
0x5e: {  	_ =	shalt  }
0x5f: {  	_ =	shalt  }
0x60: {  	_ =	shalt  }
0x61: {  	_ =	shalt  }
0x62: {  	_ =	shalt  }
0x63: {  	_ =	shalt  }
0x64: {  	_ =	shalt  }
0x65: {  	_ =	shalt  }
0x66: {  	_ =	shalt  }
0x67: {  	_ =	shalt  }
0x68: {  	_ =	shalt  }
0x69: {  	_ =	shalt  }
0x6a: {  	_ =	shalt  }
0x6b: {  	_ =	shalt  }
0x6c: {  	_ =	shalt  }
0x6d: {  	_ =	shalt  }
0x6e: {  	_ =	shalt  }
0x6f: {  	_ =	shalt  }
0x70: {  	_ =	shalt  }
0x71: {  	_ =	shalt  }
0x72: {  	_ =	shalt  }
0x73: {  	_ =	shalt  }
0x74: {  	_ =	shalt  }
0x75: {  	_ =	shalt  }
0x76: {  	_ =	shalt  }
0x77: {  	_ =	shalt  }
0x78: {  	_ =	shalt  }
0x79: {  	_ =	shalt  }
0x7a: {  	_ =	shalt  }
0x7b: {  	_ =	shalt  }
0x7c: {  	_ =	shalt  }
0x7d: {  	_ =	shalt  }
0x7e: {  	_ =	shalt  }
0x7f: {  	_ =	shalt  }
0x80: {  	_ =	shalt  }
0x81: {  	_ =	shalt  }
0x82: {  	_ =	shalt  }
0x83: {  	_ =	shalt  }
0x84: {  	_ =	shalt  }
0x85: {  	_ =	shalt  }
0x86: {  	_ =	shalt  }
0x87: {  	_ =	shalt  }
.Lfunc_end0:
.L_simem_size_0:
called_computation_lowered:
.L_overlay_start_0:
0x88: {  	s2 =	sld [smem:$0x3FD9]  }
0x89: {  	s3 =	sld [smem:$0x3FFE];
	_ =	sdelay $0x1  }
0x8a: {  	s1 =	srdreg.scid  }
0x8b: {  	s0 =	sand.u32 $0x1, s1  }
0x8c: {  	s17 =	sshll.u32 s0, $0xA;
	s2 =	sadd.s32 s3, s2  }
0x8d: {  	s2 =	sadd.s32 s2, s17  }
0x8e: {  	[smem:$0x3FC2] =	sst s2  }
0x8f: {  	_ = 	snop  }
0x90: {  	s2 =	sld [smem:$0x3FD0];
	(tm) =	ssettm $0x1  }
0x91: {  	s18 =	sld [smem:$0x3FFB];
	_ =	sdelay $0x3  }
0x92: {  	_ =	strace s18  }
0x93: {  	s3 =	sld [smem:$0x3FFC];
	_ =	sdelay $0x3  }
0x94: {  	_ =	strace s3  }
0x95: {  	s3 =	sld [smem:$0x3FFD];
	_ =	sdelay $0x3  }
0x96: {  	_ =	strace s3  }
0x97: {  	_ =	strace $0x8FFFFFFF  }
0x98: {  	s19 =	sld [smem:$0x3FDB];
	_ =	sdelay $0x1  }
0x99: {  	s4 =	simm.s32 $_scs_section_size  }
0x9a: {  	s5 =	simm.s32 $_size__tile_overlayer_lowered;
	s6 =	simm.s32 $_tile_overlayer_lowered  }
0x9b: {  	s22 =	simm.s32 $0x1BFF;
	s21 =	sshll.u32 s6, $0x1;
	s3 =	sadd.s32 s4, s19  }
0x9c: {  	s7 =	simm.s32 $0x0;
	s20 =	sshll.u32 s5, $0x1;
	s5 =	sadd.s32 s21, s3  }
0x9d: {  	[timem:s7], [sflag:s22] =	dma.local [hbm:s5], s20  }
0x9e: {  	_ =	swait.ge [sflag:s22], s20  }
0x9f: {  	s4 =	ssub.s32 $0x0, s20;
	[sflag:s22] =	ssyncset.done $0x0  }
0xa0: {  	[sflag:s22] =	ssyncadd.s32 s4;
	_ =	sdelay $0x1  }
0xa1: {  	s23 =	simm.s32 $0x1B8B  }
0xa2: {  	_ =	swait.ge [sflag:s23], $0x1  }
0xa3: {  	[sflag:s23] =	ssyncset.done $0x0  }
0xa4: {  	s25 =	simm.s32 $0x1B8E;
	s24 =	sld [smem:$0x3FFE];
	[sflag:s23] =	ssyncadd.s32 $0xFFFFFFFF  }
0xa5: {  	s26 =	simm.s32 $execute0_lowered;
	[smem:$0x3FD2] =	sst s25  }
0xa6: {  	s5 =	sshll.u32 s26, $0x1;
	_ =	strace $0x80000046;
	[dreg:$0x1] =	wrdreg $0xFFFFFFFF  }
0xa7: {  	s28 =	simm.s32 $_size_execute0_lowered;
	s3 =	sadd.s32 s3, s5;
	[dreg:$0x0] =	wrdreg $0x0  }
0xa8: {  	s5 =	sshll.u32 s28, $0x1;
	[dreg:$0x2] =	wrdreg s3  }
0xa9: {  	[dreg:$0x3] =	wrdreg s5  }
0xaa: {  	[dreg:$0x4] =	wrdreg $0xC0  }
0xab: {  	_ =	task [dreg:s7], $0x5FFFF  }
0xac: {  	[dreg:$0x1] =	wrdreg $0xFFFFFFFF  }
0xad: {  	[dreg:$0x0] =	wrdreg $0x60  }
0xae: {  	[dreg:$0x2] =	wrdreg s24  }
0xaf: {  	[dreg:$0x3] =	wrdreg s2  }
0xb0: {  	[dreg:$0x4] =	wrdreg $0x4800  }
0xb1: {  	[dreg:$0x5] =	wrdreg $0x9  }
0xb2: {  	_ =	task.clear_ibuf [dreg:s7], $0x6FFFF;
	_ =	strace $0x90000046  }
0xb3: {  	s29 =	simm.s32 $0x9;
	_ =	strace $0x80000048  }
0xb4: {  	_ =	swait.ge [sflag:s29], $0x1  }
0xb5: {  	[sflag:s29] =	ssyncadd.s32 $0xFFFFFFFF  }
0xb6: {  	_ =	strace $0x90000048  }
0xb7: {  	_ =	sfence  }
0xb8: {  	s30 =	sld [smem:$0x0];
	_ =	sdelay $0x2  }
0xb9: {  	s31 =	sshll.u32 s1, $0xD;
	s1 =	sshrl.u32 s1, $0x2  }
0xba: {  	s3 =	sand.u32 $0x4000, s31;
	s1 =	sadd.s32 s1, s30  }
0xbb: {  	s0 =	sor.u32 s3, s0;
	s1 =	sshll.u32 s1, $0x11  }
0xbc: {  	s0 =	sor.u32 s1, s0  }
0xbd: {  	s0 =	sadd.s32 $0x8F2B, s0  }
0xbe: {  	[sflag:s0] =	ssyncadd.remote.s32 $0x1  }
0xbf: {  	_ =	sfence.sel $0xFFFF  }
0xc0: {  	[dreg:$0x0] =	wrdreg $0xFFFFFFFF;
	(pc) =	sbr.abs _section_cstart, $3  }
0xc1: {  	[dreg:$0x1] =	wrdreg $0xFFFFFFFF  }
0xc2: {  	_ =	task.clear_ibuf [dreg:s7], $0x2FFFF;
	_ =	strace $0x9FFFFFFF  }
0xc3: {  	(tm) =	ssettm $0x7FFFFFFF  }
tec
execute0_lowered:
.L_overlay_start_1:
0x0: {  	(tag) =	ssettag $0x1  }
0x1: {  	s4 =	rddreg [dreg:$0x0]  }
0x2: {  	s6 =	rddreg [dreg:$0x1]  }
0x3: {  	s1 =	rddreg [dreg:$0x2]  }
0x4: {  	s0 =	rddreg [dreg:$0x3]  }
0x5: {  	s2 =	simm.s32 $0x0;
	s3 =	srdreg.scid;
	s13 =	simm.s32 $0x180  }
0x6: {  	s14 =	simm.s32 $0x200;
	s15 =	simm.s32 $0x280;
	s16 =	simm.s32 $0x300  }
0x7: {  	s17 =	simm.s32 $0x380;
	s18 =	simm.s32 $0x400;
	s5 =	sand.u32 $0x1, s3  }
0x8: {  	s19 =	simm.s32 $0x1;
	s3 =	stileid.u32;
	s7 =	smul.u32 $0x18800, s5  }
0x9: {  	s20 =	simm.s32 $0x0;
	[smem:$0x7FF] =	sst s2;
	s9 =	smul.u32 $0xC80, s3  }
0xa: {  	_ =	strace $0x80000047;
	s8 =	ssub.s32 $0x2, s5;
	s5 =	smul.u32 $0xC800, s5  }
0xb: {  	s31 =	smul.u32 $0x1880, s3;
	s12 =	sshll.u32 s3, $0x6;
	s10 =	sshrl.u32 s8, $0x1  }
0xc: {  	s7 =	sadd.s32 s7, s4;
	s4 =	sadd.s32 $0x63A00, s4;
	s8 =	ssub.s32 s8, s10  }
0xd: {  	s11 =	sadd.s32 s9, s1;
	s9 =	sadd.s32 s9, s5;
	s5 =	sor.u32 $0x1C02, s12  }
0xe: {  	s12 =	simm.s32 $0x100;
	s9 =	sshrl.u32 s9, $0x3;
	s10 =	sadd.s32 s31, s7  }
0xf: {  	s7 =	smax.u32 s8, $0x1;
	s6 =	sadd.s32 s6, s9;
	s8 =	sadd.s32 $0x32A00, s10  }
0x10: {  	v0 =	vimm.f32 $1.000000000e+00;
	s9 =	sshrl.u32 s11, $0x3;
	s10 =	simm.s32 $0x2;
	s11 =	simm.s32 $0x80  }
.LBB2_1:
0x11: {  	[tilespmem:$0x0] =	vst v0  }
0x12: {  	[tilespmem:$0x10] =	vst v0  }
0x13: {  	[tilespmem:$0x20] =	vst v0  }
0x14: {  	[tilespmem:$0x30] =	vst v0  }
0x15: {  	[tilespmem:$0x40] =	vst v0  }
0x16: {  	[tilespmem:$0x50] =	vst v0  }
0x17: {  	[tilespmem:$0x60] =	vst v0  }
0x18: {  	[tilespmem:$0x70] =	vst v0  }
0x19: {  	[spmem:s9], [sflag:s5] =	dma.local [hbm:s4], $0x190  }
0x1a: {  	_ =	swait.ge [sflag:s10], $0x190  }
0x1b: {  	[sflag:s10] =	ssyncset.done $0x0  }
0x1c: {  	[sflag:s10] =	ssyncadd.s32 $0xFFFFFE70  }
0x1d: {  	s21 =	sadd.s32 $0x0, s8;
	[bflag:$0x0] =	sbarrier.arrive $0xFFFF  }
0x1e: {  	[tilespmem:s11], [sflag:$0x2] =	stream.linear.gather [hbm4b:s21+s2], $0x400, $0x38;
	[tilespmem:$0x1100] =	vst v63  }
0x1f: {  	_ =	swait.ge [sflag:s10], $0x400  }
0x20: {  	[sflag:s10] =	ssyncset.done $0x0  }
0x21: {  	[sflag:s10] =	ssyncadd.s32 $0xFFFFFC00  }
0x22: {  	[spmem:s1] =	stream.indirect.scatter.add.f32 [tilespmem:s2], [sflag:$0x1], $0x1, s11, s11, $0xb8;
	[tilespmem:$0x1100] =	vst v63  }
0x23: {  	_ = 	snop  }
0x24: {  	[spmem:s1] =	stream.indirect.scatter.add.f32 [tilespmem:s2], [sflag:$0x1], $0x1, s12, s11, $0xb8;
	[tilespmem:$0x1100] =	vst v63  }
0x25: {  	_ = 	snop  }
0x26: {  	[spmem:s1] =	stream.indirect.scatter.add.f32 [tilespmem:s2], [sflag:$0x1], $0x1, s13, s11, $0xb8;
	[tilespmem:$0x1100] =	vst v63  }
0x27: {  	_ = 	snop  }
0x28: {  	[spmem:s1] =	stream.indirect.scatter.add.f32 [tilespmem:s2], [sflag:$0x1], $0x1, s14, s11, $0xb8;
	[tilespmem:$0x1100] =	vst v63  }
0x29: {  	_ = 	snop  }
0x2a: {  	[spmem:s1] =	stream.indirect.scatter.add.f32 [tilespmem:s2], [sflag:$0x1], $0x1, s15, s11, $0xb8;
	[tilespmem:$0x1100] =	vst v63  }
0x2b: {  	_ = 	snop  }
0x2c: {  	[spmem:s1] =	stream.indirect.scatter.add.f32 [tilespmem:s2], [sflag:$0x1], $0x1, s16, s11, $0xb8;
	[tilespmem:$0x1100] =	vst v63  }
0x2d: {  	_ = 	snop  }
0x2e: {  	[spmem:s1] =	stream.indirect.scatter.add.f32 [tilespmem:s2], [sflag:$0x1], $0x1, s17, s11, $0xb8;
	[tilespmem:$0x1100] =	vst v63  }
0x2f: {  	_ = 	snop  }
0x30: {  	[spmem:s1] =	stream.indirect.scatter.add.f32 [tilespmem:s2], [sflag:$0x1], $0x1, s18, s11, $0xb8;
	[tilespmem:$0x1100] =	vst v63  }
0x31: {  	_ =	swait.ge [sflag:s19], $0x80  }
0x32: {  	[sflag:s19] =	ssyncset.done $0x0  }
0x33: {  	[sflag:s19] =	ssyncadd.s32 $0xFFFFFF80  }
0x34: {  	_ =	swait.ge [sflag:s19], $0x80  }
0x35: {  	[sflag:s19] =	ssyncset.done $0x0  }
0x36: {  	[sflag:s19] =	ssyncadd.s32 $0xFFFFFF80  }
0x37: {  	_ =	swait.ge [sflag:s19], $0x80  }
0x38: {  	[sflag:s19] =	ssyncset.done $0x0  }
0x39: {  	[sflag:s19] =	ssyncadd.s32 $0xFFFFFF80  }
0x3a: {  	_ =	swait.ge [sflag:s19], $0x80  }
0x3b: {  	[sflag:s19] =	ssyncset.done $0x0  }
0x3c: {  	[sflag:s19] =	ssyncadd.s32 $0xFFFFFF80  }
0x3d: {  	_ =	swait.ge [sflag:s19], $0x80  }
0x3e: {  	[sflag:s19] =	ssyncset.done $0x0  }
0x3f: {  	[sflag:s19] =	ssyncadd.s32 $0xFFFFFF80  }
0x40: {  	_ =	swait.ge [sflag:s19], $0x80  }
0x41: {  	[sflag:s19] =	ssyncset.done $0x0  }
0x42: {  	[sflag:s19] =	ssyncadd.s32 $0xFFFFFF80  }
0x43: {  	_ =	swait.ge [sflag:s19], $0x80  }
0x44: {  	[sflag:s19] =	ssyncset.done $0x0  }
0x45: {  	[sflag:s19] =	ssyncadd.s32 $0xFFFFFF80  }
0x46: {  	_ =	swait.ge [sflag:s19], $0x80  }
0x47: {  	s23 =	simm.s32 $0x100;
	s21 =	simm.s32 $0x80;
	[sflag:s19] =	ssyncset.done $0x0  }
.LBB2_2:
0x48: {  	s24 =	sadd.s32 s21, s8  }
0x49: {  	[sflag:s19] =	ssyncadd.s32 $0xFFFFFF80;
	s21 =	smov.u32 s23;
	s22 =	sadd.s32 $0x80, s23  }
0x4a: {  	[tilespmem:s11], [sflag:$0x2] =	stream.linear.gather [hbm4b:s24+s2], $0x400, $0x38;
	[tilespmem:$0x1100] =	vst v63  }
0x4b: {  	p0 =	sne.s32 s23, $0x1800;
	_ =	swait.ge [sflag:s10], $0x400  }
0x4c: {  	[sflag:s10] =	ssyncset.done $0x0  }
0x4d: {  	[sflag:s10] =	ssyncadd.s32 $0xFFFFFC00  }
0x4e: {  	[spmem:s1] =	stream.indirect.scatter.add.f32 [tilespmem:s2], [sflag:$0x1], $0x1, s11, s11, $0xb8;
	[tilespmem:$0x1100] =	vst v63  }
0x4f: {  	_ = 	snop  }
0x50: {  	[spmem:s1] =	stream.indirect.scatter.add.f32 [tilespmem:s2], [sflag:$0x1], $0x1, s12, s11, $0xb8;
	[tilespmem:$0x1100] =	vst v63  }
0x51: {  	_ = 	snop  }
0x52: {  	[spmem:s1] =	stream.indirect.scatter.add.f32 [tilespmem:s2], [sflag:$0x1], $0x1, s13, s11, $0xb8;
	[tilespmem:$0x1100] =	vst v63  }
0x53: {  	_ = 	snop  }
0x54: {  	[spmem:s1] =	stream.indirect.scatter.add.f32 [tilespmem:s2], [sflag:$0x1], $0x1, s14, s11, $0xb8;
	[tilespmem:$0x1100] =	vst v63  }
0x55: {  	_ = 	snop  }
0x56: {  	[spmem:s1] =	stream.indirect.scatter.add.f32 [tilespmem:s2], [sflag:$0x1], $0x1, s15, s11, $0xb8;
	[tilespmem:$0x1100] =	vst v63  }
0x57: {  	_ = 	snop  }
0x58: {  	[spmem:s1] =	stream.indirect.scatter.add.f32 [tilespmem:s2], [sflag:$0x1], $0x1, s16, s11, $0xb8;
	[tilespmem:$0x1100] =	vst v63  }
0x59: {  	_ = 	snop  }
0x5a: {  	[spmem:s1] =	stream.indirect.scatter.add.f32 [tilespmem:s2], [sflag:$0x1], $0x1, s17, s11, $0xb8;
	[tilespmem:$0x1100] =	vst v63  }
0x5b: {  	_ = 	snop  }
0x5c: {  	[spmem:s1] =	stream.indirect.scatter.add.f32 [tilespmem:s2], [sflag:$0x1], $0x1, s18, s11, $0xb8;
	[tilespmem:$0x1100] =	vst v63  }
0x5d: {  	_ =	swait.ge [sflag:s19], $0x80  }
0x5e: {  	[sflag:s19] =	ssyncset.done $0x0  }
0x5f: {  	[sflag:s19] =	ssyncadd.s32 $0xFFFFFF80  }
0x60: {  	_ =	swait.ge [sflag:s19], $0x80  }
0x61: {  	[sflag:s19] =	ssyncset.done $0x0  }
0x62: {  	[sflag:s19] =	ssyncadd.s32 $0xFFFFFF80  }
0x63: {  	_ =	swait.ge [sflag:s19], $0x80  }
0x64: {  	[sflag:s19] =	ssyncset.done $0x0  }
0x65: {  	[sflag:s19] =	ssyncadd.s32 $0xFFFFFF80  }
0x66: {  	_ =	swait.ge [sflag:s19], $0x80  }
0x67: {  	[sflag:s19] =	ssyncset.done $0x0  }
0x68: {  	[sflag:s19] =	ssyncadd.s32 $0xFFFFFF80  }
0x69: {  	_ =	swait.ge [sflag:s19], $0x80  }
0x6a: {  	[sflag:s19] =	ssyncset.done $0x0  }
0x6b: {  	[sflag:s19] =	ssyncadd.s32 $0xFFFFFF80  }
0x6c: {  	_ =	swait.ge [sflag:s19], $0x80  }
0x6d: {  	[sflag:s19] =	ssyncset.done $0x0  }
0x6e: {  	[sflag:s19] =	ssyncadd.s32 $0xFFFFFF80  }
.Ltmp0:
0x6f: {  	_ =	swait.ge [sflag:s19], $0x80;
	(pc) =	sbr.rel @p0 .LBB2_2-.Ltmp0, $4  }
0x70: {  	[sflag:s19] =	ssyncset.done $0x0  }
0x71: {  	[sflag:s19] =	ssyncadd.s32 $0xFFFFFF80  }
0x72: {  	_ =	swait.ge [sflag:s19], $0x80  }
0x73: {  	s23 =	smov.u32 s22;
	[sflag:s19] =	ssyncset.done $0x0  }
0x74: {  	s21 =	sadd.s32 s21, s8;
	[sflag:s19] =	ssyncadd.s32 $0xFFFFFF80  }
0x75: {  	[tilespmem:s11], [sflag:$0x2] =	stream.linear.gather [hbm4b:s21+s2], $0x400, $0x38;
	[tilespmem:$0x1100] =	vst v63  }
0x76: {  	_ =	swait.ge [sflag:s10], $0x400  }
0x77: {  	[sflag:s10] =	ssyncset.done $0x0  }
0x78: {  	[sflag:s10] =	ssyncadd.s32 $0xFFFFFC00  }
0x79: {  	[spmem:s1] =	stream.indirect.scatter.add.f32 [tilespmem:s2], [sflag:$0x1], $0x1, s11, s11, $0xb8;
	[tilespmem:$0x1100] =	vst v63  }
0x7a: {  	_ = 	snop  }
0x7b: {  	[spmem:s1] =	stream.indirect.scatter.add.f32 [tilespmem:s2], [sflag:$0x1], $0x1, s12, s11, $0xb8;
	[tilespmem:$0x1100] =	vst v63  }
0x7c: {  	_ = 	snop  }
0x7d: {  	[spmem:s1] =	stream.indirect.scatter.add.f32 [tilespmem:s2], [sflag:$0x1], $0x1, s13, s11, $0xb8;
	[tilespmem:$0x1100] =	vst v63  }
0x7e: {  	_ = 	snop  }
0x7f: {  	[spmem:s1] =	stream.indirect.scatter.add.f32 [tilespmem:s2], [sflag:$0x1], $0x1, s14, s11, $0xb8;
	[tilespmem:$0x1100] =	vst v63  }
0x80: {  	_ = 	snop  }
0x81: {  	[spmem:s1] =	stream.indirect.scatter.add.f32 [tilespmem:s2], [sflag:$0x1], $0x1, s15, s11, $0xb8;
	[tilespmem:$0x1100] =	vst v63  }
0x82: {  	_ = 	snop  }
0x83: {  	[spmem:s1] =	stream.indirect.scatter.add.f32 [tilespmem:s2], [sflag:$0x1], $0x1, s16, s11, $0xb8;
	[tilespmem:$0x1100] =	vst v63  }
0x84: {  	_ = 	snop  }
0x85: {  	[spmem:s1] =	stream.indirect.scatter.add.f32 [tilespmem:s2], [sflag:$0x1], $0x1, s17, s11, $0xb8;
	[tilespmem:$0x1100] =	vst v63  }
0x86: {  	_ = 	snop  }
0x87: {  	[spmem:s1] =	stream.indirect.scatter.add.f32 [tilespmem:s2], [sflag:$0x1], $0x1, s18, s11, $0xb8;
	[tilespmem:$0x1100] =	vst v63  }
0x88: {  	_ =	swait.ge [sflag:s19], $0x80  }
0x89: {  	[sflag:s19] =	ssyncset.done $0x0  }
0x8a: {  	[sflag:s19] =	ssyncadd.s32 $0xFFFFFF80  }
0x8b: {  	_ =	swait.ge [sflag:s19], $0x80  }
0x8c: {  	[sflag:s19] =	ssyncset.done $0x0  }
0x8d: {  	[sflag:s19] =	ssyncadd.s32 $0xFFFFFF80  }
0x8e: {  	_ =	swait.ge [sflag:s19], $0x80  }
0x8f: {  	[sflag:s19] =	ssyncset.done $0x0  }
0x90: {  	[sflag:s19] =	ssyncadd.s32 $0xFFFFFF80  }
0x91: {  	_ =	swait.ge [sflag:s19], $0x80  }
0x92: {  	[sflag:s19] =	ssyncset.done $0x0  }
0x93: {  	[sflag:s19] =	ssyncadd.s32 $0xFFFFFF80  }
0x94: {  	_ =	swait.ge [sflag:s19], $0x80  }
0x95: {  	[sflag:s19] =	ssyncset.done $0x0  }
0x96: {  	[sflag:s19] =	ssyncadd.s32 $0xFFFFFF80  }
0x97: {  	_ =	swait.ge [sflag:s19], $0x80  }
0x98: {  	[sflag:s19] =	ssyncset.done $0x0  }
0x99: {  	[sflag:s19] =	ssyncadd.s32 $0xFFFFFF80  }
0x9a: {  	_ =	swait.ge [sflag:s19], $0x80  }
0x9b: {  	[sflag:s19] =	ssyncset.done $0x0  }
0x9c: {  	[sflag:s19] =	ssyncadd.s32 $0xFFFFFF80  }
0x9d: {  	_ =	swait.ge [sflag:s19], $0x80  }
0x9e: {  	s20 =	sadd.s32 $0x1, s20;
	[sflag:s19] =	ssyncset.done $0x0  }
0x9f: {  	p0 =	sne.s32 s20, s7;
	[sflag:s19] =	ssyncadd.s32 $0xFFFFFF80  }
.Ltmp1:
0xa0: {  	[bflag:$0x0] =	sbarrier.arrive $0xFFFF;
	(pc) =	sbr.rel @p0 .LBB2_1-.Ltmp1, $4  }
0xa1: {  	[hbm:s6], [sflag:s5] =	dma.local [spmem:s9], $0x190  }
0xa2: {  	_ =	swait.ge [sflag:s10], $0x190  }
0xa3: {  	[sflag:s10] =	ssyncset.done $0x0  }
0xa4: {  	[sflag:s10] =	ssyncadd.s32 $0xFFFFFE70  }
0xa5: {  	_ =	sfence.sel $0x180000  }
0xa6: {  	[bflag:$0x0] =	sbarrier.arrive $0xFFFF  }
0xa7: {  	p0 =	sne.s32 s3, $0x0;
	_ =	strace $0x90000047  }
0xa8: {  	s0 =	sadd.s32 @!p0 $0x100000, s0;
	[bflag:$0x2] =	sbarrier.arrive $0xFFFF  }
0xa9: {  	[sflag:s0] =	ssyncadd.tile.s32 @!p0 $0x1;
	_ =	shalt  }
.Lfunc_end2:
_tile_overlayer_lowered:
.L_overlay_start_2:
0xaa: {  	(tag) =	ssettag $0x2  }
0xab: {  	s0 =	rddreg [dreg:$0x0];
	s2 =	stileid.u32  }
0xac: {  	s1 =	rddreg [dreg:$0x1];
	p0 =	sne.s32 s2, $0x0  }
0xad: {  	s3 =	rddreg [dreg:$0x2];
	[bflag:$0x3] =	sbarrier.arrive $0xFFFF;
	s2 =	simm.s32 @!p0 $0x1C02  }
0xae: {  	[timem:s3], [sflag:s2] =	dma.local @!p0 [hbm:s0], s1  }
0xaf: {  	s0 =	simm.s32 @!p0 $0x2  }
0xb0: {  	_ =	swait.ge @!p0 [sflag:s0], s1  }
0xb1: {  	s1 =	ssub.s32 @!p0 $0x0, s1;
	[sflag:s0] =	ssyncset.done @!p0 $0x0  }
0xb2: {  	[sflag:s0] =	ssyncadd.s32 @!p0 s1  }
0xb3: {  	[bflag:$0x3] =	sbarrier.arrive $0xFFFF  }
0xb4: {  	_ =	shalt  }

</sc_bundles>
